<compile_context>
chip_gen: v7x
topology: tpu7x:2x2x1
jax: 0.10.2.dev20260603
libtpu: 0.0.44.dev20260713+nightly
codegen_flags: <defaults>
</compile_context>

<pallas_src>
import functools

import jax
import jax.numpy as jnp
from jax import lax
from jax.experimental import pallas as pl
from jax.experimental.pallas import tpu as pltpu
from jax.experimental.pallas import tpu_sc as plsc

VOCAB = 1000000
DIM = 64
L = 200
B = 4096
HID = 1024
LABELS = 1000
EPS = 1e-5

NC = 2
NS = 16
LANES = 16
NW = NC * NS
BPW = B // NW
ROW_UNROLL = 8


PDIM = 128


def _sc_pool_sum(idx, table):
    mesh = plsc.VectorSubcoreMesh(core_axis_name="c", subcore_axis_name="s")

    @functools.partial(
        pl.kernel,
        mesh=mesh,
        out_type=jax.ShapeDtypeStruct((B, DIM), jnp.float32),
        scratch_types=[
            pltpu.VMEM((L, BPW), jnp.int32),
            pltpu.VMEM((BPW, PDIM), jnp.float32),
            pltpu.VMEM((BPW, PDIM), jnp.float32),
            pltpu.VMEM((BPW, PDIM), jnp.float32),
            pltpu.VMEM((BPW, PDIM), jnp.float32),
            pltpu.VMEM((BPW, DIM), jnp.float32),
            pltpu.SemaphoreType.DMA,
            pltpu.SemaphoreType.DMA,
            pltpu.SemaphoreType.DMA,
            pltpu.SemaphoreType.DMA,
        ],
    )
    def sc_kernel(idx_hbm, table_hbm, out_hbm, idx_v, ga0, ga1, gb0, gb1,
                  acc, sa0, sa1, sb0, sb1):
        wid = lax.axis_index("s") * NC + lax.axis_index("c")
        base = wid * BPW

        pltpu.sync_copy(idx_hbm.at[:, pl.ds(base, BPW)], idx_v)

        def issue_pair(l, b0, b1, s0, s1):
            pltpu.async_copy(table_hbm.at[idx_v.at[l]], b0, s0)
            pltpu.async_copy(table_hbm.at[idx_v.at[l + 1]], b1, s1)

        def drain_pair(b0, b1, s0, s1):
            pltpu.make_async_copy(table_hbm.at[idx_v.at[0]], b0, s0).wait()
            pltpu.make_async_copy(table_hbm.at[idx_v.at[0]], b1, s1).wait()

        def accum_pair(b0, b1, first):
            @pl.loop(0, BPW, step=ROW_UNROLL)
            def _(r):
                for rr in range(ROW_UNROLL):
                    for c in range(DIM // LANES):
                        sl = (pl.ds(r + rr, 1), pl.ds(LANES * c, LANES))
                        if first:
                            acc[sl] = b0[sl] + b1[sl]
                        else:
                            acc[sl] = acc[sl] + b0[sl] + b1[sl]

        issue_pair(0, ga0, ga1, sa0, sa1)
        issue_pair(2, gb0, gb1, sb0, sb1)

        drain_pair(ga0, ga1, sa0, sa1)
        accum_pair(ga0, ga1, first=True)
        issue_pair(4, ga0, ga1, sa0, sa1)
        drain_pair(gb0, gb1, sb0, sb1)
        accum_pair(gb0, gb1, first=False)
        issue_pair(6, gb0, gb1, sb0, sb1)

        @pl.loop(0, (L - 8) // 4)
        def _(k):
            drain_pair(ga0, ga1, sa0, sa1)
            accum_pair(ga0, ga1, first=False)
            issue_pair(4 * k + 8, ga0, ga1, sa0, sa1)
            drain_pair(gb0, gb1, sb0, sb1)
            accum_pair(gb0, gb1, first=False)
            issue_pair(4 * k + 10, gb0, gb1, sb0, sb1)

        drain_pair(ga0, ga1, sa0, sa1)
        accum_pair(ga0, ga1, first=False)
        drain_pair(gb0, gb1, sb0, sb1)
        accum_pair(gb0, gb1, first=False)

        pltpu.sync_copy(acc, out_hbm.at[pl.ds(base, BPW)])

    return sc_kernel(idx, table)


VCHUNK = 8192


def _relayout_body(tt_ref, out_ref):
    tt = tt_ref[...]
    eye = (lax.broadcasted_iota(jnp.int32, (DIM, DIM), 0)
           == lax.broadcasted_iota(jnp.int32, (DIM, DIM), 1)
           ).astype(jnp.float32)
    bt = lax.dot_general(
        tt, eye, (((0,), (0,)), ((), ())),
        preferred_element_type=jnp.float32,
    )
    out_ref[:, 0:DIM] = bt


def _relayout_table(tableT):
    return pl.pallas_call(
        _relayout_body,
        grid=(pl.cdiv(VOCAB, VCHUNK),),
        in_specs=[pl.BlockSpec((DIM, VCHUNK), lambda i: (0, i))],
        out_specs=pl.BlockSpec((VCHUNK, PDIM), lambda i: (i, 0)),
        out_shape=jax.ShapeDtypeStruct((VOCAB, PDIM), jnp.float32),
    )(tableT)


def _stats_body(cs_ref, w1_ref, b1_ref, gamma_ref, beta_ref, s2_ref, t2_ref):
    cs = cs_ref[...]
    w1 = w1_ref[...]
    mean_c = jnp.sum(cs, axis=0, keepdims=True) * (1.0 / (B * L))
    m2 = lax.dot_general(
        cs, cs, (((0,), (0,)), ((), ())),
        preferred_element_type=jnp.float32,
        precision=lax.Precision.HIGHEST,
    ) * (1.0 / (B * L * L))
    outer = lax.dot_general(
        mean_c, mean_c, (((0,), (0,)), ((), ())),
        preferred_element_type=jnp.float32,
        precision=lax.Precision.HIGHEST,
    )
    cov = m2 - outer
    t = lax.dot_general(
        cov, w1, (((1,), (0,)), ((), ())),
        preferred_element_type=jnp.float32,
        precision=lax.Precision.HIGHEST,
    )
    var = jnp.sum(w1 * t, axis=0, keepdims=True)
    mean_h = lax.dot_general(
        mean_c, w1, (((1,), (0,)), ((), ())),
        preferred_element_type=jnp.float32,
        precision=lax.Precision.HIGHEST,
    ) + b1_ref[...]
    s = gamma_ref[...] * lax.rsqrt(var + EPS)
    s2_ref[...] = s * (1.0 / L)
    t2_ref[...] = b1_ref[...] * s + beta_ref[...] - mean_h * s


def _main_body(cs_ref, w1_ref, w2_ref, b2_ref, s2_ref, t2_ref, out_ref):
    mm = jnp.dot(cs_ref[...], w1_ref[...], preferred_element_type=jnp.float32)
    hn = jnp.maximum(mm * s2_ref[...] + t2_ref[...], 0.0)
    out_ref[...] = (
        jnp.dot(hn, w2_ref[...], preferred_element_type=jnp.float32)
        + b2_ref[...]
    )


BB = 512
NB = B // BB


def kernel(input, W_emb, W1, b1, gamma, beta, W2, b2):
    table_p = _relayout_table(W_emb.T)
    csum = _sc_pool_sum(input, table_p)

    b1r = b1.reshape(1, HID)
    gr = gamma.reshape(1, HID)
    ber = beta.reshape(1, HID)
    b2r = b2.reshape(1, LABELS)

    s2, t2 = pl.pallas_call(
        _stats_body,
        out_shape=[
            jax.ShapeDtypeStruct((1, HID), jnp.float32),
            jax.ShapeDtypeStruct((1, HID), jnp.float32),
        ],
    )(csum, W1, b1r, gr, ber)

    out = pl.pallas_call(
        _main_body,
        grid=(NB,),
        in_specs=[
            pl.BlockSpec((BB, DIM), lambda i: (i, 0)),
            pl.BlockSpec((DIM, HID), lambda i: (0, 0)),
            pl.BlockSpec((HID, LABELS), lambda i: (0, 0)),
            pl.BlockSpec((1, LABELS), lambda i: (0, 0)),
            pl.BlockSpec((1, HID), lambda i: (0, 0)),
            pl.BlockSpec((1, HID), lambda i: (0, 0)),
        ],
        out_specs=pl.BlockSpec((BB, LABELS), lambda i: (i, 0)),
        out_shape=jax.ShapeDtypeStruct((B, LABELS), jnp.float32),
    )(csum, W1, W2, b2r, s2, t2)

    return out

# --- scband reference (transcript-rebuilt; emitter-appended) ---
"""Pipeline reference for scband-fast-text-word-34428457844991 (READ-ONLY COPY).

The authoritative reference and input builder live on the scoring server;
editing this copy changes nothing except your own understanding.
"""

import jax, jax.numpy as jnp
import numpy as np

VOCAB = 1000000
DIM = 64
L = 200
B = 4096
HID = 1024
LABELS = 1000
EPS = 1e-5

def setup_inputs(seed: int = 0) -> dict:
    key = jax.random.key(seed)
    k1, k2, k3, k4, k5, k6, k7, k8 = jax.random.split(key, 8)
    inp = jax.random.randint(k1, (L, B), 0, VOCAB, dtype=jnp.int32)
    W_emb = jax.random.normal(k2, (VOCAB, DIM), dtype=jnp.float32) * 0.02
    W1 = jax.random.normal(k3, (DIM, HID), dtype=jnp.float32) * (1.0 / np.sqrt(DIM))
    b1 = jnp.zeros((HID,), dtype=jnp.float32)
    gamma = jnp.ones((HID,), dtype=jnp.float32)
    beta = jnp.zeros((HID,), dtype=jnp.float32)
    W2 = jax.random.normal(k6, (HID, LABELS), dtype=jnp.float32) * (1.0 / np.sqrt(HID))
    b2 = jnp.zeros((LABELS,), dtype=jnp.float32)
    return {"input": inp, "W_emb": W_emb, "W1": W1, "b1": b1, "gamma": gamma, "beta": beta, "W2": W2, "b2": b2}

def reference(input, W_emb, W1, b1, gamma, beta, W2, b2):
    # Embedding lookup: [L, B] -> [L, B, D]
    emb = jnp.take(W_emb, input, axis=0)
    # permute(1, 0, 2) -> [B, L, D]; mean over dim=1 -> [B, D]
    content = jnp.mean(jnp.transpose(emb, (1, 0, 2)), axis=1)
    # Linear(DIM, 1024)
    h = content @ W1 + b1
    # BatchNorm1d(1024), training mode (batch statistics, biased var)
    mean = jnp.mean(h, axis=0)
    var = jnp.var(h, axis=0)
    h = (h - mean) / jnp.sqrt(var + EPS) * gamma + beta
    # ReLU
    h = jnp.maximum(h, 0.0)
    # Linear(1024, label_size)
    out = h @ W2 + b2
    return out

if __name__ == "__main__":
    import jax
    _d = setup_inputs()
    print(jax.jit(kernel)(*tuple(_d.values())))

</pallas_src>

<mosaic_0001>
#map = affine_map<(d0, d1) -> (0, 0)>
module attributes {stable_mosaic.version = 14 : i64} {
  func.func @sc_kernel(%arg0: i32, %arg1: i32, %arg2: memref<200x4096xi32, #tpu.memory_space<hbm>>, %arg3: memref<1000000x128xf32, #tpu.memory_space<hbm>>, %arg4: memref<4096x64xf32, #tpu.memory_space<hbm>>, %arg5: memref<200x128xi32, #tpu.memory_space<vmem>>, %arg6: memref<128x128xf32, #tpu.memory_space<vmem>>, %arg7: memref<128x128xf32, #tpu.memory_space<vmem>>, %arg8: memref<128x128xf32, #tpu.memory_space<vmem>>, %arg9: memref<128x128xf32, #tpu.memory_space<vmem>>, %arg10: memref<128x64xf32, #tpu.memory_space<vmem>>, %arg11: memref<!tpu.dma_semaphore, #tpu.memory_space<semaphore_mem>>, %arg12: memref<!tpu.dma_semaphore, #tpu.memory_space<semaphore_mem>>, %arg13: memref<!tpu.dma_semaphore, #tpu.memory_space<semaphore_mem>>, %arg14: memref<!tpu.dma_semaphore, #tpu.memory_space<semaphore_mem>>) attributes {dimension_semantics = [#tpu.dimension_semantics<core_parallel>, #tpu.dimension_semantics<subcore_parallel>], iteration_bounds = array<i64: 2, 16>, scalar_prefetch = 0 : i64, scratch_operands = 10 : i64, tpu.core_type = #tpu.core_type<sc_vector_subcore>, window_params = [{transform_indices = #map}, {transform_indices = #map}, {transform_indices = #map}]} {
    %mul3A = arith.constant 2 : i32
    %mul3A_0 = arith.muli %arg1, %mul3A : i32
    %add3A = arith.addi %mul3A_0, %arg0 : i32
    %mul3A_1 = arith.constant 128 : i32
    %mul3A_2 = arith.muli %add3A, %mul3A_1 : i32
    "tpu.region"() ({
      %run_scoped3A = tpu.sem_alloc : memref<!tpu.dma_semaphore, #tpu.memory_space<semaphore_mem>>
      %dma_start3A_137 = arith.constant 0 : i32
      %dma_start3A_138 = tpu.memref_slice %arg2[%dma_start3A_137, %mul3A_2] : memref<200x4096xi32, #tpu.memory_space<hbm>> -> memref<200x128xi32, #tpu.memory_space<hbm>>
      %dma_start3A_139 = arith.constant 0 : i32
      %dma_start3A_140 = tpu.memref_slice %arg2[%dma_start3A_139, %mul3A_2] : memref<200x4096xi32, #tpu.memory_space<hbm>> -> memref<200x128xi32, #tpu.memory_space<hbm>>
      tpu.enqueue_dma source(%dma_start3A_140 : memref<200x128xi32, #tpu.memory_space<hbm>>) target(%arg5 : memref<200x128xi32, #tpu.memory_space<vmem>>) target_semaphore(%run_scoped3A : memref<!tpu.dma_semaphore, #tpu.memory_space<semaphore_mem>>)
      %dma_wait3A_141 = arith.constant 0 : i32
      %dma_wait3A_142 = tpu.memref_slice %arg2[%dma_wait3A_141, %mul3A_2] : memref<200x4096xi32, #tpu.memory_space<hbm>> -> memref<200x128xi32, #tpu.memory_space<hbm>>
      %dma_wait3A_143 = arith.constant 0 : i32
      %dma_wait3A_144 = tpu.memref_slice %arg2[%dma_wait3A_143, %mul3A_2] : memref<200x4096xi32, #tpu.memory_space<hbm>> -> memref<200x128xi32, #tpu.memory_space<hbm>>
      tpu.wait_dma2 semaphore(%run_scoped3A : memref<!tpu.dma_semaphore, #tpu.memory_space<semaphore_mem>>) src(%dma_wait3A_144 : memref<200x128xi32, #tpu.memory_space<hbm>>) dst(%arg5 : memref<200x128xi32, #tpu.memory_space<vmem>>)
      tpu.yield
    }) : () -> ()
    %dma_start3A = arith.constant 0 : i32
    %dma_start3A_3 = arith.constant 0 : i32
    %dma_start3A_4 = tpu.memref_slice %arg5[%dma_start3A, %dma_start3A_3] : memref<200x128xi32, #tpu.memory_space<vmem>> -> memref<1x128xi32, #tpu.memory_space<vmem>>
    %dma_start3A_5 = tpu.memref_squeeze %dma_start3A_4 : memref<1x128xi32, #tpu.memory_space<vmem>> -> memref<128xi32, #tpu.memory_space<vmem>>
    %dma_start3A_6 = arith.constant 0 : i32
    %dma_start3A_7 = arith.constant 0 : i32
    %dma_start3A_8 = tpu.memref_slice %arg3[%dma_start3A_6, %dma_start3A_7] : memref<1000000x128xf32, #tpu.memory_space<hbm>> -> memref<1000000x128xf32, #tpu.memory_space<hbm>>
    tpu.enqueue_indirect_dma source(%dma_start3A_8 : memref<1000000x128xf32, #tpu.memory_space<hbm>>) target(%arg6 : memref<128x128xf32, #tpu.memory_space<vmem>>) offsets(%dma_start3A_5 : memref<128xi32, #tpu.memory_space<vmem>>) semaphore(%arg11 : memref<!tpu.dma_semaphore, #tpu.memory_space<semaphore_mem>>)
    %dma_start3A_9 = arith.constant 1 : i32
    %dma_start3A_10 = arith.constant 0 : i32
    %dma_start3A_11 = tpu.memref_slice %arg5[%dma_start3A_9, %dma_start3A_10] : memref<200x128xi32, #tpu.memory_space<vmem>> -> memref<1x128xi32, #tpu.memory_space<vmem>>
    %dma_start3A_12 = tpu.memref_squeeze %dma_start3A_11 : memref<1x128xi32, #tpu.memory_space<vmem>> -> memref<128xi32, #tpu.memory_space<vmem>>
    %dma_start3A_13 = arith.constant 0 : i32
    %dma_start3A_14 = arith.constant 0 : i32
    %dma_start3A_15 = tpu.memref_slice %arg3[%dma_start3A_13, %dma_start3A_14] : memref<1000000x128xf32, #tpu.memory_space<hbm>> -> memref<1000000x128xf32, #tpu.memory_space<hbm>>
    tpu.enqueue_indirect_dma source(%dma_start3A_15 : memref<1000000x128xf32, #tpu.memory_space<hbm>>) target(%arg7 : memref<128x128xf32, #tpu.memory_space<vmem>>) offsets(%dma_start3A_12 : memref<128xi32, #tpu.memory_space<vmem>>) semaphore(%arg12 : memref<!tpu.dma_semaphore, #tpu.memory_space<semaphore_mem>>)
    %dma_start3A_16 = arith.constant 2 : i32
    %dma_start3A_17 = arith.constant 0 : i32
    %dma_start3A_18 = tpu.memref_slice %arg5[%dma_start3A_16, %dma_start3A_17] : memref<200x128xi32, #tpu.memory_space<vmem>> -> memref<1x128xi32, #tpu.memory_space<vmem>>
    %dma_start3A_19 = tpu.memref_squeeze %dma_start3A_18 : memref<1x128xi32, #tpu.memory_space<vmem>> -> memref<128xi32, #tpu.memory_space<vmem>>
    %dma_start3A_20 = arith.constant 0 : i32
    %dma_start3A_21 = arith.constant 0 : i32
    %dma_start3A_22 = tpu.memref_slice %arg3[%dma_start3A_20, %dma_start3A_21] : memref<1000000x128xf32, #tpu.memory_space<hbm>> -> memref<1000000x128xf32, #tpu.memory_space<hbm>>
    tpu.enqueue_indirect_dma source(%dma_start3A_22 : memref<1000000x128xf32, #tpu.memory_space<hbm>>) target(%arg8 : memref<128x128xf32, #tpu.memory_space<vmem>>) offsets(%dma_start3A_19 : memref<128xi32, #tpu.memory_space<vmem>>) semaphore(%arg13 : memref<!tpu.dma_semaphore, #tpu.memory_space<semaphore_mem>>)
    %dma_start3A_23 = arith.constant 3 : i32
    %dma_start3A_24 = arith.constant 0 : i32
    %dma_start3A_25 = tpu.memref_slice %arg5[%dma_start3A_23, %dma_start3A_24] : memref<200x128xi32, #tpu.memory_space<vmem>> -> memref<1x128xi32, #tpu.memory_space<vmem>>
    %dma_start3A_26 = tpu.memref_squeeze %dma_start3A_25 : memref<1x128xi32, #tpu.memory_space<vmem>> -> memref<128xi32, #tpu.memory_space<vmem>>
    %dma_start3A_27 = arith.constant 0 : i32
    %dma_start3A_28 = arith.constant 0 : i32
    %dma_start3A_29 = tpu.memref_slice %arg3[%dma_start3A_27, %dma_start3A_28] : memref<1000000x128xf32, #tpu.memory_space<hbm>> -> memref<1000000x128xf32, #tpu.memory_space<hbm>>
    tpu.enqueue_indirect_dma source(%dma_start3A_29 : memref<1000000x128xf32, #tpu.memory_space<hbm>>) target(%arg9 : memref<128x128xf32, #tpu.memory_space<vmem>>) offsets(%dma_start3A_26 : memref<128xi32, #tpu.memory_space<vmem>>) semaphore(%arg14 : memref<!tpu.dma_semaphore, #tpu.memory_space<semaphore_mem>>)
    %dma_wait3A = arith.constant 0 : i32
    %dma_wait3A_30 = arith.constant 0 : i32
    %dma_wait3A_31 = tpu.memref_slice %arg5[%dma_wait3A, %dma_wait3A_30] : memref<200x128xi32, #tpu.memory_space<vmem>> -> memref<1x128xi32, #tpu.memory_space<vmem>>
    %dma_wait3A_32 = tpu.memref_squeeze %dma_wait3A_31 : memref<1x128xi32, #tpu.memory_space<vmem>> -> memref<128xi32, #tpu.memory_space<vmem>>
    %dma_wait3A_33 = arith.constant 0 : i32
    %dma_wait3A_34 = arith.constant 0 : i32
    %dma_wait3A_35 = tpu.memref_slice %arg3[%dma_wait3A_33, %dma_wait3A_34] : memref<1000000x128xf32, #tpu.memory_space<hbm>> -> memref<1000000x128xf32, #tpu.memory_space<hbm>>
    tpu.wait_indirect_dma semaphore(%arg11 : memref<!tpu.dma_semaphore, #tpu.memory_space<semaphore_mem>>) src(%dma_wait3A_35 : memref<1000000x128xf32, #tpu.memory_space<hbm>>) dst(%arg6 : memref<128x128xf32, #tpu.memory_space<vmem>>)
    %dma_wait3A_36 = arith.constant 0 : i32
    %dma_wait3A_37 = arith.constant 0 : i32
    %dma_wait3A_38 = tpu.memref_slice %arg5[%dma_wait3A_36, %dma_wait3A_37] : memref<200x128xi32, #tpu.memory_space<vmem>> -> memref<1x128xi32, #tpu.memory_space<vmem>>
    %dma_wait3A_39 = tpu.memref_squeeze %dma_wait3A_38 : memref<1x128xi32, #tpu.memory_space<vmem>> -> memref<128xi32, #tpu.memory_space<vmem>>
    %dma_wait3A_40 = arith.constant 0 : i32
    %dma_wait3A_41 = arith.constant 0 : i32
    %dma_wait3A_42 = tpu.memref_slice %arg3[%dma_wait3A_40, %dma_wait3A_41] : memref<1000000x128xf32, #tpu.memory_space<hbm>> -> memref<1000000x128xf32, #tpu.memory_space<hbm>>
    tpu.wait_indirect_dma semaphore(%arg12 : memref<!tpu.dma_semaphore, #tpu.memory_space<semaphore_mem>>) src(%dma_wait3A_42 : memref<1000000x128xf32, #tpu.memory_space<hbm>>) dst(%arg7 : memref<128x128xf32, #tpu.memory_space<vmem>>)
    %scan3A = arith.constant 0 : i32
    %scan3A_43 = arith.constant 16 : i32
    %scan3A_44 = arith.addi %scan3A, %scan3A_43 : i32
    %scan3A_45 = arith.constant 1 : i32
    scf.for %scan3A_137 = %scan3A to %scan3A_44 step %scan3A_45  : i32 {
      %mul3A_138 = arith.constant 8 : i32
      %mul3A_139 = arith.muli %scan3A_137, %mul3A_138 : i32
      %add3A_140 = arith.constant 0 : i32
      %add3A_141 = arith.addi %add3A_140, %mul3A_139 : i32
      %add3A_142 = arith.constant 0 : i32
      %add3A_143 = arith.addi %add3A_141, %add3A_142 : i32
      %get3A = arith.index_cast %add3A_143 : i32 to index
      %get3A_144 = arith.constant 0 : index
      %get3A_145 = tpu.vector_load %arg6[%get3A, %get3A_144] {strides = array<i32>} : memref<128x128xf32, #tpu.memory_space<vmem>>, vector<1x16xf32>,
      %get3A_146 = vector.shape_cast %get3A_145 : vector<1x16xf32> to vector<1x16xf32>
      %get3A_147 = arith.index_cast %add3A_143 : i32 to index
      %get3A_148 = arith.constant 0 : index
      %get3A_149 = tpu.vector_load %arg7[%get3A_147, %get3A_148] {strides = array<i32>} : memref<128x128xf32, #tpu.memory_space<vmem>>, vector<1x16xf32>,
      %get3A_150 = vector.shape_cast %get3A_149 : vector<1x16xf32> to vector<1x16xf32>
      %add3A_151 = arith.addf %get3A_146, %get3A_150 : vector<1x16xf32>
      %swap3A = arith.index_cast %add3A_143 : i32 to index
      %swap3A_152 = arith.constant 0 : index
      %swap3A_153 = tpu.vector_load %arg10[%swap3A, %swap3A_152] {strides = array<i32>} : memref<128x64xf32, #tpu.memory_space<vmem>>, vector<1x16xf32>,
      %swap3A_154 = vector.shape_cast %swap3A_153 : vector<1x16xf32> to vector<1x16xf32>
      %swap3A_155 = vector.shape_cast %add3A_151 : vector<1x16xf32> to vector<1x16xf32>
      tpu.vector_store %arg10[%swap3A, %swap3A_152], %swap3A_155 {strides = array<i32>} : memref<128x64xf32, #tpu.memory_space<vmem>>, vector<1x16xf32>,
      %add3A_156 = arith.constant 0 : i32
      %add3A_157 = arith.addi %add3A_141, %add3A_156 : i32
      %get3A_158 = arith.index_cast %add3A_157 : i32 to index
      %get3A_159 = arith.constant 16 : index
      %get3A_160 = tpu.vector_load %arg6[%get3A_158, %get3A_159] {strides = array<i32>} : memref<128x128xf32, #tpu.memory_space<vmem>>, vector<1x16xf32>,
      %get3A_161 = vector.shape_cast %get3A_160 : vector<1x16xf32> to vector<1x16xf32>
      %get3A_162 = arith.index_cast %add3A_157 : i32 to index
      %get3A_163 = arith.constant 16 : index
      %get3A_164 = tpu.vector_load %arg7[%get3A_162, %get3A_163] {strides = array<i32>} : memref<128x128xf32, #tpu.memory_space<vmem>>, vector<1x16xf32>,
      %get3A_165 = vector.shape_cast %get3A_164 : vector<1x16xf32> to vector<1x16xf32>
      %add3A_166 = arith.addf %get3A_161, %get3A_165 : vector<1x16xf32>
      %swap3A_167 = arith.index_cast %add3A_157 : i32 to index
      %swap3A_168 = arith.constant 16 : index
      %swap3A_169 = tpu.vector_load %arg10[%swap3A_167, %swap3A_168] {strides = array<i32>} : memref<128x64xf32, #tpu.memory_space<vmem>>, vector<1x16xf32>,
      %swap3A_170 = vector.shape_cast %swap3A_169 : vector<1x16xf32> to vector<1x16xf32>
      %swap3A_171 = vector.shape_cast %add3A_166 : vector<1x16xf32> to vector<1x16xf32>
      tpu.vector_store %arg10[%swap3A_167, %swap3A_168], %swap3A_171 {strides = array<i32>} : memref<128x64xf32, #tpu.memory_space<vmem>>, vector<1x16xf32>,
      %add3A_172 = arith.constant 0 : i32
      %add3A_173 = arith.addi %add3A_141, %add3A_172 : i32
      %get3A_174 = arith.index_cast %add3A_173 : i32 to index
      %get3A_175 = arith.constant 32 : index
      %get3A_176 = tpu.vector_load %arg6[%get3A_174, %get3A_175] {strides = array<i32>} : memref<128x128xf32, #tpu.memory_space<vmem>>, vector<1x16xf32>,
      %get3A_177 = vector.shape_cast %get3A_176 : vector<1x16xf32> to vector<1x16xf32>
      %get3A_178 = arith.index_cast %add3A_173 : i32 to index
      %get3A_179 = arith.constant 32 : index
      %get3A_180 = tpu.vector_load %arg7[%get3A_178, %get3A_179] {strides = array<i32>} : memref<128x128xf32, #tpu.memory_space<vmem>>, vector<1x16xf32>,
      %get3A_181 = vector.shape_cast %get3A_180 : vector<1x16xf32> to vector<1x16xf32>
      %add3A_182 = arith.addf %get3A_177, %get3A_181 : vector<1x16xf32>
      %swap3A_183 = arith.index_cast %add3A_173 : i32 to index
      %swap3A_184 = arith.constant 32 : index
      %swap3A_185 = tpu.vector_load %arg10[%swap3A_183, %swap3A_184] {strides = array<i32>} : memref<128x64xf32, #tpu.memory_space<vmem>>, vector<1x16xf32>,
      %swap3A_186 = vector.shape_cast %swap3A_185 : vector<1x16xf32> to vector<1x16xf32>
      %swap3A_187 = vector.shape_cast %add3A_182 : vector<1x16xf32> to vector<1x16xf32>
      tpu.vector_store %arg10[%swap3A_183, %swap3A_184], %swap3A_187 {strides = array<i32>} : memref<128x64xf32, #tpu.memory_space<vmem>>, vector<1x16xf32>,
      %add3A_188 = arith.constant 0 : i32
      %add3A_189 = arith.addi %add3A_141, %add3A_188 : i32
      %get3A_190 = arith.index_cast %add3A_189 : i32 to index
      %get3A_191 = arith.constant 48 : index
      %get3A_192 = tpu.vector_load %arg6[%get3A_190, %get3A_191] {strides = array<i32>} : memref<128x128xf32, #tpu.memory_space<vmem>>, vector<1x16xf32>,
      %get3A_193 = vector.shape_cast %get3A_192 : vector<1x16xf32> to vector<1x16xf32>
      %get3A_194 = arith.index_cast %add3A_189 : i32 to index
      %get3A_195 = arith.constant 48 : index
      %get3A_196 = tpu.vector_load %arg7[%get3A_194, %get3A_195] {strides = array<i32>} : memref<128x128xf32, #tpu.memory_space<vmem>>, vector<1x16xf32>,
      %get3A_197 = vector.shape_cast %get3A_196 : vector<1x16xf32> to vector<1x16xf32>
      %add3A_198 = arith.addf %get3A_193, %get3A_197 : vector<1x16xf32>
      %swap3A_199 = arith.index_cast %add3A_189 : i32 to index
      %swap3A_200 = arith.constant 48 : index
      %swap3A_201 = tpu.vector_load %arg10[%swap3A_199, %swap3A_200] {strides = array<i32>} : memref<128x64xf32, #tpu.memory_space<vmem>>, vector<1x16xf32>,
      %swap3A_202 = vector.shape_cast %swap3A_201 : vector<1x16xf32> to vector<1x16xf32>
      %swap3A_203 = vector.shape_cast %add3A_198 : vector<1x16xf32> to vector<1x16xf32>
      tpu.vector_store %arg10[%swap3A_199, %swap3A_200], %swap3A_203 {strides = array<i32>} : memref<128x64xf32, #tpu.memory_space<vmem>>, vector<1x16xf32>,
      %add3A_204 = arith.constant 1 : i32
      %add3A_205 = arith.addi %add3A_141, %add3A_204 : i32
      %get3A_206 = arith.index_cast %add3A_205 : i32 to index
      %get3A_207 = arith.constant 0 : index
      %get3A_208 = tpu.vector_load %arg6[%get3A_206, %get3A_207] {strides = array<i32>} : memref<128x128xf32, #tpu.memory_space<vmem>>, vector<1x16xf32>,
      %get3A_209 = vector.shape_cast %get3A_208 : vector<1x16xf32> to vector<1x16xf32>
      %get3A_210 = arith.index_cast %add3A_205 : i32 to index
      %get3A_211 = arith.constant 0 : index
      %get3A_212 = tpu.vector_load %arg7[%get3A_210, %get3A_211] {strides = array<i32>} : memref<128x128xf32, #tpu.memory_space<vmem>>, vector<1x16xf32>,
      %get3A_213 = vector.shape_cast %get3A_212 : vector<1x16xf32> to vector<1x16xf32>
      %add3A_214 = arith.addf %get3A_209, %get3A_213 : vector<1x16xf32>
      %swap3A_215 = arith.index_cast %add3A_205 : i32 to index
      %swap3A_216 = arith.constant 0 : index
      %swap3A_217 = tpu.vector_load %arg10[%swap3A_215, %swap3A_216] {strides = array<i32>} : memref<128x64xf32, #tpu.memory_space<vmem>>, vector<1x16xf32>,
      %swap3A_218 = vector.shape_cast %swap3A_217 : vector<1x16xf32> to vector<1x16xf32>
      %swap3A_219 = vector.shape_cast %add3A_214 : vector<1x16xf32> to vector<1x16xf32>
      tpu.vector_store %arg10[%swap3A_215, %swap3A_216], %swap3A_219 {strides = array<i32>} : memref<128x64xf32, #tpu.memory_space<vmem>>, vector<1x16xf32>,
      %add3A_220 = arith.constant 1 : i32
      %add3A_221 = arith.addi %add3A_141, %add3A_220 : i32
      %get3A_222 = arith.index_cast %add3A_221 : i32 to index
      %get3A_223 = arith.constant 16 : index
      %get3A_224 = tpu.vector_load %arg6[%get3A_222, %get3A_223] {strides = array<i32>} : memref<128x128xf32, #tpu.memory_space<vmem>>, vector<1x16xf32>,
      %get3A_225 = vector.shape_cast %get3A_224 : vector<1x16xf32> to vector<1x16xf32>
      %get3A_226 = arith.index_cast %add3A_221 : i32 to index
      %get3A_227 = arith.constant 16 : index
      %get3A_228 = tpu.vector_load %arg7[%get3A_226, %get3A_227] {strides = array<i32>} : memref<128x128xf32, #tpu.memory_space<vmem>>, vector<1x16xf32>,
      %get3A_229 = vector.shape_cast %get3A_228 : vector<1x16xf32> to vector<1x16xf32>
      %add3A_230 = arith.addf %get3A_225, %get3A_229 : vector<1x16xf32>
      %swap3A_231 = arith.index_cast %add3A_221 : i32 to index
      %swap3A_232 = arith.constant 16 : index
      %swap3A_233 = tpu.vector_load %arg10[%swap3A_231, %swap3A_232] {strides = array<i32>} : memref<128x64xf32, #tpu.memory_space<vmem>>, vector<1x16xf32>,
      %swap3A_234 = vector.shape_cast %swap3A_233 : vector<1x16xf32> to vector<1x16xf32>
      %swap3A_235 = vector.shape_cast %add3A_230 : vector<1x16xf32> to vector<1x16xf32>
      tpu.vector_store %arg10[%swap3A_231, %swap3A_232], %swap3A_235 {strides = array<i32>} : memref<128x64xf32, #tpu.memory_space<vmem>>, vector<1x16xf32>,
      %add3A_236 = arith.constant 1 : i32
      %add3A_237 = arith.addi %add3A_141, %add3A_236 : i32
      %get3A_238 = arith.index_cast %add3A_237 : i32 to index
      %get3A_239 = arith.constant 32 : index
      %get3A_240 = tpu.vector_load %arg6[%get3A_238, %get3A_239] {strides = array<i32>} : memref<128x128xf32, #tpu.memory_space<vmem>>, vector<1x16xf32>,
      %get3A_241 = vector.shape_cast %get3A_240 : vector<1x16xf32> to vector<1x16xf32>
      %get3A_242 = arith.index_cast %add3A_237 : i32 to index
      %get3A_243 = arith.constant 32 : index
      %get3A_244 = tpu.vector_load %arg7[%get3A_242, %get3A_243] {strides = array<i32>} : memref<128x128xf32, #tpu.memory_space<vmem>>, vector<1x16xf32>,
      %get3A_245 = vector.shape_cast %get3A_244 : vector<1x16xf32> to vector<1x16xf32>
      %add3A_246 = arith.addf %get3A_241, %get3A_245 : vector<1x16xf32>
      %swap3A_247 = arith.index_cast %add3A_237 : i32 to index
      %swap3A_248 = arith.constant 32 : index
      %swap3A_249 = tpu.vector_load %arg10[%swap3A_247, %swap3A_248] {strides = array<i32>} : memref<128x64xf32, #tpu.memory_space<vmem>>, vector<1x16xf32>,
      %swap3A_250 = vector.shape_cast %swap3A_249 : vector<1x16xf32> to vector<1x16xf32>
      %swap3A_251 = vector.shape_cast %add3A_246 : vector<1x16xf32> to vector<1x16xf32>
      tpu.vector_store %arg10[%swap3A_247, %swap3A_248], %swap3A_251 {strides = array<i32>} : memref<128x64xf32, #tpu.memory_space<vmem>>, vector<1x16xf32>,
      %add3A_252 = arith.constant 1 : i32
      %add3A_253 = arith.addi %add3A_141, %add3A_252 : i32
      %get3A_254 = arith.index_cast %add3A_253 : i32 to index
      %get3A_255 = arith.constant 48 : index
      %get3A_256 = tpu.vector_load %arg6[%get3A_254, %get3A_255] {strides = array<i32>} : memref<128x128xf32, #tpu.memory_space<vmem>>, vector<1x16xf32>,
      %get3A_257 = vector.shape_cast %get3A_256 : vector<1x16xf32> to vector<1x16xf32>
      %get3A_258 = arith.index_cast %add3A_253 : i32 to index
      %get3A_259 = arith.constant 48 : index
      %get3A_260 = tpu.vector_load %arg7[%get3A_258, %get3A_259] {strides = array<i32>} : memref<128x128xf32, #tpu.memory_space<vmem>>, vector<1x16xf32>,
      %get3A_261 = vector.shape_cast %get3A_260 : vector<1x16xf32> to vector<1x16xf32>
      %add3A_262 = arith.addf %get3A_257, %get3A_261 : vector<1x16xf32>
      %swap3A_263 = arith.index_cast %add3A_253 : i32 to index
      %swap3A_264 = arith.constant 48 : index
      %swap3A_265 = tpu.vector_load %arg10[%swap3A_263, %swap3A_264] {strides = array<i32>} : memref<128x64xf32, #tpu.memory_space<vmem>>, vector<1x16xf32>,
      %swap3A_266 = vector.shape_cast %swap3A_265 : vector<1x16xf32> to vector<1x16xf32>
      %swap3A_267 = vector.shape_cast %add3A_262 : vector<1x16xf32> to vector<1x16xf32>
      tpu.vector_store %arg10[%swap3A_263, %swap3A_264], %swap3A_267 {strides = array<i32>} : memref<128x64xf32, #tpu.memory_space<vmem>>, vector<1x16xf32>,
      %add3A_268 = arith.constant 2 : i32
      %add3A_269 = arith.addi %add3A_141, %add3A_268 : i32
      %get3A_270 = arith.index_cast %add3A_269 : i32 to index
      %get3A_271 = arith.constant 0 : index
      %get3A_272 = tpu.vector_load %arg6[%get3A_270, %get3A_271] {strides = array<i32>} : memref<128x128xf32, #tpu.memory_space<vmem>>, vector<1x16xf32>,
      %get3A_273 = vector.shape_cast %get3A_272 : vector<1x16xf32> to vector<1x16xf32>
      %get3A_274 = arith.index_cast %add3A_269 : i32 to index
      %get3A_275 = arith.constant 0 : index
      %get3A_276 = tpu.vector_load %arg7[%get3A_274, %get3A_275] {strides = array<i32>} : memref<128x128xf32, #tpu.memory_space<vmem>>, vector<1x16xf32>,
      %get3A_277 = vector.shape_cast %get3A_276 : vector<1x16xf32> to vector<1x16xf32>
      %add3A_278 = arith.addf %get3A_273, %get3A_277 : vector<1x16xf32>
      %swap3A_279 = arith.index_cast %add3A_269 : i32 to index
      %swap3A_280 = arith.constant 0 : index
      %swap3A_281 = tpu.vector_load %arg10[%swap3A_279, %swap3A_280] {strides = array<i32>} : memref<128x64xf32, #tpu.memory_space<vmem>>, vector<1x16xf32>,
      %swap3A_282 = vector.shape_cast %swap3A_281 : vector<1x16xf32> to vector<1x16xf32>
      %swap3A_283 = vector.shape_cast %add3A_278 : vector<1x16xf32> to vector<1x16xf32>
      tpu.vector_store %arg10[%swap3A_279, %swap3A_280], %swap3A_283 {strides = array<i32>} : memref<128x64xf32, #tpu.memory_space<vmem>>, vector<1x16xf32>,
      %add3A_284 = arith.constant 2 : i32
      %add3A_285 = arith.addi %add3A_141, %add3A_284 : i32
      %get3A_286 = arith.index_cast %add3A_285 : i32 to index
      %get3A_287 = arith.constant 16 : index
      %get3A_288 = tpu.vector_load %arg6[%get3A_286, %get3A_287] {strides = array<i32>} : memref<128x128xf32, #tpu.memory_space<vmem>>, vector<1x16xf32>,
      %get3A_289 = vector.shape_cast %get3A_288 : vector<1x16xf32> to vector<1x16xf32>
      %get3A_290 = arith.index_cast %add3A_285 : i32 to index
      %get3A_291 = arith.constant 16 : index
      %get3A_292 = tpu.vector_load %arg7[%get3A_290, %get3A_291] {strides = array<i32>} : memref<128x128xf32, #tpu.memory_space<vmem>>, vector<1x16xf32>,
      %get3A_293 = vector.shape_cast %get3A_292 : vector<1x16xf32> to vector<1x16xf32>
      %add3A_294 = arith.addf %get3A_289, %get3A_293 : vector<1x16xf32>
      %swap3A_295 = arith.index_cast %add3A_285 : i32 to index
      %swap3A_296 = arith.constant 16 : index
      %swap3A_297 = tpu.vector_load %arg10[%swap3A_295, %swap3A_296] {strides = array<i32>} : memref<128x64xf32, #tpu.memory_space<vmem>>, vector<1x16xf32>,
      %swap3A_298 = vector.shape_cast %swap3A_297 : vector<1x16xf32> to vector<1x16xf32>
      %swap3A_299 = vector.shape_cast %add3A_294 : vector<1x16xf32> to vector<1x16xf32>
      tpu.vector_store %arg10[%swap3A_295, %swap3A_296], %swap3A_299 {strides = array<i32>} : memref<128x64xf32, #tpu.memory_space<vmem>>, vector<1x16xf32>,
      %add3A_300 = arith.constant 2 : i32
      %add3A_301 = arith.addi %add3A_141, %add3A_300 : i32
      %get3A_302 = arith.index_cast %add3A_301 : i32 to index
      %get3A_303 = arith.constant 32 : index
      %get3A_304 = tpu.vector_load %arg6[%get3A_302, %get3A_303] {strides = array<i32>} : memref<128x128xf32, #tpu.memory_space<vmem>>, vector<1x16xf32>,
      %get3A_305 = vector.shape_cast %get3A_304 : vector<1x16xf32> to vector<1x16xf32>
      %get3A_306 = arith.index_cast %add3A_301 : i32 to index
      %get3A_307 = arith.constant 32 : index
      %get3A_308 = tpu.vector_load %arg7[%get3A_306, %get3A_307] {strides = array<i32>} : memref<128x128xf32, #tpu.memory_space<vmem>>, vector<1x16xf32>,
      %get3A_309 = vector.shape_cast %get3A_308 : vector<1x16xf32> to vector<1x16xf32>
      %add3A_310 = arith.addf %get3A_305, %get3A_309 : vector<1x16xf32>
      %swap3A_311 = arith.index_cast %add3A_301 : i32 to index
      %swap3A_312 = arith.constant 32 : index
      %swap3A_313 = tpu.vector_load %arg10[%swap3A_311, %swap3A_312] {strides = array<i32>} : memref<128x64xf32, #tpu.memory_space<vmem>>, vector<1x16xf32>,
      %swap3A_314 = vector.shape_cast %swap3A_313 : vector<1x16xf32> to vector<1x16xf32>
      %swap3A_315 = vector.shape_cast %add3A_310 : vector<1x16xf32> to vector<1x16xf32>
      tpu.vector_store %arg10[%swap3A_311, %swap3A_312], %swap3A_315 {strides = array<i32>} : memref<128x64xf32, #tpu.memory_space<vmem>>, vector<1x16xf32>,
      %add3A_316 = arith.constant 2 : i32
      %add3A_317 = arith.addi %add3A_141, %add3A_316 : i32
      %get3A_318 = arith.index_cast %add3A_317 : i32 to index
      %get3A_319 = arith.constant 48 : index
      %get3A_320 = tpu.vector_load %arg6[%get3A_318, %get3A_319] {strides = array<i32>} : memref<128x128xf32, #tpu.memory_space<vmem>>, vector<1x16xf32>,
      %get3A_321 = vector.shape_cast %get3A_320 : vector<1x16xf32> to vector<1x16xf32>
      %get3A_322 = arith.index_cast %add3A_317 : i32 to index
      %get3A_323 = arith.constant 48 : index
      %get3A_324 = tpu.vector_load %arg7[%get3A_322, %get3A_323] {strides = array<i32>} : memref<128x128xf32, #tpu.memory_space<vmem>>, vector<1x16xf32>,
      %get3A_325 = vector.shape_cast %get3A_324 : vector<1x16xf32> to vector<1x16xf32>
      %add3A_326 = arith.addf %get3A_321, %get3A_325 : vector<1x16xf32>
      %swap3A_327 = arith.index_cast %add3A_317 : i32 to index
      %swap3A_328 = arith.constant 48 : index
      %swap3A_329 = tpu.vector_load %arg10[%swap3A_327, %swap3A_328] {strides = array<i32>} : memref<128x64xf32, #tpu.memory_space<vmem>>, vector<1x16xf32>,
      %swap3A_330 = vector.shape_cast %swap3A_329 : vector<1x16xf32> to vector<1x16xf32>
      %swap3A_331 = vector.shape_cast %add3A_326 : vector<1x16xf32> to vector<1x16xf32>
      tpu.vector_store %arg10[%swap3A_327, %swap3A_328], %swap3A_331 {strides = array<i32>} : memref<128x64xf32, #tpu.memory_space<vmem>>, vector<1x16xf32>,
      %add3A_332 = arith.constant 3 : i32
      %add3A_333 = arith.addi %add3A_141, %add3A_332 : i32
      %get3A_334 = arith.index_cast %add3A_333 : i32 to index
      %get3A_335 = arith.constant 0 : index
      %get3A_336 = tpu.vector_load %arg6[%get3A_334, %get3A_335] {strides = array<i32>} : memref<128x128xf32, #tpu.memory_space<vmem>>, vector<1x16xf32>,
      %get3A_337 = vector.shape_cast %get3A_336 : vector<1x16xf32> to vector<1x16xf32>
      %get3A_338 = arith.index_cast %add3A_333 : i32 to index
      %get3A_339 = arith.constant 0 : index
      %get3A_340 = tpu.vector_load %arg7[%get3A_338, %get3A_339] {strides = array<i32>} : memref<128x128xf32, #tpu.memory_space<vmem>>, vector<1x16xf32>,
      %get3A_341 = vector.shape_cast %get3A_340 : vector<1x16xf32> to vector<1x16xf32>
      %add3A_342 = arith.addf %get3A_337, %get3A_341 : vector<1x16xf32>
      %swap3A_343 = arith.index_cast %add3A_333 : i32 to index
      %swap3A_344 = arith.constant 0 : index
      %swap3A_345 = tpu.vector_load %arg10[%swap3A_343, %swap3A_344] {strides = array<i32>} : memref<128x64xf32, #tpu.memory_space<vmem>>, vector<1x16xf32>,
      %swap3A_346 = vector.shape_cast %swap3A_345 : vector<1x16xf32> to vector<1x16xf32>
      %swap3A_347 = vector.shape_cast %add3A_342 : vector<1x16xf32> to vector<1x16xf32>
      tpu.vector_store %arg10[%swap3A_343, %swap3A_344], %swap3A_347 {strides = array<i32>} : memref<128x64xf32, #tpu.memory_space<vmem>>, vector<1x16xf32>,
      %add3A_348 = arith.constant 3 : i32
      %add3A_349 = arith.addi %add3A_141, %add3A_348 : i32
      %get3A_350 = arith.index_cast %add3A_349 : i32 to index
      %get3A_351 = arith.constant 16 : index
      %get3A_352 = tpu.vector_load %arg6[%get3A_350, %get3A_351] {strides = array<i32>} : memref<128x128xf32, #tpu.memory_space<vmem>>, vector<1x16xf32>,
      %get3A_353 = vector.shape_cast %get3A_352 : vector<1x16xf32> to vector<1x16xf32>
      %get3A_354 = arith.index_cast %add3A_349 : i32 to index
      %get3A_355 = arith.constant 16 : index
      %get3A_356 = tpu.vector_load %arg7[%get3A_354, %get3A_355] {strides = array<i32>} : memref<128x128xf32, #tpu.memory_space<vmem>>, vector<1x16xf32>,
      %get3A_357 = vector.shape_cast %get3A_356 : vector<1x16xf32> to vector<1x16xf32>
      %add3A_358 = arith.addf %get3A_353, %get3A_357 : vector<1x16xf32>
      %swap3A_359 = arith.index_cast %add3A_349 : i32 to index
      %swap3A_360 = arith.constant 16 : index
      %swap3A_361 = tpu.vector_load %arg10[%swap3A_359, %swap3A_360] {strides = array<i32>} : memref<128x64xf32, #tpu.memory_space<vmem>>, vector<1x16xf32>,
      %swap3A_362 = vector.shape_cast %swap3A_361 : vector<1x16xf32> to vector<1x16xf32>
      %swap3A_363 = vector.shape_cast %add3A_358 : vector<1x16xf32> to vector<1x16xf32>
      tpu.vector_store %arg10[%swap3A_359, %swap3A_360], %swap3A_363 {strides = array<i32>} : memref<128x64xf32, #tpu.memory_space<vmem>>, vector<1x16xf32>,
      %add3A_364 = arith.constant 3 : i32
      %add3A_365 = arith.addi %add3A_141, %add3A_364 : i32
      %get3A_366 = arith.index_cast %add3A_365 : i32 to index
      %get3A_367 = arith.constant 32 : index
      %get3A_368 = tpu.vector_load %arg6[%get3A_366, %get3A_367] {strides = array<i32>} : memref<128x128xf32, #tpu.memory_space<vmem>>, vector<1x16xf32>,
      %get3A_369 = vector.shape_cast %get3A_368 : vector<1x16xf32> to vector<1x16xf32>
      %get3A_370 = arith.index_cast %add3A_365 : i32 to index
      %get3A_371 = arith.constant 32 : index
      %get3A_372 = tpu.vector_load %arg7[%get3A_370, %get3A_371] {strides = array<i32>} : memref<128x128xf32, #tpu.memory_space<vmem>>, vector<1x16xf32>,
      %get3A_373 = vector.shape_cast %get3A_372 : vector<1x16xf32> to vector<1x16xf32>
      %add3A_374 = arith.addf %get3A_369, %get3A_373 : vector<1x16xf32>
      %swap3A_375 = arith.index_cast %add3A_365 : i32 to index
      %swap3A_376 = arith.constant 32 : index
      %swap3A_377 = tpu.vector_load %arg10[%swap3A_375, %swap3A_376] {strides = array<i32>} : memref<128x64xf32, #tpu.memory_space<vmem>>, vector<1x16xf32>,
      %swap3A_378 = vector.shape_cast %swap3A_377 : vector<1x16xf32> to vector<1x16xf32>
      %swap3A_379 = vector.shape_cast %add3A_374 : vector<1x16xf32> to vector<1x16xf32>
      tpu.vector_store %arg10[%swap3A_375, %swap3A_376], %swap3A_379 {strides = array<i32>} : memref<128x64xf32, #tpu.memory_space<vmem>>, vector<1x16xf32>,
      %add3A_380 = arith.constant 3 : i32
      %add3A_381 = arith.addi %add3A_141, %add3A_380 : i32
      %get3A_382 = arith.index_cast %add3A_381 : i32 to index
      %get3A_383 = arith.constant 48 : index
      %get3A_384 = tpu.vector_load %arg6[%get3A_382, %get3A_383] {strides = array<i32>} : memref<128x128xf32, #tpu.memory_space<vmem>>, vector<1x16xf32>,
      %get3A_385 = vector.shape_cast %get3A_384 : vector<1x16xf32> to vector<1x16xf32>
      %get3A_386 = arith.index_cast %add3A_381 : i32 to index
      %get3A_387 = arith.constant 48 : index
      %get3A_388 = tpu.vector_load %arg7[%get3A_386, %get3A_387] {strides = array<i32>} : memref<128x128xf32, #tpu.memory_space<vmem>>, vector<1x16xf32>,
      %get3A_389 = vector.shape_cast %get3A_388 : vector<1x16xf32> to vector<1x16xf32>
      %add3A_390 = arith.addf %get3A_385, %get3A_389 : vector<1x16xf32>
      %swap3A_391 = arith.index_cast %add3A_381 : i32 to index
      %swap3A_392 = arith.constant 48 : index
      %swap3A_393 = tpu.vector_load %arg10[%swap3A_391, %swap3A_392] {strides = array<i32>} : memref<128x64xf32, #tpu.memory_space<vmem>>, vector<1x16xf32>,
      %swap3A_394 = vector.shape_cast %swap3A_393 : vector<1x16xf32> to vector<1x16xf32>
      %swap3A_395 = vector.shape_cast %add3A_390 : vector<1x16xf32> to vector<1x16xf32>
      tpu.vector_store %arg10[%swap3A_391, %swap3A_392], %swap3A_395 {strides = array<i32>} : memref<128x64xf32, #tpu.memory_space<vmem>>, vector<1x16xf32>,
      %add3A_396 = arith.constant 4 : i32
      %add3A_397 = arith.addi %add3A_141, %add3A_396 : i32
      %get3A_398 = arith.index_cast %add3A_397 : i32 to index
      %get3A_399 = arith.constant 0 : index
      %get3A_400 = tpu.vector_load %arg6[%get3A_398, %get3A_399] {strides = array<i32>} : memref<128x128xf32, #tpu.memory_space<vmem>>, vector<1x16xf32>,
      %get3A_401 = vector.shape_cast %get3A_400 : vector<1x16xf32> to vector<1x16xf32>
      %get3A_402 = arith.index_cast %add3A_397 : i32 to index
      %get3A_403 = arith.constant 0 : index
      %get3A_404 = tpu.vector_load %arg7[%get3A_402, %get3A_403] {strides = array<i32>} : memref<128x128xf32, #tpu.memory_space<vmem>>, vector<1x16xf32>,
      %get3A_405 = vector.shape_cast %get3A_404 : vector<1x16xf32> to vector<1x16xf32>
      %add3A_406 = arith.addf %get3A_401, %get3A_405 : vector<1x16xf32>
      %swap3A_407 = arith.index_cast %add3A_397 : i32 to index
      %swap3A_408 = arith.constant 0 : index
      %swap3A_409 = tpu.vector_load %arg10[%swap3A_407, %swap3A_408] {strides = array<i32>} : memref<128x64xf32, #tpu.memory_space<vmem>>, vector<1x16xf32>,
      %swap3A_410 = vector.shape_cast %swap3A_409 : vector<1x16xf32> to vector<1x16xf32>
      %swap3A_411 = vector.shape_cast %add3A_406 : vector<1x16xf32> to vector<1x16xf32>
      tpu.vector_store %arg10[%swap3A_407, %swap3A_408], %swap3A_411 {strides = array<i32>} : memref<128x64xf32, #tpu.memory_space<vmem>>, vector<1x16xf32>,
      %add3A_412 = arith.constant 4 : i32
      %add3A_413 = arith.addi %add3A_141, %add3A_412 : i32
      %get3A_414 = arith.index_cast %add3A_413 : i32 to index
      %get3A_415 = arith.constant 16 : index
      %get3A_416 = tpu.vector_load %arg6[%get3A_414, %get3A_415] {strides = array<i32>} : memref<128x128xf32, #tpu.memory_space<vmem>>, vector<1x16xf32>,
      %get3A_417 = vector.shape_cast %get3A_416 : vector<1x16xf32> to vector<1x16xf32>
      %get3A_418 = arith.index_cast %add3A_413 : i32 to index
      %get3A_419 = arith.constant 16 : index
      %get3A_420 = tpu.vector_load %arg7[%get3A_418, %get3A_419] {strides = array<i32>} : memref<128x128xf32, #tpu.memory_space<vmem>>, vector<1x16xf32>,
      %get3A_421 = vector.shape_cast %get3A_420 : vector<1x16xf32> to vector<1x16xf32>
      %add3A_422 = arith.addf %get3A_417, %get3A_421 : vector<1x16xf32>
      %swap3A_423 = arith.index_cast %add3A_413 : i32 to index
      %swap3A_424 = arith.constant 16 : index
      %swap3A_425 = tpu.vector_load %arg10[%swap3A_423, %swap3A_424] {strides = array<i32>} : memref<128x64xf32, #tpu.memory_space<vmem>>, vector<1x16xf32>,
      %swap3A_426 = vector.shape_cast %swap3A_425 : vector<1x16xf32> to vector<1x16xf32>
      %swap3A_427 = vector.shape_cast %add3A_422 : vector<1x16xf32> to vector<1x16xf32>
      tpu.vector_store %arg10[%swap3A_423, %swap3A_424], %swap3A_427 {strides = array<i32>} : memref<128x64xf32, #tpu.memory_space<vmem>>, vector<1x16xf32>,
      %add3A_428 = arith.constant 4 : i32
      %add3A_429 = arith.addi %add3A_141, %add3A_428 : i32
      %get3A_430 = arith.index_cast %add3A_429 : i32 to index
      %get3A_431 = arith.constant 32 : index
      %get3A_432 = tpu.vector_load %arg6[%get3A_430, %get3A_431] {strides = array<i32>} : memref<128x128xf32, #tpu.memory_space<vmem>>, vector<1x16xf32>,
      %get3A_433 = vector.shape_cast %get3A_432 : vector<1x16xf32> to vector<1x16xf32>
      %get3A_434 = arith.index_cast %add3A_429 : i32 to index
      %get3A_435 = arith.constant 32 : index
      %get3A_436 = tpu.vector_load %arg7[%get3A_434, %get3A_435] {strides = array<i32>} : memref<128x128xf32, #tpu.memory_space<vmem>>, vector<1x16xf32>,
      %get3A_437 = vector.shape_cast %get3A_436 : vector<1x16xf32> to vector<1x16xf32>
      %add3A_438 = arith.addf %get3A_433, %get3A_437 : vector<1x16xf32>
      %swap3A_439 = arith.index_cast %add3A_429 : i32 to index
      %swap3A_440 = arith.constant 32 : index
      %swap3A_441 = tpu.vector_load %arg10[%swap3A_439, %swap3A_440] {strides = array<i32>} : memref<128x64xf32, #tpu.memory_space<vmem>>, vector<1x16xf32>,
      %swap3A_442 = vector.shape_cast %swap3A_441 : vector<1x16xf32> to vector<1x16xf32>
      %swap3A_443 = vector.shape_cast %add3A_438 : vector<1x16xf32> to vector<1x16xf32>
      tpu.vector_store %arg10[%swap3A_439, %swap3A_440], %swap3A_443 {strides = array<i32>} : memref<128x64xf32, #tpu.memory_space<vmem>>, vector<1x16xf32>,
      %add3A_444 = arith.constant 4 : i32
      %add3A_445 = arith.addi %add3A_141, %add3A_444 : i32
      %get3A_446 = arith.index_cast %add3A_445 : i32 to index
      %get3A_447 = arith.constant 48 : index
      %get3A_448 = tpu.vector_load %arg6[%get3A_446, %get3A_447] {strides = array<i32>} : memref<128x128xf32, #tpu.memory_space<vmem>>, vector<1x16xf32>,
      %get3A_449 = vector.shape_cast %get3A_448 : vector<1x16xf32> to vector<1x16xf32>
      %get3A_450 = arith.index_cast %add3A_445 : i32 to index
      %get3A_451 = arith.constant 48 : index
      %get3A_452 = tpu.vector_load %arg7[%get3A_450, %get3A_451] {strides = array<i32>} : memref<128x128xf32, #tpu.memory_space<vmem>>, vector<1x16xf32>,
      %get3A_453 = vector.shape_cast %get3A_452 : vector<1x16xf32> to vector<1x16xf32>
      %add3A_454 = arith.addf %get3A_449, %get3A_453 : vector<1x16xf32>
      %swap3A_455 = arith.index_cast %add3A_445 : i32 to index
      %swap3A_456 = arith.constant 48 : index
      %swap3A_457 = tpu.vector_load %arg10[%swap3A_455, %swap3A_456] {strides = array<i32>} : memref<128x64xf32, #tpu.memory_space<vmem>>, vector<1x16xf32>,
      %swap3A_458 = vector.shape_cast %swap3A_457 : vector<1x16xf32> to vector<1x16xf32>
      %swap3A_459 = vector.shape_cast %add3A_454 : vector<1x16xf32> to vector<1x16xf32>
      tpu.vector_store %arg10[%swap3A_455, %swap3A_456], %swap3A_459 {strides = array<i32>} : memref<128x64xf32, #tpu.memory_space<vmem>>, vector<1x16xf32>,
      %add3A_460 = arith.constant 5 : i32
      %add3A_461 = arith.addi %add3A_141, %add3A_460 : i32
      %get3A_462 = arith.index_cast %add3A_461 : i32 to index
      %get3A_463 = arith.constant 0 : index
      %get3A_464 = tpu.vector_load %arg6[%get3A_462, %get3A_463] {strides = array<i32>} : memref<128x128xf32, #tpu.memory_space<vmem>>, vector<1x16xf32>,
      %get3A_465 = vector.shape_cast %get3A_464 : vector<1x16xf32> to vector<1x16xf32>
      %get3A_466 = arith.index_cast %add3A_461 : i32 to index
      %get3A_467 = arith.constant 0 : index
      %get3A_468 = tpu.vector_load %arg7[%get3A_466, %get3A_467] {strides = array<i32>} : memref<128x128xf32, #tpu.memory_space<vmem>>, vector<1x16xf32>,
      %get3A_469 = vector.shape_cast %get3A_468 : vector<1x16xf32> to vector<1x16xf32>
      %add3A_470 = arith.addf %get3A_465, %get3A_469 : vector<1x16xf32>
      %swap3A_471 = arith.index_cast %add3A_461 : i32 to index
      %swap3A_472 = arith.constant 0 : index
      %swap3A_473 = tpu.vector_load %arg10[%swap3A_471, %swap3A_472] {strides = array<i32>} : memref<128x64xf32, #tpu.memory_space<vmem>>, vector<1x16xf32>,
      %swap3A_474 = vector.shape_cast %swap3A_473 : vector<1x16xf32> to vector<1x16xf32>
      %swap3A_475 = vector.shape_cast %add3A_470 : vector<1x16xf32> to vector<1x16xf32>
      tpu.vector_store %arg10[%swap3A_471, %swap3A_472], %swap3A_475 {strides = array<i32>} : memref<128x64xf32, #tpu.memory_space<vmem>>, vector<1x16xf32>,
      %add3A_476 = arith.constant 5 : i32
      %add3A_477 = arith.addi %add3A_141, %add3A_476 : i32
      %get3A_478 = arith.index_cast %add3A_477 : i32 to index
      %get3A_479 = arith.constant 16 : index
      %get3A_480 = tpu.vector_load %arg6[%get3A_478, %get3A_479] {strides = array<i32>} : memref<128x128xf32, #tpu.memory_space<vmem>>, vector<1x16xf32>,
      %get3A_481 = vector.shape_cast %get3A_480 : vector<1x16xf32> to vector<1x16xf32>
      %get3A_482 = arith.index_cast %add3A_477 : i32 to index
      %get3A_483 = arith.constant 16 : index
      %get3A_484 = tpu.vector_load %arg7[%get3A_482, %get3A_483] {strides = array<i32>} : memref<128x128xf32, #tpu.memory_space<vmem>>, vector<1x16xf32>,
      %get3A_485 = vector.shape_cast %get3A_484 : vector<1x16xf32> to vector<1x16xf32>
      %add3A_486 = arith.addf %get3A_481, %get3A_485 : vector<1x16xf32>
      %swap3A_487 = arith.index_cast %add3A_477 : i32 to index
      %swap3A_488 = arith.constant 16 : index
      %swap3A_489 = tpu.vector_load %arg10[%swap3A_487, %swap3A_488] {strides = array<i32>} : memref<128x64xf32, #tpu.memory_space<vmem>>, vector<1x16xf32>,
      %swap3A_490 = vector.shape_cast %swap3A_489 : vector<1x16xf32> to vector<1x16xf32>
      %swap3A_491 = vector.shape_cast %add3A_486 : vector<1x16xf32> to vector<1x16xf32>
      tpu.vector_store %arg10[%swap3A_487, %swap3A_488], %swap3A_491 {strides = array<i32>} : memref<128x64xf32, #tpu.memory_space<vmem>>, vector<1x16xf32>,
      %add3A_492 = arith.constant 5 : i32
      %add3A_493 = arith.addi %add3A_141, %add3A_492 : i32
      %get3A_494 = arith.index_cast %add3A_493 : i32 to index
      %get3A_495 = arith.constant 32 : index
      %get3A_496 = tpu.vector_load %arg6[%get3A_494, %get3A_495] {strides = array<i32>} : memref<128x128xf32, #tpu.memory_space<vmem>>, vector<1x16xf32>,
      %get3A_497 = vector.shape_cast %get3A_496 : vector<1x16xf32> to vector<1x16xf32>
      %get3A_498 = arith.index_cast %add3A_493 : i32 to index
      %get3A_499 = arith.constant 32 : index
      %get3A_500 = tpu.vector_load %arg7[%get3A_498, %get3A_499] {strides = array<i32>} : memref<128x128xf32, #tpu.memory_space<vmem>>, vector<1x16xf32>,
      %get3A_501 = vector.shape_cast %get3A_500 : vector<1x16xf32> to vector<1x16xf32>
      %add3A_502 = arith.addf %get3A_497, %get3A_501 : vector<1x16xf32>
      %swap3A_503 = arith.index_cast %add3A_493 : i32 to index
      %swap3A_504 = arith.constant 32 : index
      %swap3A_505 = tpu.vector_load %arg10[%swap3A_503, %swap3A_504] {strides = array<i32>} : memref<128x64xf32, #tpu.memory_space<vmem>>, vector<1x16xf32>,
      %swap3A_506 = vector.shape_cast %swap3A_505 : vector<1x16xf32> to vector<1x16xf32>
      %swap3A_507 = vector.shape_cast %add3A_502 : vector<1x16xf32> to vector<1x16xf32>
      tpu.vector_store %arg10[%swap3A_503, %swap3A_504], %swap3A_507 {strides = array<i32>} : memref<128x64xf32, #tpu.memory_space<vmem>>, vector<1x16xf32>,
      %add3A_508 = arith.constant 5 : i32
      %add3A_509 = arith.addi %add3A_141, %add3A_508 : i32
      %get3A_510 = arith.index_cast %add3A_509 : i32 to index
      %get3A_511 = arith.constant 48 : index
      %get3A_512 = tpu.vector_load %arg6[%get3A_510, %get3A_511] {strides = array<i32>} : memref<128x128xf32, #tpu.memory_space<vmem>>, vector<1x16xf32>,
      %get3A_513 = vector.shape_cast %get3A_512 : vector<1x16xf32> to vector<1x16xf32>
      %get3A_514 = arith.index_cast %add3A_509 : i32 to index
      %get3A_515 = arith.constant 48 : index
      %get3A_516 = tpu.vector_load %arg7[%get3A_514, %get3A_515] {strides = array<i32>} : memref<128x128xf32, #tpu.memory_space<vmem>>, vector<1x16xf32>,
      %get3A_517 = vector.shape_cast %get3A_516 : vector<1x16xf32> to vector<1x16xf32>
      %add3A_518 = arith.addf %get3A_513, %get3A_517 : vector<1x16xf32>
      %swap3A_519 = arith.index_cast %add3A_509 : i32 to index
      %swap3A_520 = arith.constant 48 : index
      %swap3A_521 = tpu.vector_load %arg10[%swap3A_519, %swap3A_520] {strides = array<i32>} : memref<128x64xf32, #tpu.memory_space<vmem>>, vector<1x16xf32>,
      %swap3A_522 = vector.shape_cast %swap3A_521 : vector<1x16xf32> to vector<1x16xf32>
      %swap3A_523 = vector.shape_cast %add3A_518 : vector<1x16xf32> to vector<1x16xf32>
      tpu.vector_store %arg10[%swap3A_519, %swap3A_520], %swap3A_523 {strides = array<i32>} : memref<128x64xf32, #tpu.memory_space<vmem>>, vector<1x16xf32>,
      %add3A_524 = arith.constant 6 : i32
      %add3A_525 = arith.addi %add3A_141, %add3A_524 : i32
      %get3A_526 = arith.index_cast %add3A_525 : i32 to index
      %get3A_527 = arith.constant 0 : index
      %get3A_528 = tpu.vector_load %arg6[%get3A_526, %get3A_527] {strides = array<i32>} : memref<128x128xf32, #tpu.memory_space<vmem>>, vector<1x16xf32>,
      %get3A_529 = vector.shape_cast %get3A_528 : vector<1x16xf32> to vector<1x16xf32>
      %get3A_530 = arith.index_cast %add3A_525 : i32 to index
      %get3A_531 = arith.constant 0 : index
      %get3A_532 = tpu.vector_load %arg7[%get3A_530, %get3A_531] {strides = array<i32>} : memref<128x128xf32, #tpu.memory_space<vmem>>, vector<1x16xf32>,
      %get3A_533 = vector.shape_cast %get3A_532 : vector<1x16xf32> to vector<1x16xf32>
      %add3A_534 = arith.addf %get3A_529, %get3A_533 : vector<1x16xf32>
      %swap3A_535 = arith.index_cast %add3A_525 : i32 to index
      %swap3A_536 = arith.constant 0 : index
      %swap3A_537 = tpu.vector_load %arg10[%swap3A_535, %swap3A_536] {strides = array<i32>} : memref<128x64xf32, #tpu.memory_space<vmem>>, vector<1x16xf32>,
      %swap3A_538 = vector.shape_cast %swap3A_537 : vector<1x16xf32> to vector<1x16xf32>
      %swap3A_539 = vector.shape_cast %add3A_534 : vector<1x16xf32> to vector<1x16xf32>
      tpu.vector_store %arg10[%swap3A_535, %swap3A_536], %swap3A_539 {strides = array<i32>} : memref<128x64xf32, #tpu.memory_space<vmem>>, vector<1x16xf32>,
      %add3A_540 = arith.constant 6 : i32
      %add3A_541 = arith.addi %add3A_141, %add3A_540 : i32
      %get3A_542 = arith.index_cast %add3A_541 : i32 to index
      %get3A_543 = arith.constant 16 : index
      %get3A_544 = tpu.vector_load %arg6[%get3A_542, %get3A_543] {strides = array<i32>} : memref<128x128xf32, #tpu.memory_space<vmem>>, vector<1x16xf32>,
      %get3A_545 = vector.shape_cast %get3A_544 : vector<1x16xf32> to vector<1x16xf32>
      %get3A_546 = arith.index_cast %add3A_541 : i32 to index
      %get3A_547 = arith.constant 16 : index
      %get3A_548 = tpu.vector_load %arg7[%get3A_546, %get3A_547] {strides = array<i32>} : memref<128x128xf32, #tpu.memory_space<vmem>>, vector<1x16xf32>,
      %get3A_549 = vector.shape_cast %get3A_548 : vector<1x16xf32> to vector<1x16xf32>
      %add3A_550 = arith.addf %get3A_545, %get3A_549 : vector<1x16xf32>
      %swap3A_551 = arith.index_cast %add3A_541 : i32 to index
      %swap3A_552 = arith.constant 16 : index
      %swap3A_553 = tpu.vector_load %arg10[%swap3A_551, %swap3A_552] {strides = array<i32>} : memref<128x64xf32, #tpu.memory_space<vmem>>, vector<1x16xf32>,
      %swap3A_554 = vector.shape_cast %swap3A_553 : vector<1x16xf32> to vector<1x16xf32>
      %swap3A_555 = vector.shape_cast %add3A_550 : vector<1x16xf32> to vector<1x16xf32>
      tpu.vector_store %arg10[%swap3A_551, %swap3A_552], %swap3A_555 {strides = array<i32>} : memref<128x64xf32, #tpu.memory_space<vmem>>, vector<1x16xf32>,
      %add3A_556 = arith.constant 6 : i32
      %add3A_557 = arith.addi %add3A_141, %add3A_556 : i32
      %get3A_558 = arith.index_cast %add3A_557 : i32 to index
      %get3A_559 = arith.constant 32 : index
      %get3A_560 = tpu.vector_load %arg6[%get3A_558, %get3A_559] {strides = array<i32>} : memref<128x128xf32, #tpu.memory_space<vmem>>, vector<1x16xf32>,
      %get3A_561 = vector.shape_cast %get3A_560 : vector<1x16xf32> to vector<1x16xf32>
      %get3A_562 = arith.index_cast %add3A_557 : i32 to index
      %get3A_563 = arith.constant 32 : index
      %get3A_564 = tpu.vector_load %arg7[%get3A_562, %get3A_563] {strides = array<i32>} : memref<128x128xf32, #tpu.memory_space<vmem>>, vector<1x16xf32>,
      %get3A_565 = vector.shape_cast %get3A_564 : vector<1x16xf32> to vector<1x16xf32>
      %add3A_566 = arith.addf %get3A_561, %get3A_565 : vector<1x16xf32>
      %swap3A_567 = arith.index_cast %add3A_557 : i32 to index
      %swap3A_568 = arith.constant 32 : index
      %swap3A_569 = tpu.vector_load %arg10[%swap3A_567, %swap3A_568] {strides = array<i32>} : memref<128x64xf32, #tpu.memory_space<vmem>>, vector<1x16xf32>,
      %swap3A_570 = vector.shape_cast %swap3A_569 : vector<1x16xf32> to vector<1x16xf32>
      %swap3A_571 = vector.shape_cast %add3A_566 : vector<1x16xf32> to vector<1x16xf32>
      tpu.vector_store %arg10[%swap3A_567, %swap3A_568], %swap3A_571 {strides = array<i32>} : memref<128x64xf32, #tpu.memory_space<vmem>>, vector<1x16xf32>,
      %add3A_572 = arith.constant 6 : i32
      %add3A_573 = arith.addi %add3A_141, %add3A_572 : i32
      %get3A_574 = arith.index_cast %add3A_573 : i32 to index
      %get3A_575 = arith.constant 48 : index
      %get3A_576 = tpu.vector_load %arg6[%get3A_574, %get3A_575] {strides = array<i32>} : memref<128x128xf32, #tpu.memory_space<vmem>>, vector<1x16xf32>,
      %get3A_577 = vector.shape_cast %get3A_576 : vector<1x16xf32> to vector<1x16xf32>
      %get3A_578 = arith.index_cast %add3A_573 : i32 to index
      %get3A_579 = arith.constant 48 : index
      %get3A_580 = tpu.vector_load %arg7[%get3A_578, %get3A_579] {strides = array<i32>} : memref<128x128xf32, #tpu.memory_space<vmem>>, vector<1x16xf32>,
      %get3A_581 = vector.shape_cast %get3A_580 : vector<1x16xf32> to vector<1x16xf32>
      %add3A_582 = arith.addf %get3A_577, %get3A_581 : vector<1x16xf32>
      %swap3A_583 = arith.index_cast %add3A_573 : i32 to index
      %swap3A_584 = arith.constant 48 : index
      %swap3A_585 = tpu.vector_load %arg10[%swap3A_583, %swap3A_584] {strides = array<i32>} : memref<128x64xf32, #tpu.memory_space<vmem>>, vector<1x16xf32>,
      %swap3A_586 = vector.shape_cast %swap3A_585 : vector<1x16xf32> to vector<1x16xf32>
      %swap3A_587 = vector.shape_cast %add3A_582 : vector<1x16xf32> to vector<1x16xf32>
      tpu.vector_store %arg10[%swap3A_583, %swap3A_584], %swap3A_587 {strides = array<i32>} : memref<128x64xf32, #tpu.memory_space<vmem>>, vector<1x16xf32>,
      %add3A_588 = arith.constant 7 : i32
      %add3A_589 = arith.addi %add3A_141, %add3A_588 : i32
      %get3A_590 = arith.index_cast %add3A_589 : i32 to index
      %get3A_591 = arith.constant 0 : index
      %get3A_592 = tpu.vector_load %arg6[%get3A_590, %get3A_591] {strides = array<i32>} : memref<128x128xf32, #tpu.memory_space<vmem>>, vector<1x16xf32>,
      %get3A_593 = vector.shape_cast %get3A_592 : vector<1x16xf32> to vector<1x16xf32>
      %get3A_594 = arith.index_cast %add3A_589 : i32 to index
      %get3A_595 = arith.constant 0 : index
      %get3A_596 = tpu.vector_load %arg7[%get3A_594, %get3A_595] {strides = array<i32>} : memref<128x128xf32, #tpu.memory_space<vmem>>, vector<1x16xf32>,
      %get3A_597 = vector.shape_cast %get3A_596 : vector<1x16xf32> to vector<1x16xf32>
      %add3A_598 = arith.addf %get3A_593, %get3A_597 : vector<1x16xf32>
      %swap3A_599 = arith.index_cast %add3A_589 : i32 to index
      %swap3A_600 = arith.constant 0 : index
      %swap3A_601 = tpu.vector_load %arg10[%swap3A_599, %swap3A_600] {strides = array<i32>} : memref<128x64xf32, #tpu.memory_space<vmem>>, vector<1x16xf32>,
      %swap3A_602 = vector.shape_cast %swap3A_601 : vector<1x16xf32> to vector<1x16xf32>
      %swap3A_603 = vector.shape_cast %add3A_598 : vector<1x16xf32> to vector<1x16xf32>
      tpu.vector_store %arg10[%swap3A_599, %swap3A_600], %swap3A_603 {strides = array<i32>} : memref<128x64xf32, #tpu.memory_space<vmem>>, vector<1x16xf32>,
      %add3A_604 = arith.constant 7 : i32
      %add3A_605 = arith.addi %add3A_141, %add3A_604 : i32
      %get3A_606 = arith.index_cast %add3A_605 : i32 to index
      %get3A_607 = arith.constant 16 : index
      %get3A_608 = tpu.vector_load %arg6[%get3A_606, %get3A_607] {strides = array<i32>} : memref<128x128xf32, #tpu.memory_space<vmem>>, vector<1x16xf32>,
      %get3A_609 = vector.shape_cast %get3A_608 : vector<1x16xf32> to vector<1x16xf32>
      %get3A_610 = arith.index_cast %add3A_605 : i32 to index
      %get3A_611 = arith.constant 16 : index
      %get3A_612 = tpu.vector_load %arg7[%get3A_610, %get3A_611] {strides = array<i32>} : memref<128x128xf32, #tpu.memory_space<vmem>>, vector<1x16xf32>,
      %get3A_613 = vector.shape_cast %get3A_612 : vector<1x16xf32> to vector<1x16xf32>
      %add3A_614 = arith.addf %get3A_609, %get3A_613 : vector<1x16xf32>
      %swap3A_615 = arith.index_cast %add3A_605 : i32 to index
      %swap3A_616 = arith.constant 16 : index
      %swap3A_617 = tpu.vector_load %arg10[%swap3A_615, %swap3A_616] {strides = array<i32>} : memref<128x64xf32, #tpu.memory_space<vmem>>, vector<1x16xf32>,
      %swap3A_618 = vector.shape_cast %swap3A_617 : vector<1x16xf32> to vector<1x16xf32>
      %swap3A_619 = vector.shape_cast %add3A_614 : vector<1x16xf32> to vector<1x16xf32>
      tpu.vector_store %arg10[%swap3A_615, %swap3A_616], %swap3A_619 {strides = array<i32>} : memref<128x64xf32, #tpu.memory_space<vmem>>, vector<1x16xf32>,
      %add3A_620 = arith.constant 7 : i32
      %add3A_621 = arith.addi %add3A_141, %add3A_620 : i32
      %get3A_622 = arith.index_cast %add3A_621 : i32 to index
      %get3A_623 = arith.constant 32 : index
      %get3A_624 = tpu.vector_load %arg6[%get3A_622, %get3A_623] {strides = array<i32>} : memref<128x128xf32, #tpu.memory_space<vmem>>, vector<1x16xf32>,
      %get3A_625 = vector.shape_cast %get3A_624 : vector<1x16xf32> to vector<1x16xf32>
      %get3A_626 = arith.index_cast %add3A_621 : i32 to index
      %get3A_627 = arith.constant 32 : index
      %get3A_628 = tpu.vector_load %arg7[%get3A_626, %get3A_627] {strides = array<i32>} : memref<128x128xf32, #tpu.memory_space<vmem>>, vector<1x16xf32>,
      %get3A_629 = vector.shape_cast %get3A_628 : vector<1x16xf32> to vector<1x16xf32>
      %add3A_630 = arith.addf %get3A_625, %get3A_629 : vector<1x16xf32>
      %swap3A_631 = arith.index_cast %add3A_621 : i32 to index
      %swap3A_632 = arith.constant 32 : index
      %swap3A_633 = tpu.vector_load %arg10[%swap3A_631, %swap3A_632] {strides = array<i32>} : memref<128x64xf32, #tpu.memory_space<vmem>>, vector<1x16xf32>,
      %swap3A_634 = vector.shape_cast %swap3A_633 : vector<1x16xf32> to vector<1x16xf32>
      %swap3A_635 = vector.shape_cast %add3A_630 : vector<1x16xf32> to vector<1x16xf32>
      tpu.vector_store %arg10[%swap3A_631, %swap3A_632], %swap3A_635 {strides = array<i32>} : memref<128x64xf32, #tpu.memory_space<vmem>>, vector<1x16xf32>,
      %add3A_636 = arith.constant 7 : i32
      %add3A_637 = arith.addi %add3A_141, %add3A_636 : i32
      %get3A_638 = arith.index_cast %add3A_637 : i32 to index
      %get3A_639 = arith.constant 48 : index
      %get3A_640 = tpu.vector_load %arg6[%get3A_638, %get3A_639] {strides = array<i32>} : memref<128x128xf32, #tpu.memory_space<vmem>>, vector<1x16xf32>,
      %get3A_641 = vector.shape_cast %get3A_640 : vector<1x16xf32> to vector<1x16xf32>
      %get3A_642 = arith.index_cast %add3A_637 : i32 to index
      %get3A_643 = arith.constant 48 : index
      %get3A_644 = tpu.vector_load %arg7[%get3A_642, %get3A_643] {strides = array<i32>} : memref<128x128xf32, #tpu.memory_space<vmem>>, vector<1x16xf32>,
      %get3A_645 = vector.shape_cast %get3A_644 : vector<1x16xf32> to vector<1x16xf32>
      %add3A_646 = arith.addf %get3A_641, %get3A_645 : vector<1x16xf32>
      %swap3A_647 = arith.index_cast %add3A_637 : i32 to index
      %swap3A_648 = arith.constant 48 : index
      %swap3A_649 = tpu.vector_load %arg10[%swap3A_647, %swap3A_648] {strides = array<i32>} : memref<128x64xf32, #tpu.memory_space<vmem>>, vector<1x16xf32>,
      %swap3A_650 = vector.shape_cast %swap3A_649 : vector<1x16xf32> to vector<1x16xf32>
      %swap3A_651 = vector.shape_cast %add3A_646 : vector<1x16xf32> to vector<1x16xf32>
      tpu.vector_store %arg10[%swap3A_647, %swap3A_648], %swap3A_651 {strides = array<i32>} : memref<128x64xf32, #tpu.memory_space<vmem>>, vector<1x16xf32>,
    }
    %scan3A_46 = arith.constant 16 : i32
    %dma_start3A_47 = arith.constant 4 : i32
    %dma_start3A_48 = arith.constant 0 : i32
    %dma_start3A_49 = tpu.memref_slice %arg5[%dma_start3A_47, %dma_start3A_48] : memref<200x128xi32, #tpu.memory_space<vmem>> -> memref<1x128xi32, #tpu.memory_space<vmem>>
    %dma_start3A_50 = tpu.memref_squeeze %dma_start3A_49 : memref<1x128xi32, #tpu.memory_space<vmem>> -> memref<128xi32, #tpu.memory_space<vmem>>
    %dma_start3A_51 = arith.constant 0 : i32
    %dma_start3A_52 = arith.constant 0 : i32
    %dma_start3A_53 = tpu.memref_slice %arg3[%dma_start3A_51, %dma_start3A_52] : memref<1000000x128xf32, #tpu.memory_space<hbm>> -> memref<1000000x128xf32, #tpu.memory_space<hbm>>
    tpu.enqueue_indirect_dma source(%dma_start3A_53 : memref<1000000x128xf32, #tpu.memory_space<hbm>>) target(%arg6 : memref<128x128xf32, #tpu.memory_space<vmem>>) offsets(%dma_start3A_50 : memref<128xi32, #tpu.memory_space<vmem>>) semaphore(%arg11 : memref<!tpu.dma_semaphore, #tpu.memory_space<semaphore_mem>>)
    %dma_start3A_54 = arith.constant 5 : i32
    %dma_start3A_55 = arith.constant 0 : i32
    %dma_start3A_56 = tpu.memref_slice %arg5[%dma_start3A_54, %dma_start3A_55] : memref<200x128xi32, #tpu.memory_space<vmem>> -> memref<1x128xi32, #tpu.memory_space<vmem>>
    %dma_start3A_57 = tpu.memref_squeeze %dma_start3A_56 : memref<1x128xi32, #tpu.memory_space<vmem>> -> memref<128xi32, #tpu.memory_space<vmem>>
    %dma_start3A_58 = arith.constant 0 : i32
    %dma_start3A_59 = arith.constant 0 : i32
    %dma_start3A_60 = tpu.memref_slice %arg3[%dma_start3A_58, %dma_start3A_59] : memref<1000000x128xf32, #tpu.memory_space<hbm>> -> memref<1000000x128xf32, #tpu.memory_space<hbm>>
    tpu.enqueue_indirect_dma source(%dma_start3A_60 : memref<1000000x128xf32, #tpu.memory_space<hbm>>) target(%arg7 : memref<128x128xf32, #tpu.memory_space<vmem>>) offsets(%dma_start3A_57 : memref<128xi32, #tpu.memory_space<vmem>>) semaphore(%arg12 : memref<!tpu.dma_semaphore, #tpu.memory_space<semaphore_mem>>)
    %dma_wait3A_61 = arith.constant 0 : i32
    %dma_wait3A_62 = arith.constant 0 : i32
    %dma_wait3A_63 = tpu.memref_slice %arg5[%dma_wait3A_61, %dma_wait3A_62] : memref<200x128xi32, #tpu.memory_space<vmem>> -> memref<1x128xi32, #tpu.memory_space<vmem>>
    %dma_wait3A_64 = tpu.memref_squeeze %dma_wait3A_63 : memref<1x128xi32, #tpu.memory_space<vmem>> -> memref<128xi32, #tpu.memory_space<vmem>>
    %dma_wait3A_65 = arith.constant 0 : i32
    %dma_wait3A_66 = arith.constant 0 : i32
    %dma_wait3A_67 = tpu.memref_slice %arg3[%dma_wait3A_65, %dma_wait3A_66] : memref<1000000x128xf32, #tpu.memory_space<hbm>> -> memref<1000000x128xf32, #tpu.memory_space<hbm>>
    tpu.wait_indirect_dma semaphore(%arg13 : memref<!tpu.dma_semaphore, #tpu.memory_space<semaphore_mem>>) src(%dma_wait3A_67 : memref<1000000x128xf32, #tpu.memory_space<hbm>>) dst(%arg8 : memref<128x128xf32, #tpu.memory_space<vmem>>)
    %dma_wait3A_68 = arith.constant 0 : i32
    %dma_wait3A_69 = arith.constant 0 : i32
    %dma_wait3A_70 = tpu.memref_slice %arg5[%dma_wait3A_68, %dma_wait3A_69] : memref<200x128xi32, #tpu.memory_space<vmem>> -> memref<1x128xi32, #tpu.memory_space<vmem>>
    %dma_wait3A_71 = tpu.memref_squeeze %dma_wait3A_70 : memref<1x128xi32, #tpu.memory_space<vmem>> -> memref<128xi32, #tpu.memory_space<vmem>>
    %dma_wait3A_72 = arith.constant 0 : i32
    %dma_wait3A_73 = arith.constant 0 : i32
    %dma_wait3A_74 = tpu.memref_slice %arg3[%dma_wait3A_72, %dma_wait3A_73] : memref<1000000x128xf32, #tpu.memory_space<hbm>> -> memref<1000000x128xf32, #tpu.memory_space<hbm>>
    tpu.wait_indirect_dma semaphore(%arg14 : memref<!tpu.dma_semaphore, #tpu.memory_space<semaphore_mem>>) src(%dma_wait3A_74 : memref<1000000x128xf32, #tpu.memory_space<hbm>>) dst(%arg9 : memref<128x128xf32, #tpu.memory_space<vmem>>)
    %scan3A_75 = arith.constant 0 : i32
    %scan3A_76 = arith.constant 16 : i32
    %scan3A_77 = arith.addi %scan3A_75, %scan3A_76 : i32
    %scan3A_78 = arith.constant 1 : i32
    scf.for %scan3A_137 = %scan3A_75 to %scan3A_77 step %scan3A_78  : i32 {
      %mul3A_138 = arith.constant 8 : i32
      %mul3A_139 = arith.muli %scan3A_137, %mul3A_138 : i32
      %add3A_140 = arith.constant 0 : i32
      %add3A_141 = arith.addi %add3A_140, %mul3A_139 : i32
      %add3A_142 = arith.constant 0 : i32
      %add3A_143 = arith.addi %add3A_141, %add3A_142 : i32
      %get3A = arith.index_cast %add3A_143 : i32 to index
      %get3A_144 = arith.constant 0 : index
      %get3A_145 = tpu.vector_load %arg10[%get3A, %get3A_144] {strides = array<i32>} : memref<128x64xf32, #tpu.memory_space<vmem>>, vector<1x16xf32>,
      %get3A_146 = vector.shape_cast %get3A_145 : vector<1x16xf32> to vector<1x16xf32>
      %get3A_147 = arith.index_cast %add3A_143 : i32 to index
      %get3A_148 = arith.constant 0 : index
      %get3A_149 = tpu.vector_load %arg8[%get3A_147, %get3A_148] {strides = array<i32>} : memref<128x128xf32, #tpu.memory_space<vmem>>, vector<1x16xf32>,
      %get3A_150 = vector.shape_cast %get3A_149 : vector<1x16xf32> to vector<1x16xf32>
      %add3A_151 = arith.addf %get3A_146, %get3A_150 : vector<1x16xf32>
      %get3A_152 = arith.index_cast %add3A_143 : i32 to index
      %get3A_153 = arith.constant 0 : index
      %get3A_154 = tpu.vector_load %arg9[%get3A_152, %get3A_153] {strides = array<i32>} : memref<128x128xf32, #tpu.memory_space<vmem>>, vector<1x16xf32>,
      %get3A_155 = vector.shape_cast %get3A_154 : vector<1x16xf32> to vector<1x16xf32>
      %add3A_156 = arith.addf %add3A_151, %get3A_155 : vector<1x16xf32>
      %swap3A = arith.index_cast %add3A_143 : i32 to index
      %swap3A_157 = arith.constant 0 : index
      %swap3A_158 = tpu.vector_load %arg10[%swap3A, %swap3A_157] {strides = array<i32>} : memref<128x64xf32, #tpu.memory_space<vmem>>, vector<1x16xf32>,
      %swap3A_159 = vector.shape_cast %swap3A_158 : vector<1x16xf32> to vector<1x16xf32>
      %swap3A_160 = vector.shape_cast %add3A_156 : vector<1x16xf32> to vector<1x16xf32>
      tpu.vector_store %arg10[%swap3A, %swap3A_157], %swap3A_160 {strides = array<i32>} : memref<128x64xf32, #tpu.memory_space<vmem>>, vector<1x16xf32>,
      %add3A_161 = arith.constant 0 : i32
      %add3A_162 = arith.addi %add3A_141, %add3A_161 : i32
      %get3A_163 = arith.index_cast %add3A_162 : i32 to index
      %get3A_164 = arith.constant 16 : index
      %get3A_165 = tpu.vector_load %arg10[%get3A_163, %get3A_164] {strides = array<i32>} : memref<128x64xf32, #tpu.memory_space<vmem>>, vector<1x16xf32>,
      %get3A_166 = vector.shape_cast %get3A_165 : vector<1x16xf32> to vector<1x16xf32>
      %get3A_167 = arith.index_cast %add3A_162 : i32 to index
      %get3A_168 = arith.constant 16 : index
      %get3A_169 = tpu.vector_load %arg8[%get3A_167, %get3A_168] {strides = array<i32>} : memref<128x128xf32, #tpu.memory_space<vmem>>, vector<1x16xf32>,
      %get3A_170 = vector.shape_cast %get3A_169 : vector<1x16xf32> to vector<1x16xf32>
      %add3A_171 = arith.addf %get3A_166, %get3A_170 : vector<1x16xf32>
      %get3A_172 = arith.index_cast %add3A_162 : i32 to index
      %get3A_173 = arith.constant 16 : index
      %get3A_174 = tpu.vector_load %arg9[%get3A_172, %get3A_173] {strides = array<i32>} : memref<128x128xf32, #tpu.memory_space<vmem>>, vector<1x16xf32>,
      %get3A_175 = vector.shape_cast %get3A_174 : vector<1x16xf32> to vector<1x16xf32>
      %add3A_176 = arith.addf %add3A_171, %get3A_175 : vector<1x16xf32>
      %swap3A_177 = arith.index_cast %add3A_162 : i32 to index
      %swap3A_178 = arith.constant 16 : index
      %swap3A_179 = tpu.vector_load %arg10[%swap3A_177, %swap3A_178] {strides = array<i32>} : memref<128x64xf32, #tpu.memory_space<vmem>>, vector<1x16xf32>,
      %swap3A_180 = vector.shape_cast %swap3A_179 : vector<1x16xf32> to vector<1x16xf32>
      %swap3A_181 = vector.shape_cast %add3A_176 : vector<1x16xf32> to vector<1x16xf32>
      tpu.vector_store %arg10[%swap3A_177, %swap3A_178], %swap3A_181 {strides = array<i32>} : memref<128x64xf32, #tpu.memory_space<vmem>>, vector<1x16xf32>,
      %add3A_182 = arith.constant 0 : i32
      %add3A_183 = arith.addi %add3A_141, %add3A_182 : i32
      %get3A_184 = arith.index_cast %add3A_183 : i32 to index
      %get3A_185 = arith.constant 32 : index
      %get3A_186 = tpu.vector_load %arg10[%get3A_184, %get3A_185] {strides = array<i32>} : memref<128x64xf32, #tpu.memory_space<vmem>>, vector<1x16xf32>,
      %get3A_187 = vector.shape_cast %get3A_186 : vector<1x16xf32> to vector<1x16xf32>
      %get3A_188 = arith.index_cast %add3A_183 : i32 to index
      %get3A_189 = arith.constant 32 : index
      %get3A_190 = tpu.vector_load %arg8[%get3A_188, %get3A_189] {strides = array<i32>} : memref<128x128xf32, #tpu.memory_space<vmem>>, vector<1x16xf32>,
      %get3A_191 = vector.shape_cast %get3A_190 : vector<1x16xf32> to vector<1x16xf32>
      %add3A_192 = arith.addf %get3A_187, %get3A_191 : vector<1x16xf32>
      %get3A_193 = arith.index_cast %add3A_183 : i32 to index
      %get3A_194 = arith.constant 32 : index
      %get3A_195 = tpu.vector_load %arg9[%get3A_193, %get3A_194] {strides = array<i32>} : memref<128x128xf32, #tpu.memory_space<vmem>>, vector<1x16xf32>,
      %get3A_196 = vector.shape_cast %get3A_195 : vector<1x16xf32> to vector<1x16xf32>
      %add3A_197 = arith.addf %add3A_192, %get3A_196 : vector<1x16xf32>
      %swap3A_198 = arith.index_cast %add3A_183 : i32 to index
      %swap3A_199 = arith.constant 32 : index
      %swap3A_200 = tpu.vector_load %arg10[%swap3A_198, %swap3A_199] {strides = array<i32>} : memref<128x64xf32, #tpu.memory_space<vmem>>, vector<1x16xf32>,
      %swap3A_201 = vector.shape_cast %swap3A_200 : vector<1x16xf32> to vector<1x16xf32>
      %swap3A_202 = vector.shape_cast %add3A_197 : vector<1x16xf32> to vector<1x16xf32>
      tpu.vector_store %arg10[%swap3A_198, %swap3A_199], %swap3A_202 {strides = array<i32>} : memref<128x64xf32, #tpu.memory_space<vmem>>, vector<1x16xf32>,
      %add3A_203 = arith.constant 0 : i32
      %add3A_204 = arith.addi %add3A_141, %add3A_203 : i32
      %get3A_205 = arith.index_cast %add3A_204 : i32 to index
      %get3A_206 = arith.constant 48 : index
      %get3A_207 = tpu.vector_load %arg10[%get3A_205, %get3A_206] {strides = array<i32>} : memref<128x64xf32, #tpu.memory_space<vmem>>, vector<1x16xf32>,
      %get3A_208 = vector.shape_cast %get3A_207 : vector<1x16xf32> to vector<1x16xf32>
      %get3A_209 = arith.index_cast %add3A_204 : i32 to index
      %get3A_210 = arith.constant 48 : index
      %get3A_211 = tpu.vector_load %arg8[%get3A_209, %get3A_210] {strides = array<i32>} : memref<128x128xf32, #tpu.memory_space<vmem>>, vector<1x16xf32>,
      %get3A_212 = vector.shape_cast %get3A_211 : vector<1x16xf32> to vector<1x16xf32>
      %add3A_213 = arith.addf %get3A_208, %get3A_212 : vector<1x16xf32>
      %get3A_214 = arith.index_cast %add3A_204 : i32 to index
      %get3A_215 = arith.constant 48 : index
      %get3A_216 = tpu.vector_load %arg9[%get3A_214, %get3A_215] {strides = array<i32>} : memref<128x128xf32, #tpu.memory_space<vmem>>, vector<1x16xf32>,
      %get3A_217 = vector.shape_cast %get3A_216 : vector<1x16xf32> to vector<1x16xf32>
      %add3A_218 = arith.addf %add3A_213, %get3A_217 : vector<1x16xf32>
      %swap3A_219 = arith.index_cast %add3A_204 : i32 to index
      %swap3A_220 = arith.constant 48 : index
      %swap3A_221 = tpu.vector_load %arg10[%swap3A_219, %swap3A_220] {strides = array<i32>} : memref<128x64xf32, #tpu.memory_space<vmem>>, vector<1x16xf32>,
      %swap3A_222 = vector.shape_cast %swap3A_221 : vector<1x16xf32> to vector<1x16xf32>
      %swap3A_223 = vector.shape_cast %add3A_218 : vector<1x16xf32> to vector<1x16xf32>
      tpu.vector_store %arg10[%swap3A_219, %swap3A_220], %swap3A_223 {strides = array<i32>} : memref<128x64xf32, #tpu.memory_space<vmem>>, vector<1x16xf32>,
      %add3A_224 = arith.constant 1 : i32
      %add3A_225 = arith.addi %add3A_141, %add3A_224 : i32
      %get3A_226 = arith.index_cast %add3A_225 : i32 to index
      %get3A_227 = arith.constant 0 : index
      %get3A_228 = tpu.vector_load %arg10[%get3A_226, %get3A_227] {strides = array<i32>} : memref<128x64xf32, #tpu.memory_space<vmem>>, vector<1x16xf32>,
      %get3A_229 = vector.shape_cast %get3A_228 : vector<1x16xf32> to vector<1x16xf32>
      %get3A_230 = arith.index_cast %add3A_225 : i32 to index
      %get3A_231 = arith.constant 0 : index
      %get3A_232 = tpu.vector_load %arg8[%get3A_230, %get3A_231] {strides = array<i32>} : memref<128x128xf32, #tpu.memory_space<vmem>>, vector<1x16xf32>,
      %get3A_233 = vector.shape_cast %get3A_232 : vector<1x16xf32> to vector<1x16xf32>
      %add3A_234 = arith.addf %get3A_229, %get3A_233 : vector<1x16xf32>
      %get3A_235 = arith.index_cast %add3A_225 : i32 to index
      %get3A_236 = arith.constant 0 : index
      %get3A_237 = tpu.vector_load %arg9[%get3A_235, %get3A_236] {strides = array<i32>} : memref<128x128xf32, #tpu.memory_space<vmem>>, vector<1x16xf32>,
      %get3A_238 = vector.shape_cast %get3A_237 : vector<1x16xf32> to vector<1x16xf32>
      %add3A_239 = arith.addf %add3A_234, %get3A_238 : vector<1x16xf32>
      %swap3A_240 = arith.index_cast %add3A_225 : i32 to index
      %swap3A_241 = arith.constant 0 : index
      %swap3A_242 = tpu.vector_load %arg10[%swap3A_240, %swap3A_241] {strides = array<i32>} : memref<128x64xf32, #tpu.memory_space<vmem>>, vector<1x16xf32>,
      %swap3A_243 = vector.shape_cast %swap3A_242 : vector<1x16xf32> to vector<1x16xf32>
      %swap3A_244 = vector.shape_cast %add3A_239 : vector<1x16xf32> to vector<1x16xf32>
      tpu.vector_store %arg10[%swap3A_240, %swap3A_241], %swap3A_244 {strides = array<i32>} : memref<128x64xf32, #tpu.memory_space<vmem>>, vector<1x16xf32>,
      %add3A_245 = arith.constant 1 : i32
      %add3A_246 = arith.addi %add3A_141, %add3A_245 : i32
      %get3A_247 = arith.index_cast %add3A_246 : i32 to index
      %get3A_248 = arith.constant 16 : index
      %get3A_249 = tpu.vector_load %arg10[%get3A_247, %get3A_248] {strides = array<i32>} : memref<128x64xf32, #tpu.memory_space<vmem>>, vector<1x16xf32>,
      %get3A_250 = vector.shape_cast %get3A_249 : vector<1x16xf32> to vector<1x16xf32>
      %get3A_251 = arith.index_cast %add3A_246 : i32 to index
      %get3A_252 = arith.constant 16 : index
      %get3A_253 = tpu.vector_load %arg8[%get3A_251, %get3A_252] {strides = array<i32>} : memref<128x128xf32, #tpu.memory_space<vmem>>, vector<1x16xf32>,
      %get3A_254 = vector.shape_cast %get3A_253 : vector<1x16xf32> to vector<1x16xf32>
      %add3A_255 = arith.addf %get3A_250, %get3A_254 : vector<1x16xf32>
      %get3A_256 = arith.index_cast %add3A_246 : i32 to index
      %get3A_257 = arith.constant 16 : index
      %get3A_258 = tpu.vector_load %arg9[%get3A_256, %get3A_257] {strides = array<i32>} : memref<128x128xf32, #tpu.memory_space<vmem>>, vector<1x16xf32>,
      %get3A_259 = vector.shape_cast %get3A_258 : vector<1x16xf32> to vector<1x16xf32>
      %add3A_260 = arith.addf %add3A_255, %get3A_259 : vector<1x16xf32>
      %swap3A_261 = arith.index_cast %add3A_246 : i32 to index
      %swap3A_262 = arith.constant 16 : index
      %swap3A_263 = tpu.vector_load %arg10[%swap3A_261, %swap3A_262] {strides = array<i32>} : memref<128x64xf32, #tpu.memory_space<vmem>>, vector<1x16xf32>,
      %swap3A_264 = vector.shape_cast %swap3A_263 : vector<1x16xf32> to vector<1x16xf32>
      %swap3A_265 = vector.shape_cast %add3A_260 : vector<1x16xf32> to vector<1x16xf32>
      tpu.vector_store %arg10[%swap3A_261, %swap3A_262], %swap3A_265 {strides = array<i32>} : memref<128x64xf32, #tpu.memory_space<vmem>>, vector<1x16xf32>,
      %add3A_266 = arith.constant 1 : i32
      %add3A_267 = arith.addi %add3A_141, %add3A_266 : i32
      %get3A_268 = arith.index_cast %add3A_267 : i32 to index
      %get3A_269 = arith.constant 32 : index
      %get3A_270 = tpu.vector_load %arg10[%get3A_268, %get3A_269] {strides = array<i32>} : memref<128x64xf32, #tpu.memory_space<vmem>>, vector<1x16xf32>,
      %get3A_271 = vector.shape_cast %get3A_270 : vector<1x16xf32> to vector<1x16xf32>
      %get3A_272 = arith.index_cast %add3A_267 : i32 to index
      %get3A_273 = arith.constant 32 : index
      %get3A_274 = tpu.vector_load %arg8[%get3A_272, %get3A_273] {strides = array<i32>} : memref<128x128xf32, #tpu.memory_space<vmem>>, vector<1x16xf32>,
      %get3A_275 = vector.shape_cast %get3A_274 : vector<1x16xf32> to vector<1x16xf32>
      %add3A_276 = arith.addf %get3A_271, %get3A_275 : vector<1x16xf32>
      %get3A_277 = arith.index_cast %add3A_267 : i32 to index
      %get3A_278 = arith.constant 32 : index
      %get3A_279 = tpu.vector_load %arg9[%get3A_277, %get3A_278] {strides = array<i32>} : memref<128x128xf32, #tpu.memory_space<vmem>>, vector<1x16xf32>,
      %get3A_280 = vector.shape_cast %get3A_279 : vector<1x16xf32> to vector<1x16xf32>
      %add3A_281 = arith.addf %add3A_276, %get3A_280 : vector<1x16xf32>
      %swap3A_282 = arith.index_cast %add3A_267 : i32 to index
      %swap3A_283 = arith.constant 32 : index
      %swap3A_284 = tpu.vector_load %arg10[%swap3A_282, %swap3A_283] {strides = array<i32>} : memref<128x64xf32, #tpu.memory_space<vmem>>, vector<1x16xf32>,
      %swap3A_285 = vector.shape_cast %swap3A_284 : vector<1x16xf32> to vector<1x16xf32>
      %swap3A_286 = vector.shape_cast %add3A_281 : vector<1x16xf32> to vector<1x16xf32>
      tpu.vector_store %arg10[%swap3A_282, %swap3A_283], %swap3A_286 {strides = array<i32>} : memref<128x64xf32, #tpu.memory_space<vmem>>, vector<1x16xf32>,
      %add3A_287 = arith.constant 1 : i32
      %add3A_288 = arith.addi %add3A_141, %add3A_287 : i32
      %get3A_289 = arith.index_cast %add3A_288 : i32 to index
      %get3A_290 = arith.constant 48 : index
      %get3A_291 = tpu.vector_load %arg10[%get3A_289, %get3A_290] {strides = array<i32>} : memref<128x64xf32, #tpu.memory_space<vmem>>, vector<1x16xf32>,
      %get3A_292 = vector.shape_cast %get3A_291 : vector<1x16xf32> to vector<1x16xf32>
      %get3A_293 = arith.index_cast %add3A_288 : i32 to index
      %get3A_294 = arith.constant 48 : index
      %get3A_295 = tpu.vector_load %arg8[%get3A_293, %get3A_294] {strides = array<i32>} : memref<128x128xf32, #tpu.memory_space<vmem>>, vector<1x16xf32>,
      %get3A_296 = vector.shape_cast %get3A_295 : vector<1x16xf32> to vector<1x16xf32>
      %add3A_297 = arith.addf %get3A_292, %get3A_296 : vector<1x16xf32>
      %get3A_298 = arith.index_cast %add3A_288 : i32 to index
      %get3A_299 = arith.constant 48 : index
      %get3A_300 = tpu.vector_load %arg9[%get3A_298, %get3A_299] {strides = array<i32>} : memref<128x128xf32, #tpu.memory_space<vmem>>, vector<1x16xf32>,
      %get3A_301 = vector.shape_cast %get3A_300 : vector<1x16xf32> to vector<1x16xf32>
      %add3A_302 = arith.addf %add3A_297, %get3A_301 : vector<1x16xf32>
      %swap3A_303 = arith.index_cast %add3A_288 : i32 to index
      %swap3A_304 = arith.constant 48 : index
      %swap3A_305 = tpu.vector_load %arg10[%swap3A_303, %swap3A_304] {strides = array<i32>} : memref<128x64xf32, #tpu.memory_space<vmem>>, vector<1x16xf32>,
      %swap3A_306 = vector.shape_cast %swap3A_305 : vector<1x16xf32> to vector<1x16xf32>
      %swap3A_307 = vector.shape_cast %add3A_302 : vector<1x16xf32> to vector<1x16xf32>
      tpu.vector_store %arg10[%swap3A_303, %swap3A_304], %swap3A_307 {strides = array<i32>} : memref<128x64xf32, #tpu.memory_space<vmem>>, vector<1x16xf32>,
      %add3A_308 = arith.constant 2 : i32
      %add3A_309 = arith.addi %add3A_141, %add3A_308 : i32
      %get3A_310 = arith.index_cast %add3A_309 : i32 to index
      %get3A_311 = arith.constant 0 : index
      %get3A_312 = tpu.vector_load %arg10[%get3A_310, %get3A_311] {strides = array<i32>} : memref<128x64xf32, #tpu.memory_space<vmem>>, vector<1x16xf32>,
      %get3A_313 = vector.shape_cast %get3A_312 : vector<1x16xf32> to vector<1x16xf32>
      %get3A_314 = arith.index_cast %add3A_309 : i32 to index
      %get3A_315 = arith.constant 0 : index
      %get3A_316 = tpu.vector_load %arg8[%get3A_314, %get3A_315] {strides = array<i32>} : memref<128x128xf32, #tpu.memory_space<vmem>>, vector<1x16xf32>,
      %get3A_317 = vector.shape_cast %get3A_316 : vector<1x16xf32> to vector<1x16xf32>
      %add3A_318 = arith.addf %get3A_313, %get3A_317 : vector<1x16xf32>
      %get3A_319 = arith.index_cast %add3A_309 : i32 to index
      %get3A_320 = arith.constant 0 : index
      %get3A_321 = tpu.vector_load %arg9[%get3A_319, %get3A_320] {strides = array<i32>} : memref<128x128xf32, #tpu.memory_space<vmem>>, vector<1x16xf32>,
      %get3A_322 = vector.shape_cast %get3A_321 : vector<1x16xf32> to vector<1x16xf32>
      %add3A_323 = arith.addf %add3A_318, %get3A_322 : vector<1x16xf32>
      %swap3A_324 = arith.index_cast %add3A_309 : i32 to index
      %swap3A_325 = arith.constant 0 : index
      %swap3A_326 = tpu.vector_load %arg10[%swap3A_324, %swap3A_325] {strides = array<i32>} : memref<128x64xf32, #tpu.memory_space<vmem>>, vector<1x16xf32>,
      %swap3A_327 = vector.shape_cast %swap3A_326 : vector<1x16xf32> to vector<1x16xf32>
      %swap3A_328 = vector.shape_cast %add3A_323 : vector<1x16xf32> to vector<1x16xf32>
      tpu.vector_store %arg10[%swap3A_324, %swap3A_325], %swap3A_328 {strides = array<i32>} : memref<128x64xf32, #tpu.memory_space<vmem>>, vector<1x16xf32>,
      %add3A_329 = arith.constant 2 : i32
      %add3A_330 = arith.addi %add3A_141, %add3A_329 : i32
      %get3A_331 = arith.index_cast %add3A_330 : i32 to index
      %get3A_332 = arith.constant 16 : index
      %get3A_333 = tpu.vector_load %arg10[%get3A_331, %get3A_332] {strides = array<i32>} : memref<128x64xf32, #tpu.memory_space<vmem>>, vector<1x16xf32>,
      %get3A_334 = vector.shape_cast %get3A_333 : vector<1x16xf32> to vector<1x16xf32>
      %get3A_335 = arith.index_cast %add3A_330 : i32 to index
      %get3A_336 = arith.constant 16 : index
      %get3A_337 = tpu.vector_load %arg8[%get3A_335, %get3A_336] {strides = array<i32>} : memref<128x128xf32, #tpu.memory_space<vmem>>, vector<1x16xf32>,
      %get3A_338 = vector.shape_cast %get3A_337 : vector<1x16xf32> to vector<1x16xf32>
      %add3A_339 = arith.addf %get3A_334, %get3A_338 : vector<1x16xf32>
      %get3A_340 = arith.index_cast %add3A_330 : i32 to index
      %get3A_341 = arith.constant 16 : index
      %get3A_342 = tpu.vector_load %arg9[%get3A_340, %get3A_341] {strides = array<i32>} : memref<128x128xf32, #tpu.memory_space<vmem>>, vector<1x16xf32>,
      %get3A_343 = vector.shape_cast %get3A_342 : vector<1x16xf32> to vector<1x16xf32>
      %add3A_344 = arith.addf %add3A_339, %get3A_343 : vector<1x16xf32>
      %swap3A_345 = arith.index_cast %add3A_330 : i32 to index
      %swap3A_346 = arith.constant 16 : index
      %swap3A_347 = tpu.vector_load %arg10[%swap3A_345, %swap3A_346] {strides = array<i32>} : memref<128x64xf32, #tpu.memory_space<vmem>>, vector<1x16xf32>,
      %swap3A_348 = vector.shape_cast %swap3A_347 : vector<1x16xf32> to vector<1x16xf32>
      %swap3A_349 = vector.shape_cast %add3A_344 : vector<1x16xf32> to vector<1x16xf32>
      tpu.vector_store %arg10[%swap3A_345, %swap3A_346], %swap3A_349 {strides = array<i32>} : memref<128x64xf32, #tpu.memory_space<vmem>>, vector<1x16xf32>,
      %add3A_350 = arith.constant 2 : i32
      %add3A_351 = arith.addi %add3A_141, %add3A_350 : i32
      %get3A_352 = arith.index_cast %add3A_351 : i32 to index
      %get3A_353 = arith.constant 32 : index
      %get3A_354 = tpu.vector_load %arg10[%get3A_352, %get3A_353] {strides = array<i32>} : memref<128x64xf32, #tpu.memory_space<vmem>>, vector<1x16xf32>,
      %get3A_355 = vector.shape_cast %get3A_354 : vector<1x16xf32> to vector<1x16xf32>
      %get3A_356 = arith.index_cast %add3A_351 : i32 to index
      %get3A_357 = arith.constant 32 : index
      %get3A_358 = tpu.vector_load %arg8[%get3A_356, %get3A_357] {strides = array<i32>} : memref<128x128xf32, #tpu.memory_space<vmem>>, vector<1x16xf32>,
      %get3A_359 = vector.shape_cast %get3A_358 : vector<1x16xf32> to vector<1x16xf32>
      %add3A_360 = arith.addf %get3A_355, %get3A_359 : vector<1x16xf32>
      %get3A_361 = arith.index_cast %add3A_351 : i32 to index
      %get3A_362 = arith.constant 32 : index
      %get3A_363 = tpu.vector_load %arg9[%get3A_361, %get3A_362] {strides = array<i32>} : memref<128x128xf32, #tpu.memory_space<vmem>>, vector<1x16xf32>,
      %get3A_364 = vector.shape_cast %get3A_363 : vector<1x16xf32> to vector<1x16xf32>
      %add3A_365 = arith.addf %add3A_360, %get3A_364 : vector<1x16xf32>
      %swap3A_366 = arith.index_cast %add3A_351 : i32 to index
      %swap3A_367 = arith.constant 32 : index
      %swap3A_368 = tpu.vector_load %arg10[%swap3A_366, %swap3A_367] {strides = array<i32>} : memref<128x64xf32, #tpu.memory_space<vmem>>, vector<1x16xf32>,
      %swap3A_369 = vector.shape_cast %swap3A_368 : vector<1x16xf32> to vector<1x16xf32>
      %swap3A_370 = vector.shape_cast %add3A_365 : vector<1x16xf32> to vector<1x16xf32>
      tpu.vector_store %arg10[%swap3A_366, %swap3A_367], %swap3A_370 {strides = array<i32>} : memref<128x64xf32, #tpu.memory_space<vmem>>, vector<1x16xf32>,
      %add3A_371 = arith.constant 2 : i32
      %add3A_372 = arith.addi %add3A_141, %add3A_371 : i32
      %get3A_373 = arith.index_cast %add3A_372 : i32 to index
      %get3A_374 = arith.constant 48 : index
      %get3A_375 = tpu.vector_load %arg10[%get3A_373, %get3A_374] {strides = array<i32>} : memref<128x64xf32, #tpu.memory_space<vmem>>, vector<1x16xf32>,
      %get3A_376 = vector.shape_cast %get3A_375 : vector<1x16xf32> to vector<1x16xf32>
      %get3A_377 = arith.index_cast %add3A_372 : i32 to index
      %get3A_378 = arith.constant 48 : index
      %get3A_379 = tpu.vector_load %arg8[%get3A_377, %get3A_378] {strides = array<i32>} : memref<128x128xf32, #tpu.memory_space<vmem>>, vector<1x16xf32>,
      %get3A_380 = vector.shape_cast %get3A_379 : vector<1x16xf32> to vector<1x16xf32>
      %add3A_381 = arith.addf %get3A_376, %get3A_380 : vector<1x16xf32>
      %get3A_382 = arith.index_cast %add3A_372 : i32 to index
      %get3A_383 = arith.constant 48 : index
      %get3A_384 = tpu.vector_load %arg9[%get3A_382, %get3A_383] {strides = array<i32>} : memref<128x128xf32, #tpu.memory_space<vmem>>, vector<1x16xf32>,
      %get3A_385 = vector.shape_cast %get3A_384 : vector<1x16xf32> to vector<1x16xf32>
      %add3A_386 = arith.addf %add3A_381, %get3A_385 : vector<1x16xf32>
      %swap3A_387 = arith.index_cast %add3A_372 : i32 to index
      %swap3A_388 = arith.constant 48 : index
      %swap3A_389 = tpu.vector_load %arg10[%swap3A_387, %swap3A_388] {strides = array<i32>} : memref<128x64xf32, #tpu.memory_space<vmem>>, vector<1x16xf32>,
      %swap3A_390 = vector.shape_cast %swap3A_389 : vector<1x16xf32> to vector<1x16xf32>
      %swap3A_391 = vector.shape_cast %add3A_386 : vector<1x16xf32> to vector<1x16xf32>
      tpu.vector_store %arg10[%swap3A_387, %swap3A_388], %swap3A_391 {strides = array<i32>} : memref<128x64xf32, #tpu.memory_space<vmem>>, vector<1x16xf32>,
      %add3A_392 = arith.constant 3 : i32
      %add3A_393 = arith.addi %add3A_141, %add3A_392 : i32
      %get3A_394 = arith.index_cast %add3A_393 : i32 to index
      %get3A_395 = arith.constant 0 : index
      %get3A_396 = tpu.vector_load %arg10[%get3A_394, %get3A_395] {strides = array<i32>} : memref<128x64xf32, #tpu.memory_space<vmem>>, vector<1x16xf32>,
      %get3A_397 = vector.shape_cast %get3A_396 : vector<1x16xf32> to vector<1x16xf32>
      %get3A_398 = arith.index_cast %add3A_393 : i32 to index
      %get3A_399 = arith.constant 0 : index
      %get3A_400 = tpu.vector_load %arg8[%get3A_398, %get3A_399] {strides = array<i32>} : memref<128x128xf32, #tpu.memory_space<vmem>>, vector<1x16xf32>,
      %get3A_401 = vector.shape_cast %get3A_400 : vector<1x16xf32> to vector<1x16xf32>
      %add3A_402 = arith.addf %get3A_397, %get3A_401 : vector<1x16xf32>
      %get3A_403 = arith.index_cast %add3A_393 : i32 to index
      %get3A_404 = arith.constant 0 : index
      %get3A_405 = tpu.vector_load %arg9[%get3A_403, %get3A_404] {strides = array<i32>} : memref<128x128xf32, #tpu.memory_space<vmem>>, vector<1x16xf32>,
      %get3A_406 = vector.shape_cast %get3A_405 : vector<1x16xf32> to vector<1x16xf32>
      %add3A_407 = arith.addf %add3A_402, %get3A_406 : vector<1x16xf32>
      %swap3A_408 = arith.index_cast %add3A_393 : i32 to index
      %swap3A_409 = arith.constant 0 : index
      %swap3A_410 = tpu.vector_load %arg10[%swap3A_408, %swap3A_409] {strides = array<i32>} : memref<128x64xf32, #tpu.memory_space<vmem>>, vector<1x16xf32>,
      %swap3A_411 = vector.shape_cast %swap3A_410 : vector<1x16xf32> to vector<1x16xf32>
      %swap3A_412 = vector.shape_cast %add3A_407 : vector<1x16xf32> to vector<1x16xf32>
      tpu.vector_store %arg10[%swap3A_408, %swap3A_409], %swap3A_412 {strides = array<i32>} : memref<128x64xf32, #tpu.memory_space<vmem>>, vector<1x16xf32>,
      %add3A_413 = arith.constant 3 : i32
      %add3A_414 = arith.addi %add3A_141, %add3A_413 : i32
      %get3A_415 = arith.index_cast %add3A_414 : i32 to index
      %get3A_416 = arith.constant 16 : index
      %get3A_417 = tpu.vector_load %arg10[%get3A_415, %get3A_416] {strides = array<i32>} : memref<128x64xf32, #tpu.memory_space<vmem>>, vector<1x16xf32>,
      %get3A_418 = vector.shape_cast %get3A_417 : vector<1x16xf32> to vector<1x16xf32>
      %get3A_419 = arith.index_cast %add3A_414 : i32 to index
      %get3A_420 = arith.constant 16 : index
      %get3A_421 = tpu.vector_load %arg8[%get3A_419, %get3A_420] {strides = array<i32>} : memref<128x128xf32, #tpu.memory_space<vmem>>, vector<1x16xf32>,
      %get3A_422 = vector.shape_cast %get3A_421 : vector<1x16xf32> to vector<1x16xf32>
      %add3A_423 = arith.addf %get3A_418, %get3A_422 : vector<1x16xf32>
      %get3A_424 = arith.index_cast %add3A_414 : i32 to index
      %get3A_425 = arith.constant 16 : index
      %get3A_426 = tpu.vector_load %arg9[%get3A_424, %get3A_425] {strides = array<i32>} : memref<128x128xf32, #tpu.memory_space<vmem>>, vector<1x16xf32>,
      %get3A_427 = vector.shape_cast %get3A_426 : vector<1x16xf32> to vector<1x16xf32>
      %add3A_428 = arith.addf %add3A_423, %get3A_427 : vector<1x16xf32>
      %swap3A_429 = arith.index_cast %add3A_414 : i32 to index
      %swap3A_430 = arith.constant 16 : index
      %swap3A_431 = tpu.vector_load %arg10[%swap3A_429, %swap3A_430] {strides = array<i32>} : memref<128x64xf32, #tpu.memory_space<vmem>>, vector<1x16xf32>,
      %swap3A_432 = vector.shape_cast %swap3A_431 : vector<1x16xf32> to vector<1x16xf32>
      %swap3A_433 = vector.shape_cast %add3A_428 : vector<1x16xf32> to vector<1x16xf32>
      tpu.vector_store %arg10[%swap3A_429, %swap3A_430], %swap3A_433 {strides = array<i32>} : memref<128x64xf32, #tpu.memory_space<vmem>>, vector<1x16xf32>,
      %add3A_434 = arith.constant 3 : i32
      %add3A_435 = arith.addi %add3A_141, %add3A_434 : i32
      %get3A_436 = arith.index_cast %add3A_435 : i32 to index
      %get3A_437 = arith.constant 32 : index
      %get3A_438 = tpu.vector_load %arg10[%get3A_436, %get3A_437] {strides = array<i32>} : memref<128x64xf32, #tpu.memory_space<vmem>>, vector<1x16xf32>,
      %get3A_439 = vector.shape_cast %get3A_438 : vector<1x16xf32> to vector<1x16xf32>
      %get3A_440 = arith.index_cast %add3A_435 : i32 to index
      %get3A_441 = arith.constant 32 : index
      %get3A_442 = tpu.vector_load %arg8[%get3A_440, %get3A_441] {strides = array<i32>} : memref<128x128xf32, #tpu.memory_space<vmem>>, vector<1x16xf32>,
      %get3A_443 = vector.shape_cast %get3A_442 : vector<1x16xf32> to vector<1x16xf32>
      %add3A_444 = arith.addf %get3A_439, %get3A_443 : vector<1x16xf32>
      %get3A_445 = arith.index_cast %add3A_435 : i32 to index
      %get3A_446 = arith.constant 32 : index
      %get3A_447 = tpu.vector_load %arg9[%get3A_445, %get3A_446] {strides = array<i32>} : memref<128x128xf32, #tpu.memory_space<vmem>>, vector<1x16xf32>,
      %get3A_448 = vector.shape_cast %get3A_447 : vector<1x16xf32> to vector<1x16xf32>
      %add3A_449 = arith.addf %add3A_444, %get3A_448 : vector<1x16xf32>
      %swap3A_450 = arith.index_cast %add3A_435 : i32 to index
      %swap3A_451 = arith.constant 32 : index
      %swap3A_452 = tpu.vector_load %arg10[%swap3A_450, %swap3A_451] {strides = array<i32>} : memref<128x64xf32, #tpu.memory_space<vmem>>, vector<1x16xf32>,
      %swap3A_453 = vector.shape_cast %swap3A_452 : vector<1x16xf32> to vector<1x16xf32>
      %swap3A_454 = vector.shape_cast %add3A_449 : vector<1x16xf32> to vector<1x16xf32>
      tpu.vector_store %arg10[%swap3A_450, %swap3A_451], %swap3A_454 {strides = array<i32>} : memref<128x64xf32, #tpu.memory_space<vmem>>, vector<1x16xf32>,
      %add3A_455 = arith.constant 3 : i32
      %add3A_456 = arith.addi %add3A_141, %add3A_455 : i32
      %get3A_457 = arith.index_cast %add3A_456 : i32 to index
      %get3A_458 = arith.constant 48 : index
      %get3A_459 = tpu.vector_load %arg10[%get3A_457, %get3A_458] {strides = array<i32>} : memref<128x64xf32, #tpu.memory_space<vmem>>, vector<1x16xf32>,
      %get3A_460 = vector.shape_cast %get3A_459 : vector<1x16xf32> to vector<1x16xf32>
      %get3A_461 = arith.index_cast %add3A_456 : i32 to index
      %get3A_462 = arith.constant 48 : index
      %get3A_463 = tpu.vector_load %arg8[%get3A_461, %get3A_462] {strides = array<i32>} : memref<128x128xf32, #tpu.memory_space<vmem>>, vector<1x16xf32>,
      %get3A_464 = vector.shape_cast %get3A_463 : vector<1x16xf32> to vector<1x16xf32>
      %add3A_465 = arith.addf %get3A_460, %get3A_464 : vector<1x16xf32>
      %get3A_466 = arith.index_cast %add3A_456 : i32 to index
      %get3A_467 = arith.constant 48 : index
      %get3A_468 = tpu.vector_load %arg9[%get3A_466, %get3A_467] {strides = array<i32>} : memref<128x128xf32, #tpu.memory_space<vmem>>, vector<1x16xf32>,
      %get3A_469 = vector.shape_cast %get3A_468 : vector<1x16xf32> to vector<1x16xf32>
      %add3A_470 = arith.addf %add3A_465, %get3A_469 : vector<1x16xf32>
      %swap3A_471 = arith.index_cast %add3A_456 : i32 to index
      %swap3A_472 = arith.constant 48 : index
      %swap3A_473 = tpu.vector_load %arg10[%swap3A_471, %swap3A_472] {strides = array<i32>} : memref<128x64xf32, #tpu.memory_space<vmem>>, vector<1x16xf32>,
      %swap3A_474 = vector.shape_cast %swap3A_473 : vector<1x16xf32> to vector<1x16xf32>
      %swap3A_475 = vector.shape_cast %add3A_470 : vector<1x16xf32> to vector<1x16xf32>
      tpu.vector_store %arg10[%swap3A_471, %swap3A_472], %swap3A_475 {strides = array<i32>} : memref<128x64xf32, #tpu.memory_space<vmem>>, vector<1x16xf32>,
      %add3A_476 = arith.constant 4 : i32
      %add3A_477 = arith.addi %add3A_141, %add3A_476 : i32
      %get3A_478 = arith.index_cast %add3A_477 : i32 to index
      %get3A_479 = arith.constant 0 : index
      %get3A_480 = tpu.vector_load %arg10[%get3A_478, %get3A_479] {strides = array<i32>} : memref<128x64xf32, #tpu.memory_space<vmem>>, vector<1x16xf32>,
      %get3A_481 = vector.shape_cast %get3A_480 : vector<1x16xf32> to vector<1x16xf32>
      %get3A_482 = arith.index_cast %add3A_477 : i32 to index
      %get3A_483 = arith.constant 0 : index
      %get3A_484 = tpu.vector_load %arg8[%get3A_482, %get3A_483] {strides = array<i32>} : memref<128x128xf32, #tpu.memory_space<vmem>>, vector<1x16xf32>,
      %get3A_485 = vector.shape_cast %get3A_484 : vector<1x16xf32> to vector<1x16xf32>
      %add3A_486 = arith.addf %get3A_481, %get3A_485 : vector<1x16xf32>
      %get3A_487 = arith.index_cast %add3A_477 : i32 to index
      %get3A_488 = arith.constant 0 : index
      %get3A_489 = tpu.vector_load %arg9[%get3A_487, %get3A_488] {strides = array<i32>} : memref<128x128xf32, #tpu.memory_space<vmem>>, vector<1x16xf32>,
      %get3A_490 = vector.shape_cast %get3A_489 : vector<1x16xf32> to vector<1x16xf32>
      %add3A_491 = arith.addf %add3A_486, %get3A_490 : vector<1x16xf32>
      %swap3A_492 = arith.index_cast %add3A_477 : i32 to index
      %swap3A_493 = arith.constant 0 : index
      %swap3A_494 = tpu.vector_load %arg10[%swap3A_492, %swap3A_493] {strides = array<i32>} : memref<128x64xf32, #tpu.memory_space<vmem>>, vector<1x16xf32>,
      %swap3A_495 = vector.shape_cast %swap3A_494 : vector<1x16xf32> to vector<1x16xf32>
      %swap3A_496 = vector.shape_cast %add3A_491 : vector<1x16xf32> to vector<1x16xf32>
      tpu.vector_store %arg10[%swap3A_492, %swap3A_493], %swap3A_496 {strides = array<i32>} : memref<128x64xf32, #tpu.memory_space<vmem>>, vector<1x16xf32>,
      %add3A_497 = arith.constant 4 : i32
      %add3A_498 = arith.addi %add3A_141, %add3A_497 : i32
      %get3A_499 = arith.index_cast %add3A_498 : i32 to index
      %get3A_500 = arith.constant 16 : index
      %get3A_501 = tpu.vector_load %arg10[%get3A_499, %get3A_500] {strides = array<i32>} : memref<128x64xf32, #tpu.memory_space<vmem>>, vector<1x16xf32>,
      %get3A_502 = vector.shape_cast %get3A_501 : vector<1x16xf32> to vector<1x16xf32>
      %get3A_503 = arith.index_cast %add3A_498 : i32 to index
      %get3A_504 = arith.constant 16 : index
      %get3A_505 = tpu.vector_load %arg8[%get3A_503, %get3A_504] {strides = array<i32>} : memref<128x128xf32, #tpu.memory_space<vmem>>, vector<1x16xf32>,
      %get3A_506 = vector.shape_cast %get3A_505 : vector<1x16xf32> to vector<1x16xf32>
      %add3A_507 = arith.addf %get3A_502, %get3A_506 : vector<1x16xf32>
      %get3A_508 = arith.index_cast %add3A_498 : i32 to index
      %get3A_509 = arith.constant 16 : index
      %get3A_510 = tpu.vector_load %arg9[%get3A_508, %get3A_509] {strides = array<i32>} : memref<128x128xf32, #tpu.memory_space<vmem>>, vector<1x16xf32>,
      %get3A_511 = vector.shape_cast %get3A_510 : vector<1x16xf32> to vector<1x16xf32>
      %add3A_512 = arith.addf %add3A_507, %get3A_511 : vector<1x16xf32>
      %swap3A_513 = arith.index_cast %add3A_498 : i32 to index
      %swap3A_514 = arith.constant 16 : index
      %swap3A_515 = tpu.vector_load %arg10[%swap3A_513, %swap3A_514] {strides = array<i32>} : memref<128x64xf32, #tpu.memory_space<vmem>>, vector<1x16xf32>,
      %swap3A_516 = vector.shape_cast %swap3A_515 : vector<1x16xf32> to vector<1x16xf32>
      %swap3A_517 = vector.shape_cast %add3A_512 : vector<1x16xf32> to vector<1x16xf32>
      tpu.vector_store %arg10[%swap3A_513, %swap3A_514], %swap3A_517 {strides = array<i32>} : memref<128x64xf32, #tpu.memory_space<vmem>>, vector<1x16xf32>,
      %add3A_518 = arith.constant 4 : i32
      %add3A_519 = arith.addi %add3A_141, %add3A_518 : i32
      %get3A_520 = arith.index_cast %add3A_519 : i32 to index
      %get3A_521 = arith.constant 32 : index
      %get3A_522 = tpu.vector_load %arg10[%get3A_520, %get3A_521] {strides = array<i32>} : memref<128x64xf32, #tpu.memory_space<vmem>>, vector<1x16xf32>,
      %get3A_523 = vector.shape_cast %get3A_522 : vector<1x16xf32> to vector<1x16xf32>
      %get3A_524 = arith.index_cast %add3A_519 : i32 to index
      %get3A_525 = arith.constant 32 : index
      %get3A_526 = tpu.vector_load %arg8[%get3A_524, %get3A_525] {strides = array<i32>} : memref<128x128xf32, #tpu.memory_space<vmem>>, vector<1x16xf32>,
      %get3A_527 = vector.shape_cast %get3A_526 : vector<1x16xf32> to vector<1x16xf32>
      %add3A_528 = arith.addf %get3A_523, %get3A_527 : vector<1x16xf32>
      %get3A_529 = arith.index_cast %add3A_519 : i32 to index
      %get3A_530 = arith.constant 32 : index
      %get3A_531 = tpu.vector_load %arg9[%get3A_529, %get3A_530] {strides = array<i32>} : memref<128x128xf32, #tpu.memory_space<vmem>>, vector<1x16xf32>,
      %get3A_532 = vector.shape_cast %get3A_531 : vector<1x16xf32> to vector<1x16xf32>
      %add3A_533 = arith.addf %add3A_528, %get3A_532 : vector<1x16xf32>
      %swap3A_534 = arith.index_cast %add3A_519 : i32 to index
      %swap3A_535 = arith.constant 32 : index
      %swap3A_536 = tpu.vector_load %arg10[%swap3A_534, %swap3A_535] {strides = array<i32>} : memref<128x64xf32, #tpu.memory_space<vmem>>, vector<1x16xf32>,
      %swap3A_537 = vector.shape_cast %swap3A_536 : vector<1x16xf32> to vector<1x16xf32>
      %swap3A_538 = vector.shape_cast %add3A_533 : vector<1x16xf32> to vector<1x16xf32>
      tpu.vector_store %arg10[%swap3A_534, %swap3A_535], %swap3A_538 {strides = array<i32>} : memref<128x64xf32, #tpu.memory_space<vmem>>, vector<1x16xf32>,
      %add3A_539 = arith.constant 4 : i32
      %add3A_540 = arith.addi %add3A_141, %add3A_539 : i32
      %get3A_541 = arith.index_cast %add3A_540 : i32 to index
      %get3A_542 = arith.constant 48 : index
      %get3A_543 = tpu.vector_load %arg10[%get3A_541, %get3A_542] {strides = array<i32>} : memref<128x64xf32, #tpu.memory_space<vmem>>, vector<1x16xf32>,
      %get3A_544 = vector.shape_cast %get3A_543 : vector<1x16xf32> to vector<1x16xf32>
      %get3A_545 = arith.index_cast %add3A_540 : i32 to index
      %get3A_546 = arith.constant 48 : index
      %get3A_547 = tpu.vector_load %arg8[%get3A_545, %get3A_546] {strides = array<i32>} : memref<128x128xf32, #tpu.memory_space<vmem>>, vector<1x16xf32>,
      %get3A_548 = vector.shape_cast %get3A_547 : vector<1x16xf32> to vector<1x16xf32>
      %add3A_549 = arith.addf %get3A_544, %get3A_548 : vector<1x16xf32>
      %get3A_550 = arith.index_cast %add3A_540 : i32 to index
      %get3A_551 = arith.constant 48 : index
      %get3A_552 = tpu.vector_load %arg9[%get3A_550, %get3A_551] {strides = array<i32>} : memref<128x128xf32, #tpu.memory_space<vmem>>, vector<1x16xf32>,
      %get3A_553 = vector.shape_cast %get3A_552 : vector<1x16xf32> to vector<1x16xf32>
      %add3A_554 = arith.addf %add3A_549, %get3A_553 : vector<1x16xf32>
      %swap3A_555 = arith.index_cast %add3A_540 : i32 to index
      %swap3A_556 = arith.constant 48 : index
      %swap3A_557 = tpu.vector_load %arg10[%swap3A_555, %swap3A_556] {strides = array<i32>} : memref<128x64xf32, #tpu.memory_space<vmem>>, vector<1x16xf32>,
      %swap3A_558 = vector.shape_cast %swap3A_557 : vector<1x16xf32> to vector<1x16xf32>
      %swap3A_559 = vector.shape_cast %add3A_554 : vector<1x16xf32> to vector<1x16xf32>
      tpu.vector_store %arg10[%swap3A_555, %swap3A_556], %swap3A_559 {strides = array<i32>} : memref<128x64xf32, #tpu.memory_space<vmem>>, vector<1x16xf32>,
      %add3A_560 = arith.constant 5 : i32
      %add3A_561 = arith.addi %add3A_141, %add3A_560 : i32
      %get3A_562 = arith.index_cast %add3A_561 : i32 to index
      %get3A_563 = arith.constant 0 : index
      %get3A_564 = tpu.vector_load %arg10[%get3A_562, %get3A_563] {strides = array<i32>} : memref<128x64xf32, #tpu.memory_space<vmem>>, vector<1x16xf32>,
      %get3A_565 = vector.shape_cast %get3A_564 : vector<1x16xf32> to vector<1x16xf32>
      %get3A_566 = arith.index_cast %add3A_561 : i32 to index
      %get3A_567 = arith.constant 0 : index
      %get3A_568 = tpu.vector_load %arg8[%get3A_566, %get3A_567] {strides = array<i32>} : memref<128x128xf32, #tpu.memory_space<vmem>>, vector<1x16xf32>,
      %get3A_569 = vector.shape_cast %get3A_568 : vector<1x16xf32> to vector<1x16xf32>
      %add3A_570 = arith.addf %get3A_565, %get3A_569 : vector<1x16xf32>
      %get3A_571 = arith.index_cast %add3A_561 : i32 to index
      %get3A_572 = arith.constant 0 : index
      %get3A_573 = tpu.vector_load %arg9[%get3A_571, %get3A_572] {strides = array<i32>} : memref<128x128xf32, #tpu.memory_space<vmem>>, vector<1x16xf32>,
      %get3A_574 = vector.shape_cast %get3A_573 : vector<1x16xf32> to vector<1x16xf32>
      %add3A_575 = arith.addf %add3A_570, %get3A_574 : vector<1x16xf32>
      %swap3A_576 = arith.index_cast %add3A_561 : i32 to index
      %swap3A_577 = arith.constant 0 : index
      %swap3A_578 = tpu.vector_load %arg10[%swap3A_576, %swap3A_577] {strides = array<i32>} : memref<128x64xf32, #tpu.memory_space<vmem>>, vector<1x16xf32>,
      %swap3A_579 = vector.shape_cast %swap3A_578 : vector<1x16xf32> to vector<1x16xf32>
      %swap3A_580 = vector.shape_cast %add3A_575 : vector<1x16xf32> to vector<1x16xf32>
      tpu.vector_store %arg10[%swap3A_576, %swap3A_577], %swap3A_580 {strides = array<i32>} : memref<128x64xf32, #tpu.memory_space<vmem>>, vector<1x16xf32>,
      %add3A_581 = arith.constant 5 : i32
      %add3A_582 = arith.addi %add3A_141, %add3A_581 : i32
      %get3A_583 = arith.index_cast %add3A_582 : i32 to index
      %get3A_584 = arith.constant 16 : index
      %get3A_585 = tpu.vector_load %arg10[%get3A_583, %get3A_584] {strides = array<i32>} : memref<128x64xf32, #tpu.memory_space<vmem>>, vector<1x16xf32>,
      %get3A_586 = vector.shape_cast %get3A_585 : vector<1x16xf32> to vector<1x16xf32>
      %get3A_587 = arith.index_cast %add3A_582 : i32 to index
      %get3A_588 = arith.constant 16 : index
      %get3A_589 = tpu.vector_load %arg8[%get3A_587, %get3A_588] {strides = array<i32>} : memref<128x128xf32, #tpu.memory_space<vmem>>, vector<1x16xf32>,
      %get3A_590 = vector.shape_cast %get3A_589 : vector<1x16xf32> to vector<1x16xf32>
      %add3A_591 = arith.addf %get3A_586, %get3A_590 : vector<1x16xf32>
      %get3A_592 = arith.index_cast %add3A_582 : i32 to index
      %get3A_593 = arith.constant 16 : index
      %get3A_594 = tpu.vector_load %arg9[%get3A_592, %get3A_593] {strides = array<i32>} : memref<128x128xf32, #tpu.memory_space<vmem>>, vector<1x16xf32>,
      %get3A_595 = vector.shape_cast %get3A_594 : vector<1x16xf32> to vector<1x16xf32>
      %add3A_596 = arith.addf %add3A_591, %get3A_595 : vector<1x16xf32>
      %swap3A_597 = arith.index_cast %add3A_582 : i32 to index
      %swap3A_598 = arith.constant 16 : index
      %swap3A_599 = tpu.vector_load %arg10[%swap3A_597, %swap3A_598] {strides = array<i32>} : memref<128x64xf32, #tpu.memory_space<vmem>>, vector<1x16xf32>,
      %swap3A_600 = vector.shape_cast %swap3A_599 : vector<1x16xf32> to vector<1x16xf32>
      %swap3A_601 = vector.shape_cast %add3A_596 : vector<1x16xf32> to vector<1x16xf32>
      tpu.vector_store %arg10[%swap3A_597, %swap3A_598], %swap3A_601 {strides = array<i32>} : memref<128x64xf32, #tpu.memory_space<vmem>>, vector<1x16xf32>,
      %add3A_602 = arith.constant 5 : i32
      %add3A_603 = arith.addi %add3A_141, %add3A_602 : i32
      %get3A_604 = arith.index_cast %add3A_603 : i32 to index
      %get3A_605 = arith.constant 32 : index
      %get3A_606 = tpu.vector_load %arg10[%get3A_604, %get3A_605] {strides = array<i32>} : memref<128x64xf32, #tpu.memory_space<vmem>>, vector<1x16xf32>,
      %get3A_607 = vector.shape_cast %get3A_606 : vector<1x16xf32> to vector<1x16xf32>
      %get3A_608 = arith.index_cast %add3A_603 : i32 to index
      %get3A_609 = arith.constant 32 : index
      %get3A_610 = tpu.vector_load %arg8[%get3A_608, %get3A_609] {strides = array<i32>} : memref<128x128xf32, #tpu.memory_space<vmem>>, vector<1x16xf32>,
      %get3A_611 = vector.shape_cast %get3A_610 : vector<1x16xf32> to vector<1x16xf32>
      %add3A_612 = arith.addf %get3A_607, %get3A_611 : vector<1x16xf32>
      %get3A_613 = arith.index_cast %add3A_603 : i32 to index
      %get3A_614 = arith.constant 32 : index
      %get3A_615 = tpu.vector_load %arg9[%get3A_613, %get3A_614] {strides = array<i32>} : memref<128x128xf32, #tpu.memory_space<vmem>>, vector<1x16xf32>,
      %get3A_616 = vector.shape_cast %get3A_615 : vector<1x16xf32> to vector<1x16xf32>
      %add3A_617 = arith.addf %add3A_612, %get3A_616 : vector<1x16xf32>
      %swap3A_618 = arith.index_cast %add3A_603 : i32 to index
      %swap3A_619 = arith.constant 32 : index
      %swap3A_620 = tpu.vector_load %arg10[%swap3A_618, %swap3A_619] {strides = array<i32>} : memref<128x64xf32, #tpu.memory_space<vmem>>, vector<1x16xf32>,
      %swap3A_621 = vector.shape_cast %swap3A_620 : vector<1x16xf32> to vector<1x16xf32>
      %swap3A_622 = vector.shape_cast %add3A_617 : vector<1x16xf32> to vector<1x16xf32>
      tpu.vector_store %arg10[%swap3A_618, %swap3A_619], %swap3A_622 {strides = array<i32>} : memref<128x64xf32, #tpu.memory_space<vmem>>, vector<1x16xf32>,
      %add3A_623 = arith.constant 5 : i32
      %add3A_624 = arith.addi %add3A_141, %add3A_623 : i32
      %get3A_625 = arith.index_cast %add3A_624 : i32 to index
      %get3A_626 = arith.constant 48 : index
      %get3A_627 = tpu.vector_load %arg10[%get3A_625, %get3A_626] {strides = array<i32>} : memref<128x64xf32, #tpu.memory_space<vmem>>, vector<1x16xf32>,
      %get3A_628 = vector.shape_cast %get3A_627 : vector<1x16xf32> to vector<1x16xf32>
      %get3A_629 = arith.index_cast %add3A_624 : i32 to index
      %get3A_630 = arith.constant 48 : index
      %get3A_631 = tpu.vector_load %arg8[%get3A_629, %get3A_630] {strides = array<i32>} : memref<128x128xf32, #tpu.memory_space<vmem>>, vector<1x16xf32>,
      %get3A_632 = vector.shape_cast %get3A_631 : vector<1x16xf32> to vector<1x16xf32>
      %add3A_633 = arith.addf %get3A_628, %get3A_632 : vector<1x16xf32>
      %get3A_634 = arith.index_cast %add3A_624 : i32 to index
      %get3A_635 = arith.constant 48 : index
      %get3A_636 = tpu.vector_load %arg9[%get3A_634, %get3A_635] {strides = array<i32>} : memref<128x128xf32, #tpu.memory_space<vmem>>, vector<1x16xf32>,
      %get3A_637 = vector.shape_cast %get3A_636 : vector<1x16xf32> to vector<1x16xf32>
      %add3A_638 = arith.addf %add3A_633, %get3A_637 : vector<1x16xf32>
      %swap3A_639 = arith.index_cast %add3A_624 : i32 to index
      %swap3A_640 = arith.constant 48 : index
      %swap3A_641 = tpu.vector_load %arg10[%swap3A_639, %swap3A_640] {strides = array<i32>} : memref<128x64xf32, #tpu.memory_space<vmem>>, vector<1x16xf32>,
      %swap3A_642 = vector.shape_cast %swap3A_641 : vector<1x16xf32> to vector<1x16xf32>
      %swap3A_643 = vector.shape_cast %add3A_638 : vector<1x16xf32> to vector<1x16xf32>
      tpu.vector_store %arg10[%swap3A_639, %swap3A_640], %swap3A_643 {strides = array<i32>} : memref<128x64xf32, #tpu.memory_space<vmem>>, vector<1x16xf32>,
      %add3A_644 = arith.constant 6 : i32
      %add3A_645 = arith.addi %add3A_141, %add3A_644 : i32
      %get3A_646 = arith.index_cast %add3A_645 : i32 to index
      %get3A_647 = arith.constant 0 : index
      %get3A_648 = tpu.vector_load %arg10[%get3A_646, %get3A_647] {strides = array<i32>} : memref<128x64xf32, #tpu.memory_space<vmem>>, vector<1x16xf32>,
      %get3A_649 = vector.shape_cast %get3A_648 : vector<1x16xf32> to vector<1x16xf32>
      %get3A_650 = arith.index_cast %add3A_645 : i32 to index
      %get3A_651 = arith.constant 0 : index
      %get3A_652 = tpu.vector_load %arg8[%get3A_650, %get3A_651] {strides = array<i32>} : memref<128x128xf32, #tpu.memory_space<vmem>>, vector<1x16xf32>,
      %get3A_653 = vector.shape_cast %get3A_652 : vector<1x16xf32> to vector<1x16xf32>
      %add3A_654 = arith.addf %get3A_649, %get3A_653 : vector<1x16xf32>
      %get3A_655 = arith.index_cast %add3A_645 : i32 to index
      %get3A_656 = arith.constant 0 : index
      %get3A_657 = tpu.vector_load %arg9[%get3A_655, %get3A_656] {strides = array<i32>} : memref<128x128xf32, #tpu.memory_space<vmem>>, vector<1x16xf32>,
      %get3A_658 = vector.shape_cast %get3A_657 : vector<1x16xf32> to vector<1x16xf32>
      %add3A_659 = arith.addf %add3A_654, %get3A_658 : vector<1x16xf32>
      %swap3A_660 = arith.index_cast %add3A_645 : i32 to index
      %swap3A_661 = arith.constant 0 : index
      %swap3A_662 = tpu.vector_load %arg10[%swap3A_660, %swap3A_661] {strides = array<i32>} : memref<128x64xf32, #tpu.memory_space<vmem>>, vector<1x16xf32>,
      %swap3A_663 = vector.shape_cast %swap3A_662 : vector<1x16xf32> to vector<1x16xf32>
      %swap3A_664 = vector.shape_cast %add3A_659 : vector<1x16xf32> to vector<1x16xf32>
      tpu.vector_store %arg10[%swap3A_660, %swap3A_661], %swap3A_664 {strides = array<i32>} : memref<128x64xf32, #tpu.memory_space<vmem>>, vector<1x16xf32>,
      %add3A_665 = arith.constant 6 : i32
      %add3A_666 = arith.addi %add3A_141, %add3A_665 : i32
      %get3A_667 = arith.index_cast %add3A_666 : i32 to index
      %get3A_668 = arith.constant 16 : index
      %get3A_669 = tpu.vector_load %arg10[%get3A_667, %get3A_668] {strides = array<i32>} : memref<128x64xf32, #tpu.memory_space<vmem>>, vector<1x16xf32>,
      %get3A_670 = vector.shape_cast %get3A_669 : vector<1x16xf32> to vector<1x16xf32>
      %get3A_671 = arith.index_cast %add3A_666 : i32 to index
      %get3A_672 = arith.constant 16 : index
      %get3A_673 = tpu.vector_load %arg8[%get3A_671, %get3A_672] {strides = array<i32>} : memref<128x128xf32, #tpu.memory_space<vmem>>, vector<1x16xf32>,
      %get3A_674 = vector.shape_cast %get3A_673 : vector<1x16xf32> to vector<1x16xf32>
      %add3A_675 = arith.addf %get3A_670, %get3A_674 : vector<1x16xf32>
      %get3A_676 = arith.index_cast %add3A_666 : i32 to index
      %get3A_677 = arith.constant 16 : index
      %get3A_678 = tpu.vector_load %arg9[%get3A_676, %get3A_677] {strides = array<i32>} : memref<128x128xf32, #tpu.memory_space<vmem>>, vector<1x16xf32>,
      %get3A_679 = vector.shape_cast %get3A_678 : vector<1x16xf32> to vector<1x16xf32>
      %add3A_680 = arith.addf %add3A_675, %get3A_679 : vector<1x16xf32>
      %swap3A_681 = arith.index_cast %add3A_666 : i32 to index
      %swap3A_682 = arith.constant 16 : index
      %swap3A_683 = tpu.vector_load %arg10[%swap3A_681, %swap3A_682] {strides = array<i32>} : memref<128x64xf32, #tpu.memory_space<vmem>>, vector<1x16xf32>,
      %swap3A_684 = vector.shape_cast %swap3A_683 : vector<1x16xf32> to vector<1x16xf32>
      %swap3A_685 = vector.shape_cast %add3A_680 : vector<1x16xf32> to vector<1x16xf32>
      tpu.vector_store %arg10[%swap3A_681, %swap3A_682], %swap3A_685 {strides = array<i32>} : memref<128x64xf32, #tpu.memory_space<vmem>>, vector<1x16xf32>,
      %add3A_686 = arith.constant 6 : i32
      %add3A_687 = arith.addi %add3A_141, %add3A_686 : i32
      %get3A_688 = arith.index_cast %add3A_687 : i32 to index
      %get3A_689 = arith.constant 32 : index
      %get3A_690 = tpu.vector_load %arg10[%get3A_688, %get3A_689] {strides = array<i32>} : memref<128x64xf32, #tpu.memory_space<vmem>>, vector<1x16xf32>,
      %get3A_691 = vector.shape_cast %get3A_690 : vector<1x16xf32> to vector<1x16xf32>
      %get3A_692 = arith.index_cast %add3A_687 : i32 to index
      %get3A_693 = arith.constant 32 : index
      %get3A_694 = tpu.vector_load %arg8[%get3A_692, %get3A_693] {strides = array<i32>} : memref<128x128xf32, #tpu.memory_space<vmem>>, vector<1x16xf32>,
      %get3A_695 = vector.shape_cast %get3A_694 : vector<1x16xf32> to vector<1x16xf32>
      %add3A_696 = arith.addf %get3A_691, %get3A_695 : vector<1x16xf32>
      %get3A_697 = arith.index_cast %add3A_687 : i32 to index
      %get3A_698 = arith.constant 32 : index
      %get3A_699 = tpu.vector_load %arg9[%get3A_697, %get3A_698] {strides = array<i32>} : memref<128x128xf32, #tpu.memory_space<vmem>>, vector<1x16xf32>,
      %get3A_700 = vector.shape_cast %get3A_699 : vector<1x16xf32> to vector<1x16xf32>
      %add3A_701 = arith.addf %add3A_696, %get3A_700 : vector<1x16xf32>
      %swap3A_702 = arith.index_cast %add3A_687 : i32 to index
      %swap3A_703 = arith.constant 32 : index
      %swap3A_704 = tpu.vector_load %arg10[%swap3A_702, %swap3A_703] {strides = array<i32>} : memref<128x64xf32, #tpu.memory_space<vmem>>, vector<1x16xf32>,
      %swap3A_705 = vector.shape_cast %swap3A_704 : vector<1x16xf32> to vector<1x16xf32>
      %swap3A_706 = vector.shape_cast %add3A_701 : vector<1x16xf32> to vector<1x16xf32>
      tpu.vector_store %arg10[%swap3A_702, %swap3A_703], %swap3A_706 {strides = array<i32>} : memref<128x64xf32, #tpu.memory_space<vmem>>, vector<1x16xf32>,
      %add3A_707 = arith.constant 6 : i32
      %add3A_708 = arith.addi %add3A_141, %add3A_707 : i32
      %get3A_709 = arith.index_cast %add3A_708 : i32 to index
      %get3A_710 = arith.constant 48 : index
      %get3A_711 = tpu.vector_load %arg10[%get3A_709, %get3A_710] {strides = array<i32>} : memref<128x64xf32, #tpu.memory_space<vmem>>, vector<1x16xf32>,
      %get3A_712 = vector.shape_cast %get3A_711 : vector<1x16xf32> to vector<1x16xf32>
      %get3A_713 = arith.index_cast %add3A_708 : i32 to index
      %get3A_714 = arith.constant 48 : index
      %get3A_715 = tpu.vector_load %arg8[%get3A_713, %get3A_714] {strides = array<i32>} : memref<128x128xf32, #tpu.memory_space<vmem>>, vector<1x16xf32>,
      %get3A_716 = vector.shape_cast %get3A_715 : vector<1x16xf32> to vector<1x16xf32>
      %add3A_717 = arith.addf %get3A_712, %get3A_716 : vector<1x16xf32>
      %get3A_718 = arith.index_cast %add3A_708 : i32 to index
      %get3A_719 = arith.constant 48 : index
      %get3A_720 = tpu.vector_load %arg9[%get3A_718, %get3A_719] {strides = array<i32>} : memref<128x128xf32, #tpu.memory_space<vmem>>, vector<1x16xf32>,
      %get3A_721 = vector.shape_cast %get3A_720 : vector<1x16xf32> to vector<1x16xf32>
      %add3A_722 = arith.addf %add3A_717, %get3A_721 : vector<1x16xf32>
      %swap3A_723 = arith.index_cast %add3A_708 : i32 to index
      %swap3A_724 = arith.constant 48 : index
      %swap3A_725 = tpu.vector_load %arg10[%swap3A_723, %swap3A_724] {strides = array<i32>} : memref<128x64xf32, #tpu.memory_space<vmem>>, vector<1x16xf32>,
      %swap3A_726 = vector.shape_cast %swap3A_725 : vector<1x16xf32> to vector<1x16xf32>
      %swap3A_727 = vector.shape_cast %add3A_722 : vector<1x16xf32> to vector<1x16xf32>
      tpu.vector_store %arg10[%swap3A_723, %swap3A_724], %swap3A_727 {strides = array<i32>} : memref<128x64xf32, #tpu.memory_space<vmem>>, vector<1x16xf32>,
      %add3A_728 = arith.constant 7 : i32
      %add3A_729 = arith.addi %add3A_141, %add3A_728 : i32
      %get3A_730 = arith.index_cast %add3A_729 : i32 to index
      %get3A_731 = arith.constant 0 : index
      %get3A_732 = tpu.vector_load %arg10[%get3A_730, %get3A_731] {strides = array<i32>} : memref<128x64xf32, #tpu.memory_space<vmem>>, vector<1x16xf32>,
      %get3A_733 = vector.shape_cast %get3A_732 : vector<1x16xf32> to vector<1x16xf32>
      %get3A_734 = arith.index_cast %add3A_729 : i32 to index
      %get3A_735 = arith.constant 0 : index
      %get3A_736 = tpu.vector_load %arg8[%get3A_734, %get3A_735] {strides = array<i32>} : memref<128x128xf32, #tpu.memory_space<vmem>>, vector<1x16xf32>,
      %get3A_737 = vector.shape_cast %get3A_736 : vector<1x16xf32> to vector<1x16xf32>
      %add3A_738 = arith.addf %get3A_733, %get3A_737 : vector<1x16xf32>
      %get3A_739 = arith.index_cast %add3A_729 : i32 to index
      %get3A_740 = arith.constant 0 : index
      %get3A_741 = tpu.vector_load %arg9[%get3A_739, %get3A_740] {strides = array<i32>} : memref<128x128xf32, #tpu.memory_space<vmem>>, vector<1x16xf32>,
      %get3A_742 = vector.shape_cast %get3A_741 : vector<1x16xf32> to vector<1x16xf32>
      %add3A_743 = arith.addf %add3A_738, %get3A_742 : vector<1x16xf32>
      %swap3A_744 = arith.index_cast %add3A_729 : i32 to index
      %swap3A_745 = arith.constant 0 : index
      %swap3A_746 = tpu.vector_load %arg10[%swap3A_744, %swap3A_745] {strides = array<i32>} : memref<128x64xf32, #tpu.memory_space<vmem>>, vector<1x16xf32>,
      %swap3A_747 = vector.shape_cast %swap3A_746 : vector<1x16xf32> to vector<1x16xf32>
      %swap3A_748 = vector.shape_cast %add3A_743 : vector<1x16xf32> to vector<1x16xf32>
      tpu.vector_store %arg10[%swap3A_744, %swap3A_745], %swap3A_748 {strides = array<i32>} : memref<128x64xf32, #tpu.memory_space<vmem>>, vector<1x16xf32>,
      %add3A_749 = arith.constant 7 : i32
      %add3A_750 = arith.addi %add3A_141, %add3A_749 : i32
      %get3A_751 = arith.index_cast %add3A_750 : i32 to index
      %get3A_752 = arith.constant 16 : index
      %get3A_753 = tpu.vector_load %arg10[%get3A_751, %get3A_752] {strides = array<i32>} : memref<128x64xf32, #tpu.memory_space<vmem>>, vector<1x16xf32>,
      %get3A_754 = vector.shape_cast %get3A_753 : vector<1x16xf32> to vector<1x16xf32>
      %get3A_755 = arith.index_cast %add3A_750 : i32 to index
      %get3A_756 = arith.constant 16 : index
      %get3A_757 = tpu.vector_load %arg8[%get3A_755, %get3A_756] {strides = array<i32>} : memref<128x128xf32, #tpu.memory_space<vmem>>, vector<1x16xf32>,
      %get3A_758 = vector.shape_cast %get3A_757 : vector<1x16xf32> to vector<1x16xf32>
      %add3A_759 = arith.addf %get3A_754, %get3A_758 : vector<1x16xf32>
      %get3A_760 = arith.index_cast %add3A_750 : i32 to index
      %get3A_761 = arith.constant 16 : index
      %get3A_762 = tpu.vector_load %arg9[%get3A_760, %get3A_761] {strides = array<i32>} : memref<128x128xf32, #tpu.memory_space<vmem>>, vector<1x16xf32>,
      %get3A_763 = vector.shape_cast %get3A_762 : vector<1x16xf32> to vector<1x16xf32>
      %add3A_764 = arith.addf %add3A_759, %get3A_763 : vector<1x16xf32>
      %swap3A_765 = arith.index_cast %add3A_750 : i32 to index
      %swap3A_766 = arith.constant 16 : index
      %swap3A_767 = tpu.vector_load %arg10[%swap3A_765, %swap3A_766] {strides = array<i32>} : memref<128x64xf32, #tpu.memory_space<vmem>>, vector<1x16xf32>,
      %swap3A_768 = vector.shape_cast %swap3A_767 : vector<1x16xf32> to vector<1x16xf32>
      %swap3A_769 = vector.shape_cast %add3A_764 : vector<1x16xf32> to vector<1x16xf32>
      tpu.vector_store %arg10[%swap3A_765, %swap3A_766], %swap3A_769 {strides = array<i32>} : memref<128x64xf32, #tpu.memory_space<vmem>>, vector<1x16xf32>,
      %add3A_770 = arith.constant 7 : i32
      %add3A_771 = arith.addi %add3A_141, %add3A_770 : i32
      %get3A_772 = arith.index_cast %add3A_771 : i32 to index
      %get3A_773 = arith.constant 32 : index
      %get3A_774 = tpu.vector_load %arg10[%get3A_772, %get3A_773] {strides = array<i32>} : memref<128x64xf32, #tpu.memory_space<vmem>>, vector<1x16xf32>,
      %get3A_775 = vector.shape_cast %get3A_774 : vector<1x16xf32> to vector<1x16xf32>
      %get3A_776 = arith.index_cast %add3A_771 : i32 to index
      %get3A_777 = arith.constant 32 : index
      %get3A_778 = tpu.vector_load %arg8[%get3A_776, %get3A_777] {strides = array<i32>} : memref<128x128xf32, #tpu.memory_space<vmem>>, vector<1x16xf32>,
      %get3A_779 = vector.shape_cast %get3A_778 : vector<1x16xf32> to vector<1x16xf32>
      %add3A_780 = arith.addf %get3A_775, %get3A_779 : vector<1x16xf32>
      %get3A_781 = arith.index_cast %add3A_771 : i32 to index
      %get3A_782 = arith.constant 32 : index
      %get3A_783 = tpu.vector_load %arg9[%get3A_781, %get3A_782] {strides = array<i32>} : memref<128x128xf32, #tpu.memory_space<vmem>>, vector<1x16xf32>,
      %get3A_784 = vector.shape_cast %get3A_783 : vector<1x16xf32> to vector<1x16xf32>
      %add3A_785 = arith.addf %add3A_780, %get3A_784 : vector<1x16xf32>
      %swap3A_786 = arith.index_cast %add3A_771 : i32 to index
      %swap3A_787 = arith.constant 32 : index
      %swap3A_788 = tpu.vector_load %arg10[%swap3A_786, %swap3A_787] {strides = array<i32>} : memref<128x64xf32, #tpu.memory_space<vmem>>, vector<1x16xf32>,
      %swap3A_789 = vector.shape_cast %swap3A_788 : vector<1x16xf32> to vector<1x16xf32>
      %swap3A_790 = vector.shape_cast %add3A_785 : vector<1x16xf32> to vector<1x16xf32>
      tpu.vector_store %arg10[%swap3A_786, %swap3A_787], %swap3A_790 {strides = array<i32>} : memref<128x64xf32, #tpu.memory_space<vmem>>, vector<1x16xf32>,
      %add3A_791 = arith.constant 7 : i32
      %add3A_792 = arith.addi %add3A_141, %add3A_791 : i32
      %get3A_793 = arith.index_cast %add3A_792 : i32 to index
      %get3A_794 = arith.constant 48 : index
      %get3A_795 = tpu.vector_load %arg10[%get3A_793, %get3A_794] {strides = array<i32>} : memref<128x64xf32, #tpu.memory_space<vmem>>, vector<1x16xf32>,
      %get3A_796 = vector.shape_cast %get3A_795 : vector<1x16xf32> to vector<1x16xf32>
      %get3A_797 = arith.index_cast %add3A_792 : i32 to index
      %get3A_798 = arith.constant 48 : index
      %get3A_799 = tpu.vector_load %arg8[%get3A_797, %get3A_798] {strides = array<i32>} : memref<128x128xf32, #tpu.memory_space<vmem>>, vector<1x16xf32>,
      %get3A_800 = vector.shape_cast %get3A_799 : vector<1x16xf32> to vector<1x16xf32>
      %add3A_801 = arith.addf %get3A_796, %get3A_800 : vector<1x16xf32>
      %get3A_802 = arith.index_cast %add3A_792 : i32 to index
      %get3A_803 = arith.constant 48 : index
      %get3A_804 = tpu.vector_load %arg9[%get3A_802, %get3A_803] {strides = array<i32>} : memref<128x128xf32, #tpu.memory_space<vmem>>, vector<1x16xf32>,
      %get3A_805 = vector.shape_cast %get3A_804 : vector<1x16xf32> to vector<1x16xf32>
      %add3A_806 = arith.addf %add3A_801, %get3A_805 : vector<1x16xf32>
      %swap3A_807 = arith.index_cast %add3A_792 : i32 to index
      %swap3A_808 = arith.constant 48 : index
      %swap3A_809 = tpu.vector_load %arg10[%swap3A_807, %swap3A_808] {strides = array<i32>} : memref<128x64xf32, #tpu.memory_space<vmem>>, vector<1x16xf32>,
      %swap3A_810 = vector.shape_cast %swap3A_809 : vector<1x16xf32> to vector<1x16xf32>
      %swap3A_811 = vector.shape_cast %add3A_806 : vector<1x16xf32> to vector<1x16xf32>
      tpu.vector_store %arg10[%swap3A_807, %swap3A_808], %swap3A_811 {strides = array<i32>} : memref<128x64xf32, #tpu.memory_space<vmem>>, vector<1x16xf32>,
    }
    %scan3A_79 = arith.constant 16 : i32
    %dma_start3A_80 = arith.constant 6 : i32
    %dma_start3A_81 = arith.constant 0 : i32
    %dma_start3A_82 = tpu.memref_slice %arg5[%dma_start3A_80, %dma_start3A_81] : memref<200x128xi32, #tpu.memory_space<vmem>> -> memref<1x128xi32, #tpu.memory_space<vmem>>
    %dma_start3A_83 = tpu.memref_squeeze %dma_start3A_82 : memref<1x128xi32, #tpu.memory_space<vmem>> -> memref<128xi32, #tpu.memory_space<vmem>>
    %dma_start3A_84 = arith.constant 0 : i32
    %dma_start3A_85 = arith.constant 0 : i32
    %dma_start3A_86 = tpu.memref_slice %arg3[%dma_start3A_84, %dma_start3A_85] : memref<1000000x128xf32, #tpu.memory_space<hbm>> -> memref<1000000x128xf32, #tpu.memory_space<hbm>>
    tpu.enqueue_indirect_dma source(%dma_start3A_86 : memref<1000000x128xf32, #tpu.memory_space<hbm>>) target(%arg8 : memref<128x128xf32, #tpu.memory_space<vmem>>) offsets(%dma_start3A_83 : memref<128xi32, #tpu.memory_space<vmem>>) semaphore(%arg13 : memref<!tpu.dma_semaphore, #tpu.memory_space<semaphore_mem>>)
    %dma_start3A_87 = arith.constant 7 : i32
    %dma_start3A_88 = arith.constant 0 : i32
    %dma_start3A_89 = tpu.memref_slice %arg5[%dma_start3A_87, %dma_start3A_88] : memref<200x128xi32, #tpu.memory_space<vmem>> -> memref<1x128xi32, #tpu.memory_space<vmem>>
    %dma_start3A_90 = tpu.memref_squeeze %dma_start3A_89 : memref<1x128xi32, #tpu.memory_space<vmem>> -> memref<128xi32, #tpu.memory_space<vmem>>
    %dma_start3A_91 = arith.constant 0 : i32
    %dma_start3A_92 = arith.constant 0 : i32
    %dma_start3A_93 = tpu.memref_slice %arg3[%dma_start3A_91, %dma_start3A_92] : memref<1000000x128xf32, #tpu.memory_space<hbm>> -> memref<1000000x128xf32, #tpu.memory_space<hbm>>
    tpu.enqueue_indirect_dma source(%dma_start3A_93 : memref<1000000x128xf32, #tpu.memory_space<hbm>>) target(%arg9 : memref<128x128xf32, #tpu.memory_space<vmem>>) offsets(%dma_start3A_90 : memref<128xi32, #tpu.memory_space<vmem>>) semaphore(%arg14 : memref<!tpu.dma_semaphore, #tpu.memory_space<semaphore_mem>>)
    %scan3A_94 = arith.constant 0 : i32
    %scan3A_95 = arith.constant 48 : i32
    %scan3A_96 = arith.addi %scan3A_94, %scan3A_95 : i32
    %scan3A_97 = arith.constant 1 : i32
    scf.for %scan3A_137 = %scan3A_94 to %scan3A_96 step %scan3A_97  : i32 {
      %mul3A_138 = arith.constant 1 : i32
      %mul3A_139 = arith.muli %scan3A_137, %mul3A_138 : i32
      %add3A_140 = arith.constant 0 : i32
      %add3A_141 = arith.addi %add3A_140, %mul3A_139 : i32
      %dma_wait3A_142 = arith.constant 0 : i32
      %dma_wait3A_143 = arith.constant 0 : i32
      %dma_wait3A_144 = tpu.memref_slice %arg5[%dma_wait3A_142, %dma_wait3A_143] : memref<200x128xi32, #tpu.memory_space<vmem>> -> memref<1x128xi32, #tpu.memory_space<vmem>>
      %dma_wait3A_145 = tpu.memref_squeeze %dma_wait3A_144 : memref<1x128xi32, #tpu.memory_space<vmem>> -> memref<128xi32, #tpu.memory_space<vmem>>
      %dma_wait3A_146 = arith.constant 0 : i32
      %dma_wait3A_147 = arith.constant 0 : i32
      %dma_wait3A_148 = tpu.memref_slice %arg3[%dma_wait3A_146, %dma_wait3A_147] : memref<1000000x128xf32, #tpu.memory_space<hbm>> -> memref<1000000x128xf32, #tpu.memory_space<hbm>>
      tpu.wait_indirect_dma semaphore(%arg11 : memref<!tpu.dma_semaphore, #tpu.memory_space<semaphore_mem>>) src(%dma_wait3A_148 : memref<1000000x128xf32, #tpu.memory_space<hbm>>) dst(%arg6 : memref<128x128xf32, #tpu.memory_space<vmem>>)
      %dma_wait3A_149 = arith.constant 0 : i32
      %dma_wait3A_150 = arith.constant 0 : i32
      %dma_wait3A_151 = tpu.memref_slice %arg5[%dma_wait3A_149, %dma_wait3A_150] : memref<200x128xi32, #tpu.memory_space<vmem>> -> memref<1x128xi32, #tpu.memory_space<vmem>>
      %dma_wait3A_152 = tpu.memref_squeeze %dma_wait3A_151 : memref<1x128xi32, #tpu.memory_space<vmem>> -> memref<128xi32, #tpu.memory_space<vmem>>
      %dma_wait3A_153 = arith.constant 0 : i32
      %dma_wait3A_154 = arith.constant 0 : i32
      %dma_wait3A_155 = tpu.memref_slice %arg3[%dma_wait3A_153, %dma_wait3A_154] : memref<1000000x128xf32, #tpu.memory_space<hbm>> -> memref<1000000x128xf32, #tpu.memory_space<hbm>>
      tpu.wait_indirect_dma semaphore(%arg12 : memref<!tpu.dma_semaphore, #tpu.memory_space<semaphore_mem>>) src(%dma_wait3A_155 : memref<1000000x128xf32, #tpu.memory_space<hbm>>) dst(%arg7 : memref<128x128xf32, #tpu.memory_space<vmem>>)
      %scan3A_156 = arith.constant 0 : i32
      %scan3A_157 = arith.constant 16 : i32
      %scan3A_158 = arith.addi %scan3A_156, %scan3A_157 : i32
      %scan3A_159 = arith.constant 1 : i32
      scf.for %scan3A_216 = %scan3A_156 to %scan3A_158 step %scan3A_159  : i32 {
        %mul3A_217 = arith.constant 8 : i32
        %mul3A_218 = arith.muli %scan3A_216, %mul3A_217 : i32
        %add3A_219 = arith.constant 0 : i32
        %add3A_220 = arith.addi %add3A_219, %mul3A_218 : i32
        %add3A_221 = arith.constant 0 : i32
        %add3A_222 = arith.addi %add3A_220, %add3A_221 : i32
        %get3A = arith.index_cast %add3A_222 : i32 to index
        %get3A_223 = arith.constant 0 : index
        %get3A_224 = tpu.vector_load %arg10[%get3A, %get3A_223] {strides = array<i32>} : memref<128x64xf32, #tpu.memory_space<vmem>>, vector<1x16xf32>,
        %get3A_225 = vector.shape_cast %get3A_224 : vector<1x16xf32> to vector<1x16xf32>
        %get3A_226 = arith.index_cast %add3A_222 : i32 to index
        %get3A_227 = arith.constant 0 : index
        %get3A_228 = tpu.vector_load %arg6[%get3A_226, %get3A_227] {strides = array<i32>} : memref<128x128xf32, #tpu.memory_space<vmem>>, vector<1x16xf32>,
        %get3A_229 = vector.shape_cast %get3A_228 : vector<1x16xf32> to vector<1x16xf32>
        %add3A_230 = arith.addf %get3A_225, %get3A_229 : vector<1x16xf32>
        %get3A_231 = arith.index_cast %add3A_222 : i32 to index
        %get3A_232 = arith.constant 0 : index
        %get3A_233 = tpu.vector_load %arg7[%get3A_231, %get3A_232] {strides = array<i32>} : memref<128x128xf32, #tpu.memory_space<vmem>>, vector<1x16xf32>,
        %get3A_234 = vector.shape_cast %get3A_233 : vector<1x16xf32> to vector<1x16xf32>
        %add3A_235 = arith.addf %add3A_230, %get3A_234 : vector<1x16xf32>
        %swap3A = arith.index_cast %add3A_222 : i32 to index
        %swap3A_236 = arith.constant 0 : index
        %swap3A_237 = tpu.vector_load %arg10[%swap3A, %swap3A_236] {strides = array<i32>} : memref<128x64xf32, #tpu.memory_space<vmem>>, vector<1x16xf32>,
        %swap3A_238 = vector.shape_cast %swap3A_237 : vector<1x16xf32> to vector<1x16xf32>
        %swap3A_239 = vector.shape_cast %add3A_235 : vector<1x16xf32> to vector<1x16xf32>
        tpu.vector_store %arg10[%swap3A, %swap3A_236], %swap3A_239 {strides = array<i32>} : memref<128x64xf32, #tpu.memory_space<vmem>>, vector<1x16xf32>,
        %add3A_240 = arith.constant 0 : i32
        %add3A_241 = arith.addi %add3A_220, %add3A_240 : i32
        %get3A_242 = arith.index_cast %add3A_241 : i32 to index
        %get3A_243 = arith.constant 16 : index
        %get3A_244 = tpu.vector_load %arg10[%get3A_242, %get3A_243] {strides = array<i32>} : memref<128x64xf32, #tpu.memory_space<vmem>>, vector<1x16xf32>,
        %get3A_245 = vector.shape_cast %get3A_244 : vector<1x16xf32> to vector<1x16xf32>
        %get3A_246 = arith.index_cast %add3A_241 : i32 to index
        %get3A_247 = arith.constant 16 : index
        %get3A_248 = tpu.vector_load %arg6[%get3A_246, %get3A_247] {strides = array<i32>} : memref<128x128xf32, #tpu.memory_space<vmem>>, vector<1x16xf32>,
        %get3A_249 = vector.shape_cast %get3A_248 : vector<1x16xf32> to vector<1x16xf32>
        %add3A_250 = arith.addf %get3A_245, %get3A_249 : vector<1x16xf32>
        %get3A_251 = arith.index_cast %add3A_241 : i32 to index
        %get3A_252 = arith.constant 16 : index
        %get3A_253 = tpu.vector_load %arg7[%get3A_251, %get3A_252] {strides = array<i32>} : memref<128x128xf32, #tpu.memory_space<vmem>>, vector<1x16xf32>,
        %get3A_254 = vector.shape_cast %get3A_253 : vector<1x16xf32> to vector<1x16xf32>
        %add3A_255 = arith.addf %add3A_250, %get3A_254 : vector<1x16xf32>
        %swap3A_256 = arith.index_cast %add3A_241 : i32 to index
        %swap3A_257 = arith.constant 16 : index
        %swap3A_258 = tpu.vector_load %arg10[%swap3A_256, %swap3A_257] {strides = array<i32>} : memref<128x64xf32, #tpu.memory_space<vmem>>, vector<1x16xf32>,
        %swap3A_259 = vector.shape_cast %swap3A_258 : vector<1x16xf32> to vector<1x16xf32>
        %swap3A_260 = vector.shape_cast %add3A_255 : vector<1x16xf32> to vector<1x16xf32>
        tpu.vector_store %arg10[%swap3A_256, %swap3A_257], %swap3A_260 {strides = array<i32>} : memref<128x64xf32, #tpu.memory_space<vmem>>, vector<1x16xf32>,
        %add3A_261 = arith.constant 0 : i32
        %add3A_262 = arith.addi %add3A_220, %add3A_261 : i32
        %get3A_263 = arith.index_cast %add3A_262 : i32 to index
        %get3A_264 = arith.constant 32 : index
        %get3A_265 = tpu.vector_load %arg10[%get3A_263, %get3A_264] {strides = array<i32>} : memref<128x64xf32, #tpu.memory_space<vmem>>, vector<1x16xf32>,
        %get3A_266 = vector.shape_cast %get3A_265 : vector<1x16xf32> to vector<1x16xf32>
        %get3A_267 = arith.index_cast %add3A_262 : i32 to index
        %get3A_268 = arith.constant 32 : index
        %get3A_269 = tpu.vector_load %arg6[%get3A_267, %get3A_268] {strides = array<i32>} : memref<128x128xf32, #tpu.memory_space<vmem>>, vector<1x16xf32>,
        %get3A_270 = vector.shape_cast %get3A_269 : vector<1x16xf32> to vector<1x16xf32>
        %add3A_271 = arith.addf %get3A_266, %get3A_270 : vector<1x16xf32>
        %get3A_272 = arith.index_cast %add3A_262 : i32 to index
        %get3A_273 = arith.constant 32 : index
        %get3A_274 = tpu.vector_load %arg7[%get3A_272, %get3A_273] {strides = array<i32>} : memref<128x128xf32, #tpu.memory_space<vmem>>, vector<1x16xf32>,
        %get3A_275 = vector.shape_cast %get3A_274 : vector<1x16xf32> to vector<1x16xf32>
        %add3A_276 = arith.addf %add3A_271, %get3A_275 : vector<1x16xf32>
        %swap3A_277 = arith.index_cast %add3A_262 : i32 to index
        %swap3A_278 = arith.constant 32 : index
        %swap3A_279 = tpu.vector_load %arg10[%swap3A_277, %swap3A_278] {strides = array<i32>} : memref<128x64xf32, #tpu.memory_space<vmem>>, vector<1x16xf32>,
        %swap3A_280 = vector.shape_cast %swap3A_279 : vector<1x16xf32> to vector<1x16xf32>
        %swap3A_281 = vector.shape_cast %add3A_276 : vector<1x16xf32> to vector<1x16xf32>
        tpu.vector_store %arg10[%swap3A_277, %swap3A_278], %swap3A_281 {strides = array<i32>} : memref<128x64xf32, #tpu.memory_space<vmem>>, vector<1x16xf32>,
        %add3A_282 = arith.constant 0 : i32
        %add3A_283 = arith.addi %add3A_220, %add3A_282 : i32
        %get3A_284 = arith.index_cast %add3A_283 : i32 to index
        %get3A_285 = arith.constant 48 : index
        %get3A_286 = tpu.vector_load %arg10[%get3A_284, %get3A_285] {strides = array<i32>} : memref<128x64xf32, #tpu.memory_space<vmem>>, vector<1x16xf32>,
        %get3A_287 = vector.shape_cast %get3A_286 : vector<1x16xf32> to vector<1x16xf32>
        %get3A_288 = arith.index_cast %add3A_283 : i32 to index
        %get3A_289 = arith.constant 48 : index
        %get3A_290 = tpu.vector_load %arg6[%get3A_288, %get3A_289] {strides = array<i32>} : memref<128x128xf32, #tpu.memory_space<vmem>>, vector<1x16xf32>,
        %get3A_291 = vector.shape_cast %get3A_290 : vector<1x16xf32> to vector<1x16xf32>
        %add3A_292 = arith.addf %get3A_287, %get3A_291 : vector<1x16xf32>
        %get3A_293 = arith.index_cast %add3A_283 : i32 to index
        %get3A_294 = arith.constant 48 : index
        %get3A_295 = tpu.vector_load %arg7[%get3A_293, %get3A_294] {strides = array<i32>} : memref<128x128xf32, #tpu.memory_space<vmem>>, vector<1x16xf32>,
        %get3A_296 = vector.shape_cast %get3A_295 : vector<1x16xf32> to vector<1x16xf32>
        %add3A_297 = arith.addf %add3A_292, %get3A_296 : vector<1x16xf32>
        %swap3A_298 = arith.index_cast %add3A_283 : i32 to index
        %swap3A_299 = arith.constant 48 : index
        %swap3A_300 = tpu.vector_load %arg10[%swap3A_298, %swap3A_299] {strides = array<i32>} : memref<128x64xf32, #tpu.memory_space<vmem>>, vector<1x16xf32>,
        %swap3A_301 = vector.shape_cast %swap3A_300 : vector<1x16xf32> to vector<1x16xf32>
        %swap3A_302 = vector.shape_cast %add3A_297 : vector<1x16xf32> to vector<1x16xf32>
        tpu.vector_store %arg10[%swap3A_298, %swap3A_299], %swap3A_302 {strides = array<i32>} : memref<128x64xf32, #tpu.memory_space<vmem>>, vector<1x16xf32>,
        %add3A_303 = arith.constant 1 : i32
        %add3A_304 = arith.addi %add3A_220, %add3A_303 : i32
        %get3A_305 = arith.index_cast %add3A_304 : i32 to index
        %get3A_306 = arith.constant 0 : index
        %get3A_307 = tpu.vector_load %arg10[%get3A_305, %get3A_306] {strides = array<i32>} : memref<128x64xf32, #tpu.memory_space<vmem>>, vector<1x16xf32>,
        %get3A_308 = vector.shape_cast %get3A_307 : vector<1x16xf32> to vector<1x16xf32>
        %get3A_309 = arith.index_cast %add3A_304 : i32 to index
        %get3A_310 = arith.constant 0 : index
        %get3A_311 = tpu.vector_load %arg6[%get3A_309, %get3A_310] {strides = array<i32>} : memref<128x128xf32, #tpu.memory_space<vmem>>, vector<1x16xf32>,
        %get3A_312 = vector.shape_cast %get3A_311 : vector<1x16xf32> to vector<1x16xf32>
        %add3A_313 = arith.addf %get3A_308, %get3A_312 : vector<1x16xf32>
        %get3A_314 = arith.index_cast %add3A_304 : i32 to index
        %get3A_315 = arith.constant 0 : index
        %get3A_316 = tpu.vector_load %arg7[%get3A_314, %get3A_315] {strides = array<i32>} : memref<128x128xf32, #tpu.memory_space<vmem>>, vector<1x16xf32>,
        %get3A_317 = vector.shape_cast %get3A_316 : vector<1x16xf32> to vector<1x16xf32>
        %add3A_318 = arith.addf %add3A_313, %get3A_317 : vector<1x16xf32>
        %swap3A_319 = arith.index_cast %add3A_304 : i32 to index
        %swap3A_320 = arith.constant 0 : index
        %swap3A_321 = tpu.vector_load %arg10[%swap3A_319, %swap3A_320] {strides = array<i32>} : memref<128x64xf32, #tpu.memory_space<vmem>>, vector<1x16xf32>,
        %swap3A_322 = vector.shape_cast %swap3A_321 : vector<1x16xf32> to vector<1x16xf32>
        %swap3A_323 = vector.shape_cast %add3A_318 : vector<1x16xf32> to vector<1x16xf32>
        tpu.vector_store %arg10[%swap3A_319, %swap3A_320], %swap3A_323 {strides = array<i32>} : memref<128x64xf32, #tpu.memory_space<vmem>>, vector<1x16xf32>,
        %add3A_324 = arith.constant 1 : i32
        %add3A_325 = arith.addi %add3A_220, %add3A_324 : i32
        %get3A_326 = arith.index_cast %add3A_325 : i32 to index
        %get3A_327 = arith.constant 16 : index
        %get3A_328 = tpu.vector_load %arg10[%get3A_326, %get3A_327] {strides = array<i32>} : memref<128x64xf32, #tpu.memory_space<vmem>>, vector<1x16xf32>,
        %get3A_329 = vector.shape_cast %get3A_328 : vector<1x16xf32> to vector<1x16xf32>
        %get3A_330 = arith.index_cast %add3A_325 : i32 to index
        %get3A_331 = arith.constant 16 : index
        %get3A_332 = tpu.vector_load %arg6[%get3A_330, %get3A_331] {strides = array<i32>} : memref<128x128xf32, #tpu.memory_space<vmem>>, vector<1x16xf32>,
        %get3A_333 = vector.shape_cast %get3A_332 : vector<1x16xf32> to vector<1x16xf32>
        %add3A_334 = arith.addf %get3A_329, %get3A_333 : vector<1x16xf32>
        %get3A_335 = arith.index_cast %add3A_325 : i32 to index
        %get3A_336 = arith.constant 16 : index
        %get3A_337 = tpu.vector_load %arg7[%get3A_335, %get3A_336] {strides = array<i32>} : memref<128x128xf32, #tpu.memory_space<vmem>>, vector<1x16xf32>,
        %get3A_338 = vector.shape_cast %get3A_337 : vector<1x16xf32> to vector<1x16xf32>
        %add3A_339 = arith.addf %add3A_334, %get3A_338 : vector<1x16xf32>
        %swap3A_340 = arith.index_cast %add3A_325 : i32 to index
        %swap3A_341 = arith.constant 16 : index
        %swap3A_342 = tpu.vector_load %arg10[%swap3A_340, %swap3A_341] {strides = array<i32>} : memref<128x64xf32, #tpu.memory_space<vmem>>, vector<1x16xf32>,
        %swap3A_343 = vector.shape_cast %swap3A_342 : vector<1x16xf32> to vector<1x16xf32>
        %swap3A_344 = vector.shape_cast %add3A_339 : vector<1x16xf32> to vector<1x16xf32>
        tpu.vector_store %arg10[%swap3A_340, %swap3A_341], %swap3A_344 {strides = array<i32>} : memref<128x64xf32, #tpu.memory_space<vmem>>, vector<1x16xf32>,
        %add3A_345 = arith.constant 1 : i32
        %add3A_346 = arith.addi %add3A_220, %add3A_345 : i32
        %get3A_347 = arith.index_cast %add3A_346 : i32 to index
        %get3A_348 = arith.constant 32 : index
        %get3A_349 = tpu.vector_load %arg10[%get3A_347, %get3A_348] {strides = array<i32>} : memref<128x64xf32, #tpu.memory_space<vmem>>, vector<1x16xf32>,
        %get3A_350 = vector.shape_cast %get3A_349 : vector<1x16xf32> to vector<1x16xf32>
        %get3A_351 = arith.index_cast %add3A_346 : i32 to index
        %get3A_352 = arith.constant 32 : index
        %get3A_353 = tpu.vector_load %arg6[%get3A_351, %get3A_352] {strides = array<i32>} : memref<128x128xf32, #tpu.memory_space<vmem>>, vector<1x16xf32>,
        %get3A_354 = vector.shape_cast %get3A_353 : vector<1x16xf32> to vector<1x16xf32>
        %add3A_355 = arith.addf %get3A_350, %get3A_354 : vector<1x16xf32>
        %get3A_356 = arith.index_cast %add3A_346 : i32 to index
        %get3A_357 = arith.constant 32 : index
        %get3A_358 = tpu.vector_load %arg7[%get3A_356, %get3A_357] {strides = array<i32>} : memref<128x128xf32, #tpu.memory_space<vmem>>, vector<1x16xf32>,
        %get3A_359 = vector.shape_cast %get3A_358 : vector<1x16xf32> to vector<1x16xf32>
        %add3A_360 = arith.addf %add3A_355, %get3A_359 : vector<1x16xf32>
        %swap3A_361 = arith.index_cast %add3A_346 : i32 to index
        %swap3A_362 = arith.constant 32 : index
        %swap3A_363 = tpu.vector_load %arg10[%swap3A_361, %swap3A_362] {strides = array<i32>} : memref<128x64xf32, #tpu.memory_space<vmem>>, vector<1x16xf32>,
        %swap3A_364 = vector.shape_cast %swap3A_363 : vector<1x16xf32> to vector<1x16xf32>
        %swap3A_365 = vector.shape_cast %add3A_360 : vector<1x16xf32> to vector<1x16xf32>
        tpu.vector_store %arg10[%swap3A_361, %swap3A_362], %swap3A_365 {strides = array<i32>} : memref<128x64xf32, #tpu.memory_space<vmem>>, vector<1x16xf32>,
        %add3A_366 = arith.constant 1 : i32
        %add3A_367 = arith.addi %add3A_220, %add3A_366 : i32
        %get3A_368 = arith.index_cast %add3A_367 : i32 to index
        %get3A_369 = arith.constant 48 : index
        %get3A_370 = tpu.vector_load %arg10[%get3A_368, %get3A_369] {strides = array<i32>} : memref<128x64xf32, #tpu.memory_space<vmem>>, vector<1x16xf32>,
        %get3A_371 = vector.shape_cast %get3A_370 : vector<1x16xf32> to vector<1x16xf32>
        %get3A_372 = arith.index_cast %add3A_367 : i32 to index
        %get3A_373 = arith.constant 48 : index
        %get3A_374 = tpu.vector_load %arg6[%get3A_372, %get3A_373] {strides = array<i32>} : memref<128x128xf32, #tpu.memory_space<vmem>>, vector<1x16xf32>,
        %get3A_375 = vector.shape_cast %get3A_374 : vector<1x16xf32> to vector<1x16xf32>
        %add3A_376 = arith.addf %get3A_371, %get3A_375 : vector<1x16xf32>
        %get3A_377 = arith.index_cast %add3A_367 : i32 to index
        %get3A_378 = arith.constant 48 : index
        %get3A_379 = tpu.vector_load %arg7[%get3A_377, %get3A_378] {strides = array<i32>} : memref<128x128xf32, #tpu.memory_space<vmem>>, vector<1x16xf32>,
        %get3A_380 = vector.shape_cast %get3A_379 : vector<1x16xf32> to vector<1x16xf32>
        %add3A_381 = arith.addf %add3A_376, %get3A_380 : vector<1x16xf32>
        %swap3A_382 = arith.index_cast %add3A_367 : i32 to index
        %swap3A_383 = arith.constant 48 : index
        %swap3A_384 = tpu.vector_load %arg10[%swap3A_382, %swap3A_383] {strides = array<i32>} : memref<128x64xf32, #tpu.memory_space<vmem>>, vector<1x16xf32>,
        %swap3A_385 = vector.shape_cast %swap3A_384 : vector<1x16xf32> to vector<1x16xf32>
        %swap3A_386 = vector.shape_cast %add3A_381 : vector<1x16xf32> to vector<1x16xf32>
        tpu.vector_store %arg10[%swap3A_382, %swap3A_383], %swap3A_386 {strides = array<i32>} : memref<128x64xf32, #tpu.memory_space<vmem>>, vector<1x16xf32>,
        %add3A_387 = arith.constant 2 : i32
        %add3A_388 = arith.addi %add3A_220, %add3A_387 : i32
        %get3A_389 = arith.index_cast %add3A_388 : i32 to index
        %get3A_390 = arith.constant 0 : index
        %get3A_391 = tpu.vector_load %arg10[%get3A_389, %get3A_390] {strides = array<i32>} : memref<128x64xf32, #tpu.memory_space<vmem>>, vector<1x16xf32>,
        %get3A_392 = vector.shape_cast %get3A_391 : vector<1x16xf32> to vector<1x16xf32>
        %get3A_393 = arith.index_cast %add3A_388 : i32 to index
        %get3A_394 = arith.constant 0 : index
        %get3A_395 = tpu.vector_load %arg6[%get3A_393, %get3A_394] {strides = array<i32>} : memref<128x128xf32, #tpu.memory_space<vmem>>, vector<1x16xf32>,
        %get3A_396 = vector.shape_cast %get3A_395 : vector<1x16xf32> to vector<1x16xf32>
        %add3A_397 = arith.addf %get3A_392, %get3A_396 : vector<1x16xf32>
        %get3A_398 = arith.index_cast %add3A_388 : i32 to index
        %get3A_399 = arith.constant 0 : index
        %get3A_400 = tpu.vector_load %arg7[%get3A_398, %get3A_399] {strides = array<i32>} : memref<128x128xf32, #tpu.memory_space<vmem>>, vector<1x16xf32>,
        %get3A_401 = vector.shape_cast %get3A_400 : vector<1x16xf32> to vector<1x16xf32>
        %add3A_402 = arith.addf %add3A_397, %get3A_401 : vector<1x16xf32>
        %swap3A_403 = arith.index_cast %add3A_388 : i32 to index
        %swap3A_404 = arith.constant 0 : index
        %swap3A_405 = tpu.vector_load %arg10[%swap3A_403, %swap3A_404] {strides = array<i32>} : memref<128x64xf32, #tpu.memory_space<vmem>>, vector<1x16xf32>,
        %swap3A_406 = vector.shape_cast %swap3A_405 : vector<1x16xf32> to vector<1x16xf32>
        %swap3A_407 = vector.shape_cast %add3A_402 : vector<1x16xf32> to vector<1x16xf32>
        tpu.vector_store %arg10[%swap3A_403, %swap3A_404], %swap3A_407 {strides = array<i32>} : memref<128x64xf32, #tpu.memory_space<vmem>>, vector<1x16xf32>,
        %add3A_408 = arith.constant 2 : i32
        %add3A_409 = arith.addi %add3A_220, %add3A_408 : i32
        %get3A_410 = arith.index_cast %add3A_409 : i32 to index
        %get3A_411 = arith.constant 16 : index
        %get3A_412 = tpu.vector_load %arg10[%get3A_410, %get3A_411] {strides = array<i32>} : memref<128x64xf32, #tpu.memory_space<vmem>>, vector<1x16xf32>,
        %get3A_413 = vector.shape_cast %get3A_412 : vector<1x16xf32> to vector<1x16xf32>
        %get3A_414 = arith.index_cast %add3A_409 : i32 to index
        %get3A_415 = arith.constant 16 : index
        %get3A_416 = tpu.vector_load %arg6[%get3A_414, %get3A_415] {strides = array<i32>} : memref<128x128xf32, #tpu.memory_space<vmem>>, vector<1x16xf32>,
        %get3A_417 = vector.shape_cast %get3A_416 : vector<1x16xf32> to vector<1x16xf32>
        %add3A_418 = arith.addf %get3A_413, %get3A_417 : vector<1x16xf32>
        %get3A_419 = arith.index_cast %add3A_409 : i32 to index
        %get3A_420 = arith.constant 16 : index
        %get3A_421 = tpu.vector_load %arg7[%get3A_419, %get3A_420] {strides = array<i32>} : memref<128x128xf32, #tpu.memory_space<vmem>>, vector<1x16xf32>,
        %get3A_422 = vector.shape_cast %get3A_421 : vector<1x16xf32> to vector<1x16xf32>
        %add3A_423 = arith.addf %add3A_418, %get3A_422 : vector<1x16xf32>
        %swap3A_424 = arith.index_cast %add3A_409 : i32 to index
        %swap3A_425 = arith.constant 16 : index
        %swap3A_426 = tpu.vector_load %arg10[%swap3A_424, %swap3A_425] {strides = array<i32>} : memref<128x64xf32, #tpu.memory_space<vmem>>, vector<1x16xf32>,
        %swap3A_427 = vector.shape_cast %swap3A_426 : vector<1x16xf32> to vector<1x16xf32>
        %swap3A_428 = vector.shape_cast %add3A_423 : vector<1x16xf32> to vector<1x16xf32>
        tpu.vector_store %arg10[%swap3A_424, %swap3A_425], %swap3A_428 {strides = array<i32>} : memref<128x64xf32, #tpu.memory_space<vmem>>, vector<1x16xf32>,
        %add3A_429 = arith.constant 2 : i32
        %add3A_430 = arith.addi %add3A_220, %add3A_429 : i32
        %get3A_431 = arith.index_cast %add3A_430 : i32 to index
        %get3A_432 = arith.constant 32 : index
        %get3A_433 = tpu.vector_load %arg10[%get3A_431, %get3A_432] {strides = array<i32>} : memref<128x64xf32, #tpu.memory_space<vmem>>, vector<1x16xf32>,
        %get3A_434 = vector.shape_cast %get3A_433 : vector<1x16xf32> to vector<1x16xf32>
        %get3A_435 = arith.index_cast %add3A_430 : i32 to index
        %get3A_436 = arith.constant 32 : index
        %get3A_437 = tpu.vector_load %arg6[%get3A_435, %get3A_436] {strides = array<i32>} : memref<128x128xf32, #tpu.memory_space<vmem>>, vector<1x16xf32>,
        %get3A_438 = vector.shape_cast %get3A_437 : vector<1x16xf32> to vector<1x16xf32>
        %add3A_439 = arith.addf %get3A_434, %get3A_438 : vector<1x16xf32>
        %get3A_440 = arith.index_cast %add3A_430 : i32 to index
        %get3A_441 = arith.constant 32 : index
        %get3A_442 = tpu.vector_load %arg7[%get3A_440, %get3A_441] {strides = array<i32>} : memref<128x128xf32, #tpu.memory_space<vmem>>, vector<1x16xf32>,
        %get3A_443 = vector.shape_cast %get3A_442 : vector<1x16xf32> to vector<1x16xf32>
        %add3A_444 = arith.addf %add3A_439, %get3A_443 : vector<1x16xf32>
        %swap3A_445 = arith.index_cast %add3A_430 : i32 to index
        %swap3A_446 = arith.constant 32 : index
        %swap3A_447 = tpu.vector_load %arg10[%swap3A_445, %swap3A_446] {strides = array<i32>} : memref<128x64xf32, #tpu.memory_space<vmem>>, vector<1x16xf32>,
        %swap3A_448 = vector.shape_cast %swap3A_447 : vector<1x16xf32> to vector<1x16xf32>
        %swap3A_449 = vector.shape_cast %add3A_444 : vector<1x16xf32> to vector<1x16xf32>
        tpu.vector_store %arg10[%swap3A_445, %swap3A_446], %swap3A_449 {strides = array<i32>} : memref<128x64xf32, #tpu.memory_space<vmem>>, vector<1x16xf32>,
        %add3A_450 = arith.constant 2 : i32
        %add3A_451 = arith.addi %add3A_220, %add3A_450 : i32
        %get3A_452 = arith.index_cast %add3A_451 : i32 to index
        %get3A_453 = arith.constant 48 : index
        %get3A_454 = tpu.vector_load %arg10[%get3A_452, %get3A_453] {strides = array<i32>} : memref<128x64xf32, #tpu.memory_space<vmem>>, vector<1x16xf32>,
        %get3A_455 = vector.shape_cast %get3A_454 : vector<1x16xf32> to vector<1x16xf32>
        %get3A_456 = arith.index_cast %add3A_451 : i32 to index
        %get3A_457 = arith.constant 48 : index
        %get3A_458 = tpu.vector_load %arg6[%get3A_456, %get3A_457] {strides = array<i32>} : memref<128x128xf32, #tpu.memory_space<vmem>>, vector<1x16xf32>,
        %get3A_459 = vector.shape_cast %get3A_458 : vector<1x16xf32> to vector<1x16xf32>
        %add3A_460 = arith.addf %get3A_455, %get3A_459 : vector<1x16xf32>
        %get3A_461 = arith.index_cast %add3A_451 : i32 to index
        %get3A_462 = arith.constant 48 : index
        %get3A_463 = tpu.vector_load %arg7[%get3A_461, %get3A_462] {strides = array<i32>} : memref<128x128xf32, #tpu.memory_space<vmem>>, vector<1x16xf32>,
        %get3A_464 = vector.shape_cast %get3A_463 : vector<1x16xf32> to vector<1x16xf32>
        %add3A_465 = arith.addf %add3A_460, %get3A_464 : vector<1x16xf32>
        %swap3A_466 = arith.index_cast %add3A_451 : i32 to index
        %swap3A_467 = arith.constant 48 : index
        %swap3A_468 = tpu.vector_load %arg10[%swap3A_466, %swap3A_467] {strides = array<i32>} : memref<128x64xf32, #tpu.memory_space<vmem>>, vector<1x16xf32>,
        %swap3A_469 = vector.shape_cast %swap3A_468 : vector<1x16xf32> to vector<1x16xf32>
        %swap3A_470 = vector.shape_cast %add3A_465 : vector<1x16xf32> to vector<1x16xf32>
        tpu.vector_store %arg10[%swap3A_466, %swap3A_467], %swap3A_470 {strides = array<i32>} : memref<128x64xf32, #tpu.memory_space<vmem>>, vector<1x16xf32>,
        %add3A_471 = arith.constant 3 : i32
        %add3A_472 = arith.addi %add3A_220, %add3A_471 : i32
        %get3A_473 = arith.index_cast %add3A_472 : i32 to index
        %get3A_474 = arith.constant 0 : index
        %get3A_475 = tpu.vector_load %arg10[%get3A_473, %get3A_474] {strides = array<i32>} : memref<128x64xf32, #tpu.memory_space<vmem>>, vector<1x16xf32>,
        %get3A_476 = vector.shape_cast %get3A_475 : vector<1x16xf32> to vector<1x16xf32>
        %get3A_477 = arith.index_cast %add3A_472 : i32 to index
        %get3A_478 = arith.constant 0 : index
        %get3A_479 = tpu.vector_load %arg6[%get3A_477, %get3A_478] {strides = array<i32>} : memref<128x128xf32, #tpu.memory_space<vmem>>, vector<1x16xf32>,
        %get3A_480 = vector.shape_cast %get3A_479 : vector<1x16xf32> to vector<1x16xf32>
        %add3A_481 = arith.addf %get3A_476, %get3A_480 : vector<1x16xf32>
        %get3A_482 = arith.index_cast %add3A_472 : i32 to index
        %get3A_483 = arith.constant 0 : index
        %get3A_484 = tpu.vector_load %arg7[%get3A_482, %get3A_483] {strides = array<i32>} : memref<128x128xf32, #tpu.memory_space<vmem>>, vector<1x16xf32>,
        %get3A_485 = vector.shape_cast %get3A_484 : vector<1x16xf32> to vector<1x16xf32>
        %add3A_486 = arith.addf %add3A_481, %get3A_485 : vector<1x16xf32>
        %swap3A_487 = arith.index_cast %add3A_472 : i32 to index
        %swap3A_488 = arith.constant 0 : index
        %swap3A_489 = tpu.vector_load %arg10[%swap3A_487, %swap3A_488] {strides = array<i32>} : memref<128x64xf32, #tpu.memory_space<vmem>>, vector<1x16xf32>,
        %swap3A_490 = vector.shape_cast %swap3A_489 : vector<1x16xf32> to vector<1x16xf32>
        %swap3A_491 = vector.shape_cast %add3A_486 : vector<1x16xf32> to vector<1x16xf32>
        tpu.vector_store %arg10[%swap3A_487, %swap3A_488], %swap3A_491 {strides = array<i32>} : memref<128x64xf32, #tpu.memory_space<vmem>>, vector<1x16xf32>,
        %add3A_492 = arith.constant 3 : i32
        %add3A_493 = arith.addi %add3A_220, %add3A_492 : i32
        %get3A_494 = arith.index_cast %add3A_493 : i32 to index
        %get3A_495 = arith.constant 16 : index
        %get3A_496 = tpu.vector_load %arg10[%get3A_494, %get3A_495] {strides = array<i32>} : memref<128x64xf32, #tpu.memory_space<vmem>>, vector<1x16xf32>,
        %get3A_497 = vector.shape_cast %get3A_496 : vector<1x16xf32> to vector<1x16xf32>
        %get3A_498 = arith.index_cast %add3A_493 : i32 to index
        %get3A_499 = arith.constant 16 : index
        %get3A_500 = tpu.vector_load %arg6[%get3A_498, %get3A_499] {strides = array<i32>} : memref<128x128xf32, #tpu.memory_space<vmem>>, vector<1x16xf32>,
        %get3A_501 = vector.shape_cast %get3A_500 : vector<1x16xf32> to vector<1x16xf32>
        %add3A_502 = arith.addf %get3A_497, %get3A_501 : vector<1x16xf32>
        %get3A_503 = arith.index_cast %add3A_493 : i32 to index
        %get3A_504 = arith.constant 16 : index
        %get3A_505 = tpu.vector_load %arg7[%get3A_503, %get3A_504] {strides = array<i32>} : memref<128x128xf32, #tpu.memory_space<vmem>>, vector<1x16xf32>,
        %get3A_506 = vector.shape_cast %get3A_505 : vector<1x16xf32> to vector<1x16xf32>
        %add3A_507 = arith.addf %add3A_502, %get3A_506 : vector<1x16xf32>
        %swap3A_508 = arith.index_cast %add3A_493 : i32 to index
        %swap3A_509 = arith.constant 16 : index
        %swap3A_510 = tpu.vector_load %arg10[%swap3A_508, %swap3A_509] {strides = array<i32>} : memref<128x64xf32, #tpu.memory_space<vmem>>, vector<1x16xf32>,
        %swap3A_511 = vector.shape_cast %swap3A_510 : vector<1x16xf32> to vector<1x16xf32>
        %swap3A_512 = vector.shape_cast %add3A_507 : vector<1x16xf32> to vector<1x16xf32>
        tpu.vector_store %arg10[%swap3A_508, %swap3A_509], %swap3A_512 {strides = array<i32>} : memref<128x64xf32, #tpu.memory_space<vmem>>, vector<1x16xf32>,
        %add3A_513 = arith.constant 3 : i32
        %add3A_514 = arith.addi %add3A_220, %add3A_513 : i32
        %get3A_515 = arith.index_cast %add3A_514 : i32 to index
        %get3A_516 = arith.constant 32 : index
        %get3A_517 = tpu.vector_load %arg10[%get3A_515, %get3A_516] {strides = array<i32>} : memref<128x64xf32, #tpu.memory_space<vmem>>, vector<1x16xf32>,
        %get3A_518 = vector.shape_cast %get3A_517 : vector<1x16xf32> to vector<1x16xf32>
        %get3A_519 = arith.index_cast %add3A_514 : i32 to index
        %get3A_520 = arith.constant 32 : index
        %get3A_521 = tpu.vector_load %arg6[%get3A_519, %get3A_520] {strides = array<i32>} : memref<128x128xf32, #tpu.memory_space<vmem>>, vector<1x16xf32>,
        %get3A_522 = vector.shape_cast %get3A_521 : vector<1x16xf32> to vector<1x16xf32>
        %add3A_523 = arith.addf %get3A_518, %get3A_522 : vector<1x16xf32>
        %get3A_524 = arith.index_cast %add3A_514 : i32 to index
        %get3A_525 = arith.constant 32 : index
        %get3A_526 = tpu.vector_load %arg7[%get3A_524, %get3A_525] {strides = array<i32>} : memref<128x128xf32, #tpu.memory_space<vmem>>, vector<1x16xf32>,
        %get3A_527 = vector.shape_cast %get3A_526 : vector<1x16xf32> to vector<1x16xf32>
        %add3A_528 = arith.addf %add3A_523, %get3A_527 : vector<1x16xf32>
        %swap3A_529 = arith.index_cast %add3A_514 : i32 to index
        %swap3A_530 = arith.constant 32 : index
        %swap3A_531 = tpu.vector_load %arg10[%swap3A_529, %swap3A_530] {strides = array<i32>} : memref<128x64xf32, #tpu.memory_space<vmem>>, vector<1x16xf32>,
        %swap3A_532 = vector.shape_cast %swap3A_531 : vector<1x16xf32> to vector<1x16xf32>
        %swap3A_533 = vector.shape_cast %add3A_528 : vector<1x16xf32> to vector<1x16xf32>
        tpu.vector_store %arg10[%swap3A_529, %swap3A_530], %swap3A_533 {strides = array<i32>} : memref<128x64xf32, #tpu.memory_space<vmem>>, vector<1x16xf32>,
        %add3A_534 = arith.constant 3 : i32
        %add3A_535 = arith.addi %add3A_220, %add3A_534 : i32
        %get3A_536 = arith.index_cast %add3A_535 : i32 to index
        %get3A_537 = arith.constant 48 : index
        %get3A_538 = tpu.vector_load %arg10[%get3A_536, %get3A_537] {strides = array<i32>} : memref<128x64xf32, #tpu.memory_space<vmem>>, vector<1x16xf32>,
        %get3A_539 = vector.shape_cast %get3A_538 : vector<1x16xf32> to vector<1x16xf32>
        %get3A_540 = arith.index_cast %add3A_535 : i32 to index
        %get3A_541 = arith.constant 48 : index
        %get3A_542 = tpu.vector_load %arg6[%get3A_540, %get3A_541] {strides = array<i32>} : memref<128x128xf32, #tpu.memory_space<vmem>>, vector<1x16xf32>,
        %get3A_543 = vector.shape_cast %get3A_542 : vector<1x16xf32> to vector<1x16xf32>
        %add3A_544 = arith.addf %get3A_539, %get3A_543 : vector<1x16xf32>
        %get3A_545 = arith.index_cast %add3A_535 : i32 to index
        %get3A_546 = arith.constant 48 : index
        %get3A_547 = tpu.vector_load %arg7[%get3A_545, %get3A_546] {strides = array<i32>} : memref<128x128xf32, #tpu.memory_space<vmem>>, vector<1x16xf32>,
        %get3A_548 = vector.shape_cast %get3A_547 : vector<1x16xf32> to vector<1x16xf32>
        %add3A_549 = arith.addf %add3A_544, %get3A_548 : vector<1x16xf32>
        %swap3A_550 = arith.index_cast %add3A_535 : i32 to index
        %swap3A_551 = arith.constant 48 : index
        %swap3A_552 = tpu.vector_load %arg10[%swap3A_550, %swap3A_551] {strides = array<i32>} : memref<128x64xf32, #tpu.memory_space<vmem>>, vector<1x16xf32>,
        %swap3A_553 = vector.shape_cast %swap3A_552 : vector<1x16xf32> to vector<1x16xf32>
        %swap3A_554 = vector.shape_cast %add3A_549 : vector<1x16xf32> to vector<1x16xf32>
        tpu.vector_store %arg10[%swap3A_550, %swap3A_551], %swap3A_554 {strides = array<i32>} : memref<128x64xf32, #tpu.memory_space<vmem>>, vector<1x16xf32>,
        %add3A_555 = arith.constant 4 : i32
        %add3A_556 = arith.addi %add3A_220, %add3A_555 : i32
        %get3A_557 = arith.index_cast %add3A_556 : i32 to index
        %get3A_558 = arith.constant 0 : index
        %get3A_559 = tpu.vector_load %arg10[%get3A_557, %get3A_558] {strides = array<i32>} : memref<128x64xf32, #tpu.memory_space<vmem>>, vector<1x16xf32>,
        %get3A_560 = vector.shape_cast %get3A_559 : vector<1x16xf32> to vector<1x16xf32>
        %get3A_561 = arith.index_cast %add3A_556 : i32 to index
        %get3A_562 = arith.constant 0 : index
        %get3A_563 = tpu.vector_load %arg6[%get3A_561, %get3A_562] {strides = array<i32>} : memref<128x128xf32, #tpu.memory_space<vmem>>, vector<1x16xf32>,
        %get3A_564 = vector.shape_cast %get3A_563 : vector<1x16xf32> to vector<1x16xf32>
        %add3A_565 = arith.addf %get3A_560, %get3A_564 : vector<1x16xf32>
        %get3A_566 = arith.index_cast %add3A_556 : i32 to index
        %get3A_567 = arith.constant 0 : index
        %get3A_568 = tpu.vector_load %arg7[%get3A_566, %get3A_567] {strides = array<i32>} : memref<128x128xf32, #tpu.memory_space<vmem>>, vector<1x16xf32>,
        %get3A_569 = vector.shape_cast %get3A_568 : vector<1x16xf32> to vector<1x16xf32>
        %add3A_570 = arith.addf %add3A_565, %get3A_569 : vector<1x16xf32>
        %swap3A_571 = arith.index_cast %add3A_556 : i32 to index
        %swap3A_572 = arith.constant 0 : index
        %swap3A_573 = tpu.vector_load %arg10[%swap3A_571, %swap3A_572] {strides = array<i32>} : memref<128x64xf32, #tpu.memory_space<vmem>>, vector<1x16xf32>,
        %swap3A_574 = vector.shape_cast %swap3A_573 : vector<1x16xf32> to vector<1x16xf32>
        %swap3A_575 = vector.shape_cast %add3A_570 : vector<1x16xf32> to vector<1x16xf32>
        tpu.vector_store %arg10[%swap3A_571, %swap3A_572], %swap3A_575 {strides = array<i32>} : memref<128x64xf32, #tpu.memory_space<vmem>>, vector<1x16xf32>,
        %add3A_576 = arith.constant 4 : i32
        %add3A_577 = arith.addi %add3A_220, %add3A_576 : i32
        %get3A_578 = arith.index_cast %add3A_577 : i32 to index
        %get3A_579 = arith.constant 16 : index
        %get3A_580 = tpu.vector_load %arg10[%get3A_578, %get3A_579] {strides = array<i32>} : memref<128x64xf32, #tpu.memory_space<vmem>>, vector<1x16xf32>,
        %get3A_581 = vector.shape_cast %get3A_580 : vector<1x16xf32> to vector<1x16xf32>
        %get3A_582 = arith.index_cast %add3A_577 : i32 to index
        %get3A_583 = arith.constant 16 : index
        %get3A_584 = tpu.vector_load %arg6[%get3A_582, %get3A_583] {strides = array<i32>} : memref<128x128xf32, #tpu.memory_space<vmem>>, vector<1x16xf32>,
        %get3A_585 = vector.shape_cast %get3A_584 : vector<1x16xf32> to vector<1x16xf32>
        %add3A_586 = arith.addf %get3A_581, %get3A_585 : vector<1x16xf32>
        %get3A_587 = arith.index_cast %add3A_577 : i32 to index
        %get3A_588 = arith.constant 16 : index
        %get3A_589 = tpu.vector_load %arg7[%get3A_587, %get3A_588] {strides = array<i32>} : memref<128x128xf32, #tpu.memory_space<vmem>>, vector<1x16xf32>,
        %get3A_590 = vector.shape_cast %get3A_589 : vector<1x16xf32> to vector<1x16xf32>
        %add3A_591 = arith.addf %add3A_586, %get3A_590 : vector<1x16xf32>
        %swap3A_592 = arith.index_cast %add3A_577 : i32 to index
        %swap3A_593 = arith.constant 16 : index
        %swap3A_594 = tpu.vector_load %arg10[%swap3A_592, %swap3A_593] {strides = array<i32>} : memref<128x64xf32, #tpu.memory_space<vmem>>, vector<1x16xf32>,
        %swap3A_595 = vector.shape_cast %swap3A_594 : vector<1x16xf32> to vector<1x16xf32>
        %swap3A_596 = vector.shape_cast %add3A_591 : vector<1x16xf32> to vector<1x16xf32>
        tpu.vector_store %arg10[%swap3A_592, %swap3A_593], %swap3A_596 {strides = array<i32>} : memref<128x64xf32, #tpu.memory_space<vmem>>, vector<1x16xf32>,
        %add3A_597 = arith.constant 4 : i32
        %add3A_598 = arith.addi %add3A_220, %add3A_597 : i32
        %get3A_599 = arith.index_cast %add3A_598 : i32 to index
        %get3A_600 = arith.constant 32 : index
        %get3A_601 = tpu.vector_load %arg10[%get3A_599, %get3A_600] {strides = array<i32>} : memref<128x64xf32, #tpu.memory_space<vmem>>, vector<1x16xf32>,
        %get3A_602 = vector.shape_cast %get3A_601 : vector<1x16xf32> to vector<1x16xf32>
        %get3A_603 = arith.index_cast %add3A_598 : i32 to index
        %get3A_604 = arith.constant 32 : index
        %get3A_605 = tpu.vector_load %arg6[%get3A_603, %get3A_604] {strides = array<i32>} : memref<128x128xf32, #tpu.memory_space<vmem>>, vector<1x16xf32>,
        %get3A_606 = vector.shape_cast %get3A_605 : vector<1x16xf32> to vector<1x16xf32>
        %add3A_607 = arith.addf %get3A_602, %get3A_606 : vector<1x16xf32>
        %get3A_608 = arith.index_cast %add3A_598 : i32 to index
        %get3A_609 = arith.constant 32 : index
        %get3A_610 = tpu.vector_load %arg7[%get3A_608, %get3A_609] {strides = array<i32>} : memref<128x128xf32, #tpu.memory_space<vmem>>, vector<1x16xf32>,
        %get3A_611 = vector.shape_cast %get3A_610 : vector<1x16xf32> to vector<1x16xf32>
        %add3A_612 = arith.addf %add3A_607, %get3A_611 : vector<1x16xf32>
        %swap3A_613 = arith.index_cast %add3A_598 : i32 to index
        %swap3A_614 = arith.constant 32 : index
        %swap3A_615 = tpu.vector_load %arg10[%swap3A_613, %swap3A_614] {strides = array<i32>} : memref<128x64xf32, #tpu.memory_space<vmem>>, vector<1x16xf32>,
        %swap3A_616 = vector.shape_cast %swap3A_615 : vector<1x16xf32> to vector<1x16xf32>
        %swap3A_617 = vector.shape_cast %add3A_612 : vector<1x16xf32> to vector<1x16xf32>
        tpu.vector_store %arg10[%swap3A_613, %swap3A_614], %swap3A_617 {strides = array<i32>} : memref<128x64xf32, #tpu.memory_space<vmem>>, vector<1x16xf32>,
        %add3A_618 = arith.constant 4 : i32
        %add3A_619 = arith.addi %add3A_220, %add3A_618 : i32
        %get3A_620 = arith.index_cast %add3A_619 : i32 to index
        %get3A_621 = arith.constant 48 : index
        %get3A_622 = tpu.vector_load %arg10[%get3A_620, %get3A_621] {strides = array<i32>} : memref<128x64xf32, #tpu.memory_space<vmem>>, vector<1x16xf32>,
        %get3A_623 = vector.shape_cast %get3A_622 : vector<1x16xf32> to vector<1x16xf32>
        %get3A_624 = arith.index_cast %add3A_619 : i32 to index
        %get3A_625 = arith.constant 48 : index
        %get3A_626 = tpu.vector_load %arg6[%get3A_624, %get3A_625] {strides = array<i32>} : memref<128x128xf32, #tpu.memory_space<vmem>>, vector<1x16xf32>,
        %get3A_627 = vector.shape_cast %get3A_626 : vector<1x16xf32> to vector<1x16xf32>
        %add3A_628 = arith.addf %get3A_623, %get3A_627 : vector<1x16xf32>
        %get3A_629 = arith.index_cast %add3A_619 : i32 to index
        %get3A_630 = arith.constant 48 : index
        %get3A_631 = tpu.vector_load %arg7[%get3A_629, %get3A_630] {strides = array<i32>} : memref<128x128xf32, #tpu.memory_space<vmem>>, vector<1x16xf32>,
        %get3A_632 = vector.shape_cast %get3A_631 : vector<1x16xf32> to vector<1x16xf32>
        %add3A_633 = arith.addf %add3A_628, %get3A_632 : vector<1x16xf32>
        %swap3A_634 = arith.index_cast %add3A_619 : i32 to index
        %swap3A_635 = arith.constant 48 : index
        %swap3A_636 = tpu.vector_load %arg10[%swap3A_634, %swap3A_635] {strides = array<i32>} : memref<128x64xf32, #tpu.memory_space<vmem>>, vector<1x16xf32>,
        %swap3A_637 = vector.shape_cast %swap3A_636 : vector<1x16xf32> to vector<1x16xf32>
        %swap3A_638 = vector.shape_cast %add3A_633 : vector<1x16xf32> to vector<1x16xf32>
        tpu.vector_store %arg10[%swap3A_634, %swap3A_635], %swap3A_638 {strides = array<i32>} : memref<128x64xf32, #tpu.memory_space<vmem>>, vector<1x16xf32>,
        %add3A_639 = arith.constant 5 : i32
        %add3A_640 = arith.addi %add3A_220, %add3A_639 : i32
        %get3A_641 = arith.index_cast %add3A_640 : i32 to index
        %get3A_642 = arith.constant 0 : index
        %get3A_643 = tpu.vector_load %arg10[%get3A_641, %get3A_642] {strides = array<i32>} : memref<128x64xf32, #tpu.memory_space<vmem>>, vector<1x16xf32>,
        %get3A_644 = vector.shape_cast %get3A_643 : vector<1x16xf32> to vector<1x16xf32>
        %get3A_645 = arith.index_cast %add3A_640 : i32 to index
        %get3A_646 = arith.constant 0 : index
        %get3A_647 = tpu.vector_load %arg6[%get3A_645, %get3A_646] {strides = array<i32>} : memref<128x128xf32, #tpu.memory_space<vmem>>, vector<1x16xf32>,
        %get3A_648 = vector.shape_cast %get3A_647 : vector<1x16xf32> to vector<1x16xf32>
        %add3A_649 = arith.addf %get3A_644, %get3A_648 : vector<1x16xf32>
        %get3A_650 = arith.index_cast %add3A_640 : i32 to index
        %get3A_651 = arith.constant 0 : index
        %get3A_652 = tpu.vector_load %arg7[%get3A_650, %get3A_651] {strides = array<i32>} : memref<128x128xf32, #tpu.memory_space<vmem>>, vector<1x16xf32>,
        %get3A_653 = vector.shape_cast %get3A_652 : vector<1x16xf32> to vector<1x16xf32>
        %add3A_654 = arith.addf %add3A_649, %get3A_653 : vector<1x16xf32>
        %swap3A_655 = arith.index_cast %add3A_640 : i32 to index
        %swap3A_656 = arith.constant 0 : index
        %swap3A_657 = tpu.vector_load %arg10[%swap3A_655, %swap3A_656] {strides = array<i32>} : memref<128x64xf32, #tpu.memory_space<vmem>>, vector<1x16xf32>,
        %swap3A_658 = vector.shape_cast %swap3A_657 : vector<1x16xf32> to vector<1x16xf32>
        %swap3A_659 = vector.shape_cast %add3A_654 : vector<1x16xf32> to vector<1x16xf32>
        tpu.vector_store %arg10[%swap3A_655, %swap3A_656], %swap3A_659 {strides = array<i32>} : memref<128x64xf32, #tpu.memory_space<vmem>>, vector<1x16xf32>,
        %add3A_660 = arith.constant 5 : i32
        %add3A_661 = arith.addi %add3A_220, %add3A_660 : i32
        %get3A_662 = arith.index_cast %add3A_661 : i32 to index
        %get3A_663 = arith.constant 16 : index
        %get3A_664 = tpu.vector_load %arg10[%get3A_662, %get3A_663] {strides = array<i32>} : memref<128x64xf32, #tpu.memory_space<vmem>>, vector<1x16xf32>,
        %get3A_665 = vector.shape_cast %get3A_664 : vector<1x16xf32> to vector<1x16xf32>
        %get3A_666 = arith.index_cast %add3A_661 : i32 to index
        %get3A_667 = arith.constant 16 : index
        %get3A_668 = tpu.vector_load %arg6[%get3A_666, %get3A_667] {strides = array<i32>} : memref<128x128xf32, #tpu.memory_space<vmem>>, vector<1x16xf32>,
        %get3A_669 = vector.shape_cast %get3A_668 : vector<1x16xf32> to vector<1x16xf32>
        %add3A_670 = arith.addf %get3A_665, %get3A_669 : vector<1x16xf32>
        %get3A_671 = arith.index_cast %add3A_661 : i32 to index
        %get3A_672 = arith.constant 16 : index
        %get3A_673 = tpu.vector_load %arg7[%get3A_671, %get3A_672] {strides = array<i32>} : memref<128x128xf32, #tpu.memory_space<vmem>>, vector<1x16xf32>,
        %get3A_674 = vector.shape_cast %get3A_673 : vector<1x16xf32> to vector<1x16xf32>
        %add3A_675 = arith.addf %add3A_670, %get3A_674 : vector<1x16xf32>
        %swap3A_676 = arith.index_cast %add3A_661 : i32 to index
        %swap3A_677 = arith.constant 16 : index
        %swap3A_678 = tpu.vector_load %arg10[%swap3A_676, %swap3A_677] {strides = array<i32>} : memref<128x64xf32, #tpu.memory_space<vmem>>, vector<1x16xf32>,
        %swap3A_679 = vector.shape_cast %swap3A_678 : vector<1x16xf32> to vector<1x16xf32>
        %swap3A_680 = vector.shape_cast %add3A_675 : vector<1x16xf32> to vector<1x16xf32>
        tpu.vector_store %arg10[%swap3A_676, %swap3A_677], %swap3A_680 {strides = array<i32>} : memref<128x64xf32, #tpu.memory_space<vmem>>, vector<1x16xf32>,
        %add3A_681 = arith.constant 5 : i32
        %add3A_682 = arith.addi %add3A_220, %add3A_681 : i32
        %get3A_683 = arith.index_cast %add3A_682 : i32 to index
        %get3A_684 = arith.constant 32 : index
        %get3A_685 = tpu.vector_load %arg10[%get3A_683, %get3A_684] {strides = array<i32>} : memref<128x64xf32, #tpu.memory_space<vmem>>, vector<1x16xf32>,
        %get3A_686 = vector.shape_cast %get3A_685 : vector<1x16xf32> to vector<1x16xf32>
        %get3A_687 = arith.index_cast %add3A_682 : i32 to index
        %get3A_688 = arith.constant 32 : index
        %get3A_689 = tpu.vector_load %arg6[%get3A_687, %get3A_688] {strides = array<i32>} : memref<128x128xf32, #tpu.memory_space<vmem>>, vector<1x16xf32>,
        %get3A_690 = vector.shape_cast %get3A_689 : vector<1x16xf32> to vector<1x16xf32>
        %add3A_691 = arith.addf %get3A_686, %get3A_690 : vector<1x16xf32>
        %get3A_692 = arith.index_cast %add3A_682 : i32 to index
        %get3A_693 = arith.constant 32 : index
        %get3A_694 = tpu.vector_load %arg7[%get3A_692, %get3A_693] {strides = array<i32>} : memref<128x128xf32, #tpu.memory_space<vmem>>, vector<1x16xf32>,
        %get3A_695 = vector.shape_cast %get3A_694 : vector<1x16xf32> to vector<1x16xf32>
        %add3A_696 = arith.addf %add3A_691, %get3A_695 : vector<1x16xf32>
        %swap3A_697 = arith.index_cast %add3A_682 : i32 to index
        %swap3A_698 = arith.constant 32 : index
        %swap3A_699 = tpu.vector_load %arg10[%swap3A_697, %swap3A_698] {strides = array<i32>} : memref<128x64xf32, #tpu.memory_space<vmem>>, vector<1x16xf32>,
        %swap3A_700 = vector.shape_cast %swap3A_699 : vector<1x16xf32> to vector<1x16xf32>
        %swap3A_701 = vector.shape_cast %add3A_696 : vector<1x16xf32> to vector<1x16xf32>
        tpu.vector_store %arg10[%swap3A_697, %swap3A_698], %swap3A_701 {strides = array<i32>} : memref<128x64xf32, #tpu.memory_space<vmem>>, vector<1x16xf32>,
        %add3A_702 = arith.constant 5 : i32
        %add3A_703 = arith.addi %add3A_220, %add3A_702 : i32
        %get3A_704 = arith.index_cast %add3A_703 : i32 to index
        %get3A_705 = arith.constant 48 : index
        %get3A_706 = tpu.vector_load %arg10[%get3A_704, %get3A_705] {strides = array<i32>} : memref<128x64xf32, #tpu.memory_space<vmem>>, vector<1x16xf32>,
        %get3A_707 = vector.shape_cast %get3A_706 : vector<1x16xf32> to vector<1x16xf32>
        %get3A_708 = arith.index_cast %add3A_703 : i32 to index
        %get3A_709 = arith.constant 48 : index
        %get3A_710 = tpu.vector_load %arg6[%get3A_708, %get3A_709] {strides = array<i32>} : memref<128x128xf32, #tpu.memory_space<vmem>>, vector<1x16xf32>,
        %get3A_711 = vector.shape_cast %get3A_710 : vector<1x16xf32> to vector<1x16xf32>
        %add3A_712 = arith.addf %get3A_707, %get3A_711 : vector<1x16xf32>
        %get3A_713 = arith.index_cast %add3A_703 : i32 to index
        %get3A_714 = arith.constant 48 : index
        %get3A_715 = tpu.vector_load %arg7[%get3A_713, %get3A_714] {strides = array<i32>} : memref<128x128xf32, #tpu.memory_space<vmem>>, vector<1x16xf32>,
        %get3A_716 = vector.shape_cast %get3A_715 : vector<1x16xf32> to vector<1x16xf32>
        %add3A_717 = arith.addf %add3A_712, %get3A_716 : vector<1x16xf32>
        %swap3A_718 = arith.index_cast %add3A_703 : i32 to index
        %swap3A_719 = arith.constant 48 : index
        %swap3A_720 = tpu.vector_load %arg10[%swap3A_718, %swap3A_719] {strides = array<i32>} : memref<128x64xf32, #tpu.memory_space<vmem>>, vector<1x16xf32>,
        %swap3A_721 = vector.shape_cast %swap3A_720 : vector<1x16xf32> to vector<1x16xf32>
        %swap3A_722 = vector.shape_cast %add3A_717 : vector<1x16xf32> to vector<1x16xf32>
        tpu.vector_store %arg10[%swap3A_718, %swap3A_719], %swap3A_722 {strides = array<i32>} : memref<128x64xf32, #tpu.memory_space<vmem>>, vector<1x16xf32>,
        %add3A_723 = arith.constant 6 : i32
        %add3A_724 = arith.addi %add3A_220, %add3A_723 : i32
        %get3A_725 = arith.index_cast %add3A_724 : i32 to index
        %get3A_726 = arith.constant 0 : index
        %get3A_727 = tpu.vector_load %arg10[%get3A_725, %get3A_726] {strides = array<i32>} : memref<128x64xf32, #tpu.memory_space<vmem>>, vector<1x16xf32>,
        %get3A_728 = vector.shape_cast %get3A_727 : vector<1x16xf32> to vector<1x16xf32>
        %get3A_729 = arith.index_cast %add3A_724 : i32 to index
        %get3A_730 = arith.constant 0 : index
        %get3A_731 = tpu.vector_load %arg6[%get3A_729, %get3A_730] {strides = array<i32>} : memref<128x128xf32, #tpu.memory_space<vmem>>, vector<1x16xf32>,
        %get3A_732 = vector.shape_cast %get3A_731 : vector<1x16xf32> to vector<1x16xf32>
        %add3A_733 = arith.addf %get3A_728, %get3A_732 : vector<1x16xf32>
        %get3A_734 = arith.index_cast %add3A_724 : i32 to index
        %get3A_735 = arith.constant 0 : index
        %get3A_736 = tpu.vector_load %arg7[%get3A_734, %get3A_735] {strides = array<i32>} : memref<128x128xf32, #tpu.memory_space<vmem>>, vector<1x16xf32>,
        %get3A_737 = vector.shape_cast %get3A_736 : vector<1x16xf32> to vector<1x16xf32>
        %add3A_738 = arith.addf %add3A_733, %get3A_737 : vector<1x16xf32>
        %swap3A_739 = arith.index_cast %add3A_724 : i32 to index
        %swap3A_740 = arith.constant 0 : index
        %swap3A_741 = tpu.vector_load %arg10[%swap3A_739, %swap3A_740] {strides = array<i32>} : memref<128x64xf32, #tpu.memory_space<vmem>>, vector<1x16xf32>,
        %swap3A_742 = vector.shape_cast %swap3A_741 : vector<1x16xf32> to vector<1x16xf32>
        %swap3A_743 = vector.shape_cast %add3A_738 : vector<1x16xf32> to vector<1x16xf32>
        tpu.vector_store %arg10[%swap3A_739, %swap3A_740], %swap3A_743 {strides = array<i32>} : memref<128x64xf32, #tpu.memory_space<vmem>>, vector<1x16xf32>,
        %add3A_744 = arith.constant 6 : i32
        %add3A_745 = arith.addi %add3A_220, %add3A_744 : i32
        %get3A_746 = arith.index_cast %add3A_745 : i32 to index
        %get3A_747 = arith.constant 16 : index
        %get3A_748 = tpu.vector_load %arg10[%get3A_746, %get3A_747] {strides = array<i32>} : memref<128x64xf32, #tpu.memory_space<vmem>>, vector<1x16xf32>,
        %get3A_749 = vector.shape_cast %get3A_748 : vector<1x16xf32> to vector<1x16xf32>
        %get3A_750 = arith.index_cast %add3A_745 : i32 to index
        %get3A_751 = arith.constant 16 : index
        %get3A_752 = tpu.vector_load %arg6[%get3A_750, %get3A_751] {strides = array<i32>} : memref<128x128xf32, #tpu.memory_space<vmem>>, vector<1x16xf32>,
        %get3A_753 = vector.shape_cast %get3A_752 : vector<1x16xf32> to vector<1x16xf32>
        %add3A_754 = arith.addf %get3A_749, %get3A_753 : vector<1x16xf32>
        %get3A_755 = arith.index_cast %add3A_745 : i32 to index
        %get3A_756 = arith.constant 16 : index
        %get3A_757 = tpu.vector_load %arg7[%get3A_755, %get3A_756] {strides = array<i32>} : memref<128x128xf32, #tpu.memory_space<vmem>>, vector<1x16xf32>,
        %get3A_758 = vector.shape_cast %get3A_757 : vector<1x16xf32> to vector<1x16xf32>
        %add3A_759 = arith.addf %add3A_754, %get3A_758 : vector<1x16xf32>
        %swap3A_760 = arith.index_cast %add3A_745 : i32 to index
        %swap3A_761 = arith.constant 16 : index
        %swap3A_762 = tpu.vector_load %arg10[%swap3A_760, %swap3A_761] {strides = array<i32>} : memref<128x64xf32, #tpu.memory_space<vmem>>, vector<1x16xf32>,
        %swap3A_763 = vector.shape_cast %swap3A_762 : vector<1x16xf32> to vector<1x16xf32>
        %swap3A_764 = vector.shape_cast %add3A_759 : vector<1x16xf32> to vector<1x16xf32>
        tpu.vector_store %arg10[%swap3A_760, %swap3A_761], %swap3A_764 {strides = array<i32>} : memref<128x64xf32, #tpu.memory_space<vmem>>, vector<1x16xf32>,
        %add3A_765 = arith.constant 6 : i32
        %add3A_766 = arith.addi %add3A_220, %add3A_765 : i32
        %get3A_767 = arith.index_cast %add3A_766 : i32 to index
        %get3A_768 = arith.constant 32 : index
        %get3A_769 = tpu.vector_load %arg10[%get3A_767, %get3A_768] {strides = array<i32>} : memref<128x64xf32, #tpu.memory_space<vmem>>, vector<1x16xf32>,
        %get3A_770 = vector.shape_cast %get3A_769 : vector<1x16xf32> to vector<1x16xf32>
        %get3A_771 = arith.index_cast %add3A_766 : i32 to index
        %get3A_772 = arith.constant 32 : index
        %get3A_773 = tpu.vector_load %arg6[%get3A_771, %get3A_772] {strides = array<i32>} : memref<128x128xf32, #tpu.memory_space<vmem>>, vector<1x16xf32>,
        %get3A_774 = vector.shape_cast %get3A_773 : vector<1x16xf32> to vector<1x16xf32>
        %add3A_775 = arith.addf %get3A_770, %get3A_774 : vector<1x16xf32>
        %get3A_776 = arith.index_cast %add3A_766 : i32 to index
        %get3A_777 = arith.constant 32 : index
        %get3A_778 = tpu.vector_load %arg7[%get3A_776, %get3A_777] {strides = array<i32>} : memref<128x128xf32, #tpu.memory_space<vmem>>, vector<1x16xf32>,
        %get3A_779 = vector.shape_cast %get3A_778 : vector<1x16xf32> to vector<1x16xf32>
        %add3A_780 = arith.addf %add3A_775, %get3A_779 : vector<1x16xf32>
        %swap3A_781 = arith.index_cast %add3A_766 : i32 to index
        %swap3A_782 = arith.constant 32 : index
        %swap3A_783 = tpu.vector_load %arg10[%swap3A_781, %swap3A_782] {strides = array<i32>} : memref<128x64xf32, #tpu.memory_space<vmem>>, vector<1x16xf32>,
        %swap3A_784 = vector.shape_cast %swap3A_783 : vector<1x16xf32> to vector<1x16xf32>
        %swap3A_785 = vector.shape_cast %add3A_780 : vector<1x16xf32> to vector<1x16xf32>
        tpu.vector_store %arg10[%swap3A_781, %swap3A_782], %swap3A_785 {strides = array<i32>} : memref<128x64xf32, #tpu.memory_space<vmem>>, vector<1x16xf32>,
        %add3A_786 = arith.constant 6 : i32
        %add3A_787 = arith.addi %add3A_220, %add3A_786 : i32
        %get3A_788 = arith.index_cast %add3A_787 : i32 to index
        %get3A_789 = arith.constant 48 : index
        %get3A_790 = tpu.vector_load %arg10[%get3A_788, %get3A_789] {strides = array<i32>} : memref<128x64xf32, #tpu.memory_space<vmem>>, vector<1x16xf32>,
        %get3A_791 = vector.shape_cast %get3A_790 : vector<1x16xf32> to vector<1x16xf32>
        %get3A_792 = arith.index_cast %add3A_787 : i32 to index
        %get3A_793 = arith.constant 48 : index
        %get3A_794 = tpu.vector_load %arg6[%get3A_792, %get3A_793] {strides = array<i32>} : memref<128x128xf32, #tpu.memory_space<vmem>>, vector<1x16xf32>,
        %get3A_795 = vector.shape_cast %get3A_794 : vector<1x16xf32> to vector<1x16xf32>
        %add3A_796 = arith.addf %get3A_791, %get3A_795 : vector<1x16xf32>
        %get3A_797 = arith.index_cast %add3A_787 : i32 to index
        %get3A_798 = arith.constant 48 : index
        %get3A_799 = tpu.vector_load %arg7[%get3A_797, %get3A_798] {strides = array<i32>} : memref<128x128xf32, #tpu.memory_space<vmem>>, vector<1x16xf32>,
        %get3A_800 = vector.shape_cast %get3A_799 : vector<1x16xf32> to vector<1x16xf32>
        %add3A_801 = arith.addf %add3A_796, %get3A_800 : vector<1x16xf32>
        %swap3A_802 = arith.index_cast %add3A_787 : i32 to index
        %swap3A_803 = arith.constant 48 : index
        %swap3A_804 = tpu.vector_load %arg10[%swap3A_802, %swap3A_803] {strides = array<i32>} : memref<128x64xf32, #tpu.memory_space<vmem>>, vector<1x16xf32>,
        %swap3A_805 = vector.shape_cast %swap3A_804 : vector<1x16xf32> to vector<1x16xf32>
        %swap3A_806 = vector.shape_cast %add3A_801 : vector<1x16xf32> to vector<1x16xf32>
        tpu.vector_store %arg10[%swap3A_802, %swap3A_803], %swap3A_806 {strides = array<i32>} : memref<128x64xf32, #tpu.memory_space<vmem>>, vector<1x16xf32>,
        %add3A_807 = arith.constant 7 : i32
        %add3A_808 = arith.addi %add3A_220, %add3A_807 : i32
        %get3A_809 = arith.index_cast %add3A_808 : i32 to index
        %get3A_810 = arith.constant 0 : index
        %get3A_811 = tpu.vector_load %arg10[%get3A_809, %get3A_810] {strides = array<i32>} : memref<128x64xf32, #tpu.memory_space<vmem>>, vector<1x16xf32>,
        %get3A_812 = vector.shape_cast %get3A_811 : vector<1x16xf32> to vector<1x16xf32>
        %get3A_813 = arith.index_cast %add3A_808 : i32 to index
        %get3A_814 = arith.constant 0 : index
        %get3A_815 = tpu.vector_load %arg6[%get3A_813, %get3A_814] {strides = array<i32>} : memref<128x128xf32, #tpu.memory_space<vmem>>, vector<1x16xf32>,
        %get3A_816 = vector.shape_cast %get3A_815 : vector<1x16xf32> to vector<1x16xf32>
        %add3A_817 = arith.addf %get3A_812, %get3A_816 : vector<1x16xf32>
        %get3A_818 = arith.index_cast %add3A_808 : i32 to index
        %get3A_819 = arith.constant 0 : index
        %get3A_820 = tpu.vector_load %arg7[%get3A_818, %get3A_819] {strides = array<i32>} : memref<128x128xf32, #tpu.memory_space<vmem>>, vector<1x16xf32>,
        %get3A_821 = vector.shape_cast %get3A_820 : vector<1x16xf32> to vector<1x16xf32>
        %add3A_822 = arith.addf %add3A_817, %get3A_821 : vector<1x16xf32>
        %swap3A_823 = arith.index_cast %add3A_808 : i32 to index
        %swap3A_824 = arith.constant 0 : index
        %swap3A_825 = tpu.vector_load %arg10[%swap3A_823, %swap3A_824] {strides = array<i32>} : memref<128x64xf32, #tpu.memory_space<vmem>>, vector<1x16xf32>,
        %swap3A_826 = vector.shape_cast %swap3A_825 : vector<1x16xf32> to vector<1x16xf32>
        %swap3A_827 = vector.shape_cast %add3A_822 : vector<1x16xf32> to vector<1x16xf32>
        tpu.vector_store %arg10[%swap3A_823, %swap3A_824], %swap3A_827 {strides = array<i32>} : memref<128x64xf32, #tpu.memory_space<vmem>>, vector<1x16xf32>,
        %add3A_828 = arith.constant 7 : i32
        %add3A_829 = arith.addi %add3A_220, %add3A_828 : i32
        %get3A_830 = arith.index_cast %add3A_829 : i32 to index
        %get3A_831 = arith.constant 16 : index
        %get3A_832 = tpu.vector_load %arg10[%get3A_830, %get3A_831] {strides = array<i32>} : memref<128x64xf32, #tpu.memory_space<vmem>>, vector<1x16xf32>,
        %get3A_833 = vector.shape_cast %get3A_832 : vector<1x16xf32> to vector<1x16xf32>
        %get3A_834 = arith.index_cast %add3A_829 : i32 to index
        %get3A_835 = arith.constant 16 : index
        %get3A_836 = tpu.vector_load %arg6[%get3A_834, %get3A_835] {strides = array<i32>} : memref<128x128xf32, #tpu.memory_space<vmem>>, vector<1x16xf32>,
        %get3A_837 = vector.shape_cast %get3A_836 : vector<1x16xf32> to vector<1x16xf32>
        %add3A_838 = arith.addf %get3A_833, %get3A_837 : vector<1x16xf32>
        %get3A_839 = arith.index_cast %add3A_829 : i32 to index
        %get3A_840 = arith.constant 16 : index
        %get3A_841 = tpu.vector_load %arg7[%get3A_839, %get3A_840] {strides = array<i32>} : memref<128x128xf32, #tpu.memory_space<vmem>>, vector<1x16xf32>,
        %get3A_842 = vector.shape_cast %get3A_841 : vector<1x16xf32> to vector<1x16xf32>
        %add3A_843 = arith.addf %add3A_838, %get3A_842 : vector<1x16xf32>
        %swap3A_844 = arith.index_cast %add3A_829 : i32 to index
        %swap3A_845 = arith.constant 16 : index
        %swap3A_846 = tpu.vector_load %arg10[%swap3A_844, %swap3A_845] {strides = array<i32>} : memref<128x64xf32, #tpu.memory_space<vmem>>, vector<1x16xf32>,
        %swap3A_847 = vector.shape_cast %swap3A_846 : vector<1x16xf32> to vector<1x16xf32>
        %swap3A_848 = vector.shape_cast %add3A_843 : vector<1x16xf32> to vector<1x16xf32>
        tpu.vector_store %arg10[%swap3A_844, %swap3A_845], %swap3A_848 {strides = array<i32>} : memref<128x64xf32, #tpu.memory_space<vmem>>, vector<1x16xf32>,
        %add3A_849 = arith.constant 7 : i32
        %add3A_850 = arith.addi %add3A_220, %add3A_849 : i32
        %get3A_851 = arith.index_cast %add3A_850 : i32 to index
        %get3A_852 = arith.constant 32 : index
        %get3A_853 = tpu.vector_load %arg10[%get3A_851, %get3A_852] {strides = array<i32>} : memref<128x64xf32, #tpu.memory_space<vmem>>, vector<1x16xf32>,
        %get3A_854 = vector.shape_cast %get3A_853 : vector<1x16xf32> to vector<1x16xf32>
        %get3A_855 = arith.index_cast %add3A_850 : i32 to index
        %get3A_856 = arith.constant 32 : index
        %get3A_857 = tpu.vector_load %arg6[%get3A_855, %get3A_856] {strides = array<i32>} : memref<128x128xf32, #tpu.memory_space<vmem>>, vector<1x16xf32>,
        %get3A_858 = vector.shape_cast %get3A_857 : vector<1x16xf32> to vector<1x16xf32>
        %add3A_859 = arith.addf %get3A_854, %get3A_858 : vector<1x16xf32>
        %get3A_860 = arith.index_cast %add3A_850 : i32 to index
        %get3A_861 = arith.constant 32 : index
        %get3A_862 = tpu.vector_load %arg7[%get3A_860, %get3A_861] {strides = array<i32>} : memref<128x128xf32, #tpu.memory_space<vmem>>, vector<1x16xf32>,
        %get3A_863 = vector.shape_cast %get3A_862 : vector<1x16xf32> to vector<1x16xf32>
        %add3A_864 = arith.addf %add3A_859, %get3A_863 : vector<1x16xf32>
        %swap3A_865 = arith.index_cast %add3A_850 : i32 to index
        %swap3A_866 = arith.constant 32 : index
        %swap3A_867 = tpu.vector_load %arg10[%swap3A_865, %swap3A_866] {strides = array<i32>} : memref<128x64xf32, #tpu.memory_space<vmem>>, vector<1x16xf32>,
        %swap3A_868 = vector.shape_cast %swap3A_867 : vector<1x16xf32> to vector<1x16xf32>
        %swap3A_869 = vector.shape_cast %add3A_864 : vector<1x16xf32> to vector<1x16xf32>
        tpu.vector_store %arg10[%swap3A_865, %swap3A_866], %swap3A_869 {strides = array<i32>} : memref<128x64xf32, #tpu.memory_space<vmem>>, vector<1x16xf32>,
        %add3A_870 = arith.constant 7 : i32
        %add3A_871 = arith.addi %add3A_220, %add3A_870 : i32
        %get3A_872 = arith.index_cast %add3A_871 : i32 to index
        %get3A_873 = arith.constant 48 : index
        %get3A_874 = tpu.vector_load %arg10[%get3A_872, %get3A_873] {strides = array<i32>} : memref<128x64xf32, #tpu.memory_space<vmem>>, vector<1x16xf32>,
        %get3A_875 = vector.shape_cast %get3A_874 : vector<1x16xf32> to vector<1x16xf32>
        %get3A_876 = arith.index_cast %add3A_871 : i32 to index
        %get3A_877 = arith.constant 48 : index
        %get3A_878 = tpu.vector_load %arg6[%get3A_876, %get3A_877] {strides = array<i32>} : memref<128x128xf32, #tpu.memory_space<vmem>>, vector<1x16xf32>,
        %get3A_879 = vector.shape_cast %get3A_878 : vector<1x16xf32> to vector<1x16xf32>
        %add3A_880 = arith.addf %get3A_875, %get3A_879 : vector<1x16xf32>
        %get3A_881 = arith.index_cast %add3A_871 : i32 to index
        %get3A_882 = arith.constant 48 : index
        %get3A_883 = tpu.vector_load %arg7[%get3A_881, %get3A_882] {strides = array<i32>} : memref<128x128xf32, #tpu.memory_space<vmem>>, vector<1x16xf32>,
        %get3A_884 = vector.shape_cast %get3A_883 : vector<1x16xf32> to vector<1x16xf32>
        %add3A_885 = arith.addf %add3A_880, %get3A_884 : vector<1x16xf32>
        %swap3A_886 = arith.index_cast %add3A_871 : i32 to index
        %swap3A_887 = arith.constant 48 : index
        %swap3A_888 = tpu.vector_load %arg10[%swap3A_886, %swap3A_887] {strides = array<i32>} : memref<128x64xf32, #tpu.memory_space<vmem>>, vector<1x16xf32>,
        %swap3A_889 = vector.shape_cast %swap3A_888 : vector<1x16xf32> to vector<1x16xf32>
        %swap3A_890 = vector.shape_cast %add3A_885 : vector<1x16xf32> to vector<1x16xf32>
        tpu.vector_store %arg10[%swap3A_886, %swap3A_887], %swap3A_890 {strides = array<i32>} : memref<128x64xf32, #tpu.memory_space<vmem>>, vector<1x16xf32>,
      }
      %scan3A_160 = arith.constant 16 : i32
      %mul3A_161 = arith.constant 4 : i32
      %mul3A_162 = arith.muli %mul3A_161, %add3A_141 : i32
      %add3A_163 = arith.constant 8 : i32
      %add3A_164 = arith.addi %mul3A_162, %add3A_163 : i32
      %dma_start3A_165 = arith.constant 0 : i32
      %dma_start3A_166 = tpu.memref_slice %arg5[%add3A_164, %dma_start3A_165] : memref<200x128xi32, #tpu.memory_space<vmem>> -> memref<1x128xi32, #tpu.memory_space<vmem>>
      %dma_start3A_167 = tpu.memref_squeeze %dma_start3A_166 : memref<1x128xi32, #tpu.memory_space<vmem>> -> memref<128xi32, #tpu.memory_space<vmem>>
      %dma_start3A_168 = arith.constant 0 : i32
      %dma_start3A_169 = arith.constant 0 : i32
      %dma_start3A_170 = tpu.memref_slice %arg3[%dma_start3A_168, %dma_start3A_169] : memref<1000000x128xf32, #tpu.memory_space<hbm>> -> memref<1000000x128xf32, #tpu.memory_space<hbm>>
      tpu.enqueue_indirect_dma source(%dma_start3A_170 : memref<1000000x128xf32, #tpu.memory_space<hbm>>) target(%arg6 : memref<128x128xf32, #tpu.memory_space<vmem>>) offsets(%dma_start3A_167 : memref<128xi32, #tpu.memory_space<vmem>>) semaphore(%arg11 : memref<!tpu.dma_semaphore, #tpu.memory_space<semaphore_mem>>)
      %add3A_171 = arith.constant 1 : i32
      %add3A_172 = arith.addi %add3A_164, %add3A_171 : i32
      %dma_start3A_173 = arith.constant 0 : i32
      %dma_start3A_174 = tpu.memref_slice %arg5[%add3A_172, %dma_start3A_173] : memref<200x128xi32, #tpu.memory_space<vmem>> -> memref<1x128xi32, #tpu.memory_space<vmem>>
      %dma_start3A_175 = tpu.memref_squeeze %dma_start3A_174 : memref<1x128xi32, #tpu.memory_space<vmem>> -> memref<128xi32, #tpu.memory_space<vmem>>
      %dma_start3A_176 = arith.constant 0 : i32
      %dma_start3A_177 = arith.constant 0 : i32
      %dma_start3A_178 = tpu.memref_slice %arg3[%dma_start3A_176, %dma_start3A_177] : memref<1000000x128xf32, #tpu.memory_space<hbm>> -> memref<1000000x128xf32, #tpu.memory_space<hbm>>
      tpu.enqueue_indirect_dma source(%dma_start3A_178 : memref<1000000x128xf32, #tpu.memory_space<hbm>>) target(%arg7 : memref<128x128xf32, #tpu.memory_space<vmem>>) offsets(%dma_start3A_175 : memref<128xi32, #tpu.memory_space<vmem>>) semaphore(%arg12 : memref<!tpu.dma_semaphore, #tpu.memory_space<semaphore_mem>>)
      %dma_wait3A_179 = arith.constant 0 : i32
      %dma_wait3A_180 = arith.constant 0 : i32
      %dma_wait3A_181 = tpu.memref_slice %arg5[%dma_wait3A_179, %dma_wait3A_180] : memref<200x128xi32, #tpu.memory_space<vmem>> -> memref<1x128xi32, #tpu.memory_space<vmem>>
      %dma_wait3A_182 = tpu.memref_squeeze %dma_wait3A_181 : memref<1x128xi32, #tpu.memory_space<vmem>> -> memref<128xi32, #tpu.memory_space<vmem>>
      %dma_wait3A_183 = arith.constant 0 : i32
      %dma_wait3A_184 = arith.constant 0 : i32
      %dma_wait3A_185 = tpu.memref_slice %arg3[%dma_wait3A_183, %dma_wait3A_184] : memref<1000000x128xf32, #tpu.memory_space<hbm>> -> memref<1000000x128xf32, #tpu.memory_space<hbm>>
      tpu.wait_indirect_dma semaphore(%arg13 : memref<!tpu.dma_semaphore, #tpu.memory_space<semaphore_mem>>) src(%dma_wait3A_185 : memref<1000000x128xf32, #tpu.memory_space<hbm>>) dst(%arg8 : memref<128x128xf32, #tpu.memory_space<vmem>>)
      %dma_wait3A_186 = arith.constant 0 : i32
      %dma_wait3A_187 = arith.constant 0 : i32
      %dma_wait3A_188 = tpu.memref_slice %arg5[%dma_wait3A_186, %dma_wait3A_187] : memref<200x128xi32, #tpu.memory_space<vmem>> -> memref<1x128xi32, #tpu.memory_space<vmem>>
      %dma_wait3A_189 = tpu.memref_squeeze %dma_wait3A_188 : memref<1x128xi32, #tpu.memory_space<vmem>> -> memref<128xi32, #tpu.memory_space<vmem>>
      %dma_wait3A_190 = arith.constant 0 : i32
      %dma_wait3A_191 = arith.constant 0 : i32
      %dma_wait3A_192 = tpu.memref_slice %arg3[%dma_wait3A_190, %dma_wait3A_191] : memref<1000000x128xf32, #tpu.memory_space<hbm>> -> memref<1000000x128xf32, #tpu.memory_space<hbm>>
      tpu.wait_indirect_dma semaphore(%arg14 : memref<!tpu.dma_semaphore, #tpu.memory_space<semaphore_mem>>) src(%dma_wait3A_192 : memref<1000000x128xf32, #tpu.memory_space<hbm>>) dst(%arg9 : memref<128x128xf32, #tpu.memory_space<vmem>>)
      %scan3A_193 = arith.constant 0 : i32
      %scan3A_194 = arith.constant 16 : i32
      %scan3A_195 = arith.addi %scan3A_193, %scan3A_194 : i32
      %scan3A_196 = arith.constant 1 : i32
      scf.for %scan3A_216 = %scan3A_193 to %scan3A_195 step %scan3A_196  : i32 {
        %mul3A_217 = arith.constant 8 : i32
        %mul3A_218 = arith.muli %scan3A_216, %mul3A_217 : i32
        %add3A_219 = arith.constant 0 : i32
        %add3A_220 = arith.addi %add3A_219, %mul3A_218 : i32
        %add3A_221 = arith.constant 0 : i32
        %add3A_222 = arith.addi %add3A_220, %add3A_221 : i32
        %get3A = arith.index_cast %add3A_222 : i32 to index
        %get3A_223 = arith.constant 0 : index
        %get3A_224 = tpu.vector_load %arg10[%get3A, %get3A_223] {strides = array<i32>} : memref<128x64xf32, #tpu.memory_space<vmem>>, vector<1x16xf32>,
        %get3A_225 = vector.shape_cast %get3A_224 : vector<1x16xf32> to vector<1x16xf32>
        %get3A_226 = arith.index_cast %add3A_222 : i32 to index
        %get3A_227 = arith.constant 0 : index
        %get3A_228 = tpu.vector_load %arg8[%get3A_226, %get3A_227] {strides = array<i32>} : memref<128x128xf32, #tpu.memory_space<vmem>>, vector<1x16xf32>,
        %get3A_229 = vector.shape_cast %get3A_228 : vector<1x16xf32> to vector<1x16xf32>
        %add3A_230 = arith.addf %get3A_225, %get3A_229 : vector<1x16xf32>
        %get3A_231 = arith.index_cast %add3A_222 : i32 to index
        %get3A_232 = arith.constant 0 : index
        %get3A_233 = tpu.vector_load %arg9[%get3A_231, %get3A_232] {strides = array<i32>} : memref<128x128xf32, #tpu.memory_space<vmem>>, vector<1x16xf32>,
        %get3A_234 = vector.shape_cast %get3A_233 : vector<1x16xf32> to vector<1x16xf32>
        %add3A_235 = arith.addf %add3A_230, %get3A_234 : vector<1x16xf32>
        %swap3A = arith.index_cast %add3A_222 : i32 to index
        %swap3A_236 = arith.constant 0 : index
        %swap3A_237 = tpu.vector_load %arg10[%swap3A, %swap3A_236] {strides = array<i32>} : memref<128x64xf32, #tpu.memory_space<vmem>>, vector<1x16xf32>,
        %swap3A_238 = vector.shape_cast %swap3A_237 : vector<1x16xf32> to vector<1x16xf32>
        %swap3A_239 = vector.shape_cast %add3A_235 : vector<1x16xf32> to vector<1x16xf32>
        tpu.vector_store %arg10[%swap3A, %swap3A_236], %swap3A_239 {strides = array<i32>} : memref<128x64xf32, #tpu.memory_space<vmem>>, vector<1x16xf32>,
        %add3A_240 = arith.constant 0 : i32
        %add3A_241 = arith.addi %add3A_220, %add3A_240 : i32
        %get3A_242 = arith.index_cast %add3A_241 : i32 to index
        %get3A_243 = arith.constant 16 : index
        %get3A_244 = tpu.vector_load %arg10[%get3A_242, %get3A_243] {strides = array<i32>} : memref<128x64xf32, #tpu.memory_space<vmem>>, vector<1x16xf32>,
        %get3A_245 = vector.shape_cast %get3A_244 : vector<1x16xf32> to vector<1x16xf32>
        %get3A_246 = arith.index_cast %add3A_241 : i32 to index
        %get3A_247 = arith.constant 16 : index
        %get3A_248 = tpu.vector_load %arg8[%get3A_246, %get3A_247] {strides = array<i32>} : memref<128x128xf32, #tpu.memory_space<vmem>>, vector<1x16xf32>,
        %get3A_249 = vector.shape_cast %get3A_248 : vector<1x16xf32> to vector<1x16xf32>
        %add3A_250 = arith.addf %get3A_245, %get3A_249 : vector<1x16xf32>
        %get3A_251 = arith.index_cast %add3A_241 : i32 to index
        %get3A_252 = arith.constant 16 : index
        %get3A_253 = tpu.vector_load %arg9[%get3A_251, %get3A_252] {strides = array<i32>} : memref<128x128xf32, #tpu.memory_space<vmem>>, vector<1x16xf32>,
        %get3A_254 = vector.shape_cast %get3A_253 : vector<1x16xf32> to vector<1x16xf32>
        %add3A_255 = arith.addf %add3A_250, %get3A_254 : vector<1x16xf32>
        %swap3A_256 = arith.index_cast %add3A_241 : i32 to index
        %swap3A_257 = arith.constant 16 : index
        %swap3A_258 = tpu.vector_load %arg10[%swap3A_256, %swap3A_257] {strides = array<i32>} : memref<128x64xf32, #tpu.memory_space<vmem>>, vector<1x16xf32>,
        %swap3A_259 = vector.shape_cast %swap3A_258 : vector<1x16xf32> to vector<1x16xf32>
        %swap3A_260 = vector.shape_cast %add3A_255 : vector<1x16xf32> to vector<1x16xf32>
        tpu.vector_store %arg10[%swap3A_256, %swap3A_257], %swap3A_260 {strides = array<i32>} : memref<128x64xf32, #tpu.memory_space<vmem>>, vector<1x16xf32>,
        %add3A_261 = arith.constant 0 : i32
        %add3A_262 = arith.addi %add3A_220, %add3A_261 : i32
        %get3A_263 = arith.index_cast %add3A_262 : i32 to index
        %get3A_264 = arith.constant 32 : index
        %get3A_265 = tpu.vector_load %arg10[%get3A_263, %get3A_264] {strides = array<i32>} : memref<128x64xf32, #tpu.memory_space<vmem>>, vector<1x16xf32>,
        %get3A_266 = vector.shape_cast %get3A_265 : vector<1x16xf32> to vector<1x16xf32>
        %get3A_267 = arith.index_cast %add3A_262 : i32 to index
        %get3A_268 = arith.constant 32 : index
        %get3A_269 = tpu.vector_load %arg8[%get3A_267, %get3A_268] {strides = array<i32>} : memref<128x128xf32, #tpu.memory_space<vmem>>, vector<1x16xf32>,
        %get3A_270 = vector.shape_cast %get3A_269 : vector<1x16xf32> to vector<1x16xf32>
        %add3A_271 = arith.addf %get3A_266, %get3A_270 : vector<1x16xf32>
        %get3A_272 = arith.index_cast %add3A_262 : i32 to index
        %get3A_273 = arith.constant 32 : index
        %get3A_274 = tpu.vector_load %arg9[%get3A_272, %get3A_273] {strides = array<i32>} : memref<128x128xf32, #tpu.memory_space<vmem>>, vector<1x16xf32>,
        %get3A_275 = vector.shape_cast %get3A_274 : vector<1x16xf32> to vector<1x16xf32>
        %add3A_276 = arith.addf %add3A_271, %get3A_275 : vector<1x16xf32>
        %swap3A_277 = arith.index_cast %add3A_262 : i32 to index
        %swap3A_278 = arith.constant 32 : index
        %swap3A_279 = tpu.vector_load %arg10[%swap3A_277, %swap3A_278] {strides = array<i32>} : memref<128x64xf32, #tpu.memory_space<vmem>>, vector<1x16xf32>,
        %swap3A_280 = vector.shape_cast %swap3A_279 : vector<1x16xf32> to vector<1x16xf32>
        %swap3A_281 = vector.shape_cast %add3A_276 : vector<1x16xf32> to vector<1x16xf32>
        tpu.vector_store %arg10[%swap3A_277, %swap3A_278], %swap3A_281 {strides = array<i32>} : memref<128x64xf32, #tpu.memory_space<vmem>>, vector<1x16xf32>,
        %add3A_282 = arith.constant 0 : i32
        %add3A_283 = arith.addi %add3A_220, %add3A_282 : i32
        %get3A_284 = arith.index_cast %add3A_283 : i32 to index
        %get3A_285 = arith.constant 48 : index
        %get3A_286 = tpu.vector_load %arg10[%get3A_284, %get3A_285] {strides = array<i32>} : memref<128x64xf32, #tpu.memory_space<vmem>>, vector<1x16xf32>,
        %get3A_287 = vector.shape_cast %get3A_286 : vector<1x16xf32> to vector<1x16xf32>
        %get3A_288 = arith.index_cast %add3A_283 : i32 to index
        %get3A_289 = arith.constant 48 : index
        %get3A_290 = tpu.vector_load %arg8[%get3A_288, %get3A_289] {strides = array<i32>} : memref<128x128xf32, #tpu.memory_space<vmem>>, vector<1x16xf32>,
        %get3A_291 = vector.shape_cast %get3A_290 : vector<1x16xf32> to vector<1x16xf32>
        %add3A_292 = arith.addf %get3A_287, %get3A_291 : vector<1x16xf32>
        %get3A_293 = arith.index_cast %add3A_283 : i32 to index
        %get3A_294 = arith.constant 48 : index
        %get3A_295 = tpu.vector_load %arg9[%get3A_293, %get3A_294] {strides = array<i32>} : memref<128x128xf32, #tpu.memory_space<vmem>>, vector<1x16xf32>,
        %get3A_296 = vector.shape_cast %get3A_295 : vector<1x16xf32> to vector<1x16xf32>
        %add3A_297 = arith.addf %add3A_292, %get3A_296 : vector<1x16xf32>
        %swap3A_298 = arith.index_cast %add3A_283 : i32 to index
        %swap3A_299 = arith.constant 48 : index
        %swap3A_300 = tpu.vector_load %arg10[%swap3A_298, %swap3A_299] {strides = array<i32>} : memref<128x64xf32, #tpu.memory_space<vmem>>, vector<1x16xf32>,
        %swap3A_301 = vector.shape_cast %swap3A_300 : vector<1x16xf32> to vector<1x16xf32>
        %swap3A_302 = vector.shape_cast %add3A_297 : vector<1x16xf32> to vector<1x16xf32>
        tpu.vector_store %arg10[%swap3A_298, %swap3A_299], %swap3A_302 {strides = array<i32>} : memref<128x64xf32, #tpu.memory_space<vmem>>, vector<1x16xf32>,
        %add3A_303 = arith.constant 1 : i32
        %add3A_304 = arith.addi %add3A_220, %add3A_303 : i32
        %get3A_305 = arith.index_cast %add3A_304 : i32 to index
        %get3A_306 = arith.constant 0 : index
        %get3A_307 = tpu.vector_load %arg10[%get3A_305, %get3A_306] {strides = array<i32>} : memref<128x64xf32, #tpu.memory_space<vmem>>, vector<1x16xf32>,
        %get3A_308 = vector.shape_cast %get3A_307 : vector<1x16xf32> to vector<1x16xf32>
        %get3A_309 = arith.index_cast %add3A_304 : i32 to index
        %get3A_310 = arith.constant 0 : index
        %get3A_311 = tpu.vector_load %arg8[%get3A_309, %get3A_310] {strides = array<i32>} : memref<128x128xf32, #tpu.memory_space<vmem>>, vector<1x16xf32>,
        %get3A_312 = vector.shape_cast %get3A_311 : vector<1x16xf32> to vector<1x16xf32>
        %add3A_313 = arith.addf %get3A_308, %get3A_312 : vector<1x16xf32>
        %get3A_314 = arith.index_cast %add3A_304 : i32 to index
        %get3A_315 = arith.constant 0 : index
        %get3A_316 = tpu.vector_load %arg9[%get3A_314, %get3A_315] {strides = array<i32>} : memref<128x128xf32, #tpu.memory_space<vmem>>, vector<1x16xf32>,
        %get3A_317 = vector.shape_cast %get3A_316 : vector<1x16xf32> to vector<1x16xf32>
        %add3A_318 = arith.addf %add3A_313, %get3A_317 : vector<1x16xf32>
        %swap3A_319 = arith.index_cast %add3A_304 : i32 to index
        %swap3A_320 = arith.constant 0 : index
        %swap3A_321 = tpu.vector_load %arg10[%swap3A_319, %swap3A_320] {strides = array<i32>} : memref<128x64xf32, #tpu.memory_space<vmem>>, vector<1x16xf32>,
        %swap3A_322 = vector.shape_cast %swap3A_321 : vector<1x16xf32> to vector<1x16xf32>
        %swap3A_323 = vector.shape_cast %add3A_318 : vector<1x16xf32> to vector<1x16xf32>
        tpu.vector_store %arg10[%swap3A_319, %swap3A_320], %swap3A_323 {strides = array<i32>} : memref<128x64xf32, #tpu.memory_space<vmem>>, vector<1x16xf32>,
        %add3A_324 = arith.constant 1 : i32
        %add3A_325 = arith.addi %add3A_220, %add3A_324 : i32
        %get3A_326 = arith.index_cast %add3A_325 : i32 to index
        %get3A_327 = arith.constant 16 : index
        %get3A_328 = tpu.vector_load %arg10[%get3A_326, %get3A_327] {strides = array<i32>} : memref<128x64xf32, #tpu.memory_space<vmem>>, vector<1x16xf32>,
        %get3A_329 = vector.shape_cast %get3A_328 : vector<1x16xf32> to vector<1x16xf32>
        %get3A_330 = arith.index_cast %add3A_325 : i32 to index
        %get3A_331 = arith.constant 16 : index
        %get3A_332 = tpu.vector_load %arg8[%get3A_330, %get3A_331] {strides = array<i32>} : memref<128x128xf32, #tpu.memory_space<vmem>>, vector<1x16xf32>,
        %get3A_333 = vector.shape_cast %get3A_332 : vector<1x16xf32> to vector<1x16xf32>
        %add3A_334 = arith.addf %get3A_329, %get3A_333 : vector<1x16xf32>
        %get3A_335 = arith.index_cast %add3A_325 : i32 to index
        %get3A_336 = arith.constant 16 : index
        %get3A_337 = tpu.vector_load %arg9[%get3A_335, %get3A_336] {strides = array<i32>} : memref<128x128xf32, #tpu.memory_space<vmem>>, vector<1x16xf32>,
        %get3A_338 = vector.shape_cast %get3A_337 : vector<1x16xf32> to vector<1x16xf32>
        %add3A_339 = arith.addf %add3A_334, %get3A_338 : vector<1x16xf32>
        %swap3A_340 = arith.index_cast %add3A_325 : i32 to index
        %swap3A_341 = arith.constant 16 : index
        %swap3A_342 = tpu.vector_load %arg10[%swap3A_340, %swap3A_341] {strides = array<i32>} : memref<128x64xf32, #tpu.memory_space<vmem>>, vector<1x16xf32>,
        %swap3A_343 = vector.shape_cast %swap3A_342 : vector<1x16xf32> to vector<1x16xf32>
        %swap3A_344 = vector.shape_cast %add3A_339 : vector<1x16xf32> to vector<1x16xf32>
        tpu.vector_store %arg10[%swap3A_340, %swap3A_341], %swap3A_344 {strides = array<i32>} : memref<128x64xf32, #tpu.memory_space<vmem>>, vector<1x16xf32>,
        %add3A_345 = arith.constant 1 : i32
        %add3A_346 = arith.addi %add3A_220, %add3A_345 : i32
        %get3A_347 = arith.index_cast %add3A_346 : i32 to index
        %get3A_348 = arith.constant 32 : index
        %get3A_349 = tpu.vector_load %arg10[%get3A_347, %get3A_348] {strides = array<i32>} : memref<128x64xf32, #tpu.memory_space<vmem>>, vector<1x16xf32>,
        %get3A_350 = vector.shape_cast %get3A_349 : vector<1x16xf32> to vector<1x16xf32>
        %get3A_351 = arith.index_cast %add3A_346 : i32 to index
        %get3A_352 = arith.constant 32 : index
        %get3A_353 = tpu.vector_load %arg8[%get3A_351, %get3A_352] {strides = array<i32>} : memref<128x128xf32, #tpu.memory_space<vmem>>, vector<1x16xf32>,
        %get3A_354 = vector.shape_cast %get3A_353 : vector<1x16xf32> to vector<1x16xf32>
        %add3A_355 = arith.addf %get3A_350, %get3A_354 : vector<1x16xf32>
        %get3A_356 = arith.index_cast %add3A_346 : i32 to index
        %get3A_357 = arith.constant 32 : index
        %get3A_358 = tpu.vector_load %arg9[%get3A_356, %get3A_357] {strides = array<i32>} : memref<128x128xf32, #tpu.memory_space<vmem>>, vector<1x16xf32>,
        %get3A_359 = vector.shape_cast %get3A_358 : vector<1x16xf32> to vector<1x16xf32>
        %add3A_360 = arith.addf %add3A_355, %get3A_359 : vector<1x16xf32>
        %swap3A_361 = arith.index_cast %add3A_346 : i32 to index
        %swap3A_362 = arith.constant 32 : index
        %swap3A_363 = tpu.vector_load %arg10[%swap3A_361, %swap3A_362] {strides = array<i32>} : memref<128x64xf32, #tpu.memory_space<vmem>>, vector<1x16xf32>,
        %swap3A_364 = vector.shape_cast %swap3A_363 : vector<1x16xf32> to vector<1x16xf32>
        %swap3A_365 = vector.shape_cast %add3A_360 : vector<1x16xf32> to vector<1x16xf32>
        tpu.vector_store %arg10[%swap3A_361, %swap3A_362], %swap3A_365 {strides = array<i32>} : memref<128x64xf32, #tpu.memory_space<vmem>>, vector<1x16xf32>,
        %add3A_366 = arith.constant 1 : i32
        %add3A_367 = arith.addi %add3A_220, %add3A_366 : i32
        %get3A_368 = arith.index_cast %add3A_367 : i32 to index
        %get3A_369 = arith.constant 48 : index
        %get3A_370 = tpu.vector_load %arg10[%get3A_368, %get3A_369] {strides = array<i32>} : memref<128x64xf32, #tpu.memory_space<vmem>>, vector<1x16xf32>,
        %get3A_371 = vector.shape_cast %get3A_370 : vector<1x16xf32> to vector<1x16xf32>
        %get3A_372 = arith.index_cast %add3A_367 : i32 to index
        %get3A_373 = arith.constant 48 : index
        %get3A_374 = tpu.vector_load %arg8[%get3A_372, %get3A_373] {strides = array<i32>} : memref<128x128xf32, #tpu.memory_space<vmem>>, vector<1x16xf32>,
        %get3A_375 = vector.shape_cast %get3A_374 : vector<1x16xf32> to vector<1x16xf32>
        %add3A_376 = arith.addf %get3A_371, %get3A_375 : vector<1x16xf32>
        %get3A_377 = arith.index_cast %add3A_367 : i32 to index
        %get3A_378 = arith.constant 48 : index
        %get3A_379 = tpu.vector_load %arg9[%get3A_377, %get3A_378] {strides = array<i32>} : memref<128x128xf32, #tpu.memory_space<vmem>>, vector<1x16xf32>,
        %get3A_380 = vector.shape_cast %get3A_379 : vector<1x16xf32> to vector<1x16xf32>
        %add3A_381 = arith.addf %add3A_376, %get3A_380 : vector<1x16xf32>
        %swap3A_382 = arith.index_cast %add3A_367 : i32 to index
        %swap3A_383 = arith.constant 48 : index
        %swap3A_384 = tpu.vector_load %arg10[%swap3A_382, %swap3A_383] {strides = array<i32>} : memref<128x64xf32, #tpu.memory_space<vmem>>, vector<1x16xf32>,
        %swap3A_385 = vector.shape_cast %swap3A_384 : vector<1x16xf32> to vector<1x16xf32>
        %swap3A_386 = vector.shape_cast %add3A_381 : vector<1x16xf32> to vector<1x16xf32>
        tpu.vector_store %arg10[%swap3A_382, %swap3A_383], %swap3A_386 {strides = array<i32>} : memref<128x64xf32, #tpu.memory_space<vmem>>, vector<1x16xf32>,
        %add3A_387 = arith.constant 2 : i32
        %add3A_388 = arith.addi %add3A_220, %add3A_387 : i32
        %get3A_389 = arith.index_cast %add3A_388 : i32 to index
        %get3A_390 = arith.constant 0 : index
        %get3A_391 = tpu.vector_load %arg10[%get3A_389, %get3A_390] {strides = array<i32>} : memref<128x64xf32, #tpu.memory_space<vmem>>, vector<1x16xf32>,
        %get3A_392 = vector.shape_cast %get3A_391 : vector<1x16xf32> to vector<1x16xf32>
        %get3A_393 = arith.index_cast %add3A_388 : i32 to index
        %get3A_394 = arith.constant 0 : index
        %get3A_395 = tpu.vector_load %arg8[%get3A_393, %get3A_394] {strides = array<i32>} : memref<128x128xf32, #tpu.memory_space<vmem>>, vector<1x16xf32>,
        %get3A_396 = vector.shape_cast %get3A_395 : vector<1x16xf32> to vector<1x16xf32>
        %add3A_397 = arith.addf %get3A_392, %get3A_396 : vector<1x16xf32>
        %get3A_398 = arith.index_cast %add3A_388 : i32 to index
        %get3A_399 = arith.constant 0 : index
        %get3A_400 = tpu.vector_load %arg9[%get3A_398, %get3A_399] {strides = array<i32>} : memref<128x128xf32, #tpu.memory_space<vmem>>, vector<1x16xf32>,
        %get3A_401 = vector.shape_cast %get3A_400 : vector<1x16xf32> to vector<1x16xf32>
        %add3A_402 = arith.addf %add3A_397, %get3A_401 : vector<1x16xf32>
        %swap3A_403 = arith.index_cast %add3A_388 : i32 to index
        %swap3A_404 = arith.constant 0 : index
        %swap3A_405 = tpu.vector_load %arg10[%swap3A_403, %swap3A_404] {strides = array<i32>} : memref<128x64xf32, #tpu.memory_space<vmem>>, vector<1x16xf32>,
        %swap3A_406 = vector.shape_cast %swap3A_405 : vector<1x16xf32> to vector<1x16xf32>
        %swap3A_407 = vector.shape_cast %add3A_402 : vector<1x16xf32> to vector<1x16xf32>
        tpu.vector_store %arg10[%swap3A_403, %swap3A_404], %swap3A_407 {strides = array<i32>} : memref<128x64xf32, #tpu.memory_space<vmem>>, vector<1x16xf32>,
        %add3A_408 = arith.constant 2 : i32
        %add3A_409 = arith.addi %add3A_220, %add3A_408 : i32
        %get3A_410 = arith.index_cast %add3A_409 : i32 to index
        %get3A_411 = arith.constant 16 : index
        %get3A_412 = tpu.vector_load %arg10[%get3A_410, %get3A_411] {strides = array<i32>} : memref<128x64xf32, #tpu.memory_space<vmem>>, vector<1x16xf32>,
        %get3A_413 = vector.shape_cast %get3A_412 : vector<1x16xf32> to vector<1x16xf32>
        %get3A_414 = arith.index_cast %add3A_409 : i32 to index
        %get3A_415 = arith.constant 16 : index
        %get3A_416 = tpu.vector_load %arg8[%get3A_414, %get3A_415] {strides = array<i32>} : memref<128x128xf32, #tpu.memory_space<vmem>>, vector<1x16xf32>,
        %get3A_417 = vector.shape_cast %get3A_416 : vector<1x16xf32> to vector<1x16xf32>
        %add3A_418 = arith.addf %get3A_413, %get3A_417 : vector<1x16xf32>
        %get3A_419 = arith.index_cast %add3A_409 : i32 to index
        %get3A_420 = arith.constant 16 : index
        %get3A_421 = tpu.vector_load %arg9[%get3A_419, %get3A_420] {strides = array<i32>} : memref<128x128xf32, #tpu.memory_space<vmem>>, vector<1x16xf32>,
        %get3A_422 = vector.shape_cast %get3A_421 : vector<1x16xf32> to vector<1x16xf32>
        %add3A_423 = arith.addf %add3A_418, %get3A_422 : vector<1x16xf32>
        %swap3A_424 = arith.index_cast %add3A_409 : i32 to index
        %swap3A_425 = arith.constant 16 : index
        %swap3A_426 = tpu.vector_load %arg10[%swap3A_424, %swap3A_425] {strides = array<i32>} : memref<128x64xf32, #tpu.memory_space<vmem>>, vector<1x16xf32>,
        %swap3A_427 = vector.shape_cast %swap3A_426 : vector<1x16xf32> to vector<1x16xf32>
        %swap3A_428 = vector.shape_cast %add3A_423 : vector<1x16xf32> to vector<1x16xf32>
        tpu.vector_store %arg10[%swap3A_424, %swap3A_425], %swap3A_428 {strides = array<i32>} : memref<128x64xf32, #tpu.memory_space<vmem>>, vector<1x16xf32>,
        %add3A_429 = arith.constant 2 : i32
        %add3A_430 = arith.addi %add3A_220, %add3A_429 : i32
        %get3A_431 = arith.index_cast %add3A_430 : i32 to index
        %get3A_432 = arith.constant 32 : index
        %get3A_433 = tpu.vector_load %arg10[%get3A_431, %get3A_432] {strides = array<i32>} : memref<128x64xf32, #tpu.memory_space<vmem>>, vector<1x16xf32>,
        %get3A_434 = vector.shape_cast %get3A_433 : vector<1x16xf32> to vector<1x16xf32>
        %get3A_435 = arith.index_cast %add3A_430 : i32 to index
        %get3A_436 = arith.constant 32 : index
        %get3A_437 = tpu.vector_load %arg8[%get3A_435, %get3A_436] {strides = array<i32>} : memref<128x128xf32, #tpu.memory_space<vmem>>, vector<1x16xf32>,
        %get3A_438 = vector.shape_cast %get3A_437 : vector<1x16xf32> to vector<1x16xf32>
        %add3A_439 = arith.addf %get3A_434, %get3A_438 : vector<1x16xf32>
        %get3A_440 = arith.index_cast %add3A_430 : i32 to index
        %get3A_441 = arith.constant 32 : index
        %get3A_442 = tpu.vector_load %arg9[%get3A_440, %get3A_441] {strides = array<i32>} : memref<128x128xf32, #tpu.memory_space<vmem>>, vector<1x16xf32>,
        %get3A_443 = vector.shape_cast %get3A_442 : vector<1x16xf32> to vector<1x16xf32>
        %add3A_444 = arith.addf %add3A_439, %get3A_443 : vector<1x16xf32>
        %swap3A_445 = arith.index_cast %add3A_430 : i32 to index
        %swap3A_446 = arith.constant 32 : index
        %swap3A_447 = tpu.vector_load %arg10[%swap3A_445, %swap3A_446] {strides = array<i32>} : memref<128x64xf32, #tpu.memory_space<vmem>>, vector<1x16xf32>,
        %swap3A_448 = vector.shape_cast %swap3A_447 : vector<1x16xf32> to vector<1x16xf32>
        %swap3A_449 = vector.shape_cast %add3A_444 : vector<1x16xf32> to vector<1x16xf32>
        tpu.vector_store %arg10[%swap3A_445, %swap3A_446], %swap3A_449 {strides = array<i32>} : memref<128x64xf32, #tpu.memory_space<vmem>>, vector<1x16xf32>,
        %add3A_450 = arith.constant 2 : i32
        %add3A_451 = arith.addi %add3A_220, %add3A_450 : i32
        %get3A_452 = arith.index_cast %add3A_451 : i32 to index
        %get3A_453 = arith.constant 48 : index
        %get3A_454 = tpu.vector_load %arg10[%get3A_452, %get3A_453] {strides = array<i32>} : memref<128x64xf32, #tpu.memory_space<vmem>>, vector<1x16xf32>,
        %get3A_455 = vector.shape_cast %get3A_454 : vector<1x16xf32> to vector<1x16xf32>
        %get3A_456 = arith.index_cast %add3A_451 : i32 to index
        %get3A_457 = arith.constant 48 : index
        %get3A_458 = tpu.vector_load %arg8[%get3A_456, %get3A_457] {strides = array<i32>} : memref<128x128xf32, #tpu.memory_space<vmem>>, vector<1x16xf32>,
        %get3A_459 = vector.shape_cast %get3A_458 : vector<1x16xf32> to vector<1x16xf32>
        %add3A_460 = arith.addf %get3A_455, %get3A_459 : vector<1x16xf32>
        %get3A_461 = arith.index_cast %add3A_451 : i32 to index
        %get3A_462 = arith.constant 48 : index
        %get3A_463 = tpu.vector_load %arg9[%get3A_461, %get3A_462] {strides = array<i32>} : memref<128x128xf32, #tpu.memory_space<vmem>>, vector<1x16xf32>,
        %get3A_464 = vector.shape_cast %get3A_463 : vector<1x16xf32> to vector<1x16xf32>
        %add3A_465 = arith.addf %add3A_460, %get3A_464 : vector<1x16xf32>
        %swap3A_466 = arith.index_cast %add3A_451 : i32 to index
        %swap3A_467 = arith.constant 48 : index
        %swap3A_468 = tpu.vector_load %arg10[%swap3A_466, %swap3A_467] {strides = array<i32>} : memref<128x64xf32, #tpu.memory_space<vmem>>, vector<1x16xf32>,
        %swap3A_469 = vector.shape_cast %swap3A_468 : vector<1x16xf32> to vector<1x16xf32>
        %swap3A_470 = vector.shape_cast %add3A_465 : vector<1x16xf32> to vector<1x16xf32>
        tpu.vector_store %arg10[%swap3A_466, %swap3A_467], %swap3A_470 {strides = array<i32>} : memref<128x64xf32, #tpu.memory_space<vmem>>, vector<1x16xf32>,
        %add3A_471 = arith.constant 3 : i32
        %add3A_472 = arith.addi %add3A_220, %add3A_471 : i32
        %get3A_473 = arith.index_cast %add3A_472 : i32 to index
        %get3A_474 = arith.constant 0 : index
        %get3A_475 = tpu.vector_load %arg10[%get3A_473, %get3A_474] {strides = array<i32>} : memref<128x64xf32, #tpu.memory_space<vmem>>, vector<1x16xf32>,
        %get3A_476 = vector.shape_cast %get3A_475 : vector<1x16xf32> to vector<1x16xf32>
        %get3A_477 = arith.index_cast %add3A_472 : i32 to index
        %get3A_478 = arith.constant 0 : index
        %get3A_479 = tpu.vector_load %arg8[%get3A_477, %get3A_478] {strides = array<i32>} : memref<128x128xf32, #tpu.memory_space<vmem>>, vector<1x16xf32>,
        %get3A_480 = vector.shape_cast %get3A_479 : vector<1x16xf32> to vector<1x16xf32>
        %add3A_481 = arith.addf %get3A_476, %get3A_480 : vector<1x16xf32>
        %get3A_482 = arith.index_cast %add3A_472 : i32 to index
        %get3A_483 = arith.constant 0 : index
        %get3A_484 = tpu.vector_load %arg9[%get3A_482, %get3A_483] {strides = array<i32>} : memref<128x128xf32, #tpu.memory_space<vmem>>, vector<1x16xf32>,
        %get3A_485 = vector.shape_cast %get3A_484 : vector<1x16xf32> to vector<1x16xf32>
        %add3A_486 = arith.addf %add3A_481, %get3A_485 : vector<1x16xf32>
        %swap3A_487 = arith.index_cast %add3A_472 : i32 to index
        %swap3A_488 = arith.constant 0 : index
        %swap3A_489 = tpu.vector_load %arg10[%swap3A_487, %swap3A_488] {strides = array<i32>} : memref<128x64xf32, #tpu.memory_space<vmem>>, vector<1x16xf32>,
        %swap3A_490 = vector.shape_cast %swap3A_489 : vector<1x16xf32> to vector<1x16xf32>
        %swap3A_491 = vector.shape_cast %add3A_486 : vector<1x16xf32> to vector<1x16xf32>
        tpu.vector_store %arg10[%swap3A_487, %swap3A_488], %swap3A_491 {strides = array<i32>} : memref<128x64xf32, #tpu.memory_space<vmem>>, vector<1x16xf32>,
        %add3A_492 = arith.constant 3 : i32
        %add3A_493 = arith.addi %add3A_220, %add3A_492 : i32
        %get3A_494 = arith.index_cast %add3A_493 : i32 to index
        %get3A_495 = arith.constant 16 : index
        %get3A_496 = tpu.vector_load %arg10[%get3A_494, %get3A_495] {strides = array<i32>} : memref<128x64xf32, #tpu.memory_space<vmem>>, vector<1x16xf32>,
        %get3A_497 = vector.shape_cast %get3A_496 : vector<1x16xf32> to vector<1x16xf32>
        %get3A_498 = arith.index_cast %add3A_493 : i32 to index
        %get3A_499 = arith.constant 16 : index
        %get3A_500 = tpu.vector_load %arg8[%get3A_498, %get3A_499] {strides = array<i32>} : memref<128x128xf32, #tpu.memory_space<vmem>>, vector<1x16xf32>,
        %get3A_501 = vector.shape_cast %get3A_500 : vector<1x16xf32> to vector<1x16xf32>
        %add3A_502 = arith.addf %get3A_497, %get3A_501 : vector<1x16xf32>
        %get3A_503 = arith.index_cast %add3A_493 : i32 to index
        %get3A_504 = arith.constant 16 : index
        %get3A_505 = tpu.vector_load %arg9[%get3A_503, %get3A_504] {strides = array<i32>} : memref<128x128xf32, #tpu.memory_space<vmem>>, vector<1x16xf32>,
        %get3A_506 = vector.shape_cast %get3A_505 : vector<1x16xf32> to vector<1x16xf32>
        %add3A_507 = arith.addf %add3A_502, %get3A_506 : vector<1x16xf32>
        %swap3A_508 = arith.index_cast %add3A_493 : i32 to index
        %swap3A_509 = arith.constant 16 : index
        %swap3A_510 = tpu.vector_load %arg10[%swap3A_508, %swap3A_509] {strides = array<i32>} : memref<128x64xf32, #tpu.memory_space<vmem>>, vector<1x16xf32>,
        %swap3A_511 = vector.shape_cast %swap3A_510 : vector<1x16xf32> to vector<1x16xf32>
        %swap3A_512 = vector.shape_cast %add3A_507 : vector<1x16xf32> to vector<1x16xf32>
        tpu.vector_store %arg10[%swap3A_508, %swap3A_509], %swap3A_512 {strides = array<i32>} : memref<128x64xf32, #tpu.memory_space<vmem>>, vector<1x16xf32>,
        %add3A_513 = arith.constant 3 : i32
        %add3A_514 = arith.addi %add3A_220, %add3A_513 : i32
        %get3A_515 = arith.index_cast %add3A_514 : i32 to index
        %get3A_516 = arith.constant 32 : index
        %get3A_517 = tpu.vector_load %arg10[%get3A_515, %get3A_516] {strides = array<i32>} : memref<128x64xf32, #tpu.memory_space<vmem>>, vector<1x16xf32>,
        %get3A_518 = vector.shape_cast %get3A_517 : vector<1x16xf32> to vector<1x16xf32>
        %get3A_519 = arith.index_cast %add3A_514 : i32 to index
        %get3A_520 = arith.constant 32 : index
        %get3A_521 = tpu.vector_load %arg8[%get3A_519, %get3A_520] {strides = array<i32>} : memref<128x128xf32, #tpu.memory_space<vmem>>, vector<1x16xf32>,
        %get3A_522 = vector.shape_cast %get3A_521 : vector<1x16xf32> to vector<1x16xf32>
        %add3A_523 = arith.addf %get3A_518, %get3A_522 : vector<1x16xf32>
        %get3A_524 = arith.index_cast %add3A_514 : i32 to index
        %get3A_525 = arith.constant 32 : index
        %get3A_526 = tpu.vector_load %arg9[%get3A_524, %get3A_525] {strides = array<i32>} : memref<128x128xf32, #tpu.memory_space<vmem>>, vector<1x16xf32>,
        %get3A_527 = vector.shape_cast %get3A_526 : vector<1x16xf32> to vector<1x16xf32>
        %add3A_528 = arith.addf %add3A_523, %get3A_527 : vector<1x16xf32>
        %swap3A_529 = arith.index_cast %add3A_514 : i32 to index
        %swap3A_530 = arith.constant 32 : index
        %swap3A_531 = tpu.vector_load %arg10[%swap3A_529, %swap3A_530] {strides = array<i32>} : memref<128x64xf32, #tpu.memory_space<vmem>>, vector<1x16xf32>,
        %swap3A_532 = vector.shape_cast %swap3A_531 : vector<1x16xf32> to vector<1x16xf32>
        %swap3A_533 = vector.shape_cast %add3A_528 : vector<1x16xf32> to vector<1x16xf32>
        tpu.vector_store %arg10[%swap3A_529, %swap3A_530], %swap3A_533 {strides = array<i32>} : memref<128x64xf32, #tpu.memory_space<vmem>>, vector<1x16xf32>,
        %add3A_534 = arith.constant 3 : i32
        %add3A_535 = arith.addi %add3A_220, %add3A_534 : i32
        %get3A_536 = arith.index_cast %add3A_535 : i32 to index
        %get3A_537 = arith.constant 48 : index
        %get3A_538 = tpu.vector_load %arg10[%get3A_536, %get3A_537] {strides = array<i32>} : memref<128x64xf32, #tpu.memory_space<vmem>>, vector<1x16xf32>,
        %get3A_539 = vector.shape_cast %get3A_538 : vector<1x16xf32> to vector<1x16xf32>
        %get3A_540 = arith.index_cast %add3A_535 : i32 to index
        %get3A_541 = arith.constant 48 : index
        %get3A_542 = tpu.vector_load %arg8[%get3A_540, %get3A_541] {strides = array<i32>} : memref<128x128xf32, #tpu.memory_space<vmem>>, vector<1x16xf32>,
        %get3A_543 = vector.shape_cast %get3A_542 : vector<1x16xf32> to vector<1x16xf32>
        %add3A_544 = arith.addf %get3A_539, %get3A_543 : vector<1x16xf32>
        %get3A_545 = arith.index_cast %add3A_535 : i32 to index
        %get3A_546 = arith.constant 48 : index
        %get3A_547 = tpu.vector_load %arg9[%get3A_545, %get3A_546] {strides = array<i32>} : memref<128x128xf32, #tpu.memory_space<vmem>>, vector<1x16xf32>,
        %get3A_548 = vector.shape_cast %get3A_547 : vector<1x16xf32> to vector<1x16xf32>
        %add3A_549 = arith.addf %add3A_544, %get3A_548 : vector<1x16xf32>
        %swap3A_550 = arith.index_cast %add3A_535 : i32 to index
        %swap3A_551 = arith.constant 48 : index
        %swap3A_552 = tpu.vector_load %arg10[%swap3A_550, %swap3A_551] {strides = array<i32>} : memref<128x64xf32, #tpu.memory_space<vmem>>, vector<1x16xf32>,
        %swap3A_553 = vector.shape_cast %swap3A_552 : vector<1x16xf32> to vector<1x16xf32>
        %swap3A_554 = vector.shape_cast %add3A_549 : vector<1x16xf32> to vector<1x16xf32>
        tpu.vector_store %arg10[%swap3A_550, %swap3A_551], %swap3A_554 {strides = array<i32>} : memref<128x64xf32, #tpu.memory_space<vmem>>, vector<1x16xf32>,
        %add3A_555 = arith.constant 4 : i32
        %add3A_556 = arith.addi %add3A_220, %add3A_555 : i32
        %get3A_557 = arith.index_cast %add3A_556 : i32 to index
        %get3A_558 = arith.constant 0 : index
        %get3A_559 = tpu.vector_load %arg10[%get3A_557, %get3A_558] {strides = array<i32>} : memref<128x64xf32, #tpu.memory_space<vmem>>, vector<1x16xf32>,
        %get3A_560 = vector.shape_cast %get3A_559 : vector<1x16xf32> to vector<1x16xf32>
        %get3A_561 = arith.index_cast %add3A_556 : i32 to index
        %get3A_562 = arith.constant 0 : index
        %get3A_563 = tpu.vector_load %arg8[%get3A_561, %get3A_562] {strides = array<i32>} : memref<128x128xf32, #tpu.memory_space<vmem>>, vector<1x16xf32>,
        %get3A_564 = vector.shape_cast %get3A_563 : vector<1x16xf32> to vector<1x16xf32>
        %add3A_565 = arith.addf %get3A_560, %get3A_564 : vector<1x16xf32>
        %get3A_566 = arith.index_cast %add3A_556 : i32 to index
        %get3A_567 = arith.constant 0 : index
        %get3A_568 = tpu.vector_load %arg9[%get3A_566, %get3A_567] {strides = array<i32>} : memref<128x128xf32, #tpu.memory_space<vmem>>, vector<1x16xf32>,
        %get3A_569 = vector.shape_cast %get3A_568 : vector<1x16xf32> to vector<1x16xf32>
        %add3A_570 = arith.addf %add3A_565, %get3A_569 : vector<1x16xf32>
        %swap3A_571 = arith.index_cast %add3A_556 : i32 to index
        %swap3A_572 = arith.constant 0 : index
        %swap3A_573 = tpu.vector_load %arg10[%swap3A_571, %swap3A_572] {strides = array<i32>} : memref<128x64xf32, #tpu.memory_space<vmem>>, vector<1x16xf32>,
        %swap3A_574 = vector.shape_cast %swap3A_573 : vector<1x16xf32> to vector<1x16xf32>
        %swap3A_575 = vector.shape_cast %add3A_570 : vector<1x16xf32> to vector<1x16xf32>
        tpu.vector_store %arg10[%swap3A_571, %swap3A_572], %swap3A_575 {strides = array<i32>} : memref<128x64xf32, #tpu.memory_space<vmem>>, vector<1x16xf32>,
        %add3A_576 = arith.constant 4 : i32
        %add3A_577 = arith.addi %add3A_220, %add3A_576 : i32
        %get3A_578 = arith.index_cast %add3A_577 : i32 to index
        %get3A_579 = arith.constant 16 : index
        %get3A_580 = tpu.vector_load %arg10[%get3A_578, %get3A_579] {strides = array<i32>} : memref<128x64xf32, #tpu.memory_space<vmem>>, vector<1x16xf32>,
        %get3A_581 = vector.shape_cast %get3A_580 : vector<1x16xf32> to vector<1x16xf32>
        %get3A_582 = arith.index_cast %add3A_577 : i32 to index
        %get3A_583 = arith.constant 16 : index
        %get3A_584 = tpu.vector_load %arg8[%get3A_582, %get3A_583] {strides = array<i32>} : memref<128x128xf32, #tpu.memory_space<vmem>>, vector<1x16xf32>,
        %get3A_585 = vector.shape_cast %get3A_584 : vector<1x16xf32> to vector<1x16xf32>
        %add3A_586 = arith.addf %get3A_581, %get3A_585 : vector<1x16xf32>
        %get3A_587 = arith.index_cast %add3A_577 : i32 to index
        %get3A_588 = arith.constant 16 : index
        %get3A_589 = tpu.vector_load %arg9[%get3A_587, %get3A_588] {strides = array<i32>} : memref<128x128xf32, #tpu.memory_space<vmem>>, vector<1x16xf32>,
        %get3A_590 = vector.shape_cast %get3A_589 : vector<1x16xf32> to vector<1x16xf32>
        %add3A_591 = arith.addf %add3A_586, %get3A_590 : vector<1x16xf32>
        %swap3A_592 = arith.index_cast %add3A_577 : i32 to index
        %swap3A_593 = arith.constant 16 : index
        %swap3A_594 = tpu.vector_load %arg10[%swap3A_592, %swap3A_593] {strides = array<i32>} : memref<128x64xf32, #tpu.memory_space<vmem>>, vector<1x16xf32>,
        %swap3A_595 = vector.shape_cast %swap3A_594 : vector<1x16xf32> to vector<1x16xf32>
        %swap3A_596 = vector.shape_cast %add3A_591 : vector<1x16xf32> to vector<1x16xf32>
        tpu.vector_store %arg10[%swap3A_592, %swap3A_593], %swap3A_596 {strides = array<i32>} : memref<128x64xf32, #tpu.memory_space<vmem>>, vector<1x16xf32>,
        %add3A_597 = arith.constant 4 : i32
        %add3A_598 = arith.addi %add3A_220, %add3A_597 : i32
        %get3A_599 = arith.index_cast %add3A_598 : i32 to index
        %get3A_600 = arith.constant 32 : index
        %get3A_601 = tpu.vector_load %arg10[%get3A_599, %get3A_600] {strides = array<i32>} : memref<128x64xf32, #tpu.memory_space<vmem>>, vector<1x16xf32>,
        %get3A_602 = vector.shape_cast %get3A_601 : vector<1x16xf32> to vector<1x16xf32>
        %get3A_603 = arith.index_cast %add3A_598 : i32 to index
        %get3A_604 = arith.constant 32 : index
        %get3A_605 = tpu.vector_load %arg8[%get3A_603, %get3A_604] {strides = array<i32>} : memref<128x128xf32, #tpu.memory_space<vmem>>, vector<1x16xf32>,
        %get3A_606 = vector.shape_cast %get3A_605 : vector<1x16xf32> to vector<1x16xf32>
        %add3A_607 = arith.addf %get3A_602, %get3A_606 : vector<1x16xf32>
        %get3A_608 = arith.index_cast %add3A_598 : i32 to index
        %get3A_609 = arith.constant 32 : index
        %get3A_610 = tpu.vector_load %arg9[%get3A_608, %get3A_609] {strides = array<i32>} : memref<128x128xf32, #tpu.memory_space<vmem>>, vector<1x16xf32>,
        %get3A_611 = vector.shape_cast %get3A_610 : vector<1x16xf32> to vector<1x16xf32>
        %add3A_612 = arith.addf %add3A_607, %get3A_611 : vector<1x16xf32>
        %swap3A_613 = arith.index_cast %add3A_598 : i32 to index
        %swap3A_614 = arith.constant 32 : index
        %swap3A_615 = tpu.vector_load %arg10[%swap3A_613, %swap3A_614] {strides = array<i32>} : memref<128x64xf32, #tpu.memory_space<vmem>>, vector<1x16xf32>,
        %swap3A_616 = vector.shape_cast %swap3A_615 : vector<1x16xf32> to vector<1x16xf32>
        %swap3A_617 = vector.shape_cast %add3A_612 : vector<1x16xf32> to vector<1x16xf32>
        tpu.vector_store %arg10[%swap3A_613, %swap3A_614], %swap3A_617 {strides = array<i32>} : memref<128x64xf32, #tpu.memory_space<vmem>>, vector<1x16xf32>,
        %add3A_618 = arith.constant 4 : i32
        %add3A_619 = arith.addi %add3A_220, %add3A_618 : i32
        %get3A_620 = arith.index_cast %add3A_619 : i32 to index
        %get3A_621 = arith.constant 48 : index
        %get3A_622 = tpu.vector_load %arg10[%get3A_620, %get3A_621] {strides = array<i32>} : memref<128x64xf32, #tpu.memory_space<vmem>>, vector<1x16xf32>,
        %get3A_623 = vector.shape_cast %get3A_622 : vector<1x16xf32> to vector<1x16xf32>
        %get3A_624 = arith.index_cast %add3A_619 : i32 to index
        %get3A_625 = arith.constant 48 : index
        %get3A_626 = tpu.vector_load %arg8[%get3A_624, %get3A_625] {strides = array<i32>} : memref<128x128xf32, #tpu.memory_space<vmem>>, vector<1x16xf32>,
        %get3A_627 = vector.shape_cast %get3A_626 : vector<1x16xf32> to vector<1x16xf32>
        %add3A_628 = arith.addf %get3A_623, %get3A_627 : vector<1x16xf32>
        %get3A_629 = arith.index_cast %add3A_619 : i32 to index
        %get3A_630 = arith.constant 48 : index
        %get3A_631 = tpu.vector_load %arg9[%get3A_629, %get3A_630] {strides = array<i32>} : memref<128x128xf32, #tpu.memory_space<vmem>>, vector<1x16xf32>,
        %get3A_632 = vector.shape_cast %get3A_631 : vector<1x16xf32> to vector<1x16xf32>
        %add3A_633 = arith.addf %add3A_628, %get3A_632 : vector<1x16xf32>
        %swap3A_634 = arith.index_cast %add3A_619 : i32 to index
        %swap3A_635 = arith.constant 48 : index
        %swap3A_636 = tpu.vector_load %arg10[%swap3A_634, %swap3A_635] {strides = array<i32>} : memref<128x64xf32, #tpu.memory_space<vmem>>, vector<1x16xf32>,
        %swap3A_637 = vector.shape_cast %swap3A_636 : vector<1x16xf32> to vector<1x16xf32>
        %swap3A_638 = vector.shape_cast %add3A_633 : vector<1x16xf32> to vector<1x16xf32>
        tpu.vector_store %arg10[%swap3A_634, %swap3A_635], %swap3A_638 {strides = array<i32>} : memref<128x64xf32, #tpu.memory_space<vmem>>, vector<1x16xf32>,
        %add3A_639 = arith.constant 5 : i32
        %add3A_640 = arith.addi %add3A_220, %add3A_639 : i32
        %get3A_641 = arith.index_cast %add3A_640 : i32 to index
        %get3A_642 = arith.constant 0 : index
        %get3A_643 = tpu.vector_load %arg10[%get3A_641, %get3A_642] {strides = array<i32>} : memref<128x64xf32, #tpu.memory_space<vmem>>, vector<1x16xf32>,
        %get3A_644 = vector.shape_cast %get3A_643 : vector<1x16xf32> to vector<1x16xf32>
        %get3A_645 = arith.index_cast %add3A_640 : i32 to index
        %get3A_646 = arith.constant 0 : index
        %get3A_647 = tpu.vector_load %arg8[%get3A_645, %get3A_646] {strides = array<i32>} : memref<128x128xf32, #tpu.memory_space<vmem>>, vector<1x16xf32>,
        %get3A_648 = vector.shape_cast %get3A_647 : vector<1x16xf32> to vector<1x16xf32>
        %add3A_649 = arith.addf %get3A_644, %get3A_648 : vector<1x16xf32>
        %get3A_650 = arith.index_cast %add3A_640 : i32 to index
        %get3A_651 = arith.constant 0 : index
        %get3A_652 = tpu.vector_load %arg9[%get3A_650, %get3A_651] {strides = array<i32>} : memref<128x128xf32, #tpu.memory_space<vmem>>, vector<1x16xf32>,
        %get3A_653 = vector.shape_cast %get3A_652 : vector<1x16xf32> to vector<1x16xf32>
        %add3A_654 = arith.addf %add3A_649, %get3A_653 : vector<1x16xf32>
        %swap3A_655 = arith.index_cast %add3A_640 : i32 to index
        %swap3A_656 = arith.constant 0 : index
        %swap3A_657 = tpu.vector_load %arg10[%swap3A_655, %swap3A_656] {strides = array<i32>} : memref<128x64xf32, #tpu.memory_space<vmem>>, vector<1x16xf32>,
        %swap3A_658 = vector.shape_cast %swap3A_657 : vector<1x16xf32> to vector<1x16xf32>
        %swap3A_659 = vector.shape_cast %add3A_654 : vector<1x16xf32> to vector<1x16xf32>
        tpu.vector_store %arg10[%swap3A_655, %swap3A_656], %swap3A_659 {strides = array<i32>} : memref<128x64xf32, #tpu.memory_space<vmem>>, vector<1x16xf32>,
        %add3A_660 = arith.constant 5 : i32
        %add3A_661 = arith.addi %add3A_220, %add3A_660 : i32
        %get3A_662 = arith.index_cast %add3A_661 : i32 to index
        %get3A_663 = arith.constant 16 : index
        %get3A_664 = tpu.vector_load %arg10[%get3A_662, %get3A_663] {strides = array<i32>} : memref<128x64xf32, #tpu.memory_space<vmem>>, vector<1x16xf32>,
        %get3A_665 = vector.shape_cast %get3A_664 : vector<1x16xf32> to vector<1x16xf32>
        %get3A_666 = arith.index_cast %add3A_661 : i32 to index
        %get3A_667 = arith.constant 16 : index
        %get3A_668 = tpu.vector_load %arg8[%get3A_666, %get3A_667] {strides = array<i32>} : memref<128x128xf32, #tpu.memory_space<vmem>>, vector<1x16xf32>,
        %get3A_669 = vector.shape_cast %get3A_668 : vector<1x16xf32> to vector<1x16xf32>
        %add3A_670 = arith.addf %get3A_665, %get3A_669 : vector<1x16xf32>
        %get3A_671 = arith.index_cast %add3A_661 : i32 to index
        %get3A_672 = arith.constant 16 : index
        %get3A_673 = tpu.vector_load %arg9[%get3A_671, %get3A_672] {strides = array<i32>} : memref<128x128xf32, #tpu.memory_space<vmem>>, vector<1x16xf32>,
        %get3A_674 = vector.shape_cast %get3A_673 : vector<1x16xf32> to vector<1x16xf32>
        %add3A_675 = arith.addf %add3A_670, %get3A_674 : vector<1x16xf32>
        %swap3A_676 = arith.index_cast %add3A_661 : i32 to index
        %swap3A_677 = arith.constant 16 : index
        %swap3A_678 = tpu.vector_load %arg10[%swap3A_676, %swap3A_677] {strides = array<i32>} : memref<128x64xf32, #tpu.memory_space<vmem>>, vector<1x16xf32>,
        %swap3A_679 = vector.shape_cast %swap3A_678 : vector<1x16xf32> to vector<1x16xf32>
        %swap3A_680 = vector.shape_cast %add3A_675 : vector<1x16xf32> to vector<1x16xf32>
        tpu.vector_store %arg10[%swap3A_676, %swap3A_677], %swap3A_680 {strides = array<i32>} : memref<128x64xf32, #tpu.memory_space<vmem>>, vector<1x16xf32>,
        %add3A_681 = arith.constant 5 : i32
        %add3A_682 = arith.addi %add3A_220, %add3A_681 : i32
        %get3A_683 = arith.index_cast %add3A_682 : i32 to index
        %get3A_684 = arith.constant 32 : index
        %get3A_685 = tpu.vector_load %arg10[%get3A_683, %get3A_684] {strides = array<i32>} : memref<128x64xf32, #tpu.memory_space<vmem>>, vector<1x16xf32>,
        %get3A_686 = vector.shape_cast %get3A_685 : vector<1x16xf32> to vector<1x16xf32>
        %get3A_687 = arith.index_cast %add3A_682 : i32 to index
        %get3A_688 = arith.constant 32 : index
        %get3A_689 = tpu.vector_load %arg8[%get3A_687, %get3A_688] {strides = array<i32>} : memref<128x128xf32, #tpu.memory_space<vmem>>, vector<1x16xf32>,
        %get3A_690 = vector.shape_cast %get3A_689 : vector<1x16xf32> to vector<1x16xf32>
        %add3A_691 = arith.addf %get3A_686, %get3A_690 : vector<1x16xf32>
        %get3A_692 = arith.index_cast %add3A_682 : i32 to index
        %get3A_693 = arith.constant 32 : index
        %get3A_694 = tpu.vector_load %arg9[%get3A_692, %get3A_693] {strides = array<i32>} : memref<128x128xf32, #tpu.memory_space<vmem>>, vector<1x16xf32>,
        %get3A_695 = vector.shape_cast %get3A_694 : vector<1x16xf32> to vector<1x16xf32>
        %add3A_696 = arith.addf %add3A_691, %get3A_695 : vector<1x16xf32>
        %swap3A_697 = arith.index_cast %add3A_682 : i32 to index
        %swap3A_698 = arith.constant 32 : index
        %swap3A_699 = tpu.vector_load %arg10[%swap3A_697, %swap3A_698] {strides = array<i32>} : memref<128x64xf32, #tpu.memory_space<vmem>>, vector<1x16xf32>,
        %swap3A_700 = vector.shape_cast %swap3A_699 : vector<1x16xf32> to vector<1x16xf32>
        %swap3A_701 = vector.shape_cast %add3A_696 : vector<1x16xf32> to vector<1x16xf32>
        tpu.vector_store %arg10[%swap3A_697, %swap3A_698], %swap3A_701 {strides = array<i32>} : memref<128x64xf32, #tpu.memory_space<vmem>>, vector<1x16xf32>,
        %add3A_702 = arith.constant 5 : i32
        %add3A_703 = arith.addi %add3A_220, %add3A_702 : i32
        %get3A_704 = arith.index_cast %add3A_703 : i32 to index
        %get3A_705 = arith.constant 48 : index
        %get3A_706 = tpu.vector_load %arg10[%get3A_704, %get3A_705] {strides = array<i32>} : memref<128x64xf32, #tpu.memory_space<vmem>>, vector<1x16xf32>,
        %get3A_707 = vector.shape_cast %get3A_706 : vector<1x16xf32> to vector<1x16xf32>
        %get3A_708 = arith.index_cast %add3A_703 : i32 to index
        %get3A_709 = arith.constant 48 : index
        %get3A_710 = tpu.vector_load %arg8[%get3A_708, %get3A_709] {strides = array<i32>} : memref<128x128xf32, #tpu.memory_space<vmem>>, vector<1x16xf32>,
        %get3A_711 = vector.shape_cast %get3A_710 : vector<1x16xf32> to vector<1x16xf32>
        %add3A_712 = arith.addf %get3A_707, %get3A_711 : vector<1x16xf32>
        %get3A_713 = arith.index_cast %add3A_703 : i32 to index
        %get3A_714 = arith.constant 48 : index
        %get3A_715 = tpu.vector_load %arg9[%get3A_713, %get3A_714] {strides = array<i32>} : memref<128x128xf32, #tpu.memory_space<vmem>>, vector<1x16xf32>,
        %get3A_716 = vector.shape_cast %get3A_715 : vector<1x16xf32> to vector<1x16xf32>
        %add3A_717 = arith.addf %add3A_712, %get3A_716 : vector<1x16xf32>
        %swap3A_718 = arith.index_cast %add3A_703 : i32 to index
        %swap3A_719 = arith.constant 48 : index
        %swap3A_720 = tpu.vector_load %arg10[%swap3A_718, %swap3A_719] {strides = array<i32>} : memref<128x64xf32, #tpu.memory_space<vmem>>, vector<1x16xf32>,
        %swap3A_721 = vector.shape_cast %swap3A_720 : vector<1x16xf32> to vector<1x16xf32>
        %swap3A_722 = vector.shape_cast %add3A_717 : vector<1x16xf32> to vector<1x16xf32>
        tpu.vector_store %arg10[%swap3A_718, %swap3A_719], %swap3A_722 {strides = array<i32>} : memref<128x64xf32, #tpu.memory_space<vmem>>, vector<1x16xf32>,
        %add3A_723 = arith.constant 6 : i32
        %add3A_724 = arith.addi %add3A_220, %add3A_723 : i32
        %get3A_725 = arith.index_cast %add3A_724 : i32 to index
        %get3A_726 = arith.constant 0 : index
        %get3A_727 = tpu.vector_load %arg10[%get3A_725, %get3A_726] {strides = array<i32>} : memref<128x64xf32, #tpu.memory_space<vmem>>, vector<1x16xf32>,
        %get3A_728 = vector.shape_cast %get3A_727 : vector<1x16xf32> to vector<1x16xf32>
        %get3A_729 = arith.index_cast %add3A_724 : i32 to index
        %get3A_730 = arith.constant 0 : index
        %get3A_731 = tpu.vector_load %arg8[%get3A_729, %get3A_730] {strides = array<i32>} : memref<128x128xf32, #tpu.memory_space<vmem>>, vector<1x16xf32>,
        %get3A_732 = vector.shape_cast %get3A_731 : vector<1x16xf32> to vector<1x16xf32>
        %add3A_733 = arith.addf %get3A_728, %get3A_732 : vector<1x16xf32>
        %get3A_734 = arith.index_cast %add3A_724 : i32 to index
        %get3A_735 = arith.constant 0 : index
        %get3A_736 = tpu.vector_load %arg9[%get3A_734, %get3A_735] {strides = array<i32>} : memref<128x128xf32, #tpu.memory_space<vmem>>, vector<1x16xf32>,
        %get3A_737 = vector.shape_cast %get3A_736 : vector<1x16xf32> to vector<1x16xf32>
        %add3A_738 = arith.addf %add3A_733, %get3A_737 : vector<1x16xf32>
        %swap3A_739 = arith.index_cast %add3A_724 : i32 to index
        %swap3A_740 = arith.constant 0 : index
        %swap3A_741 = tpu.vector_load %arg10[%swap3A_739, %swap3A_740] {strides = array<i32>} : memref<128x64xf32, #tpu.memory_space<vmem>>, vector<1x16xf32>,
        %swap3A_742 = vector.shape_cast %swap3A_741 : vector<1x16xf32> to vector<1x16xf32>
        %swap3A_743 = vector.shape_cast %add3A_738 : vector<1x16xf32> to vector<1x16xf32>
        tpu.vector_store %arg10[%swap3A_739, %swap3A_740], %swap3A_743 {strides = array<i32>} : memref<128x64xf32, #tpu.memory_space<vmem>>, vector<1x16xf32>,
        %add3A_744 = arith.constant 6 : i32
        %add3A_745 = arith.addi %add3A_220, %add3A_744 : i32
        %get3A_746 = arith.index_cast %add3A_745 : i32 to index
        %get3A_747 = arith.constant 16 : index
        %get3A_748 = tpu.vector_load %arg10[%get3A_746, %get3A_747] {strides = array<i32>} : memref<128x64xf32, #tpu.memory_space<vmem>>, vector<1x16xf32>,
        %get3A_749 = vector.shape_cast %get3A_748 : vector<1x16xf32> to vector<1x16xf32>
        %get3A_750 = arith.index_cast %add3A_745 : i32 to index
        %get3A_751 = arith.constant 16 : index
        %get3A_752 = tpu.vector_load %arg8[%get3A_750, %get3A_751] {strides = array<i32>} : memref<128x128xf32, #tpu.memory_space<vmem>>, vector<1x16xf32>,
        %get3A_753 = vector.shape_cast %get3A_752 : vector<1x16xf32> to vector<1x16xf32>
        %add3A_754 = arith.addf %get3A_749, %get3A_753 : vector<1x16xf32>
        %get3A_755 = arith.index_cast %add3A_745 : i32 to index
        %get3A_756 = arith.constant 16 : index
        %get3A_757 = tpu.vector_load %arg9[%get3A_755, %get3A_756] {strides = array<i32>} : memref<128x128xf32, #tpu.memory_space<vmem>>, vector<1x16xf32>,
        %get3A_758 = vector.shape_cast %get3A_757 : vector<1x16xf32> to vector<1x16xf32>
        %add3A_759 = arith.addf %add3A_754, %get3A_758 : vector<1x16xf32>
        %swap3A_760 = arith.index_cast %add3A_745 : i32 to index
        %swap3A_761 = arith.constant 16 : index
        %swap3A_762 = tpu.vector_load %arg10[%swap3A_760, %swap3A_761] {strides = array<i32>} : memref<128x64xf32, #tpu.memory_space<vmem>>, vector<1x16xf32>,
        %swap3A_763 = vector.shape_cast %swap3A_762 : vector<1x16xf32> to vector<1x16xf32>
        %swap3A_764 = vector.shape_cast %add3A_759 : vector<1x16xf32> to vector<1x16xf32>
        tpu.vector_store %arg10[%swap3A_760, %swap3A_761], %swap3A_764 {strides = array<i32>} : memref<128x64xf32, #tpu.memory_space<vmem>>, vector<1x16xf32>,
        %add3A_765 = arith.constant 6 : i32
        %add3A_766 = arith.addi %add3A_220, %add3A_765 : i32
        %get3A_767 = arith.index_cast %add3A_766 : i32 to index
        %get3A_768 = arith.constant 32 : index
        %get3A_769 = tpu.vector_load %arg10[%get3A_767, %get3A_768] {strides = array<i32>} : memref<128x64xf32, #tpu.memory_space<vmem>>, vector<1x16xf32>,
        %get3A_770 = vector.shape_cast %get3A_769 : vector<1x16xf32> to vector<1x16xf32>
        %get3A_771 = arith.index_cast %add3A_766 : i32 to index
        %get3A_772 = arith.constant 32 : index
        %get3A_773 = tpu.vector_load %arg8[%get3A_771, %get3A_772] {strides = array<i32>} : memref<128x128xf32, #tpu.memory_space<vmem>>, vector<1x16xf32>,
        %get3A_774 = vector.shape_cast %get3A_773 : vector<1x16xf32> to vector<1x16xf32>
        %add3A_775 = arith.addf %get3A_770, %get3A_774 : vector<1x16xf32>
        %get3A_776 = arith.index_cast %add3A_766 : i32 to index
        %get3A_777 = arith.constant 32 : index
        %get3A_778 = tpu.vector_load %arg9[%get3A_776, %get3A_777] {strides = array<i32>} : memref<128x128xf32, #tpu.memory_space<vmem>>, vector<1x16xf32>,
        %get3A_779 = vector.shape_cast %get3A_778 : vector<1x16xf32> to vector<1x16xf32>
        %add3A_780 = arith.addf %add3A_775, %get3A_779 : vector<1x16xf32>
        %swap3A_781 = arith.index_cast %add3A_766 : i32 to index
        %swap3A_782 = arith.constant 32 : index
        %swap3A_783 = tpu.vector_load %arg10[%swap3A_781, %swap3A_782] {strides = array<i32>} : memref<128x64xf32, #tpu.memory_space<vmem>>, vector<1x16xf32>,
        %swap3A_784 = vector.shape_cast %swap3A_783 : vector<1x16xf32> to vector<1x16xf32>
        %swap3A_785 = vector.shape_cast %add3A_780 : vector<1x16xf32> to vector<1x16xf32>
        tpu.vector_store %arg10[%swap3A_781, %swap3A_782], %swap3A_785 {strides = array<i32>} : memref<128x64xf32, #tpu.memory_space<vmem>>, vector<1x16xf32>,
        %add3A_786 = arith.constant 6 : i32
        %add3A_787 = arith.addi %add3A_220, %add3A_786 : i32
        %get3A_788 = arith.index_cast %add3A_787 : i32 to index
        %get3A_789 = arith.constant 48 : index
        %get3A_790 = tpu.vector_load %arg10[%get3A_788, %get3A_789] {strides = array<i32>} : memref<128x64xf32, #tpu.memory_space<vmem>>, vector<1x16xf32>,
        %get3A_791 = vector.shape_cast %get3A_790 : vector<1x16xf32> to vector<1x16xf32>
        %get3A_792 = arith.index_cast %add3A_787 : i32 to index
        %get3A_793 = arith.constant 48 : index
        %get3A_794 = tpu.vector_load %arg8[%get3A_792, %get3A_793] {strides = array<i32>} : memref<128x128xf32, #tpu.memory_space<vmem>>, vector<1x16xf32>,
        %get3A_795 = vector.shape_cast %get3A_794 : vector<1x16xf32> to vector<1x16xf32>
        %add3A_796 = arith.addf %get3A_791, %get3A_795 : vector<1x16xf32>
        %get3A_797 = arith.index_cast %add3A_787 : i32 to index
        %get3A_798 = arith.constant 48 : index
        %get3A_799 = tpu.vector_load %arg9[%get3A_797, %get3A_798] {strides = array<i32>} : memref<128x128xf32, #tpu.memory_space<vmem>>, vector<1x16xf32>,
        %get3A_800 = vector.shape_cast %get3A_799 : vector<1x16xf32> to vector<1x16xf32>
        %add3A_801 = arith.addf %add3A_796, %get3A_800 : vector<1x16xf32>
        %swap3A_802 = arith.index_cast %add3A_787 : i32 to index
        %swap3A_803 = arith.constant 48 : index
        %swap3A_804 = tpu.vector_load %arg10[%swap3A_802, %swap3A_803] {strides = array<i32>} : memref<128x64xf32, #tpu.memory_space<vmem>>, vector<1x16xf32>,
        %swap3A_805 = vector.shape_cast %swap3A_804 : vector<1x16xf32> to vector<1x16xf32>
        %swap3A_806 = vector.shape_cast %add3A_801 : vector<1x16xf32> to vector<1x16xf32>
        tpu.vector_store %arg10[%swap3A_802, %swap3A_803], %swap3A_806 {strides = array<i32>} : memref<128x64xf32, #tpu.memory_space<vmem>>, vector<1x16xf32>,
        %add3A_807 = arith.constant 7 : i32
        %add3A_808 = arith.addi %add3A_220, %add3A_807 : i32
        %get3A_809 = arith.index_cast %add3A_808 : i32 to index
        %get3A_810 = arith.constant 0 : index
        %get3A_811 = tpu.vector_load %arg10[%get3A_809, %get3A_810] {strides = array<i32>} : memref<128x64xf32, #tpu.memory_space<vmem>>, vector<1x16xf32>,
        %get3A_812 = vector.shape_cast %get3A_811 : vector<1x16xf32> to vector<1x16xf32>
        %get3A_813 = arith.index_cast %add3A_808 : i32 to index
        %get3A_814 = arith.constant 0 : index
        %get3A_815 = tpu.vector_load %arg8[%get3A_813, %get3A_814] {strides = array<i32>} : memref<128x128xf32, #tpu.memory_space<vmem>>, vector<1x16xf32>,
        %get3A_816 = vector.shape_cast %get3A_815 : vector<1x16xf32> to vector<1x16xf32>
        %add3A_817 = arith.addf %get3A_812, %get3A_816 : vector<1x16xf32>
        %get3A_818 = arith.index_cast %add3A_808 : i32 to index
        %get3A_819 = arith.constant 0 : index
        %get3A_820 = tpu.vector_load %arg9[%get3A_818, %get3A_819] {strides = array<i32>} : memref<128x128xf32, #tpu.memory_space<vmem>>, vector<1x16xf32>,
        %get3A_821 = vector.shape_cast %get3A_820 : vector<1x16xf32> to vector<1x16xf32>
        %add3A_822 = arith.addf %add3A_817, %get3A_821 : vector<1x16xf32>
        %swap3A_823 = arith.index_cast %add3A_808 : i32 to index
        %swap3A_824 = arith.constant 0 : index
        %swap3A_825 = tpu.vector_load %arg10[%swap3A_823, %swap3A_824] {strides = array<i32>} : memref<128x64xf32, #tpu.memory_space<vmem>>, vector<1x16xf32>,
        %swap3A_826 = vector.shape_cast %swap3A_825 : vector<1x16xf32> to vector<1x16xf32>
        %swap3A_827 = vector.shape_cast %add3A_822 : vector<1x16xf32> to vector<1x16xf32>
        tpu.vector_store %arg10[%swap3A_823, %swap3A_824], %swap3A_827 {strides = array<i32>} : memref<128x64xf32, #tpu.memory_space<vmem>>, vector<1x16xf32>,
        %add3A_828 = arith.constant 7 : i32
        %add3A_829 = arith.addi %add3A_220, %add3A_828 : i32
        %get3A_830 = arith.index_cast %add3A_829 : i32 to index
        %get3A_831 = arith.constant 16 : index
        %get3A_832 = tpu.vector_load %arg10[%get3A_830, %get3A_831] {strides = array<i32>} : memref<128x64xf32, #tpu.memory_space<vmem>>, vector<1x16xf32>,
        %get3A_833 = vector.shape_cast %get3A_832 : vector<1x16xf32> to vector<1x16xf32>
        %get3A_834 = arith.index_cast %add3A_829 : i32 to index
        %get3A_835 = arith.constant 16 : index
        %get3A_836 = tpu.vector_load %arg8[%get3A_834, %get3A_835] {strides = array<i32>} : memref<128x128xf32, #tpu.memory_space<vmem>>, vector<1x16xf32>,
        %get3A_837 = vector.shape_cast %get3A_836 : vector<1x16xf32> to vector<1x16xf32>
        %add3A_838 = arith.addf %get3A_833, %get3A_837 : vector<1x16xf32>
        %get3A_839 = arith.index_cast %add3A_829 : i32 to index
        %get3A_840 = arith.constant 16 : index
        %get3A_841 = tpu.vector_load %arg9[%get3A_839, %get3A_840] {strides = array<i32>} : memref<128x128xf32, #tpu.memory_space<vmem>>, vector<1x16xf32>,
        %get3A_842 = vector.shape_cast %get3A_841 : vector<1x16xf32> to vector<1x16xf32>
        %add3A_843 = arith.addf %add3A_838, %get3A_842 : vector<1x16xf32>
        %swap3A_844 = arith.index_cast %add3A_829 : i32 to index
        %swap3A_845 = arith.constant 16 : index
        %swap3A_846 = tpu.vector_load %arg10[%swap3A_844, %swap3A_845] {strides = array<i32>} : memref<128x64xf32, #tpu.memory_space<vmem>>, vector<1x16xf32>,
        %swap3A_847 = vector.shape_cast %swap3A_846 : vector<1x16xf32> to vector<1x16xf32>
        %swap3A_848 = vector.shape_cast %add3A_843 : vector<1x16xf32> to vector<1x16xf32>
        tpu.vector_store %arg10[%swap3A_844, %swap3A_845], %swap3A_848 {strides = array<i32>} : memref<128x64xf32, #tpu.memory_space<vmem>>, vector<1x16xf32>,
        %add3A_849 = arith.constant 7 : i32
        %add3A_850 = arith.addi %add3A_220, %add3A_849 : i32
        %get3A_851 = arith.index_cast %add3A_850 : i32 to index
        %get3A_852 = arith.constant 32 : index
        %get3A_853 = tpu.vector_load %arg10[%get3A_851, %get3A_852] {strides = array<i32>} : memref<128x64xf32, #tpu.memory_space<vmem>>, vector<1x16xf32>,
        %get3A_854 = vector.shape_cast %get3A_853 : vector<1x16xf32> to vector<1x16xf32>
        %get3A_855 = arith.index_cast %add3A_850 : i32 to index
        %get3A_856 = arith.constant 32 : index
        %get3A_857 = tpu.vector_load %arg8[%get3A_855, %get3A_856] {strides = array<i32>} : memref<128x128xf32, #tpu.memory_space<vmem>>, vector<1x16xf32>,
        %get3A_858 = vector.shape_cast %get3A_857 : vector<1x16xf32> to vector<1x16xf32>
        %add3A_859 = arith.addf %get3A_854, %get3A_858 : vector<1x16xf32>
        %get3A_860 = arith.index_cast %add3A_850 : i32 to index
        %get3A_861 = arith.constant 32 : index
        %get3A_862 = tpu.vector_load %arg9[%get3A_860, %get3A_861] {strides = array<i32>} : memref<128x128xf32, #tpu.memory_space<vmem>>, vector<1x16xf32>,
        %get3A_863 = vector.shape_cast %get3A_862 : vector<1x16xf32> to vector<1x16xf32>
        %add3A_864 = arith.addf %add3A_859, %get3A_863 : vector<1x16xf32>
        %swap3A_865 = arith.index_cast %add3A_850 : i32 to index
        %swap3A_866 = arith.constant 32 : index
        %swap3A_867 = tpu.vector_load %arg10[%swap3A_865, %swap3A_866] {strides = array<i32>} : memref<128x64xf32, #tpu.memory_space<vmem>>, vector<1x16xf32>,
        %swap3A_868 = vector.shape_cast %swap3A_867 : vector<1x16xf32> to vector<1x16xf32>
        %swap3A_869 = vector.shape_cast %add3A_864 : vector<1x16xf32> to vector<1x16xf32>
        tpu.vector_store %arg10[%swap3A_865, %swap3A_866], %swap3A_869 {strides = array<i32>} : memref<128x64xf32, #tpu.memory_space<vmem>>, vector<1x16xf32>,
        %add3A_870 = arith.constant 7 : i32
        %add3A_871 = arith.addi %add3A_220, %add3A_870 : i32
        %get3A_872 = arith.index_cast %add3A_871 : i32 to index
        %get3A_873 = arith.constant 48 : index
        %get3A_874 = tpu.vector_load %arg10[%get3A_872, %get3A_873] {strides = array<i32>} : memref<128x64xf32, #tpu.memory_space<vmem>>, vector<1x16xf32>,
        %get3A_875 = vector.shape_cast %get3A_874 : vector<1x16xf32> to vector<1x16xf32>
        %get3A_876 = arith.index_cast %add3A_871 : i32 to index
        %get3A_877 = arith.constant 48 : index
        %get3A_878 = tpu.vector_load %arg8[%get3A_876, %get3A_877] {strides = array<i32>} : memref<128x128xf32, #tpu.memory_space<vmem>>, vector<1x16xf32>,
        %get3A_879 = vector.shape_cast %get3A_878 : vector<1x16xf32> to vector<1x16xf32>
        %add3A_880 = arith.addf %get3A_875, %get3A_879 : vector<1x16xf32>
        %get3A_881 = arith.index_cast %add3A_871 : i32 to index
        %get3A_882 = arith.constant 48 : index
        %get3A_883 = tpu.vector_load %arg9[%get3A_881, %get3A_882] {strides = array<i32>} : memref<128x128xf32, #tpu.memory_space<vmem>>, vector<1x16xf32>,
        %get3A_884 = vector.shape_cast %get3A_883 : vector<1x16xf32> to vector<1x16xf32>
        %add3A_885 = arith.addf %add3A_880, %get3A_884 : vector<1x16xf32>
        %swap3A_886 = arith.index_cast %add3A_871 : i32 to index
        %swap3A_887 = arith.constant 48 : index
        %swap3A_888 = tpu.vector_load %arg10[%swap3A_886, %swap3A_887] {strides = array<i32>} : memref<128x64xf32, #tpu.memory_space<vmem>>, vector<1x16xf32>,
        %swap3A_889 = vector.shape_cast %swap3A_888 : vector<1x16xf32> to vector<1x16xf32>
        %swap3A_890 = vector.shape_cast %add3A_885 : vector<1x16xf32> to vector<1x16xf32>
        tpu.vector_store %arg10[%swap3A_886, %swap3A_887], %swap3A_890 {strides = array<i32>} : memref<128x64xf32, #tpu.memory_space<vmem>>, vector<1x16xf32>,
      }
      %scan3A_197 = arith.constant 16 : i32
      %mul3A_198 = arith.constant 4 : i32
      %mul3A_199 = arith.muli %mul3A_198, %add3A_141 : i32
      %add3A_200 = arith.constant 10 : i32
      %add3A_201 = arith.addi %mul3A_199, %add3A_200 : i32
      %dma_start3A_202 = arith.constant 0 : i32
      %dma_start3A_203 = tpu.memref_slice %arg5[%add3A_201, %dma_start3A_202] : memref<200x128xi32, #tpu.memory_space<vmem>> -> memref<1x128xi32, #tpu.memory_space<vmem>>
      %dma_start3A_204 = tpu.memref_squeeze %dma_start3A_203 : memref<1x128xi32, #tpu.memory_space<vmem>> -> memref<128xi32, #tpu.memory_space<vmem>>
      %dma_start3A_205 = arith.constant 0 : i32
      %dma_start3A_206 = arith.constant 0 : i32
      %dma_start3A_207 = tpu.memref_slice %arg3[%dma_start3A_205, %dma_start3A_206] : memref<1000000x128xf32, #tpu.memory_space<hbm>> -> memref<1000000x128xf32, #tpu.memory_space<hbm>>
      tpu.enqueue_indirect_dma source(%dma_start3A_207 : memref<1000000x128xf32, #tpu.memory_space<hbm>>) target(%arg8 : memref<128x128xf32, #tpu.memory_space<vmem>>) offsets(%dma_start3A_204 : memref<128xi32, #tpu.memory_space<vmem>>) semaphore(%arg13 : memref<!tpu.dma_semaphore, #tpu.memory_space<semaphore_mem>>)
      %add3A_208 = arith.constant 1 : i32
      %add3A_209 = arith.addi %add3A_201, %add3A_208 : i32
      %dma_start3A_210 = arith.constant 0 : i32
      %dma_start3A_211 = tpu.memref_slice %arg5[%add3A_209, %dma_start3A_210] : memref<200x128xi32, #tpu.memory_space<vmem>> -> memref<1x128xi32, #tpu.memory_space<vmem>>
      %dma_start3A_212 = tpu.memref_squeeze %dma_start3A_211 : memref<1x128xi32, #tpu.memory_space<vmem>> -> memref<128xi32, #tpu.memory_space<vmem>>
      %dma_start3A_213 = arith.constant 0 : i32
      %dma_start3A_214 = arith.constant 0 : i32
      %dma_start3A_215 = tpu.memref_slice %arg3[%dma_start3A_213, %dma_start3A_214] : memref<1000000x128xf32, #tpu.memory_space<hbm>> -> memref<1000000x128xf32, #tpu.memory_space<hbm>>
      tpu.enqueue_indirect_dma source(%dma_start3A_215 : memref<1000000x128xf32, #tpu.memory_space<hbm>>) target(%arg9 : memref<128x128xf32, #tpu.memory_space<vmem>>) offsets(%dma_start3A_212 : memref<128xi32, #tpu.memory_space<vmem>>) semaphore(%arg14 : memref<!tpu.dma_semaphore, #tpu.memory_space<semaphore_mem>>)
    }
    %scan3A_98 = arith.constant 48 : i32
    %dma_wait3A_99 = arith.constant 0 : i32
    %dma_wait3A_100 = arith.constant 0 : i32
    %dma_wait3A_101 = tpu.memref_slice %arg5[%dma_wait3A_99, %dma_wait3A_100] : memref<200x128xi32, #tpu.memory_space<vmem>> -> memref<1x128xi32, #tpu.memory_space<vmem>>
    %dma_wait3A_102 = tpu.memref_squeeze %dma_wait3A_101 : memref<1x128xi32, #tpu.memory_space<vmem>> -> memref<128xi32, #tpu.memory_space<vmem>>
    %dma_wait3A_103 = arith.constant 0 : i32
    %dma_wait3A_104 = arith.constant 0 : i32
    %dma_wait3A_105 = tpu.memref_slice %arg3[%dma_wait3A_103, %dma_wait3A_104] : memref<1000000x128xf32, #tpu.memory_space<hbm>> -> memref<1000000x128xf32, #tpu.memory_space<hbm>>
    tpu.wait_indirect_dma semaphore(%arg11 : memref<!tpu.dma_semaphore, #tpu.memory_space<semaphore_mem>>) src(%dma_wait3A_105 : memref<1000000x128xf32, #tpu.memory_space<hbm>>) dst(%arg6 : memref<128x128xf32, #tpu.memory_space<vmem>>)
    %dma_wait3A_106 = arith.constant 0 : i32
    %dma_wait3A_107 = arith.constant 0 : i32
    %dma_wait3A_108 = tpu.memref_slice %arg5[%dma_wait3A_106, %dma_wait3A_107] : memref<200x128xi32, #tpu.memory_space<vmem>> -> memref<1x128xi32, #tpu.memory_space<vmem>>
    %dma_wait3A_109 = tpu.memref_squeeze %dma_wait3A_108 : memref<1x128xi32, #tpu.memory_space<vmem>> -> memref<128xi32, #tpu.memory_space<vmem>>
    %dma_wait3A_110 = arith.constant 0 : i32
    %dma_wait3A_111 = arith.constant 0 : i32
    %dma_wait3A_112 = tpu.memref_slice %arg3[%dma_wait3A_110, %dma_wait3A_111] : memref<1000000x128xf32, #tpu.memory_space<hbm>> -> memref<1000000x128xf32, #tpu.memory_space<hbm>>
    tpu.wait_indirect_dma semaphore(%arg12 : memref<!tpu.dma_semaphore, #tpu.memory_space<semaphore_mem>>) src(%dma_wait3A_112 : memref<1000000x128xf32, #tpu.memory_space<hbm>>) dst(%arg7 : memref<128x128xf32, #tpu.memory_space<vmem>>)
    %scan3A_113 = arith.constant 0 : i32
    %scan3A_114 = arith.constant 16 : i32
    %scan3A_115 = arith.addi %scan3A_113, %scan3A_114 : i32
    %scan3A_116 = arith.constant 1 : i32
    scf.for %scan3A_137 = %scan3A_113 to %scan3A_115 step %scan3A_116  : i32 {
      %mul3A_138 = arith.constant 8 : i32
      %mul3A_139 = arith.muli %scan3A_137, %mul3A_138 : i32
      %add3A_140 = arith.constant 0 : i32
      %add3A_141 = arith.addi %add3A_140, %mul3A_139 : i32
      %add3A_142 = arith.constant 0 : i32
      %add3A_143 = arith.addi %add3A_141, %add3A_142 : i32
      %get3A = arith.index_cast %add3A_143 : i32 to index
      %get3A_144 = arith.constant 0 : index
      %get3A_145 = tpu.vector_load %arg10[%get3A, %get3A_144] {strides = array<i32>} : memref<128x64xf32, #tpu.memory_space<vmem>>, vector<1x16xf32>,
      %get3A_146 = vector.shape_cast %get3A_145 : vector<1x16xf32> to vector<1x16xf32>
      %get3A_147 = arith.index_cast %add3A_143 : i32 to index
      %get3A_148 = arith.constant 0 : index
      %get3A_149 = tpu.vector_load %arg6[%get3A_147, %get3A_148] {strides = array<i32>} : memref<128x128xf32, #tpu.memory_space<vmem>>, vector<1x16xf32>,
      %get3A_150 = vector.shape_cast %get3A_149 : vector<1x16xf32> to vector<1x16xf32>
      %add3A_151 = arith.addf %get3A_146, %get3A_150 : vector<1x16xf32>
      %get3A_152 = arith.index_cast %add3A_143 : i32 to index
      %get3A_153 = arith.constant 0 : index
      %get3A_154 = tpu.vector_load %arg7[%get3A_152, %get3A_153] {strides = array<i32>} : memref<128x128xf32, #tpu.memory_space<vmem>>, vector<1x16xf32>,
      %get3A_155 = vector.shape_cast %get3A_154 : vector<1x16xf32> to vector<1x16xf32>
      %add3A_156 = arith.addf %add3A_151, %get3A_155 : vector<1x16xf32>
      %swap3A = arith.index_cast %add3A_143 : i32 to index
      %swap3A_157 = arith.constant 0 : index
      %swap3A_158 = tpu.vector_load %arg10[%swap3A, %swap3A_157] {strides = array<i32>} : memref<128x64xf32, #tpu.memory_space<vmem>>, vector<1x16xf32>,
      %swap3A_159 = vector.shape_cast %swap3A_158 : vector<1x16xf32> to vector<1x16xf32>
      %swap3A_160 = vector.shape_cast %add3A_156 : vector<1x16xf32> to vector<1x16xf32>
      tpu.vector_store %arg10[%swap3A, %swap3A_157], %swap3A_160 {strides = array<i32>} : memref<128x64xf32, #tpu.memory_space<vmem>>, vector<1x16xf32>,
      %add3A_161 = arith.constant 0 : i32
      %add3A_162 = arith.addi %add3A_141, %add3A_161 : i32
      %get3A_163 = arith.index_cast %add3A_162 : i32 to index
      %get3A_164 = arith.constant 16 : index
      %get3A_165 = tpu.vector_load %arg10[%get3A_163, %get3A_164] {strides = array<i32>} : memref<128x64xf32, #tpu.memory_space<vmem>>, vector<1x16xf32>,
      %get3A_166 = vector.shape_cast %get3A_165 : vector<1x16xf32> to vector<1x16xf32>
      %get3A_167 = arith.index_cast %add3A_162 : i32 to index
      %get3A_168 = arith.constant 16 : index
      %get3A_169 = tpu.vector_load %arg6[%get3A_167, %get3A_168] {strides = array<i32>} : memref<128x128xf32, #tpu.memory_space<vmem>>, vector<1x16xf32>,
      %get3A_170 = vector.shape_cast %get3A_169 : vector<1x16xf32> to vector<1x16xf32>
      %add3A_171 = arith.addf %get3A_166, %get3A_170 : vector<1x16xf32>
      %get3A_172 = arith.index_cast %add3A_162 : i32 to index
      %get3A_173 = arith.constant 16 : index
      %get3A_174 = tpu.vector_load %arg7[%get3A_172, %get3A_173] {strides = array<i32>} : memref<128x128xf32, #tpu.memory_space<vmem>>, vector<1x16xf32>,
      %get3A_175 = vector.shape_cast %get3A_174 : vector<1x16xf32> to vector<1x16xf32>
      %add3A_176 = arith.addf %add3A_171, %get3A_175 : vector<1x16xf32>
      %swap3A_177 = arith.index_cast %add3A_162 : i32 to index
      %swap3A_178 = arith.constant 16 : index
      %swap3A_179 = tpu.vector_load %arg10[%swap3A_177, %swap3A_178] {strides = array<i32>} : memref<128x64xf32, #tpu.memory_space<vmem>>, vector<1x16xf32>,
      %swap3A_180 = vector.shape_cast %swap3A_179 : vector<1x16xf32> to vector<1x16xf32>
      %swap3A_181 = vector.shape_cast %add3A_176 : vector<1x16xf32> to vector<1x16xf32>
      tpu.vector_store %arg10[%swap3A_177, %swap3A_178], %swap3A_181 {strides = array<i32>} : memref<128x64xf32, #tpu.memory_space<vmem>>, vector<1x16xf32>,
      %add3A_182 = arith.constant 0 : i32
      %add3A_183 = arith.addi %add3A_141, %add3A_182 : i32
      %get3A_184 = arith.index_cast %add3A_183 : i32 to index
      %get3A_185 = arith.constant 32 : index
      %get3A_186 = tpu.vector_load %arg10[%get3A_184, %get3A_185] {strides = array<i32>} : memref<128x64xf32, #tpu.memory_space<vmem>>, vector<1x16xf32>,
      %get3A_187 = vector.shape_cast %get3A_186 : vector<1x16xf32> to vector<1x16xf32>
      %get3A_188 = arith.index_cast %add3A_183 : i32 to index
      %get3A_189 = arith.constant 32 : index
      %get3A_190 = tpu.vector_load %arg6[%get3A_188, %get3A_189] {strides = array<i32>} : memref<128x128xf32, #tpu.memory_space<vmem>>, vector<1x16xf32>,
      %get3A_191 = vector.shape_cast %get3A_190 : vector<1x16xf32> to vector<1x16xf32>
      %add3A_192 = arith.addf %get3A_187, %get3A_191 : vector<1x16xf32>
      %get3A_193 = arith.index_cast %add3A_183 : i32 to index
      %get3A_194 = arith.constant 32 : index
      %get3A_195 = tpu.vector_load %arg7[%get3A_193, %get3A_194] {strides = array<i32>} : memref<128x128xf32, #tpu.memory_space<vmem>>, vector<1x16xf32>,
      %get3A_196 = vector.shape_cast %get3A_195 : vector<1x16xf32> to vector<1x16xf32>
      %add3A_197 = arith.addf %add3A_192, %get3A_196 : vector<1x16xf32>
      %swap3A_198 = arith.index_cast %add3A_183 : i32 to index
      %swap3A_199 = arith.constant 32 : index
      %swap3A_200 = tpu.vector_load %arg10[%swap3A_198, %swap3A_199] {strides = array<i32>} : memref<128x64xf32, #tpu.memory_space<vmem>>, vector<1x16xf32>,
      %swap3A_201 = vector.shape_cast %swap3A_200 : vector<1x16xf32> to vector<1x16xf32>
      %swap3A_202 = vector.shape_cast %add3A_197 : vector<1x16xf32> to vector<1x16xf32>
      tpu.vector_store %arg10[%swap3A_198, %swap3A_199], %swap3A_202 {strides = array<i32>} : memref<128x64xf32, #tpu.memory_space<vmem>>, vector<1x16xf32>,
      %add3A_203 = arith.constant 0 : i32
      %add3A_204 = arith.addi %add3A_141, %add3A_203 : i32
      %get3A_205 = arith.index_cast %add3A_204 : i32 to index
      %get3A_206 = arith.constant 48 : index
      %get3A_207 = tpu.vector_load %arg10[%get3A_205, %get3A_206] {strides = array<i32>} : memref<128x64xf32, #tpu.memory_space<vmem>>, vector<1x16xf32>,
      %get3A_208 = vector.shape_cast %get3A_207 : vector<1x16xf32> to vector<1x16xf32>
      %get3A_209 = arith.index_cast %add3A_204 : i32 to index
      %get3A_210 = arith.constant 48 : index
      %get3A_211 = tpu.vector_load %arg6[%get3A_209, %get3A_210] {strides = array<i32>} : memref<128x128xf32, #tpu.memory_space<vmem>>, vector<1x16xf32>,
      %get3A_212 = vector.shape_cast %get3A_211 : vector<1x16xf32> to vector<1x16xf32>
      %add3A_213 = arith.addf %get3A_208, %get3A_212 : vector<1x16xf32>
      %get3A_214 = arith.index_cast %add3A_204 : i32 to index
      %get3A_215 = arith.constant 48 : index
      %get3A_216 = tpu.vector_load %arg7[%get3A_214, %get3A_215] {strides = array<i32>} : memref<128x128xf32, #tpu.memory_space<vmem>>, vector<1x16xf32>,
      %get3A_217 = vector.shape_cast %get3A_216 : vector<1x16xf32> to vector<1x16xf32>
      %add3A_218 = arith.addf %add3A_213, %get3A_217 : vector<1x16xf32>
      %swap3A_219 = arith.index_cast %add3A_204 : i32 to index
      %swap3A_220 = arith.constant 48 : index
      %swap3A_221 = tpu.vector_load %arg10[%swap3A_219, %swap3A_220] {strides = array<i32>} : memref<128x64xf32, #tpu.memory_space<vmem>>, vector<1x16xf32>,
      %swap3A_222 = vector.shape_cast %swap3A_221 : vector<1x16xf32> to vector<1x16xf32>
      %swap3A_223 = vector.shape_cast %add3A_218 : vector<1x16xf32> to vector<1x16xf32>
      tpu.vector_store %arg10[%swap3A_219, %swap3A_220], %swap3A_223 {strides = array<i32>} : memref<128x64xf32, #tpu.memory_space<vmem>>, vector<1x16xf32>,
      %add3A_224 = arith.constant 1 : i32
      %add3A_225 = arith.addi %add3A_141, %add3A_224 : i32
      %get3A_226 = arith.index_cast %add3A_225 : i32 to index
      %get3A_227 = arith.constant 0 : index
      %get3A_228 = tpu.vector_load %arg10[%get3A_226, %get3A_227] {strides = array<i32>} : memref<128x64xf32, #tpu.memory_space<vmem>>, vector<1x16xf32>,
      %get3A_229 = vector.shape_cast %get3A_228 : vector<1x16xf32> to vector<1x16xf32>
      %get3A_230 = arith.index_cast %add3A_225 : i32 to index
      %get3A_231 = arith.constant 0 : index
      %get3A_232 = tpu.vector_load %arg6[%get3A_230, %get3A_231] {strides = array<i32>} : memref<128x128xf32, #tpu.memory_space<vmem>>, vector<1x16xf32>,
      %get3A_233 = vector.shape_cast %get3A_232 : vector<1x16xf32> to vector<1x16xf32>
      %add3A_234 = arith.addf %get3A_229, %get3A_233 : vector<1x16xf32>
      %get3A_235 = arith.index_cast %add3A_225 : i32 to index
      %get3A_236 = arith.constant 0 : index
      %get3A_237 = tpu.vector_load %arg7[%get3A_235, %get3A_236] {strides = array<i32>} : memref<128x128xf32, #tpu.memory_space<vmem>>, vector<1x16xf32>,
      %get3A_238 = vector.shape_cast %get3A_237 : vector<1x16xf32> to vector<1x16xf32>
      %add3A_239 = arith.addf %add3A_234, %get3A_238 : vector<1x16xf32>
      %swap3A_240 = arith.index_cast %add3A_225 : i32 to index
      %swap3A_241 = arith.constant 0 : index
      %swap3A_242 = tpu.vector_load %arg10[%swap3A_240, %swap3A_241] {strides = array<i32>} : memref<128x64xf32, #tpu.memory_space<vmem>>, vector<1x16xf32>,
      %swap3A_243 = vector.shape_cast %swap3A_242 : vector<1x16xf32> to vector<1x16xf32>
      %swap3A_244 = vector.shape_cast %add3A_239 : vector<1x16xf32> to vector<1x16xf32>
      tpu.vector_store %arg10[%swap3A_240, %swap3A_241], %swap3A_244 {strides = array<i32>} : memref<128x64xf32, #tpu.memory_space<vmem>>, vector<1x16xf32>,
      %add3A_245 = arith.constant 1 : i32
      %add3A_246 = arith.addi %add3A_141, %add3A_245 : i32
      %get3A_247 = arith.index_cast %add3A_246 : i32 to index
      %get3A_248 = arith.constant 16 : index
      %get3A_249 = tpu.vector_load %arg10[%get3A_247, %get3A_248] {strides = array<i32>} : memref<128x64xf32, #tpu.memory_space<vmem>>, vector<1x16xf32>,
      %get3A_250 = vector.shape_cast %get3A_249 : vector<1x16xf32> to vector<1x16xf32>
      %get3A_251 = arith.index_cast %add3A_246 : i32 to index
      %get3A_252 = arith.constant 16 : index
      %get3A_253 = tpu.vector_load %arg6[%get3A_251, %get3A_252] {strides = array<i32>} : memref<128x128xf32, #tpu.memory_space<vmem>>, vector<1x16xf32>,
      %get3A_254 = vector.shape_cast %get3A_253 : vector<1x16xf32> to vector<1x16xf32>
      %add3A_255 = arith.addf %get3A_250, %get3A_254 : vector<1x16xf32>
      %get3A_256 = arith.index_cast %add3A_246 : i32 to index
      %get3A_257 = arith.constant 16 : index
      %get3A_258 = tpu.vector_load %arg7[%get3A_256, %get3A_257] {strides = array<i32>} : memref<128x128xf32, #tpu.memory_space<vmem>>, vector<1x16xf32>,
      %get3A_259 = vector.shape_cast %get3A_258 : vector<1x16xf32> to vector<1x16xf32>
      %add3A_260 = arith.addf %add3A_255, %get3A_259 : vector<1x16xf32>
      %swap3A_261 = arith.index_cast %add3A_246 : i32 to index
      %swap3A_262 = arith.constant 16 : index
      %swap3A_263 = tpu.vector_load %arg10[%swap3A_261, %swap3A_262] {strides = array<i32>} : memref<128x64xf32, #tpu.memory_space<vmem>>, vector<1x16xf32>,
      %swap3A_264 = vector.shape_cast %swap3A_263 : vector<1x16xf32> to vector<1x16xf32>
      %swap3A_265 = vector.shape_cast %add3A_260 : vector<1x16xf32> to vector<1x16xf32>
      tpu.vector_store %arg10[%swap3A_261, %swap3A_262], %swap3A_265 {strides = array<i32>} : memref<128x64xf32, #tpu.memory_space<vmem>>, vector<1x16xf32>,
      %add3A_266 = arith.constant 1 : i32
      %add3A_267 = arith.addi %add3A_141, %add3A_266 : i32
      %get3A_268 = arith.index_cast %add3A_267 : i32 to index
      %get3A_269 = arith.constant 32 : index
      %get3A_270 = tpu.vector_load %arg10[%get3A_268, %get3A_269] {strides = array<i32>} : memref<128x64xf32, #tpu.memory_space<vmem>>, vector<1x16xf32>,
      %get3A_271 = vector.shape_cast %get3A_270 : vector<1x16xf32> to vector<1x16xf32>
      %get3A_272 = arith.index_cast %add3A_267 : i32 to index
      %get3A_273 = arith.constant 32 : index
      %get3A_274 = tpu.vector_load %arg6[%get3A_272, %get3A_273] {strides = array<i32>} : memref<128x128xf32, #tpu.memory_space<vmem>>, vector<1x16xf32>,
      %get3A_275 = vector.shape_cast %get3A_274 : vector<1x16xf32> to vector<1x16xf32>
      %add3A_276 = arith.addf %get3A_271, %get3A_275 : vector<1x16xf32>
      %get3A_277 = arith.index_cast %add3A_267 : i32 to index
      %get3A_278 = arith.constant 32 : index
      %get3A_279 = tpu.vector_load %arg7[%get3A_277, %get3A_278] {strides = array<i32>} : memref<128x128xf32, #tpu.memory_space<vmem>>, vector<1x16xf32>,
      %get3A_280 = vector.shape_cast %get3A_279 : vector<1x16xf32> to vector<1x16xf32>
      %add3A_281 = arith.addf %add3A_276, %get3A_280 : vector<1x16xf32>
      %swap3A_282 = arith.index_cast %add3A_267 : i32 to index
      %swap3A_283 = arith.constant 32 : index
      %swap3A_284 = tpu.vector_load %arg10[%swap3A_282, %swap3A_283] {strides = array<i32>} : memref<128x64xf32, #tpu.memory_space<vmem>>, vector<1x16xf32>,
      %swap3A_285 = vector.shape_cast %swap3A_284 : vector<1x16xf32> to vector<1x16xf32>
      %swap3A_286 = vector.shape_cast %add3A_281 : vector<1x16xf32> to vector<1x16xf32>
      tpu.vector_store %arg10[%swap3A_282, %swap3A_283], %swap3A_286 {strides = array<i32>} : memref<128x64xf32, #tpu.memory_space<vmem>>, vector<1x16xf32>,
      %add3A_287 = arith.constant 1 : i32
      %add3A_288 = arith.addi %add3A_141, %add3A_287 : i32
      %get3A_289 = arith.index_cast %add3A_288 : i32 to index
      %get3A_290 = arith.constant 48 : index
      %get3A_291 = tpu.vector_load %arg10[%get3A_289, %get3A_290] {strides = array<i32>} : memref<128x64xf32, #tpu.memory_space<vmem>>, vector<1x16xf32>,
      %get3A_292 = vector.shape_cast %get3A_291 : vector<1x16xf32> to vector<1x16xf32>
      %get3A_293 = arith.index_cast %add3A_288 : i32 to index
      %get3A_294 = arith.constant 48 : index
      %get3A_295 = tpu.vector_load %arg6[%get3A_293, %get3A_294] {strides = array<i32>} : memref<128x128xf32, #tpu.memory_space<vmem>>, vector<1x16xf32>,
      %get3A_296 = vector.shape_cast %get3A_295 : vector<1x16xf32> to vector<1x16xf32>
      %add3A_297 = arith.addf %get3A_292, %get3A_296 : vector<1x16xf32>
      %get3A_298 = arith.index_cast %add3A_288 : i32 to index
      %get3A_299 = arith.constant 48 : index
      %get3A_300 = tpu.vector_load %arg7[%get3A_298, %get3A_299] {strides = array<i32>} : memref<128x128xf32, #tpu.memory_space<vmem>>, vector<1x16xf32>,
      %get3A_301 = vector.shape_cast %get3A_300 : vector<1x16xf32> to vector<1x16xf32>
      %add3A_302 = arith.addf %add3A_297, %get3A_301 : vector<1x16xf32>
      %swap3A_303 = arith.index_cast %add3A_288 : i32 to index
      %swap3A_304 = arith.constant 48 : index
      %swap3A_305 = tpu.vector_load %arg10[%swap3A_303, %swap3A_304] {strides = array<i32>} : memref<128x64xf32, #tpu.memory_space<vmem>>, vector<1x16xf32>,
      %swap3A_306 = vector.shape_cast %swap3A_305 : vector<1x16xf32> to vector<1x16xf32>
      %swap3A_307 = vector.shape_cast %add3A_302 : vector<1x16xf32> to vector<1x16xf32>
      tpu.vector_store %arg10[%swap3A_303, %swap3A_304], %swap3A_307 {strides = array<i32>} : memref<128x64xf32, #tpu.memory_space<vmem>>, vector<1x16xf32>,
      %add3A_308 = arith.constant 2 : i32
      %add3A_309 = arith.addi %add3A_141, %add3A_308 : i32
      %get3A_310 = arith.index_cast %add3A_309 : i32 to index
      %get3A_311 = arith.constant 0 : index
      %get3A_312 = tpu.vector_load %arg10[%get3A_310, %get3A_311] {strides = array<i32>} : memref<128x64xf32, #tpu.memory_space<vmem>>, vector<1x16xf32>,
      %get3A_313 = vector.shape_cast %get3A_312 : vector<1x16xf32> to vector<1x16xf32>
      %get3A_314 = arith.index_cast %add3A_309 : i32 to index
      %get3A_315 = arith.constant 0 : index
      %get3A_316 = tpu.vector_load %arg6[%get3A_314, %get3A_315] {strides = array<i32>} : memref<128x128xf32, #tpu.memory_space<vmem>>, vector<1x16xf32>,
      %get3A_317 = vector.shape_cast %get3A_316 : vector<1x16xf32> to vector<1x16xf32>
      %add3A_318 = arith.addf %get3A_313, %get3A_317 : vector<1x16xf32>
      %get3A_319 = arith.index_cast %add3A_309 : i32 to index
      %get3A_320 = arith.constant 0 : index
      %get3A_321 = tpu.vector_load %arg7[%get3A_319, %get3A_320] {strides = array<i32>} : memref<128x128xf32, #tpu.memory_space<vmem>>, vector<1x16xf32>,
      %get3A_322 = vector.shape_cast %get3A_321 : vector<1x16xf32> to vector<1x16xf32>
      %add3A_323 = arith.addf %add3A_318, %get3A_322 : vector<1x16xf32>
      %swap3A_324 = arith.index_cast %add3A_309 : i32 to index
      %swap3A_325 = arith.constant 0 : index
      %swap3A_326 = tpu.vector_load %arg10[%swap3A_324, %swap3A_325] {strides = array<i32>} : memref<128x64xf32, #tpu.memory_space<vmem>>, vector<1x16xf32>,
      %swap3A_327 = vector.shape_cast %swap3A_326 : vector<1x16xf32> to vector<1x16xf32>
      %swap3A_328 = vector.shape_cast %add3A_323 : vector<1x16xf32> to vector<1x16xf32>
      tpu.vector_store %arg10[%swap3A_324, %swap3A_325], %swap3A_328 {strides = array<i32>} : memref<128x64xf32, #tpu.memory_space<vmem>>, vector<1x16xf32>,
      %add3A_329 = arith.constant 2 : i32
      %add3A_330 = arith.addi %add3A_141, %add3A_329 : i32
      %get3A_331 = arith.index_cast %add3A_330 : i32 to index
      %get3A_332 = arith.constant 16 : index
      %get3A_333 = tpu.vector_load %arg10[%get3A_331, %get3A_332] {strides = array<i32>} : memref<128x64xf32, #tpu.memory_space<vmem>>, vector<1x16xf32>,
      %get3A_334 = vector.shape_cast %get3A_333 : vector<1x16xf32> to vector<1x16xf32>
      %get3A_335 = arith.index_cast %add3A_330 : i32 to index
      %get3A_336 = arith.constant 16 : index
      %get3A_337 = tpu.vector_load %arg6[%get3A_335, %get3A_336] {strides = array<i32>} : memref<128x128xf32, #tpu.memory_space<vmem>>, vector<1x16xf32>,
      %get3A_338 = vector.shape_cast %get3A_337 : vector<1x16xf32> to vector<1x16xf32>
      %add3A_339 = arith.addf %get3A_334, %get3A_338 : vector<1x16xf32>
      %get3A_340 = arith.index_cast %add3A_330 : i32 to index
      %get3A_341 = arith.constant 16 : index
      %get3A_342 = tpu.vector_load %arg7[%get3A_340, %get3A_341] {strides = array<i32>} : memref<128x128xf32, #tpu.memory_space<vmem>>, vector<1x16xf32>,
      %get3A_343 = vector.shape_cast %get3A_342 : vector<1x16xf32> to vector<1x16xf32>
      %add3A_344 = arith.addf %add3A_339, %get3A_343 : vector<1x16xf32>
      %swap3A_345 = arith.index_cast %add3A_330 : i32 to index
      %swap3A_346 = arith.constant 16 : index
      %swap3A_347 = tpu.vector_load %arg10[%swap3A_345, %swap3A_346] {strides = array<i32>} : memref<128x64xf32, #tpu.memory_space<vmem>>, vector<1x16xf32>,
      %swap3A_348 = vector.shape_cast %swap3A_347 : vector<1x16xf32> to vector<1x16xf32>
      %swap3A_349 = vector.shape_cast %add3A_344 : vector<1x16xf32> to vector<1x16xf32>
      tpu.vector_store %arg10[%swap3A_345, %swap3A_346], %swap3A_349 {strides = array<i32>} : memref<128x64xf32, #tpu.memory_space<vmem>>, vector<1x16xf32>,
      %add3A_350 = arith.constant 2 : i32
      %add3A_351 = arith.addi %add3A_141, %add3A_350 : i32
      %get3A_352 = arith.index_cast %add3A_351 : i32 to index
      %get3A_353 = arith.constant 32 : index
      %get3A_354 = tpu.vector_load %arg10[%get3A_352, %get3A_353] {strides = array<i32>} : memref<128x64xf32, #tpu.memory_space<vmem>>, vector<1x16xf32>,
      %get3A_355 = vector.shape_cast %get3A_354 : vector<1x16xf32> to vector<1x16xf32>
      %get3A_356 = arith.index_cast %add3A_351 : i32 to index
      %get3A_357 = arith.constant 32 : index
      %get3A_358 = tpu.vector_load %arg6[%get3A_356, %get3A_357] {strides = array<i32>} : memref<128x128xf32, #tpu.memory_space<vmem>>, vector<1x16xf32>,
      %get3A_359 = vector.shape_cast %get3A_358 : vector<1x16xf32> to vector<1x16xf32>
      %add3A_360 = arith.addf %get3A_355, %get3A_359 : vector<1x16xf32>
      %get3A_361 = arith.index_cast %add3A_351 : i32 to index
      %get3A_362 = arith.constant 32 : index
      %get3A_363 = tpu.vector_load %arg7[%get3A_361, %get3A_362] {strides = array<i32>} : memref<128x128xf32, #tpu.memory_space<vmem>>, vector<1x16xf32>,
      %get3A_364 = vector.shape_cast %get3A_363 : vector<1x16xf32> to vector<1x16xf32>
      %add3A_365 = arith.addf %add3A_360, %get3A_364 : vector<1x16xf32>
      %swap3A_366 = arith.index_cast %add3A_351 : i32 to index
      %swap3A_367 = arith.constant 32 : index
      %swap3A_368 = tpu.vector_load %arg10[%swap3A_366, %swap3A_367] {strides = array<i32>} : memref<128x64xf32, #tpu.memory_space<vmem>>, vector<1x16xf32>,
      %swap3A_369 = vector.shape_cast %swap3A_368 : vector<1x16xf32> to vector<1x16xf32>
      %swap3A_370 = vector.shape_cast %add3A_365 : vector<1x16xf32> to vector<1x16xf32>
      tpu.vector_store %arg10[%swap3A_366, %swap3A_367], %swap3A_370 {strides = array<i32>} : memref<128x64xf32, #tpu.memory_space<vmem>>, vector<1x16xf32>,
      %add3A_371 = arith.constant 2 : i32
      %add3A_372 = arith.addi %add3A_141, %add3A_371 : i32
      %get3A_373 = arith.index_cast %add3A_372 : i32 to index
      %get3A_374 = arith.constant 48 : index
      %get3A_375 = tpu.vector_load %arg10[%get3A_373, %get3A_374] {strides = array<i32>} : memref<128x64xf32, #tpu.memory_space<vmem>>, vector<1x16xf32>,
      %get3A_376 = vector.shape_cast %get3A_375 : vector<1x16xf32> to vector<1x16xf32>
      %get3A_377 = arith.index_cast %add3A_372 : i32 to index
      %get3A_378 = arith.constant 48 : index
      %get3A_379 = tpu.vector_load %arg6[%get3A_377, %get3A_378] {strides = array<i32>} : memref<128x128xf32, #tpu.memory_space<vmem>>, vector<1x16xf32>,
      %get3A_380 = vector.shape_cast %get3A_379 : vector<1x16xf32> to vector<1x16xf32>
      %add3A_381 = arith.addf %get3A_376, %get3A_380 : vector<1x16xf32>
      %get3A_382 = arith.index_cast %add3A_372 : i32 to index
      %get3A_383 = arith.constant 48 : index
      %get3A_384 = tpu.vector_load %arg7[%get3A_382, %get3A_383] {strides = array<i32>} : memref<128x128xf32, #tpu.memory_space<vmem>>, vector<1x16xf32>,
      %get3A_385 = vector.shape_cast %get3A_384 : vector<1x16xf32> to vector<1x16xf32>
      %add3A_386 = arith.addf %add3A_381, %get3A_385 : vector<1x16xf32>
      %swap3A_387 = arith.index_cast %add3A_372 : i32 to index
      %swap3A_388 = arith.constant 48 : index
      %swap3A_389 = tpu.vector_load %arg10[%swap3A_387, %swap3A_388] {strides = array<i32>} : memref<128x64xf32, #tpu.memory_space<vmem>>, vector<1x16xf32>,
      %swap3A_390 = vector.shape_cast %swap3A_389 : vector<1x16xf32> to vector<1x16xf32>
      %swap3A_391 = vector.shape_cast %add3A_386 : vector<1x16xf32> to vector<1x16xf32>
      tpu.vector_store %arg10[%swap3A_387, %swap3A_388], %swap3A_391 {strides = array<i32>} : memref<128x64xf32, #tpu.memory_space<vmem>>, vector<1x16xf32>,
      %add3A_392 = arith.constant 3 : i32
      %add3A_393 = arith.addi %add3A_141, %add3A_392 : i32
      %get3A_394 = arith.index_cast %add3A_393 : i32 to index
      %get3A_395 = arith.constant 0 : index
      %get3A_396 = tpu.vector_load %arg10[%get3A_394, %get3A_395] {strides = array<i32>} : memref<128x64xf32, #tpu.memory_space<vmem>>, vector<1x16xf32>,
      %get3A_397 = vector.shape_cast %get3A_396 : vector<1x16xf32> to vector<1x16xf32>
      %get3A_398 = arith.index_cast %add3A_393 : i32 to index
      %get3A_399 = arith.constant 0 : index
      %get3A_400 = tpu.vector_load %arg6[%get3A_398, %get3A_399] {strides = array<i32>} : memref<128x128xf32, #tpu.memory_space<vmem>>, vector<1x16xf32>,
      %get3A_401 = vector.shape_cast %get3A_400 : vector<1x16xf32> to vector<1x16xf32>
      %add3A_402 = arith.addf %get3A_397, %get3A_401 : vector<1x16xf32>
      %get3A_403 = arith.index_cast %add3A_393 : i32 to index
      %get3A_404 = arith.constant 0 : index
      %get3A_405 = tpu.vector_load %arg7[%get3A_403, %get3A_404] {strides = array<i32>} : memref<128x128xf32, #tpu.memory_space<vmem>>, vector<1x16xf32>,
      %get3A_406 = vector.shape_cast %get3A_405 : vector<1x16xf32> to vector<1x16xf32>
      %add3A_407 = arith.addf %add3A_402, %get3A_406 : vector<1x16xf32>
      %swap3A_408 = arith.index_cast %add3A_393 : i32 to index
      %swap3A_409 = arith.constant 0 : index
      %swap3A_410 = tpu.vector_load %arg10[%swap3A_408, %swap3A_409] {strides = array<i32>} : memref<128x64xf32, #tpu.memory_space<vmem>>, vector<1x16xf32>,
      %swap3A_411 = vector.shape_cast %swap3A_410 : vector<1x16xf32> to vector<1x16xf32>
      %swap3A_412 = vector.shape_cast %add3A_407 : vector<1x16xf32> to vector<1x16xf32>
      tpu.vector_store %arg10[%swap3A_408, %swap3A_409], %swap3A_412 {strides = array<i32>} : memref<128x64xf32, #tpu.memory_space<vmem>>, vector<1x16xf32>,
      %add3A_413 = arith.constant 3 : i32
      %add3A_414 = arith.addi %add3A_141, %add3A_413 : i32
      %get3A_415 = arith.index_cast %add3A_414 : i32 to index
      %get3A_416 = arith.constant 16 : index
      %get3A_417 = tpu.vector_load %arg10[%get3A_415, %get3A_416] {strides = array<i32>} : memref<128x64xf32, #tpu.memory_space<vmem>>, vector<1x16xf32>,
      %get3A_418 = vector.shape_cast %get3A_417 : vector<1x16xf32> to vector<1x16xf32>
      %get3A_419 = arith.index_cast %add3A_414 : i32 to index
      %get3A_420 = arith.constant 16 : index
      %get3A_421 = tpu.vector_load %arg6[%get3A_419, %get3A_420] {strides = array<i32>} : memref<128x128xf32, #tpu.memory_space<vmem>>, vector<1x16xf32>,
      %get3A_422 = vector.shape_cast %get3A_421 : vector<1x16xf32> to vector<1x16xf32>
      %add3A_423 = arith.addf %get3A_418, %get3A_422 : vector<1x16xf32>
      %get3A_424 = arith.index_cast %add3A_414 : i32 to index
      %get3A_425 = arith.constant 16 : index
      %get3A_426 = tpu.vector_load %arg7[%get3A_424, %get3A_425] {strides = array<i32>} : memref<128x128xf32, #tpu.memory_space<vmem>>, vector<1x16xf32>,
      %get3A_427 = vector.shape_cast %get3A_426 : vector<1x16xf32> to vector<1x16xf32>
      %add3A_428 = arith.addf %add3A_423, %get3A_427 : vector<1x16xf32>
      %swap3A_429 = arith.index_cast %add3A_414 : i32 to index
      %swap3A_430 = arith.constant 16 : index
      %swap3A_431 = tpu.vector_load %arg10[%swap3A_429, %swap3A_430] {strides = array<i32>} : memref<128x64xf32, #tpu.memory_space<vmem>>, vector<1x16xf32>,
      %swap3A_432 = vector.shape_cast %swap3A_431 : vector<1x16xf32> to vector<1x16xf32>
      %swap3A_433 = vector.shape_cast %add3A_428 : vector<1x16xf32> to vector<1x16xf32>
      tpu.vector_store %arg10[%swap3A_429, %swap3A_430], %swap3A_433 {strides = array<i32>} : memref<128x64xf32, #tpu.memory_space<vmem>>, vector<1x16xf32>,
      %add3A_434 = arith.constant 3 : i32
      %add3A_435 = arith.addi %add3A_141, %add3A_434 : i32
      %get3A_436 = arith.index_cast %add3A_435 : i32 to index
      %get3A_437 = arith.constant 32 : index
      %get3A_438 = tpu.vector_load %arg10[%get3A_436, %get3A_437] {strides = array<i32>} : memref<128x64xf32, #tpu.memory_space<vmem>>, vector<1x16xf32>,
      %get3A_439 = vector.shape_cast %get3A_438 : vector<1x16xf32> to vector<1x16xf32>
      %get3A_440 = arith.index_cast %add3A_435 : i32 to index
      %get3A_441 = arith.constant 32 : index
      %get3A_442 = tpu.vector_load %arg6[%get3A_440, %get3A_441] {strides = array<i32>} : memref<128x128xf32, #tpu.memory_space<vmem>>, vector<1x16xf32>,
      %get3A_443 = vector.shape_cast %get3A_442 : vector<1x16xf32> to vector<1x16xf32>
      %add3A_444 = arith.addf %get3A_439, %get3A_443 : vector<1x16xf32>
      %get3A_445 = arith.index_cast %add3A_435 : i32 to index
      %get3A_446 = arith.constant 32 : index
      %get3A_447 = tpu.vector_load %arg7[%get3A_445, %get3A_446] {strides = array<i32>} : memref<128x128xf32, #tpu.memory_space<vmem>>, vector<1x16xf32>,
      %get3A_448 = vector.shape_cast %get3A_447 : vector<1x16xf32> to vector<1x16xf32>
      %add3A_449 = arith.addf %add3A_444, %get3A_448 : vector<1x16xf32>
      %swap3A_450 = arith.index_cast %add3A_435 : i32 to index
      %swap3A_451 = arith.constant 32 : index
      %swap3A_452 = tpu.vector_load %arg10[%swap3A_450, %swap3A_451] {strides = array<i32>} : memref<128x64xf32, #tpu.memory_space<vmem>>, vector<1x16xf32>,
      %swap3A_453 = vector.shape_cast %swap3A_452 : vector<1x16xf32> to vector<1x16xf32>
      %swap3A_454 = vector.shape_cast %add3A_449 : vector<1x16xf32> to vector<1x16xf32>
      tpu.vector_store %arg10[%swap3A_450, %swap3A_451], %swap3A_454 {strides = array<i32>} : memref<128x64xf32, #tpu.memory_space<vmem>>, vector<1x16xf32>,
      %add3A_455 = arith.constant 3 : i32
      %add3A_456 = arith.addi %add3A_141, %add3A_455 : i32
      %get3A_457 = arith.index_cast %add3A_456 : i32 to index
      %get3A_458 = arith.constant 48 : index
      %get3A_459 = tpu.vector_load %arg10[%get3A_457, %get3A_458] {strides = array<i32>} : memref<128x64xf32, #tpu.memory_space<vmem>>, vector<1x16xf32>,
      %get3A_460 = vector.shape_cast %get3A_459 : vector<1x16xf32> to vector<1x16xf32>
      %get3A_461 = arith.index_cast %add3A_456 : i32 to index
      %get3A_462 = arith.constant 48 : index
      %get3A_463 = tpu.vector_load %arg6[%get3A_461, %get3A_462] {strides = array<i32>} : memref<128x128xf32, #tpu.memory_space<vmem>>, vector<1x16xf32>,
      %get3A_464 = vector.shape_cast %get3A_463 : vector<1x16xf32> to vector<1x16xf32>
      %add3A_465 = arith.addf %get3A_460, %get3A_464 : vector<1x16xf32>
      %get3A_466 = arith.index_cast %add3A_456 : i32 to index
      %get3A_467 = arith.constant 48 : index
      %get3A_468 = tpu.vector_load %arg7[%get3A_466, %get3A_467] {strides = array<i32>} : memref<128x128xf32, #tpu.memory_space<vmem>>, vector<1x16xf32>,
      %get3A_469 = vector.shape_cast %get3A_468 : vector<1x16xf32> to vector<1x16xf32>
      %add3A_470 = arith.addf %add3A_465, %get3A_469 : vector<1x16xf32>
      %swap3A_471 = arith.index_cast %add3A_456 : i32 to index
      %swap3A_472 = arith.constant 48 : index
      %swap3A_473 = tpu.vector_load %arg10[%swap3A_471, %swap3A_472] {strides = array<i32>} : memref<128x64xf32, #tpu.memory_space<vmem>>, vector<1x16xf32>,
      %swap3A_474 = vector.shape_cast %swap3A_473 : vector<1x16xf32> to vector<1x16xf32>
      %swap3A_475 = vector.shape_cast %add3A_470 : vector<1x16xf32> to vector<1x16xf32>
      tpu.vector_store %arg10[%swap3A_471, %swap3A_472], %swap3A_475 {strides = array<i32>} : memref<128x64xf32, #tpu.memory_space<vmem>>, vector<1x16xf32>,
      %add3A_476 = arith.constant 4 : i32
      %add3A_477 = arith.addi %add3A_141, %add3A_476 : i32
      %get3A_478 = arith.index_cast %add3A_477 : i32 to index
      %get3A_479 = arith.constant 0 : index
      %get3A_480 = tpu.vector_load %arg10[%get3A_478, %get3A_479] {strides = array<i32>} : memref<128x64xf32, #tpu.memory_space<vmem>>, vector<1x16xf32>,
      %get3A_481 = vector.shape_cast %get3A_480 : vector<1x16xf32> to vector<1x16xf32>
      %get3A_482 = arith.index_cast %add3A_477 : i32 to index
      %get3A_483 = arith.constant 0 : index
      %get3A_484 = tpu.vector_load %arg6[%get3A_482, %get3A_483] {strides = array<i32>} : memref<128x128xf32, #tpu.memory_space<vmem>>, vector<1x16xf32>,
      %get3A_485 = vector.shape_cast %get3A_484 : vector<1x16xf32> to vector<1x16xf32>
      %add3A_486 = arith.addf %get3A_481, %get3A_485 : vector<1x16xf32>
      %get3A_487 = arith.index_cast %add3A_477 : i32 to index
      %get3A_488 = arith.constant 0 : index
      %get3A_489 = tpu.vector_load %arg7[%get3A_487, %get3A_488] {strides = array<i32>} : memref<128x128xf32, #tpu.memory_space<vmem>>, vector<1x16xf32>,
      %get3A_490 = vector.shape_cast %get3A_489 : vector<1x16xf32> to vector<1x16xf32>
      %add3A_491 = arith.addf %add3A_486, %get3A_490 : vector<1x16xf32>
      %swap3A_492 = arith.index_cast %add3A_477 : i32 to index
      %swap3A_493 = arith.constant 0 : index
      %swap3A_494 = tpu.vector_load %arg10[%swap3A_492, %swap3A_493] {strides = array<i32>} : memref<128x64xf32, #tpu.memory_space<vmem>>, vector<1x16xf32>,
      %swap3A_495 = vector.shape_cast %swap3A_494 : vector<1x16xf32> to vector<1x16xf32>
      %swap3A_496 = vector.shape_cast %add3A_491 : vector<1x16xf32> to vector<1x16xf32>
      tpu.vector_store %arg10[%swap3A_492, %swap3A_493], %swap3A_496 {strides = array<i32>} : memref<128x64xf32, #tpu.memory_space<vmem>>, vector<1x16xf32>,
      %add3A_497 = arith.constant 4 : i32
      %add3A_498 = arith.addi %add3A_141, %add3A_497 : i32
      %get3A_499 = arith.index_cast %add3A_498 : i32 to index
      %get3A_500 = arith.constant 16 : index
      %get3A_501 = tpu.vector_load %arg10[%get3A_499, %get3A_500] {strides = array<i32>} : memref<128x64xf32, #tpu.memory_space<vmem>>, vector<1x16xf32>,
      %get3A_502 = vector.shape_cast %get3A_501 : vector<1x16xf32> to vector<1x16xf32>
      %get3A_503 = arith.index_cast %add3A_498 : i32 to index
      %get3A_504 = arith.constant 16 : index
      %get3A_505 = tpu.vector_load %arg6[%get3A_503, %get3A_504] {strides = array<i32>} : memref<128x128xf32, #tpu.memory_space<vmem>>, vector<1x16xf32>,
      %get3A_506 = vector.shape_cast %get3A_505 : vector<1x16xf32> to vector<1x16xf32>
      %add3A_507 = arith.addf %get3A_502, %get3A_506 : vector<1x16xf32>
      %get3A_508 = arith.index_cast %add3A_498 : i32 to index
      %get3A_509 = arith.constant 16 : index
      %get3A_510 = tpu.vector_load %arg7[%get3A_508, %get3A_509] {strides = array<i32>} : memref<128x128xf32, #tpu.memory_space<vmem>>, vector<1x16xf32>,
      %get3A_511 = vector.shape_cast %get3A_510 : vector<1x16xf32> to vector<1x16xf32>
      %add3A_512 = arith.addf %add3A_507, %get3A_511 : vector<1x16xf32>
      %swap3A_513 = arith.index_cast %add3A_498 : i32 to index
      %swap3A_514 = arith.constant 16 : index
      %swap3A_515 = tpu.vector_load %arg10[%swap3A_513, %swap3A_514] {strides = array<i32>} : memref<128x64xf32, #tpu.memory_space<vmem>>, vector<1x16xf32>,
      %swap3A_516 = vector.shape_cast %swap3A_515 : vector<1x16xf32> to vector<1x16xf32>
      %swap3A_517 = vector.shape_cast %add3A_512 : vector<1x16xf32> to vector<1x16xf32>
      tpu.vector_store %arg10[%swap3A_513, %swap3A_514], %swap3A_517 {strides = array<i32>} : memref<128x64xf32, #tpu.memory_space<vmem>>, vector<1x16xf32>,
      %add3A_518 = arith.constant 4 : i32
      %add3A_519 = arith.addi %add3A_141, %add3A_518 : i32
      %get3A_520 = arith.index_cast %add3A_519 : i32 to index
      %get3A_521 = arith.constant 32 : index
      %get3A_522 = tpu.vector_load %arg10[%get3A_520, %get3A_521] {strides = array<i32>} : memref<128x64xf32, #tpu.memory_space<vmem>>, vector<1x16xf32>,
      %get3A_523 = vector.shape_cast %get3A_522 : vector<1x16xf32> to vector<1x16xf32>
      %get3A_524 = arith.index_cast %add3A_519 : i32 to index
      %get3A_525 = arith.constant 32 : index
      %get3A_526 = tpu.vector_load %arg6[%get3A_524, %get3A_525] {strides = array<i32>} : memref<128x128xf32, #tpu.memory_space<vmem>>, vector<1x16xf32>,
      %get3A_527 = vector.shape_cast %get3A_526 : vector<1x16xf32> to vector<1x16xf32>
      %add3A_528 = arith.addf %get3A_523, %get3A_527 : vector<1x16xf32>
      %get3A_529 = arith.index_cast %add3A_519 : i32 to index
      %get3A_530 = arith.constant 32 : index
      %get3A_531 = tpu.vector_load %arg7[%get3A_529, %get3A_530] {strides = array<i32>} : memref<128x128xf32, #tpu.memory_space<vmem>>, vector<1x16xf32>,
      %get3A_532 = vector.shape_cast %get3A_531 : vector<1x16xf32> to vector<1x16xf32>
      %add3A_533 = arith.addf %add3A_528, %get3A_532 : vector<1x16xf32>
      %swap3A_534 = arith.index_cast %add3A_519 : i32 to index
      %swap3A_535 = arith.constant 32 : index
      %swap3A_536 = tpu.vector_load %arg10[%swap3A_534, %swap3A_535] {strides = array<i32>} : memref<128x64xf32, #tpu.memory_space<vmem>>, vector<1x16xf32>,
      %swap3A_537 = vector.shape_cast %swap3A_536 : vector<1x16xf32> to vector<1x16xf32>
      %swap3A_538 = vector.shape_cast %add3A_533 : vector<1x16xf32> to vector<1x16xf32>
      tpu.vector_store %arg10[%swap3A_534, %swap3A_535], %swap3A_538 {strides = array<i32>} : memref<128x64xf32, #tpu.memory_space<vmem>>, vector<1x16xf32>,
      %add3A_539 = arith.constant 4 : i32
      %add3A_540 = arith.addi %add3A_141, %add3A_539 : i32
      %get3A_541 = arith.index_cast %add3A_540 : i32 to index
      %get3A_542 = arith.constant 48 : index
      %get3A_543 = tpu.vector_load %arg10[%get3A_541, %get3A_542] {strides = array<i32>} : memref<128x64xf32, #tpu.memory_space<vmem>>, vector<1x16xf32>,
      %get3A_544 = vector.shape_cast %get3A_543 : vector<1x16xf32> to vector<1x16xf32>
      %get3A_545 = arith.index_cast %add3A_540 : i32 to index
      %get3A_546 = arith.constant 48 : index
      %get3A_547 = tpu.vector_load %arg6[%get3A_545, %get3A_546] {strides = array<i32>} : memref<128x128xf32, #tpu.memory_space<vmem>>, vector<1x16xf32>,
      %get3A_548 = vector.shape_cast %get3A_547 : vector<1x16xf32> to vector<1x16xf32>
      %add3A_549 = arith.addf %get3A_544, %get3A_548 : vector<1x16xf32>
      %get3A_550 = arith.index_cast %add3A_540 : i32 to index
      %get3A_551 = arith.constant 48 : index
      %get3A_552 = tpu.vector_load %arg7[%get3A_550, %get3A_551] {strides = array<i32>} : memref<128x128xf32, #tpu.memory_space<vmem>>, vector<1x16xf32>,
      %get3A_553 = vector.shape_cast %get3A_552 : vector<1x16xf32> to vector<1x16xf32>
      %add3A_554 = arith.addf %add3A_549, %get3A_553 : vector<1x16xf32>
      %swap3A_555 = arith.index_cast %add3A_540 : i32 to index
      %swap3A_556 = arith.constant 48 : index
      %swap3A_557 = tpu.vector_load %arg10[%swap3A_555, %swap3A_556] {strides = array<i32>} : memref<128x64xf32, #tpu.memory_space<vmem>>, vector<1x16xf32>,
      %swap3A_558 = vector.shape_cast %swap3A_557 : vector<1x16xf32> to vector<1x16xf32>
      %swap3A_559 = vector.shape_cast %add3A_554 : vector<1x16xf32> to vector<1x16xf32>
      tpu.vector_store %arg10[%swap3A_555, %swap3A_556], %swap3A_559 {strides = array<i32>} : memref<128x64xf32, #tpu.memory_space<vmem>>, vector<1x16xf32>,
      %add3A_560 = arith.constant 5 : i32
      %add3A_561 = arith.addi %add3A_141, %add3A_560 : i32
      %get3A_562 = arith.index_cast %add3A_561 : i32 to index
      %get3A_563 = arith.constant 0 : index
      %get3A_564 = tpu.vector_load %arg10[%get3A_562, %get3A_563] {strides = array<i32>} : memref<128x64xf32, #tpu.memory_space<vmem>>, vector<1x16xf32>,
      %get3A_565 = vector.shape_cast %get3A_564 : vector<1x16xf32> to vector<1x16xf32>
      %get3A_566 = arith.index_cast %add3A_561 : i32 to index
      %get3A_567 = arith.constant 0 : index
      %get3A_568 = tpu.vector_load %arg6[%get3A_566, %get3A_567] {strides = array<i32>} : memref<128x128xf32, #tpu.memory_space<vmem>>, vector<1x16xf32>,
      %get3A_569 = vector.shape_cast %get3A_568 : vector<1x16xf32> to vector<1x16xf32>
      %add3A_570 = arith.addf %get3A_565, %get3A_569 : vector<1x16xf32>
      %get3A_571 = arith.index_cast %add3A_561 : i32 to index
      %get3A_572 = arith.constant 0 : index
      %get3A_573 = tpu.vector_load %arg7[%get3A_571, %get3A_572] {strides = array<i32>} : memref<128x128xf32, #tpu.memory_space<vmem>>, vector<1x16xf32>,
      %get3A_574 = vector.shape_cast %get3A_573 : vector<1x16xf32> to vector<1x16xf32>
      %add3A_575 = arith.addf %add3A_570, %get3A_574 : vector<1x16xf32>
      %swap3A_576 = arith.index_cast %add3A_561 : i32 to index
      %swap3A_577 = arith.constant 0 : index
      %swap3A_578 = tpu.vector_load %arg10[%swap3A_576, %swap3A_577] {strides = array<i32>} : memref<128x64xf32, #tpu.memory_space<vmem>>, vector<1x16xf32>,
      %swap3A_579 = vector.shape_cast %swap3A_578 : vector<1x16xf32> to vector<1x16xf32>
      %swap3A_580 = vector.shape_cast %add3A_575 : vector<1x16xf32> to vector<1x16xf32>
      tpu.vector_store %arg10[%swap3A_576, %swap3A_577], %swap3A_580 {strides = array<i32>} : memref<128x64xf32, #tpu.memory_space<vmem>>, vector<1x16xf32>,
      %add3A_581 = arith.constant 5 : i32
      %add3A_582 = arith.addi %add3A_141, %add3A_581 : i32
      %get3A_583 = arith.index_cast %add3A_582 : i32 to index
      %get3A_584 = arith.constant 16 : index
      %get3A_585 = tpu.vector_load %arg10[%get3A_583, %get3A_584] {strides = array<i32>} : memref<128x64xf32, #tpu.memory_space<vmem>>, vector<1x16xf32>,
      %get3A_586 = vector.shape_cast %get3A_585 : vector<1x16xf32> to vector<1x16xf32>
      %get3A_587 = arith.index_cast %add3A_582 : i32 to index
      %get3A_588 = arith.constant 16 : index
      %get3A_589 = tpu.vector_load %arg6[%get3A_587, %get3A_588] {strides = array<i32>} : memref<128x128xf32, #tpu.memory_space<vmem>>, vector<1x16xf32>,
      %get3A_590 = vector.shape_cast %get3A_589 : vector<1x16xf32> to vector<1x16xf32>
      %add3A_591 = arith.addf %get3A_586, %get3A_590 : vector<1x16xf32>
      %get3A_592 = arith.index_cast %add3A_582 : i32 to index
      %get3A_593 = arith.constant 16 : index
      %get3A_594 = tpu.vector_load %arg7[%get3A_592, %get3A_593] {strides = array<i32>} : memref<128x128xf32, #tpu.memory_space<vmem>>, vector<1x16xf32>,
      %get3A_595 = vector.shape_cast %get3A_594 : vector<1x16xf32> to vector<1x16xf32>
      %add3A_596 = arith.addf %add3A_591, %get3A_595 : vector<1x16xf32>
      %swap3A_597 = arith.index_cast %add3A_582 : i32 to index
      %swap3A_598 = arith.constant 16 : index
      %swap3A_599 = tpu.vector_load %arg10[%swap3A_597, %swap3A_598] {strides = array<i32>} : memref<128x64xf32, #tpu.memory_space<vmem>>, vector<1x16xf32>,
      %swap3A_600 = vector.shape_cast %swap3A_599 : vector<1x16xf32> to vector<1x16xf32>
      %swap3A_601 = vector.shape_cast %add3A_596 : vector<1x16xf32> to vector<1x16xf32>
      tpu.vector_store %arg10[%swap3A_597, %swap3A_598], %swap3A_601 {strides = array<i32>} : memref<128x64xf32, #tpu.memory_space<vmem>>, vector<1x16xf32>,
      %add3A_602 = arith.constant 5 : i32
      %add3A_603 = arith.addi %add3A_141, %add3A_602 : i32
      %get3A_604 = arith.index_cast %add3A_603 : i32 to index
      %get3A_605 = arith.constant 32 : index
      %get3A_606 = tpu.vector_load %arg10[%get3A_604, %get3A_605] {strides = array<i32>} : memref<128x64xf32, #tpu.memory_space<vmem>>, vector<1x16xf32>,
      %get3A_607 = vector.shape_cast %get3A_606 : vector<1x16xf32> to vector<1x16xf32>
      %get3A_608 = arith.index_cast %add3A_603 : i32 to index
      %get3A_609 = arith.constant 32 : index
      %get3A_610 = tpu.vector_load %arg6[%get3A_608, %get3A_609] {strides = array<i32>} : memref<128x128xf32, #tpu.memory_space<vmem>>, vector<1x16xf32>,
      %get3A_611 = vector.shape_cast %get3A_610 : vector<1x16xf32> to vector<1x16xf32>
      %add3A_612 = arith.addf %get3A_607, %get3A_611 : vector<1x16xf32>
      %get3A_613 = arith.index_cast %add3A_603 : i32 to index
      %get3A_614 = arith.constant 32 : index
      %get3A_615 = tpu.vector_load %arg7[%get3A_613, %get3A_614] {strides = array<i32>} : memref<128x128xf32, #tpu.memory_space<vmem>>, vector<1x16xf32>,
      %get3A_616 = vector.shape_cast %get3A_615 : vector<1x16xf32> to vector<1x16xf32>
      %add3A_617 = arith.addf %add3A_612, %get3A_616 : vector<1x16xf32>
      %swap3A_618 = arith.index_cast %add3A_603 : i32 to index
      %swap3A_619 = arith.constant 32 : index
      %swap3A_620 = tpu.vector_load %arg10[%swap3A_618, %swap3A_619] {strides = array<i32>} : memref<128x64xf32, #tpu.memory_space<vmem>>, vector<1x16xf32>,
      %swap3A_621 = vector.shape_cast %swap3A_620 : vector<1x16xf32> to vector<1x16xf32>
      %swap3A_622 = vector.shape_cast %add3A_617 : vector<1x16xf32> to vector<1x16xf32>
      tpu.vector_store %arg10[%swap3A_618, %swap3A_619], %swap3A_622 {strides = array<i32>} : memref<128x64xf32, #tpu.memory_space<vmem>>, vector<1x16xf32>,
      %add3A_623 = arith.constant 5 : i32
      %add3A_624 = arith.addi %add3A_141, %add3A_623 : i32
      %get3A_625 = arith.index_cast %add3A_624 : i32 to index
      %get3A_626 = arith.constant 48 : index
      %get3A_627 = tpu.vector_load %arg10[%get3A_625, %get3A_626] {strides = array<i32>} : memref<128x64xf32, #tpu.memory_space<vmem>>, vector<1x16xf32>,
      %get3A_628 = vector.shape_cast %get3A_627 : vector<1x16xf32> to vector<1x16xf32>
      %get3A_629 = arith.index_cast %add3A_624 : i32 to index
      %get3A_630 = arith.constant 48 : index
      %get3A_631 = tpu.vector_load %arg6[%get3A_629, %get3A_630] {strides = array<i32>} : memref<128x128xf32, #tpu.memory_space<vmem>>, vector<1x16xf32>,
      %get3A_632 = vector.shape_cast %get3A_631 : vector<1x16xf32> to vector<1x16xf32>
      %add3A_633 = arith.addf %get3A_628, %get3A_632 : vector<1x16xf32>
      %get3A_634 = arith.index_cast %add3A_624 : i32 to index
      %get3A_635 = arith.constant 48 : index
      %get3A_636 = tpu.vector_load %arg7[%get3A_634, %get3A_635] {strides = array<i32>} : memref<128x128xf32, #tpu.memory_space<vmem>>, vector<1x16xf32>,
      %get3A_637 = vector.shape_cast %get3A_636 : vector<1x16xf32> to vector<1x16xf32>
      %add3A_638 = arith.addf %add3A_633, %get3A_637 : vector<1x16xf32>
      %swap3A_639 = arith.index_cast %add3A_624 : i32 to index
      %swap3A_640 = arith.constant 48 : index
      %swap3A_641 = tpu.vector_load %arg10[%swap3A_639, %swap3A_640] {strides = array<i32>} : memref<128x64xf32, #tpu.memory_space<vmem>>, vector<1x16xf32>,
      %swap3A_642 = vector.shape_cast %swap3A_641 : vector<1x16xf32> to vector<1x16xf32>
      %swap3A_643 = vector.shape_cast %add3A_638 : vector<1x16xf32> to vector<1x16xf32>
      tpu.vector_store %arg10[%swap3A_639, %swap3A_640], %swap3A_643 {strides = array<i32>} : memref<128x64xf32, #tpu.memory_space<vmem>>, vector<1x16xf32>,
      %add3A_644 = arith.constant 6 : i32
      %add3A_645 = arith.addi %add3A_141, %add3A_644 : i32
      %get3A_646 = arith.index_cast %add3A_645 : i32 to index
      %get3A_647 = arith.constant 0 : index
      %get3A_648 = tpu.vector_load %arg10[%get3A_646, %get3A_647] {strides = array<i32>} : memref<128x64xf32, #tpu.memory_space<vmem>>, vector<1x16xf32>,
      %get3A_649 = vector.shape_cast %get3A_648 : vector<1x16xf32> to vector<1x16xf32>
      %get3A_650 = arith.index_cast %add3A_645 : i32 to index
      %get3A_651 = arith.constant 0 : index
      %get3A_652 = tpu.vector_load %arg6[%get3A_650, %get3A_651] {strides = array<i32>} : memref<128x128xf32, #tpu.memory_space<vmem>>, vector<1x16xf32>,
      %get3A_653 = vector.shape_cast %get3A_652 : vector<1x16xf32> to vector<1x16xf32>
      %add3A_654 = arith.addf %get3A_649, %get3A_653 : vector<1x16xf32>
      %get3A_655 = arith.index_cast %add3A_645 : i32 to index
      %get3A_656 = arith.constant 0 : index
      %get3A_657 = tpu.vector_load %arg7[%get3A_655, %get3A_656] {strides = array<i32>} : memref<128x128xf32, #tpu.memory_space<vmem>>, vector<1x16xf32>,
      %get3A_658 = vector.shape_cast %get3A_657 : vector<1x16xf32> to vector<1x16xf32>
      %add3A_659 = arith.addf %add3A_654, %get3A_658 : vector<1x16xf32>
      %swap3A_660 = arith.index_cast %add3A_645 : i32 to index
      %swap3A_661 = arith.constant 0 : index
      %swap3A_662 = tpu.vector_load %arg10[%swap3A_660, %swap3A_661] {strides = array<i32>} : memref<128x64xf32, #tpu.memory_space<vmem>>, vector<1x16xf32>,
      %swap3A_663 = vector.shape_cast %swap3A_662 : vector<1x16xf32> to vector<1x16xf32>
      %swap3A_664 = vector.shape_cast %add3A_659 : vector<1x16xf32> to vector<1x16xf32>
      tpu.vector_store %arg10[%swap3A_660, %swap3A_661], %swap3A_664 {strides = array<i32>} : memref<128x64xf32, #tpu.memory_space<vmem>>, vector<1x16xf32>,
      %add3A_665 = arith.constant 6 : i32
      %add3A_666 = arith.addi %add3A_141, %add3A_665 : i32
      %get3A_667 = arith.index_cast %add3A_666 : i32 to index
      %get3A_668 = arith.constant 16 : index
      %get3A_669 = tpu.vector_load %arg10[%get3A_667, %get3A_668] {strides = array<i32>} : memref<128x64xf32, #tpu.memory_space<vmem>>, vector<1x16xf32>,
      %get3A_670 = vector.shape_cast %get3A_669 : vector<1x16xf32> to vector<1x16xf32>
      %get3A_671 = arith.index_cast %add3A_666 : i32 to index
      %get3A_672 = arith.constant 16 : index
      %get3A_673 = tpu.vector_load %arg6[%get3A_671, %get3A_672] {strides = array<i32>} : memref<128x128xf32, #tpu.memory_space<vmem>>, vector<1x16xf32>,
      %get3A_674 = vector.shape_cast %get3A_673 : vector<1x16xf32> to vector<1x16xf32>
      %add3A_675 = arith.addf %get3A_670, %get3A_674 : vector<1x16xf32>
      %get3A_676 = arith.index_cast %add3A_666 : i32 to index
      %get3A_677 = arith.constant 16 : index
      %get3A_678 = tpu.vector_load %arg7[%get3A_676, %get3A_677] {strides = array<i32>} : memref<128x128xf32, #tpu.memory_space<vmem>>, vector<1x16xf32>,
      %get3A_679 = vector.shape_cast %get3A_678 : vector<1x16xf32> to vector<1x16xf32>
      %add3A_680 = arith.addf %add3A_675, %get3A_679 : vector<1x16xf32>
      %swap3A_681 = arith.index_cast %add3A_666 : i32 to index
      %swap3A_682 = arith.constant 16 : index
      %swap3A_683 = tpu.vector_load %arg10[%swap3A_681, %swap3A_682] {strides = array<i32>} : memref<128x64xf32, #tpu.memory_space<vmem>>, vector<1x16xf32>,
      %swap3A_684 = vector.shape_cast %swap3A_683 : vector<1x16xf32> to vector<1x16xf32>
      %swap3A_685 = vector.shape_cast %add3A_680 : vector<1x16xf32> to vector<1x16xf32>
      tpu.vector_store %arg10[%swap3A_681, %swap3A_682], %swap3A_685 {strides = array<i32>} : memref<128x64xf32, #tpu.memory_space<vmem>>, vector<1x16xf32>,
      %add3A_686 = arith.constant 6 : i32
      %add3A_687 = arith.addi %add3A_141, %add3A_686 : i32
      %get3A_688 = arith.index_cast %add3A_687 : i32 to index
      %get3A_689 = arith.constant 32 : index
      %get3A_690 = tpu.vector_load %arg10[%get3A_688, %get3A_689] {strides = array<i32>} : memref<128x64xf32, #tpu.memory_space<vmem>>, vector<1x16xf32>,
      %get3A_691 = vector.shape_cast %get3A_690 : vector<1x16xf32> to vector<1x16xf32>
      %get3A_692 = arith.index_cast %add3A_687 : i32 to index
      %get3A_693 = arith.constant 32 : index
      %get3A_694 = tpu.vector_load %arg6[%get3A_692, %get3A_693] {strides = array<i32>} : memref<128x128xf32, #tpu.memory_space<vmem>>, vector<1x16xf32>,
      %get3A_695 = vector.shape_cast %get3A_694 : vector<1x16xf32> to vector<1x16xf32>
      %add3A_696 = arith.addf %get3A_691, %get3A_695 : vector<1x16xf32>
      %get3A_697 = arith.index_cast %add3A_687 : i32 to index
      %get3A_698 = arith.constant 32 : index
      %get3A_699 = tpu.vector_load %arg7[%get3A_697, %get3A_698] {strides = array<i32>} : memref<128x128xf32, #tpu.memory_space<vmem>>, vector<1x16xf32>,
      %get3A_700 = vector.shape_cast %get3A_699 : vector<1x16xf32> to vector<1x16xf32>
      %add3A_701 = arith.addf %add3A_696, %get3A_700 : vector<1x16xf32>
      %swap3A_702 = arith.index_cast %add3A_687 : i32 to index
      %swap3A_703 = arith.constant 32 : index
      %swap3A_704 = tpu.vector_load %arg10[%swap3A_702, %swap3A_703] {strides = array<i32>} : memref<128x64xf32, #tpu.memory_space<vmem>>, vector<1x16xf32>,
      %swap3A_705 = vector.shape_cast %swap3A_704 : vector<1x16xf32> to vector<1x16xf32>
      %swap3A_706 = vector.shape_cast %add3A_701 : vector<1x16xf32> to vector<1x16xf32>
      tpu.vector_store %arg10[%swap3A_702, %swap3A_703], %swap3A_706 {strides = array<i32>} : memref<128x64xf32, #tpu.memory_space<vmem>>, vector<1x16xf32>,
      %add3A_707 = arith.constant 6 : i32
      %add3A_708 = arith.addi %add3A_141, %add3A_707 : i32
      %get3A_709 = arith.index_cast %add3A_708 : i32 to index
      %get3A_710 = arith.constant 48 : index
      %get3A_711 = tpu.vector_load %arg10[%get3A_709, %get3A_710] {strides = array<i32>} : memref<128x64xf32, #tpu.memory_space<vmem>>, vector<1x16xf32>,
      %get3A_712 = vector.shape_cast %get3A_711 : vector<1x16xf32> to vector<1x16xf32>
      %get3A_713 = arith.index_cast %add3A_708 : i32 to index
      %get3A_714 = arith.constant 48 : index
      %get3A_715 = tpu.vector_load %arg6[%get3A_713, %get3A_714] {strides = array<i32>} : memref<128x128xf32, #tpu.memory_space<vmem>>, vector<1x16xf32>,
      %get3A_716 = vector.shape_cast %get3A_715 : vector<1x16xf32> to vector<1x16xf32>
      %add3A_717 = arith.addf %get3A_712, %get3A_716 : vector<1x16xf32>
      %get3A_718 = arith.index_cast %add3A_708 : i32 to index
      %get3A_719 = arith.constant 48 : index
      %get3A_720 = tpu.vector_load %arg7[%get3A_718, %get3A_719] {strides = array<i32>} : memref<128x128xf32, #tpu.memory_space<vmem>>, vector<1x16xf32>,
      %get3A_721 = vector.shape_cast %get3A_720 : vector<1x16xf32> to vector<1x16xf32>
      %add3A_722 = arith.addf %add3A_717, %get3A_721 : vector<1x16xf32>
      %swap3A_723 = arith.index_cast %add3A_708 : i32 to index
      %swap3A_724 = arith.constant 48 : index
      %swap3A_725 = tpu.vector_load %arg10[%swap3A_723, %swap3A_724] {strides = array<i32>} : memref<128x64xf32, #tpu.memory_space<vmem>>, vector<1x16xf32>,
      %swap3A_726 = vector.shape_cast %swap3A_725 : vector<1x16xf32> to vector<1x16xf32>
      %swap3A_727 = vector.shape_cast %add3A_722 : vector<1x16xf32> to vector<1x16xf32>
      tpu.vector_store %arg10[%swap3A_723, %swap3A_724], %swap3A_727 {strides = array<i32>} : memref<128x64xf32, #tpu.memory_space<vmem>>, vector<1x16xf32>,
      %add3A_728 = arith.constant 7 : i32
      %add3A_729 = arith.addi %add3A_141, %add3A_728 : i32
      %get3A_730 = arith.index_cast %add3A_729 : i32 to index
      %get3A_731 = arith.constant 0 : index
      %get3A_732 = tpu.vector_load %arg10[%get3A_730, %get3A_731] {strides = array<i32>} : memref<128x64xf32, #tpu.memory_space<vmem>>, vector<1x16xf32>,
      %get3A_733 = vector.shape_cast %get3A_732 : vector<1x16xf32> to vector<1x16xf32>
      %get3A_734 = arith.index_cast %add3A_729 : i32 to index
      %get3A_735 = arith.constant 0 : index
      %get3A_736 = tpu.vector_load %arg6[%get3A_734, %get3A_735] {strides = array<i32>} : memref<128x128xf32, #tpu.memory_space<vmem>>, vector<1x16xf32>,
      %get3A_737 = vector.shape_cast %get3A_736 : vector<1x16xf32> to vector<1x16xf32>
      %add3A_738 = arith.addf %get3A_733, %get3A_737 : vector<1x16xf32>
      %get3A_739 = arith.index_cast %add3A_729 : i32 to index
      %get3A_740 = arith.constant 0 : index
      %get3A_741 = tpu.vector_load %arg7[%get3A_739, %get3A_740] {strides = array<i32>} : memref<128x128xf32, #tpu.memory_space<vmem>>, vector<1x16xf32>,
      %get3A_742 = vector.shape_cast %get3A_741 : vector<1x16xf32> to vector<1x16xf32>
      %add3A_743 = arith.addf %add3A_738, %get3A_742 : vector<1x16xf32>
      %swap3A_744 = arith.index_cast %add3A_729 : i32 to index
      %swap3A_745 = arith.constant 0 : index
      %swap3A_746 = tpu.vector_load %arg10[%swap3A_744, %swap3A_745] {strides = array<i32>} : memref<128x64xf32, #tpu.memory_space<vmem>>, vector<1x16xf32>,
      %swap3A_747 = vector.shape_cast %swap3A_746 : vector<1x16xf32> to vector<1x16xf32>
      %swap3A_748 = vector.shape_cast %add3A_743 : vector<1x16xf32> to vector<1x16xf32>
      tpu.vector_store %arg10[%swap3A_744, %swap3A_745], %swap3A_748 {strides = array<i32>} : memref<128x64xf32, #tpu.memory_space<vmem>>, vector<1x16xf32>,
      %add3A_749 = arith.constant 7 : i32
      %add3A_750 = arith.addi %add3A_141, %add3A_749 : i32
      %get3A_751 = arith.index_cast %add3A_750 : i32 to index
      %get3A_752 = arith.constant 16 : index
      %get3A_753 = tpu.vector_load %arg10[%get3A_751, %get3A_752] {strides = array<i32>} : memref<128x64xf32, #tpu.memory_space<vmem>>, vector<1x16xf32>,
      %get3A_754 = vector.shape_cast %get3A_753 : vector<1x16xf32> to vector<1x16xf32>
      %get3A_755 = arith.index_cast %add3A_750 : i32 to index
      %get3A_756 = arith.constant 16 : index
      %get3A_757 = tpu.vector_load %arg6[%get3A_755, %get3A_756] {strides = array<i32>} : memref<128x128xf32, #tpu.memory_space<vmem>>, vector<1x16xf32>,
      %get3A_758 = vector.shape_cast %get3A_757 : vector<1x16xf32> to vector<1x16xf32>
      %add3A_759 = arith.addf %get3A_754, %get3A_758 : vector<1x16xf32>
      %get3A_760 = arith.index_cast %add3A_750 : i32 to index
      %get3A_761 = arith.constant 16 : index
      %get3A_762 = tpu.vector_load %arg7[%get3A_760, %get3A_761] {strides = array<i32>} : memref<128x128xf32, #tpu.memory_space<vmem>>, vector<1x16xf32>,
      %get3A_763 = vector.shape_cast %get3A_762 : vector<1x16xf32> to vector<1x16xf32>
      %add3A_764 = arith.addf %add3A_759, %get3A_763 : vector<1x16xf32>
      %swap3A_765 = arith.index_cast %add3A_750 : i32 to index
      %swap3A_766 = arith.constant 16 : index
      %swap3A_767 = tpu.vector_load %arg10[%swap3A_765, %swap3A_766] {strides = array<i32>} : memref<128x64xf32, #tpu.memory_space<vmem>>, vector<1x16xf32>,
      %swap3A_768 = vector.shape_cast %swap3A_767 : vector<1x16xf32> to vector<1x16xf32>
      %swap3A_769 = vector.shape_cast %add3A_764 : vector<1x16xf32> to vector<1x16xf32>
      tpu.vector_store %arg10[%swap3A_765, %swap3A_766], %swap3A_769 {strides = array<i32>} : memref<128x64xf32, #tpu.memory_space<vmem>>, vector<1x16xf32>,
      %add3A_770 = arith.constant 7 : i32
      %add3A_771 = arith.addi %add3A_141, %add3A_770 : i32
      %get3A_772 = arith.index_cast %add3A_771 : i32 to index
      %get3A_773 = arith.constant 32 : index
      %get3A_774 = tpu.vector_load %arg10[%get3A_772, %get3A_773] {strides = array<i32>} : memref<128x64xf32, #tpu.memory_space<vmem>>, vector<1x16xf32>,
      %get3A_775 = vector.shape_cast %get3A_774 : vector<1x16xf32> to vector<1x16xf32>
      %get3A_776 = arith.index_cast %add3A_771 : i32 to index
      %get3A_777 = arith.constant 32 : index
      %get3A_778 = tpu.vector_load %arg6[%get3A_776, %get3A_777] {strides = array<i32>} : memref<128x128xf32, #tpu.memory_space<vmem>>, vector<1x16xf32>,
      %get3A_779 = vector.shape_cast %get3A_778 : vector<1x16xf32> to vector<1x16xf32>
      %add3A_780 = arith.addf %get3A_775, %get3A_779 : vector<1x16xf32>
      %get3A_781 = arith.index_cast %add3A_771 : i32 to index
      %get3A_782 = arith.constant 32 : index
      %get3A_783 = tpu.vector_load %arg7[%get3A_781, %get3A_782] {strides = array<i32>} : memref<128x128xf32, #tpu.memory_space<vmem>>, vector<1x16xf32>,
      %get3A_784 = vector.shape_cast %get3A_783 : vector<1x16xf32> to vector<1x16xf32>
      %add3A_785 = arith.addf %add3A_780, %get3A_784 : vector<1x16xf32>
      %swap3A_786 = arith.index_cast %add3A_771 : i32 to index
      %swap3A_787 = arith.constant 32 : index
      %swap3A_788 = tpu.vector_load %arg10[%swap3A_786, %swap3A_787] {strides = array<i32>} : memref<128x64xf32, #tpu.memory_space<vmem>>, vector<1x16xf32>,
      %swap3A_789 = vector.shape_cast %swap3A_788 : vector<1x16xf32> to vector<1x16xf32>
      %swap3A_790 = vector.shape_cast %add3A_785 : vector<1x16xf32> to vector<1x16xf32>
      tpu.vector_store %arg10[%swap3A_786, %swap3A_787], %swap3A_790 {strides = array<i32>} : memref<128x64xf32, #tpu.memory_space<vmem>>, vector<1x16xf32>,
      %add3A_791 = arith.constant 7 : i32
      %add3A_792 = arith.addi %add3A_141, %add3A_791 : i32
      %get3A_793 = arith.index_cast %add3A_792 : i32 to index
      %get3A_794 = arith.constant 48 : index
      %get3A_795 = tpu.vector_load %arg10[%get3A_793, %get3A_794] {strides = array<i32>} : memref<128x64xf32, #tpu.memory_space<vmem>>, vector<1x16xf32>,
      %get3A_796 = vector.shape_cast %get3A_795 : vector<1x16xf32> to vector<1x16xf32>
      %get3A_797 = arith.index_cast %add3A_792 : i32 to index
      %get3A_798 = arith.constant 48 : index
      %get3A_799 = tpu.vector_load %arg6[%get3A_797, %get3A_798] {strides = array<i32>} : memref<128x128xf32, #tpu.memory_space<vmem>>, vector<1x16xf32>,
      %get3A_800 = vector.shape_cast %get3A_799 : vector<1x16xf32> to vector<1x16xf32>
      %add3A_801 = arith.addf %get3A_796, %get3A_800 : vector<1x16xf32>
      %get3A_802 = arith.index_cast %add3A_792 : i32 to index
      %get3A_803 = arith.constant 48 : index
      %get3A_804 = tpu.vector_load %arg7[%get3A_802, %get3A_803] {strides = array<i32>} : memref<128x128xf32, #tpu.memory_space<vmem>>, vector<1x16xf32>,
      %get3A_805 = vector.shape_cast %get3A_804 : vector<1x16xf32> to vector<1x16xf32>
      %add3A_806 = arith.addf %add3A_801, %get3A_805 : vector<1x16xf32>
      %swap3A_807 = arith.index_cast %add3A_792 : i32 to index
      %swap3A_808 = arith.constant 48 : index
      %swap3A_809 = tpu.vector_load %arg10[%swap3A_807, %swap3A_808] {strides = array<i32>} : memref<128x64xf32, #tpu.memory_space<vmem>>, vector<1x16xf32>,
      %swap3A_810 = vector.shape_cast %swap3A_809 : vector<1x16xf32> to vector<1x16xf32>
      %swap3A_811 = vector.shape_cast %add3A_806 : vector<1x16xf32> to vector<1x16xf32>
      tpu.vector_store %arg10[%swap3A_807, %swap3A_808], %swap3A_811 {strides = array<i32>} : memref<128x64xf32, #tpu.memory_space<vmem>>, vector<1x16xf32>,
    }
    %scan3A_117 = arith.constant 16 : i32
    %dma_wait3A_118 = arith.constant 0 : i32
    %dma_wait3A_119 = arith.constant 0 : i32
    %dma_wait3A_120 = tpu.memref_slice %arg5[%dma_wait3A_118, %dma_wait3A_119] : memref<200x128xi32, #tpu.memory_space<vmem>> -> memref<1x128xi32, #tpu.memory_space<vmem>>
    %dma_wait3A_121 = tpu.memref_squeeze %dma_wait3A_120 : memref<1x128xi32, #tpu.memory_space<vmem>> -> memref<128xi32, #tpu.memory_space<vmem>>
    %dma_wait3A_122 = arith.constant 0 : i32
    %dma_wait3A_123 = arith.constant 0 : i32
    %dma_wait3A_124 = tpu.memref_slice %arg3[%dma_wait3A_122, %dma_wait3A_123] : memref<1000000x128xf32, #tpu.memory_space<hbm>> -> memref<1000000x128xf32, #tpu.memory_space<hbm>>
    tpu.wait_indirect_dma semaphore(%arg13 : memref<!tpu.dma_semaphore, #tpu.memory_space<semaphore_mem>>) src(%dma_wait3A_124 : memref<1000000x128xf32, #tpu.memory_space<hbm>>) dst(%arg8 : memref<128x128xf32, #tpu.memory_space<vmem>>)
    %dma_wait3A_125 = arith.constant 0 : i32
    %dma_wait3A_126 = arith.constant 0 : i32
    %dma_wait3A_127 = tpu.memref_slice %arg5[%dma_wait3A_125, %dma_wait3A_126] : memref<200x128xi32, #tpu.memory_space<vmem>> -> memref<1x128xi32, #tpu.memory_space<vmem>>
    %dma_wait3A_128 = tpu.memref_squeeze %dma_wait3A_127 : memref<1x128xi32, #tpu.memory_space<vmem>> -> memref<128xi32, #tpu.memory_space<vmem>>
    %dma_wait3A_129 = arith.constant 0 : i32
    %dma_wait3A_130 = arith.constant 0 : i32
    %dma_wait3A_131 = tpu.memref_slice %arg3[%dma_wait3A_129, %dma_wait3A_130] : memref<1000000x128xf32, #tpu.memory_space<hbm>> -> memref<1000000x128xf32, #tpu.memory_space<hbm>>
    tpu.wait_indirect_dma semaphore(%arg14 : memref<!tpu.dma_semaphore, #tpu.memory_space<semaphore_mem>>) src(%dma_wait3A_131 : memref<1000000x128xf32, #tpu.memory_space<hbm>>) dst(%arg9 : memref<128x128xf32, #tpu.memory_space<vmem>>)
    %scan3A_132 = arith.constant 0 : i32
    %scan3A_133 = arith.constant 16 : i32
    %scan3A_134 = arith.addi %scan3A_132, %scan3A_133 : i32
    %scan3A_135 = arith.constant 1 : i32
    scf.for %scan3A_137 = %scan3A_132 to %scan3A_134 step %scan3A_135  : i32 {
      %mul3A_138 = arith.constant 8 : i32
      %mul3A_139 = arith.muli %scan3A_137, %mul3A_138 : i32
      %add3A_140 = arith.constant 0 : i32
      %add3A_141 = arith.addi %add3A_140, %mul3A_139 : i32
      %add3A_142 = arith.constant 0 : i32
      %add3A_143 = arith.addi %add3A_141, %add3A_142 : i32
      %get3A = arith.index_cast %add3A_143 : i32 to index
      %get3A_144 = arith.constant 0 : index
      %get3A_145 = tpu.vector_load %arg10[%get3A, %get3A_144] {strides = array<i32>} : memref<128x64xf32, #tpu.memory_space<vmem>>, vector<1x16xf32>,
      %get3A_146 = vector.shape_cast %get3A_145 : vector<1x16xf32> to vector<1x16xf32>
      %get3A_147 = arith.index_cast %add3A_143 : i32 to index
      %get3A_148 = arith.constant 0 : index
      %get3A_149 = tpu.vector_load %arg8[%get3A_147, %get3A_148] {strides = array<i32>} : memref<128x128xf32, #tpu.memory_space<vmem>>, vector<1x16xf32>,
      %get3A_150 = vector.shape_cast %get3A_149 : vector<1x16xf32> to vector<1x16xf32>
      %add3A_151 = arith.addf %get3A_146, %get3A_150 : vector<1x16xf32>
      %get3A_152 = arith.index_cast %add3A_143 : i32 to index
      %get3A_153 = arith.constant 0 : index
      %get3A_154 = tpu.vector_load %arg9[%get3A_152, %get3A_153] {strides = array<i32>} : memref<128x128xf32, #tpu.memory_space<vmem>>, vector<1x16xf32>,
      %get3A_155 = vector.shape_cast %get3A_154 : vector<1x16xf32> to vector<1x16xf32>
      %add3A_156 = arith.addf %add3A_151, %get3A_155 : vector<1x16xf32>
      %swap3A = arith.index_cast %add3A_143 : i32 to index
      %swap3A_157 = arith.constant 0 : index
      %swap3A_158 = tpu.vector_load %arg10[%swap3A, %swap3A_157] {strides = array<i32>} : memref<128x64xf32, #tpu.memory_space<vmem>>, vector<1x16xf32>,
      %swap3A_159 = vector.shape_cast %swap3A_158 : vector<1x16xf32> to vector<1x16xf32>
      %swap3A_160 = vector.shape_cast %add3A_156 : vector<1x16xf32> to vector<1x16xf32>
      tpu.vector_store %arg10[%swap3A, %swap3A_157], %swap3A_160 {strides = array<i32>} : memref<128x64xf32, #tpu.memory_space<vmem>>, vector<1x16xf32>,
      %add3A_161 = arith.constant 0 : i32
      %add3A_162 = arith.addi %add3A_141, %add3A_161 : i32
      %get3A_163 = arith.index_cast %add3A_162 : i32 to index
      %get3A_164 = arith.constant 16 : index
      %get3A_165 = tpu.vector_load %arg10[%get3A_163, %get3A_164] {strides = array<i32>} : memref<128x64xf32, #tpu.memory_space<vmem>>, vector<1x16xf32>,
      %get3A_166 = vector.shape_cast %get3A_165 : vector<1x16xf32> to vector<1x16xf32>
      %get3A_167 = arith.index_cast %add3A_162 : i32 to index
      %get3A_168 = arith.constant 16 : index
      %get3A_169 = tpu.vector_load %arg8[%get3A_167, %get3A_168] {strides = array<i32>} : memref<128x128xf32, #tpu.memory_space<vmem>>, vector<1x16xf32>,
      %get3A_170 = vector.shape_cast %get3A_169 : vector<1x16xf32> to vector<1x16xf32>
      %add3A_171 = arith.addf %get3A_166, %get3A_170 : vector<1x16xf32>
      %get3A_172 = arith.index_cast %add3A_162 : i32 to index
      %get3A_173 = arith.constant 16 : index
      %get3A_174 = tpu.vector_load %arg9[%get3A_172, %get3A_173] {strides = array<i32>} : memref<128x128xf32, #tpu.memory_space<vmem>>, vector<1x16xf32>,
      %get3A_175 = vector.shape_cast %get3A_174 : vector<1x16xf32> to vector<1x16xf32>
      %add3A_176 = arith.addf %add3A_171, %get3A_175 : vector<1x16xf32>
      %swap3A_177 = arith.index_cast %add3A_162 : i32 to index
      %swap3A_178 = arith.constant 16 : index
      %swap3A_179 = tpu.vector_load %arg10[%swap3A_177, %swap3A_178] {strides = array<i32>} : memref<128x64xf32, #tpu.memory_space<vmem>>, vector<1x16xf32>,
      %swap3A_180 = vector.shape_cast %swap3A_179 : vector<1x16xf32> to vector<1x16xf32>
      %swap3A_181 = vector.shape_cast %add3A_176 : vector<1x16xf32> to vector<1x16xf32>
      tpu.vector_store %arg10[%swap3A_177, %swap3A_178], %swap3A_181 {strides = array<i32>} : memref<128x64xf32, #tpu.memory_space<vmem>>, vector<1x16xf32>,
      %add3A_182 = arith.constant 0 : i32
      %add3A_183 = arith.addi %add3A_141, %add3A_182 : i32
      %get3A_184 = arith.index_cast %add3A_183 : i32 to index
      %get3A_185 = arith.constant 32 : index
      %get3A_186 = tpu.vector_load %arg10[%get3A_184, %get3A_185] {strides = array<i32>} : memref<128x64xf32, #tpu.memory_space<vmem>>, vector<1x16xf32>,
      %get3A_187 = vector.shape_cast %get3A_186 : vector<1x16xf32> to vector<1x16xf32>
      %get3A_188 = arith.index_cast %add3A_183 : i32 to index
      %get3A_189 = arith.constant 32 : index
      %get3A_190 = tpu.vector_load %arg8[%get3A_188, %get3A_189] {strides = array<i32>} : memref<128x128xf32, #tpu.memory_space<vmem>>, vector<1x16xf32>,
      %get3A_191 = vector.shape_cast %get3A_190 : vector<1x16xf32> to vector<1x16xf32>
      %add3A_192 = arith.addf %get3A_187, %get3A_191 : vector<1x16xf32>
      %get3A_193 = arith.index_cast %add3A_183 : i32 to index
      %get3A_194 = arith.constant 32 : index
      %get3A_195 = tpu.vector_load %arg9[%get3A_193, %get3A_194] {strides = array<i32>} : memref<128x128xf32, #tpu.memory_space<vmem>>, vector<1x16xf32>,
      %get3A_196 = vector.shape_cast %get3A_195 : vector<1x16xf32> to vector<1x16xf32>
      %add3A_197 = arith.addf %add3A_192, %get3A_196 : vector<1x16xf32>
      %swap3A_198 = arith.index_cast %add3A_183 : i32 to index
      %swap3A_199 = arith.constant 32 : index
      %swap3A_200 = tpu.vector_load %arg10[%swap3A_198, %swap3A_199] {strides = array<i32>} : memref<128x64xf32, #tpu.memory_space<vmem>>, vector<1x16xf32>,
      %swap3A_201 = vector.shape_cast %swap3A_200 : vector<1x16xf32> to vector<1x16xf32>
      %swap3A_202 = vector.shape_cast %add3A_197 : vector<1x16xf32> to vector<1x16xf32>
      tpu.vector_store %arg10[%swap3A_198, %swap3A_199], %swap3A_202 {strides = array<i32>} : memref<128x64xf32, #tpu.memory_space<vmem>>, vector<1x16xf32>,
      %add3A_203 = arith.constant 0 : i32
      %add3A_204 = arith.addi %add3A_141, %add3A_203 : i32
      %get3A_205 = arith.index_cast %add3A_204 : i32 to index
      %get3A_206 = arith.constant 48 : index
      %get3A_207 = tpu.vector_load %arg10[%get3A_205, %get3A_206] {strides = array<i32>} : memref<128x64xf32, #tpu.memory_space<vmem>>, vector<1x16xf32>,
      %get3A_208 = vector.shape_cast %get3A_207 : vector<1x16xf32> to vector<1x16xf32>
      %get3A_209 = arith.index_cast %add3A_204 : i32 to index
      %get3A_210 = arith.constant 48 : index
      %get3A_211 = tpu.vector_load %arg8[%get3A_209, %get3A_210] {strides = array<i32>} : memref<128x128xf32, #tpu.memory_space<vmem>>, vector<1x16xf32>,
      %get3A_212 = vector.shape_cast %get3A_211 : vector<1x16xf32> to vector<1x16xf32>
      %add3A_213 = arith.addf %get3A_208, %get3A_212 : vector<1x16xf32>
      %get3A_214 = arith.index_cast %add3A_204 : i32 to index
      %get3A_215 = arith.constant 48 : index
      %get3A_216 = tpu.vector_load %arg9[%get3A_214, %get3A_215] {strides = array<i32>} : memref<128x128xf32, #tpu.memory_space<vmem>>, vector<1x16xf32>,
      %get3A_217 = vector.shape_cast %get3A_216 : vector<1x16xf32> to vector<1x16xf32>
      %add3A_218 = arith.addf %add3A_213, %get3A_217 : vector<1x16xf32>
      %swap3A_219 = arith.index_cast %add3A_204 : i32 to index
      %swap3A_220 = arith.constant 48 : index
      %swap3A_221 = tpu.vector_load %arg10[%swap3A_219, %swap3A_220] {strides = array<i32>} : memref<128x64xf32, #tpu.memory_space<vmem>>, vector<1x16xf32>,
      %swap3A_222 = vector.shape_cast %swap3A_221 : vector<1x16xf32> to vector<1x16xf32>
      %swap3A_223 = vector.shape_cast %add3A_218 : vector<1x16xf32> to vector<1x16xf32>
      tpu.vector_store %arg10[%swap3A_219, %swap3A_220], %swap3A_223 {strides = array<i32>} : memref<128x64xf32, #tpu.memory_space<vmem>>, vector<1x16xf32>,
      %add3A_224 = arith.constant 1 : i32
      %add3A_225 = arith.addi %add3A_141, %add3A_224 : i32
      %get3A_226 = arith.index_cast %add3A_225 : i32 to index
      %get3A_227 = arith.constant 0 : index
      %get3A_228 = tpu.vector_load %arg10[%get3A_226, %get3A_227] {strides = array<i32>} : memref<128x64xf32, #tpu.memory_space<vmem>>, vector<1x16xf32>,
      %get3A_229 = vector.shape_cast %get3A_228 : vector<1x16xf32> to vector<1x16xf32>
      %get3A_230 = arith.index_cast %add3A_225 : i32 to index
      %get3A_231 = arith.constant 0 : index
      %get3A_232 = tpu.vector_load %arg8[%get3A_230, %get3A_231] {strides = array<i32>} : memref<128x128xf32, #tpu.memory_space<vmem>>, vector<1x16xf32>,
      %get3A_233 = vector.shape_cast %get3A_232 : vector<1x16xf32> to vector<1x16xf32>
      %add3A_234 = arith.addf %get3A_229, %get3A_233 : vector<1x16xf32>
      %get3A_235 = arith.index_cast %add3A_225 : i32 to index
      %get3A_236 = arith.constant 0 : index
      %get3A_237 = tpu.vector_load %arg9[%get3A_235, %get3A_236] {strides = array<i32>} : memref<128x128xf32, #tpu.memory_space<vmem>>, vector<1x16xf32>,
      %get3A_238 = vector.shape_cast %get3A_237 : vector<1x16xf32> to vector<1x16xf32>
      %add3A_239 = arith.addf %add3A_234, %get3A_238 : vector<1x16xf32>
      %swap3A_240 = arith.index_cast %add3A_225 : i32 to index
      %swap3A_241 = arith.constant 0 : index
      %swap3A_242 = tpu.vector_load %arg10[%swap3A_240, %swap3A_241] {strides = array<i32>} : memref<128x64xf32, #tpu.memory_space<vmem>>, vector<1x16xf32>,
      %swap3A_243 = vector.shape_cast %swap3A_242 : vector<1x16xf32> to vector<1x16xf32>
      %swap3A_244 = vector.shape_cast %add3A_239 : vector<1x16xf32> to vector<1x16xf32>
      tpu.vector_store %arg10[%swap3A_240, %swap3A_241], %swap3A_244 {strides = array<i32>} : memref<128x64xf32, #tpu.memory_space<vmem>>, vector<1x16xf32>,
      %add3A_245 = arith.constant 1 : i32
      %add3A_246 = arith.addi %add3A_141, %add3A_245 : i32
      %get3A_247 = arith.index_cast %add3A_246 : i32 to index
      %get3A_248 = arith.constant 16 : index
      %get3A_249 = tpu.vector_load %arg10[%get3A_247, %get3A_248] {strides = array<i32>} : memref<128x64xf32, #tpu.memory_space<vmem>>, vector<1x16xf32>,
      %get3A_250 = vector.shape_cast %get3A_249 : vector<1x16xf32> to vector<1x16xf32>
      %get3A_251 = arith.index_cast %add3A_246 : i32 to index
      %get3A_252 = arith.constant 16 : index
      %get3A_253 = tpu.vector_load %arg8[%get3A_251, %get3A_252] {strides = array<i32>} : memref<128x128xf32, #tpu.memory_space<vmem>>, vector<1x16xf32>,
      %get3A_254 = vector.shape_cast %get3A_253 : vector<1x16xf32> to vector<1x16xf32>
      %add3A_255 = arith.addf %get3A_250, %get3A_254 : vector<1x16xf32>
      %get3A_256 = arith.index_cast %add3A_246 : i32 to index
      %get3A_257 = arith.constant 16 : index
      %get3A_258 = tpu.vector_load %arg9[%get3A_256, %get3A_257] {strides = array<i32>} : memref<128x128xf32, #tpu.memory_space<vmem>>, vector<1x16xf32>,
      %get3A_259 = vector.shape_cast %get3A_258 : vector<1x16xf32> to vector<1x16xf32>
      %add3A_260 = arith.addf %add3A_255, %get3A_259 : vector<1x16xf32>
      %swap3A_261 = arith.index_cast %add3A_246 : i32 to index
      %swap3A_262 = arith.constant 16 : index
      %swap3A_263 = tpu.vector_load %arg10[%swap3A_261, %swap3A_262] {strides = array<i32>} : memref<128x64xf32, #tpu.memory_space<vmem>>, vector<1x16xf32>,
      %swap3A_264 = vector.shape_cast %swap3A_263 : vector<1x16xf32> to vector<1x16xf32>
      %swap3A_265 = vector.shape_cast %add3A_260 : vector<1x16xf32> to vector<1x16xf32>
      tpu.vector_store %arg10[%swap3A_261, %swap3A_262], %swap3A_265 {strides = array<i32>} : memref<128x64xf32, #tpu.memory_space<vmem>>, vector<1x16xf32>,
      %add3A_266 = arith.constant 1 : i32
      %add3A_267 = arith.addi %add3A_141, %add3A_266 : i32
      %get3A_268 = arith.index_cast %add3A_267 : i32 to index
      %get3A_269 = arith.constant 32 : index
      %get3A_270 = tpu.vector_load %arg10[%get3A_268, %get3A_269] {strides = array<i32>} : memref<128x64xf32, #tpu.memory_space<vmem>>, vector<1x16xf32>,
      %get3A_271 = vector.shape_cast %get3A_270 : vector<1x16xf32> to vector<1x16xf32>
      %get3A_272 = arith.index_cast %add3A_267 : i32 to index
      %get3A_273 = arith.constant 32 : index
      %get3A_274 = tpu.vector_load %arg8[%get3A_272, %get3A_273] {strides = array<i32>} : memref<128x128xf32, #tpu.memory_space<vmem>>, vector<1x16xf32>,
      %get3A_275 = vector.shape_cast %get3A_274 : vector<1x16xf32> to vector<1x16xf32>
      %add3A_276 = arith.addf %get3A_271, %get3A_275 : vector<1x16xf32>
      %get3A_277 = arith.index_cast %add3A_267 : i32 to index
      %get3A_278 = arith.constant 32 : index
      %get3A_279 = tpu.vector_load %arg9[%get3A_277, %get3A_278] {strides = array<i32>} : memref<128x128xf32, #tpu.memory_space<vmem>>, vector<1x16xf32>,
      %get3A_280 = vector.shape_cast %get3A_279 : vector<1x16xf32> to vector<1x16xf32>
      %add3A_281 = arith.addf %add3A_276, %get3A_280 : vector<1x16xf32>
      %swap3A_282 = arith.index_cast %add3A_267 : i32 to index
      %swap3A_283 = arith.constant 32 : index
      %swap3A_284 = tpu.vector_load %arg10[%swap3A_282, %swap3A_283] {strides = array<i32>} : memref<128x64xf32, #tpu.memory_space<vmem>>, vector<1x16xf32>,
      %swap3A_285 = vector.shape_cast %swap3A_284 : vector<1x16xf32> to vector<1x16xf32>
      %swap3A_286 = vector.shape_cast %add3A_281 : vector<1x16xf32> to vector<1x16xf32>
      tpu.vector_store %arg10[%swap3A_282, %swap3A_283], %swap3A_286 {strides = array<i32>} : memref<128x64xf32, #tpu.memory_space<vmem>>, vector<1x16xf32>,
      %add3A_287 = arith.constant 1 : i32
      %add3A_288 = arith.addi %add3A_141, %add3A_287 : i32
      %get3A_289 = arith.index_cast %add3A_288 : i32 to index
      %get3A_290 = arith.constant 48 : index
      %get3A_291 = tpu.vector_load %arg10[%get3A_289, %get3A_290] {strides = array<i32>} : memref<128x64xf32, #tpu.memory_space<vmem>>, vector<1x16xf32>,
      %get3A_292 = vector.shape_cast %get3A_291 : vector<1x16xf32> to vector<1x16xf32>
      %get3A_293 = arith.index_cast %add3A_288 : i32 to index
      %get3A_294 = arith.constant 48 : index
      %get3A_295 = tpu.vector_load %arg8[%get3A_293, %get3A_294] {strides = array<i32>} : memref<128x128xf32, #tpu.memory_space<vmem>>, vector<1x16xf32>,
      %get3A_296 = vector.shape_cast %get3A_295 : vector<1x16xf32> to vector<1x16xf32>
      %add3A_297 = arith.addf %get3A_292, %get3A_296 : vector<1x16xf32>
      %get3A_298 = arith.index_cast %add3A_288 : i32 to index
      %get3A_299 = arith.constant 48 : index
      %get3A_300 = tpu.vector_load %arg9[%get3A_298, %get3A_299] {strides = array<i32>} : memref<128x128xf32, #tpu.memory_space<vmem>>, vector<1x16xf32>,
      %get3A_301 = vector.shape_cast %get3A_300 : vector<1x16xf32> to vector<1x16xf32>
      %add3A_302 = arith.addf %add3A_297, %get3A_301 : vector<1x16xf32>
      %swap3A_303 = arith.index_cast %add3A_288 : i32 to index
      %swap3A_304 = arith.constant 48 : index
      %swap3A_305 = tpu.vector_load %arg10[%swap3A_303, %swap3A_304] {strides = array<i32>} : memref<128x64xf32, #tpu.memory_space<vmem>>, vector<1x16xf32>,
      %swap3A_306 = vector.shape_cast %swap3A_305 : vector<1x16xf32> to vector<1x16xf32>
      %swap3A_307 = vector.shape_cast %add3A_302 : vector<1x16xf32> to vector<1x16xf32>
      tpu.vector_store %arg10[%swap3A_303, %swap3A_304], %swap3A_307 {strides = array<i32>} : memref<128x64xf32, #tpu.memory_space<vmem>>, vector<1x16xf32>,
      %add3A_308 = arith.constant 2 : i32
      %add3A_309 = arith.addi %add3A_141, %add3A_308 : i32
      %get3A_310 = arith.index_cast %add3A_309 : i32 to index
      %get3A_311 = arith.constant 0 : index
      %get3A_312 = tpu.vector_load %arg10[%get3A_310, %get3A_311] {strides = array<i32>} : memref<128x64xf32, #tpu.memory_space<vmem>>, vector<1x16xf32>,
      %get3A_313 = vector.shape_cast %get3A_312 : vector<1x16xf32> to vector<1x16xf32>
      %get3A_314 = arith.index_cast %add3A_309 : i32 to index
      %get3A_315 = arith.constant 0 : index
      %get3A_316 = tpu.vector_load %arg8[%get3A_314, %get3A_315] {strides = array<i32>} : memref<128x128xf32, #tpu.memory_space<vmem>>, vector<1x16xf32>,
      %get3A_317 = vector.shape_cast %get3A_316 : vector<1x16xf32> to vector<1x16xf32>
      %add3A_318 = arith.addf %get3A_313, %get3A_317 : vector<1x16xf32>
      %get3A_319 = arith.index_cast %add3A_309 : i32 to index
      %get3A_320 = arith.constant 0 : index
      %get3A_321 = tpu.vector_load %arg9[%get3A_319, %get3A_320] {strides = array<i32>} : memref<128x128xf32, #tpu.memory_space<vmem>>, vector<1x16xf32>,
      %get3A_322 = vector.shape_cast %get3A_321 : vector<1x16xf32> to vector<1x16xf32>
      %add3A_323 = arith.addf %add3A_318, %get3A_322 : vector<1x16xf32>
      %swap3A_324 = arith.index_cast %add3A_309 : i32 to index
      %swap3A_325 = arith.constant 0 : index
      %swap3A_326 = tpu.vector_load %arg10[%swap3A_324, %swap3A_325] {strides = array<i32>} : memref<128x64xf32, #tpu.memory_space<vmem>>, vector<1x16xf32>,
      %swap3A_327 = vector.shape_cast %swap3A_326 : vector<1x16xf32> to vector<1x16xf32>
      %swap3A_328 = vector.shape_cast %add3A_323 : vector<1x16xf32> to vector<1x16xf32>
      tpu.vector_store %arg10[%swap3A_324, %swap3A_325], %swap3A_328 {strides = array<i32>} : memref<128x64xf32, #tpu.memory_space<vmem>>, vector<1x16xf32>,
      %add3A_329 = arith.constant 2 : i32
      %add3A_330 = arith.addi %add3A_141, %add3A_329 : i32
      %get3A_331 = arith.index_cast %add3A_330 : i32 to index
      %get3A_332 = arith.constant 16 : index
      %get3A_333 = tpu.vector_load %arg10[%get3A_331, %get3A_332] {strides = array<i32>} : memref<128x64xf32, #tpu.memory_space<vmem>>, vector<1x16xf32>,
      %get3A_334 = vector.shape_cast %get3A_333 : vector<1x16xf32> to vector<1x16xf32>
      %get3A_335 = arith.index_cast %add3A_330 : i32 to index
      %get3A_336 = arith.constant 16 : index
      %get3A_337 = tpu.vector_load %arg8[%get3A_335, %get3A_336] {strides = array<i32>} : memref<128x128xf32, #tpu.memory_space<vmem>>, vector<1x16xf32>,
      %get3A_338 = vector.shape_cast %get3A_337 : vector<1x16xf32> to vector<1x16xf32>
      %add3A_339 = arith.addf %get3A_334, %get3A_338 : vector<1x16xf32>
      %get3A_340 = arith.index_cast %add3A_330 : i32 to index
      %get3A_341 = arith.constant 16 : index
      %get3A_342 = tpu.vector_load %arg9[%get3A_340, %get3A_341] {strides = array<i32>} : memref<128x128xf32, #tpu.memory_space<vmem>>, vector<1x16xf32>,
      %get3A_343 = vector.shape_cast %get3A_342 : vector<1x16xf32> to vector<1x16xf32>
      %add3A_344 = arith.addf %add3A_339, %get3A_343 : vector<1x16xf32>
      %swap3A_345 = arith.index_cast %add3A_330 : i32 to index
      %swap3A_346 = arith.constant 16 : index
      %swap3A_347 = tpu.vector_load %arg10[%swap3A_345, %swap3A_346] {strides = array<i32>} : memref<128x64xf32, #tpu.memory_space<vmem>>, vector<1x16xf32>,
      %swap3A_348 = vector.shape_cast %swap3A_347 : vector<1x16xf32> to vector<1x16xf32>
      %swap3A_349 = vector.shape_cast %add3A_344 : vector<1x16xf32> to vector<1x16xf32>
      tpu.vector_store %arg10[%swap3A_345, %swap3A_346], %swap3A_349 {strides = array<i32>} : memref<128x64xf32, #tpu.memory_space<vmem>>, vector<1x16xf32>,
      %add3A_350 = arith.constant 2 : i32
      %add3A_351 = arith.addi %add3A_141, %add3A_350 : i32
      %get3A_352 = arith.index_cast %add3A_351 : i32 to index
      %get3A_353 = arith.constant 32 : index
      %get3A_354 = tpu.vector_load %arg10[%get3A_352, %get3A_353] {strides = array<i32>} : memref<128x64xf32, #tpu.memory_space<vmem>>, vector<1x16xf32>,
      %get3A_355 = vector.shape_cast %get3A_354 : vector<1x16xf32> to vector<1x16xf32>
      %get3A_356 = arith.index_cast %add3A_351 : i32 to index
      %get3A_357 = arith.constant 32 : index
      %get3A_358 = tpu.vector_load %arg8[%get3A_356, %get3A_357] {strides = array<i32>} : memref<128x128xf32, #tpu.memory_space<vmem>>, vector<1x16xf32>,
      %get3A_359 = vector.shape_cast %get3A_358 : vector<1x16xf32> to vector<1x16xf32>
      %add3A_360 = arith.addf %get3A_355, %get3A_359 : vector<1x16xf32>
      %get3A_361 = arith.index_cast %add3A_351 : i32 to index
      %get3A_362 = arith.constant 32 : index
      %get3A_363 = tpu.vector_load %arg9[%get3A_361, %get3A_362] {strides = array<i32>} : memref<128x128xf32, #tpu.memory_space<vmem>>, vector<1x16xf32>,
      %get3A_364 = vector.shape_cast %get3A_363 : vector<1x16xf32> to vector<1x16xf32>
      %add3A_365 = arith.addf %add3A_360, %get3A_364 : vector<1x16xf32>
      %swap3A_366 = arith.index_cast %add3A_351 : i32 to index
      %swap3A_367 = arith.constant 32 : index
      %swap3A_368 = tpu.vector_load %arg10[%swap3A_366, %swap3A_367] {strides = array<i32>} : memref<128x64xf32, #tpu.memory_space<vmem>>, vector<1x16xf32>,
      %swap3A_369 = vector.shape_cast %swap3A_368 : vector<1x16xf32> to vector<1x16xf32>
      %swap3A_370 = vector.shape_cast %add3A_365 : vector<1x16xf32> to vector<1x16xf32>
      tpu.vector_store %arg10[%swap3A_366, %swap3A_367], %swap3A_370 {strides = array<i32>} : memref<128x64xf32, #tpu.memory_space<vmem>>, vector<1x16xf32>,
      %add3A_371 = arith.constant 2 : i32
      %add3A_372 = arith.addi %add3A_141, %add3A_371 : i32
      %get3A_373 = arith.index_cast %add3A_372 : i32 to index
      %get3A_374 = arith.constant 48 : index
      %get3A_375 = tpu.vector_load %arg10[%get3A_373, %get3A_374] {strides = array<i32>} : memref<128x64xf32, #tpu.memory_space<vmem>>, vector<1x16xf32>,
      %get3A_376 = vector.shape_cast %get3A_375 : vector<1x16xf32> to vector<1x16xf32>
      %get3A_377 = arith.index_cast %add3A_372 : i32 to index
      %get3A_378 = arith.constant 48 : index
      %get3A_379 = tpu.vector_load %arg8[%get3A_377, %get3A_378] {strides = array<i32>} : memref<128x128xf32, #tpu.memory_space<vmem>>, vector<1x16xf32>,
      %get3A_380 = vector.shape_cast %get3A_379 : vector<1x16xf32> to vector<1x16xf32>
      %add3A_381 = arith.addf %get3A_376, %get3A_380 : vector<1x16xf32>
      %get3A_382 = arith.index_cast %add3A_372 : i32 to index
      %get3A_383 = arith.constant 48 : index
      %get3A_384 = tpu.vector_load %arg9[%get3A_382, %get3A_383] {strides = array<i32>} : memref<128x128xf32, #tpu.memory_space<vmem>>, vector<1x16xf32>,
      %get3A_385 = vector.shape_cast %get3A_384 : vector<1x16xf32> to vector<1x16xf32>
      %add3A_386 = arith.addf %add3A_381, %get3A_385 : vector<1x16xf32>
      %swap3A_387 = arith.index_cast %add3A_372 : i32 to index
      %swap3A_388 = arith.constant 48 : index
      %swap3A_389 = tpu.vector_load %arg10[%swap3A_387, %swap3A_388] {strides = array<i32>} : memref<128x64xf32, #tpu.memory_space<vmem>>, vector<1x16xf32>,
      %swap3A_390 = vector.shape_cast %swap3A_389 : vector<1x16xf32> to vector<1x16xf32>
      %swap3A_391 = vector.shape_cast %add3A_386 : vector<1x16xf32> to vector<1x16xf32>
      tpu.vector_store %arg10[%swap3A_387, %swap3A_388], %swap3A_391 {strides = array<i32>} : memref<128x64xf32, #tpu.memory_space<vmem>>, vector<1x16xf32>,
      %add3A_392 = arith.constant 3 : i32
      %add3A_393 = arith.addi %add3A_141, %add3A_392 : i32
      %get3A_394 = arith.index_cast %add3A_393 : i32 to index
      %get3A_395 = arith.constant 0 : index
      %get3A_396 = tpu.vector_load %arg10[%get3A_394, %get3A_395] {strides = array<i32>} : memref<128x64xf32, #tpu.memory_space<vmem>>, vector<1x16xf32>,
      %get3A_397 = vector.shape_cast %get3A_396 : vector<1x16xf32> to vector<1x16xf32>
      %get3A_398 = arith.index_cast %add3A_393 : i32 to index
      %get3A_399 = arith.constant 0 : index
      %get3A_400 = tpu.vector_load %arg8[%get3A_398, %get3A_399] {strides = array<i32>} : memref<128x128xf32, #tpu.memory_space<vmem>>, vector<1x16xf32>,
      %get3A_401 = vector.shape_cast %get3A_400 : vector<1x16xf32> to vector<1x16xf32>
      %add3A_402 = arith.addf %get3A_397, %get3A_401 : vector<1x16xf32>
      %get3A_403 = arith.index_cast %add3A_393 : i32 to index
      %get3A_404 = arith.constant 0 : index
      %get3A_405 = tpu.vector_load %arg9[%get3A_403, %get3A_404] {strides = array<i32>} : memref<128x128xf32, #tpu.memory_space<vmem>>, vector<1x16xf32>,
      %get3A_406 = vector.shape_cast %get3A_405 : vector<1x16xf32> to vector<1x16xf32>
      %add3A_407 = arith.addf %add3A_402, %get3A_406 : vector<1x16xf32>
      %swap3A_408 = arith.index_cast %add3A_393 : i32 to index
      %swap3A_409 = arith.constant 0 : index
      %swap3A_410 = tpu.vector_load %arg10[%swap3A_408, %swap3A_409] {strides = array<i32>} : memref<128x64xf32, #tpu.memory_space<vmem>>, vector<1x16xf32>,
      %swap3A_411 = vector.shape_cast %swap3A_410 : vector<1x16xf32> to vector<1x16xf32>
      %swap3A_412 = vector.shape_cast %add3A_407 : vector<1x16xf32> to vector<1x16xf32>
      tpu.vector_store %arg10[%swap3A_408, %swap3A_409], %swap3A_412 {strides = array<i32>} : memref<128x64xf32, #tpu.memory_space<vmem>>, vector<1x16xf32>,
      %add3A_413 = arith.constant 3 : i32
      %add3A_414 = arith.addi %add3A_141, %add3A_413 : i32
      %get3A_415 = arith.index_cast %add3A_414 : i32 to index
      %get3A_416 = arith.constant 16 : index
      %get3A_417 = tpu.vector_load %arg10[%get3A_415, %get3A_416] {strides = array<i32>} : memref<128x64xf32, #tpu.memory_space<vmem>>, vector<1x16xf32>,
      %get3A_418 = vector.shape_cast %get3A_417 : vector<1x16xf32> to vector<1x16xf32>
      %get3A_419 = arith.index_cast %add3A_414 : i32 to index
      %get3A_420 = arith.constant 16 : index
      %get3A_421 = tpu.vector_load %arg8[%get3A_419, %get3A_420] {strides = array<i32>} : memref<128x128xf32, #tpu.memory_space<vmem>>, vector<1x16xf32>,
      %get3A_422 = vector.shape_cast %get3A_421 : vector<1x16xf32> to vector<1x16xf32>
      %add3A_423 = arith.addf %get3A_418, %get3A_422 : vector<1x16xf32>
      %get3A_424 = arith.index_cast %add3A_414 : i32 to index
      %get3A_425 = arith.constant 16 : index
      %get3A_426 = tpu.vector_load %arg9[%get3A_424, %get3A_425] {strides = array<i32>} : memref<128x128xf32, #tpu.memory_space<vmem>>, vector<1x16xf32>,
      %get3A_427 = vector.shape_cast %get3A_426 : vector<1x16xf32> to vector<1x16xf32>
      %add3A_428 = arith.addf %add3A_423, %get3A_427 : vector<1x16xf32>
      %swap3A_429 = arith.index_cast %add3A_414 : i32 to index
      %swap3A_430 = arith.constant 16 : index
      %swap3A_431 = tpu.vector_load %arg10[%swap3A_429, %swap3A_430] {strides = array<i32>} : memref<128x64xf32, #tpu.memory_space<vmem>>, vector<1x16xf32>,
      %swap3A_432 = vector.shape_cast %swap3A_431 : vector<1x16xf32> to vector<1x16xf32>
      %swap3A_433 = vector.shape_cast %add3A_428 : vector<1x16xf32> to vector<1x16xf32>
      tpu.vector_store %arg10[%swap3A_429, %swap3A_430], %swap3A_433 {strides = array<i32>} : memref<128x64xf32, #tpu.memory_space<vmem>>, vector<1x16xf32>,
      %add3A_434 = arith.constant 3 : i32
      %add3A_435 = arith.addi %add3A_141, %add3A_434 : i32
      %get3A_436 = arith.index_cast %add3A_435 : i32 to index
      %get3A_437 = arith.constant 32 : index
      %get3A_438 = tpu.vector_load %arg10[%get3A_436, %get3A_437] {strides = array<i32>} : memref<128x64xf32, #tpu.memory_space<vmem>>, vector<1x16xf32>,
      %get3A_439 = vector.shape_cast %get3A_438 : vector<1x16xf32> to vector<1x16xf32>
      %get3A_440 = arith.index_cast %add3A_435 : i32 to index
      %get3A_441 = arith.constant 32 : index
      %get3A_442 = tpu.vector_load %arg8[%get3A_440, %get3A_441] {strides = array<i32>} : memref<128x128xf32, #tpu.memory_space<vmem>>, vector<1x16xf32>,
      %get3A_443 = vector.shape_cast %get3A_442 : vector<1x16xf32> to vector<1x16xf32>
      %add3A_444 = arith.addf %get3A_439, %get3A_443 : vector<1x16xf32>
      %get3A_445 = arith.index_cast %add3A_435 : i32 to index
      %get3A_446 = arith.constant 32 : index
      %get3A_447 = tpu.vector_load %arg9[%get3A_445, %get3A_446] {strides = array<i32>} : memref<128x128xf32, #tpu.memory_space<vmem>>, vector<1x16xf32>,
      %get3A_448 = vector.shape_cast %get3A_447 : vector<1x16xf32> to vector<1x16xf32>
      %add3A_449 = arith.addf %add3A_444, %get3A_448 : vector<1x16xf32>
      %swap3A_450 = arith.index_cast %add3A_435 : i32 to index
      %swap3A_451 = arith.constant 32 : index
      %swap3A_452 = tpu.vector_load %arg10[%swap3A_450, %swap3A_451] {strides = array<i32>} : memref<128x64xf32, #tpu.memory_space<vmem>>, vector<1x16xf32>,
      %swap3A_453 = vector.shape_cast %swap3A_452 : vector<1x16xf32> to vector<1x16xf32>
      %swap3A_454 = vector.shape_cast %add3A_449 : vector<1x16xf32> to vector<1x16xf32>
      tpu.vector_store %arg10[%swap3A_450, %swap3A_451], %swap3A_454 {strides = array<i32>} : memref<128x64xf32, #tpu.memory_space<vmem>>, vector<1x16xf32>,
      %add3A_455 = arith.constant 3 : i32
      %add3A_456 = arith.addi %add3A_141, %add3A_455 : i32
      %get3A_457 = arith.index_cast %add3A_456 : i32 to index
      %get3A_458 = arith.constant 48 : index
      %get3A_459 = tpu.vector_load %arg10[%get3A_457, %get3A_458] {strides = array<i32>} : memref<128x64xf32, #tpu.memory_space<vmem>>, vector<1x16xf32>,
      %get3A_460 = vector.shape_cast %get3A_459 : vector<1x16xf32> to vector<1x16xf32>
      %get3A_461 = arith.index_cast %add3A_456 : i32 to index
      %get3A_462 = arith.constant 48 : index
      %get3A_463 = tpu.vector_load %arg8[%get3A_461, %get3A_462] {strides = array<i32>} : memref<128x128xf32, #tpu.memory_space<vmem>>, vector<1x16xf32>,
      %get3A_464 = vector.shape_cast %get3A_463 : vector<1x16xf32> to vector<1x16xf32>
      %add3A_465 = arith.addf %get3A_460, %get3A_464 : vector<1x16xf32>
      %get3A_466 = arith.index_cast %add3A_456 : i32 to index
      %get3A_467 = arith.constant 48 : index
      %get3A_468 = tpu.vector_load %arg9[%get3A_466, %get3A_467] {strides = array<i32>} : memref<128x128xf32, #tpu.memory_space<vmem>>, vector<1x16xf32>,
      %get3A_469 = vector.shape_cast %get3A_468 : vector<1x16xf32> to vector<1x16xf32>
      %add3A_470 = arith.addf %add3A_465, %get3A_469 : vector<1x16xf32>
      %swap3A_471 = arith.index_cast %add3A_456 : i32 to index
      %swap3A_472 = arith.constant 48 : index
      %swap3A_473 = tpu.vector_load %arg10[%swap3A_471, %swap3A_472] {strides = array<i32>} : memref<128x64xf32, #tpu.memory_space<vmem>>, vector<1x16xf32>,
      %swap3A_474 = vector.shape_cast %swap3A_473 : vector<1x16xf32> to vector<1x16xf32>
      %swap3A_475 = vector.shape_cast %add3A_470 : vector<1x16xf32> to vector<1x16xf32>
      tpu.vector_store %arg10[%swap3A_471, %swap3A_472], %swap3A_475 {strides = array<i32>} : memref<128x64xf32, #tpu.memory_space<vmem>>, vector<1x16xf32>,
      %add3A_476 = arith.constant 4 : i32
      %add3A_477 = arith.addi %add3A_141, %add3A_476 : i32
      %get3A_478 = arith.index_cast %add3A_477 : i32 to index
      %get3A_479 = arith.constant 0 : index
      %get3A_480 = tpu.vector_load %arg10[%get3A_478, %get3A_479] {strides = array<i32>} : memref<128x64xf32, #tpu.memory_space<vmem>>, vector<1x16xf32>,
      %get3A_481 = vector.shape_cast %get3A_480 : vector<1x16xf32> to vector<1x16xf32>
      %get3A_482 = arith.index_cast %add3A_477 : i32 to index
      %get3A_483 = arith.constant 0 : index
      %get3A_484 = tpu.vector_load %arg8[%get3A_482, %get3A_483] {strides = array<i32>} : memref<128x128xf32, #tpu.memory_space<vmem>>, vector<1x16xf32>,
      %get3A_485 = vector.shape_cast %get3A_484 : vector<1x16xf32> to vector<1x16xf32>
      %add3A_486 = arith.addf %get3A_481, %get3A_485 : vector<1x16xf32>
      %get3A_487 = arith.index_cast %add3A_477 : i32 to index
      %get3A_488 = arith.constant 0 : index
      %get3A_489 = tpu.vector_load %arg9[%get3A_487, %get3A_488] {strides = array<i32>} : memref<128x128xf32, #tpu.memory_space<vmem>>, vector<1x16xf32>,
      %get3A_490 = vector.shape_cast %get3A_489 : vector<1x16xf32> to vector<1x16xf32>
      %add3A_491 = arith.addf %add3A_486, %get3A_490 : vector<1x16xf32>
      %swap3A_492 = arith.index_cast %add3A_477 : i32 to index
      %swap3A_493 = arith.constant 0 : index
      %swap3A_494 = tpu.vector_load %arg10[%swap3A_492, %swap3A_493] {strides = array<i32>} : memref<128x64xf32, #tpu.memory_space<vmem>>, vector<1x16xf32>,
      %swap3A_495 = vector.shape_cast %swap3A_494 : vector<1x16xf32> to vector<1x16xf32>
      %swap3A_496 = vector.shape_cast %add3A_491 : vector<1x16xf32> to vector<1x16xf32>
      tpu.vector_store %arg10[%swap3A_492, %swap3A_493], %swap3A_496 {strides = array<i32>} : memref<128x64xf32, #tpu.memory_space<vmem>>, vector<1x16xf32>,
      %add3A_497 = arith.constant 4 : i32
      %add3A_498 = arith.addi %add3A_141, %add3A_497 : i32
      %get3A_499 = arith.index_cast %add3A_498 : i32 to index
      %get3A_500 = arith.constant 16 : index
      %get3A_501 = tpu.vector_load %arg10[%get3A_499, %get3A_500] {strides = array<i32>} : memref<128x64xf32, #tpu.memory_space<vmem>>, vector<1x16xf32>,
      %get3A_502 = vector.shape_cast %get3A_501 : vector<1x16xf32> to vector<1x16xf32>
      %get3A_503 = arith.index_cast %add3A_498 : i32 to index
      %get3A_504 = arith.constant 16 : index
      %get3A_505 = tpu.vector_load %arg8[%get3A_503, %get3A_504] {strides = array<i32>} : memref<128x128xf32, #tpu.memory_space<vmem>>, vector<1x16xf32>,
      %get3A_506 = vector.shape_cast %get3A_505 : vector<1x16xf32> to vector<1x16xf32>
      %add3A_507 = arith.addf %get3A_502, %get3A_506 : vector<1x16xf32>
      %get3A_508 = arith.index_cast %add3A_498 : i32 to index
      %get3A_509 = arith.constant 16 : index
      %get3A_510 = tpu.vector_load %arg9[%get3A_508, %get3A_509] {strides = array<i32>} : memref<128x128xf32, #tpu.memory_space<vmem>>, vector<1x16xf32>,
      %get3A_511 = vector.shape_cast %get3A_510 : vector<1x16xf32> to vector<1x16xf32>
      %add3A_512 = arith.addf %add3A_507, %get3A_511 : vector<1x16xf32>
      %swap3A_513 = arith.index_cast %add3A_498 : i32 to index
      %swap3A_514 = arith.constant 16 : index
      %swap3A_515 = tpu.vector_load %arg10[%swap3A_513, %swap3A_514] {strides = array<i32>} : memref<128x64xf32, #tpu.memory_space<vmem>>, vector<1x16xf32>,
      %swap3A_516 = vector.shape_cast %swap3A_515 : vector<1x16xf32> to vector<1x16xf32>
      %swap3A_517 = vector.shape_cast %add3A_512 : vector<1x16xf32> to vector<1x16xf32>
      tpu.vector_store %arg10[%swap3A_513, %swap3A_514], %swap3A_517 {strides = array<i32>} : memref<128x64xf32, #tpu.memory_space<vmem>>, vector<1x16xf32>,
      %add3A_518 = arith.constant 4 : i32
      %add3A_519 = arith.addi %add3A_141, %add3A_518 : i32
      %get3A_520 = arith.index_cast %add3A_519 : i32 to index
      %get3A_521 = arith.constant 32 : index
      %get3A_522 = tpu.vector_load %arg10[%get3A_520, %get3A_521] {strides = array<i32>} : memref<128x64xf32, #tpu.memory_space<vmem>>, vector<1x16xf32>,
      %get3A_523 = vector.shape_cast %get3A_522 : vector<1x16xf32> to vector<1x16xf32>
      %get3A_524 = arith.index_cast %add3A_519 : i32 to index
      %get3A_525 = arith.constant 32 : index
      %get3A_526 = tpu.vector_load %arg8[%get3A_524, %get3A_525] {strides = array<i32>} : memref<128x128xf32, #tpu.memory_space<vmem>>, vector<1x16xf32>,
      %get3A_527 = vector.shape_cast %get3A_526 : vector<1x16xf32> to vector<1x16xf32>
      %add3A_528 = arith.addf %get3A_523, %get3A_527 : vector<1x16xf32>
      %get3A_529 = arith.index_cast %add3A_519 : i32 to index
      %get3A_530 = arith.constant 32 : index
      %get3A_531 = tpu.vector_load %arg9[%get3A_529, %get3A_530] {strides = array<i32>} : memref<128x128xf32, #tpu.memory_space<vmem>>, vector<1x16xf32>,
      %get3A_532 = vector.shape_cast %get3A_531 : vector<1x16xf32> to vector<1x16xf32>
      %add3A_533 = arith.addf %add3A_528, %get3A_532 : vector<1x16xf32>
      %swap3A_534 = arith.index_cast %add3A_519 : i32 to index
      %swap3A_535 = arith.constant 32 : index
      %swap3A_536 = tpu.vector_load %arg10[%swap3A_534, %swap3A_535] {strides = array<i32>} : memref<128x64xf32, #tpu.memory_space<vmem>>, vector<1x16xf32>,
      %swap3A_537 = vector.shape_cast %swap3A_536 : vector<1x16xf32> to vector<1x16xf32>
      %swap3A_538 = vector.shape_cast %add3A_533 : vector<1x16xf32> to vector<1x16xf32>
      tpu.vector_store %arg10[%swap3A_534, %swap3A_535], %swap3A_538 {strides = array<i32>} : memref<128x64xf32, #tpu.memory_space<vmem>>, vector<1x16xf32>,
      %add3A_539 = arith.constant 4 : i32
      %add3A_540 = arith.addi %add3A_141, %add3A_539 : i32
      %get3A_541 = arith.index_cast %add3A_540 : i32 to index
      %get3A_542 = arith.constant 48 : index
      %get3A_543 = tpu.vector_load %arg10[%get3A_541, %get3A_542] {strides = array<i32>} : memref<128x64xf32, #tpu.memory_space<vmem>>, vector<1x16xf32>,
      %get3A_544 = vector.shape_cast %get3A_543 : vector<1x16xf32> to vector<1x16xf32>
      %get3A_545 = arith.index_cast %add3A_540 : i32 to index
      %get3A_546 = arith.constant 48 : index
      %get3A_547 = tpu.vector_load %arg8[%get3A_545, %get3A_546] {strides = array<i32>} : memref<128x128xf32, #tpu.memory_space<vmem>>, vector<1x16xf32>,
      %get3A_548 = vector.shape_cast %get3A_547 : vector<1x16xf32> to vector<1x16xf32>
      %add3A_549 = arith.addf %get3A_544, %get3A_548 : vector<1x16xf32>
      %get3A_550 = arith.index_cast %add3A_540 : i32 to index
      %get3A_551 = arith.constant 48 : index
      %get3A_552 = tpu.vector_load %arg9[%get3A_550, %get3A_551] {strides = array<i32>} : memref<128x128xf32, #tpu.memory_space<vmem>>, vector<1x16xf32>,
      %get3A_553 = vector.shape_cast %get3A_552 : vector<1x16xf32> to vector<1x16xf32>
      %add3A_554 = arith.addf %add3A_549, %get3A_553 : vector<1x16xf32>
      %swap3A_555 = arith.index_cast %add3A_540 : i32 to index
      %swap3A_556 = arith.constant 48 : index
      %swap3A_557 = tpu.vector_load %arg10[%swap3A_555, %swap3A_556] {strides = array<i32>} : memref<128x64xf32, #tpu.memory_space<vmem>>, vector<1x16xf32>,
      %swap3A_558 = vector.shape_cast %swap3A_557 : vector<1x16xf32> to vector<1x16xf32>
      %swap3A_559 = vector.shape_cast %add3A_554 : vector<1x16xf32> to vector<1x16xf32>
      tpu.vector_store %arg10[%swap3A_555, %swap3A_556], %swap3A_559 {strides = array<i32>} : memref<128x64xf32, #tpu.memory_space<vmem>>, vector<1x16xf32>,
      %add3A_560 = arith.constant 5 : i32
      %add3A_561 = arith.addi %add3A_141, %add3A_560 : i32
      %get3A_562 = arith.index_cast %add3A_561 : i32 to index
      %get3A_563 = arith.constant 0 : index
      %get3A_564 = tpu.vector_load %arg10[%get3A_562, %get3A_563] {strides = array<i32>} : memref<128x64xf32, #tpu.memory_space<vmem>>, vector<1x16xf32>,
      %get3A_565 = vector.shape_cast %get3A_564 : vector<1x16xf32> to vector<1x16xf32>
      %get3A_566 = arith.index_cast %add3A_561 : i32 to index
      %get3A_567 = arith.constant 0 : index
      %get3A_568 = tpu.vector_load %arg8[%get3A_566, %get3A_567] {strides = array<i32>} : memref<128x128xf32, #tpu.memory_space<vmem>>, vector<1x16xf32>,
      %get3A_569 = vector.shape_cast %get3A_568 : vector<1x16xf32> to vector<1x16xf32>
      %add3A_570 = arith.addf %get3A_565, %get3A_569 : vector<1x16xf32>
      %get3A_571 = arith.index_cast %add3A_561 : i32 to index
      %get3A_572 = arith.constant 0 : index
      %get3A_573 = tpu.vector_load %arg9[%get3A_571, %get3A_572] {strides = array<i32>} : memref<128x128xf32, #tpu.memory_space<vmem>>, vector<1x16xf32>,
      %get3A_574 = vector.shape_cast %get3A_573 : vector<1x16xf32> to vector<1x16xf32>
      %add3A_575 = arith.addf %add3A_570, %get3A_574 : vector<1x16xf32>
      %swap3A_576 = arith.index_cast %add3A_561 : i32 to index
      %swap3A_577 = arith.constant 0 : index
      %swap3A_578 = tpu.vector_load %arg10[%swap3A_576, %swap3A_577] {strides = array<i32>} : memref<128x64xf32, #tpu.memory_space<vmem>>, vector<1x16xf32>,
      %swap3A_579 = vector.shape_cast %swap3A_578 : vector<1x16xf32> to vector<1x16xf32>
      %swap3A_580 = vector.shape_cast %add3A_575 : vector<1x16xf32> to vector<1x16xf32>
      tpu.vector_store %arg10[%swap3A_576, %swap3A_577], %swap3A_580 {strides = array<i32>} : memref<128x64xf32, #tpu.memory_space<vmem>>, vector<1x16xf32>,
      %add3A_581 = arith.constant 5 : i32
      %add3A_582 = arith.addi %add3A_141, %add3A_581 : i32
      %get3A_583 = arith.index_cast %add3A_582 : i32 to index
      %get3A_584 = arith.constant 16 : index
      %get3A_585 = tpu.vector_load %arg10[%get3A_583, %get3A_584] {strides = array<i32>} : memref<128x64xf32, #tpu.memory_space<vmem>>, vector<1x16xf32>,
      %get3A_586 = vector.shape_cast %get3A_585 : vector<1x16xf32> to vector<1x16xf32>
      %get3A_587 = arith.index_cast %add3A_582 : i32 to index
      %get3A_588 = arith.constant 16 : index
      %get3A_589 = tpu.vector_load %arg8[%get3A_587, %get3A_588] {strides = array<i32>} : memref<128x128xf32, #tpu.memory_space<vmem>>, vector<1x16xf32>,
      %get3A_590 = vector.shape_cast %get3A_589 : vector<1x16xf32> to vector<1x16xf32>
      %add3A_591 = arith.addf %get3A_586, %get3A_590 : vector<1x16xf32>
      %get3A_592 = arith.index_cast %add3A_582 : i32 to index
      %get3A_593 = arith.constant 16 : index
      %get3A_594 = tpu.vector_load %arg9[%get3A_592, %get3A_593] {strides = array<i32>} : memref<128x128xf32, #tpu.memory_space<vmem>>, vector<1x16xf32>,
      %get3A_595 = vector.shape_cast %get3A_594 : vector<1x16xf32> to vector<1x16xf32>
      %add3A_596 = arith.addf %add3A_591, %get3A_595 : vector<1x16xf32>
      %swap3A_597 = arith.index_cast %add3A_582 : i32 to index
      %swap3A_598 = arith.constant 16 : index
      %swap3A_599 = tpu.vector_load %arg10[%swap3A_597, %swap3A_598] {strides = array<i32>} : memref<128x64xf32, #tpu.memory_space<vmem>>, vector<1x16xf32>,
      %swap3A_600 = vector.shape_cast %swap3A_599 : vector<1x16xf32> to vector<1x16xf32>
      %swap3A_601 = vector.shape_cast %add3A_596 : vector<1x16xf32> to vector<1x16xf32>
      tpu.vector_store %arg10[%swap3A_597, %swap3A_598], %swap3A_601 {strides = array<i32>} : memref<128x64xf32, #tpu.memory_space<vmem>>, vector<1x16xf32>,
      %add3A_602 = arith.constant 5 : i32
      %add3A_603 = arith.addi %add3A_141, %add3A_602 : i32
      %get3A_604 = arith.index_cast %add3A_603 : i32 to index
      %get3A_605 = arith.constant 32 : index
      %get3A_606 = tpu.vector_load %arg10[%get3A_604, %get3A_605] {strides = array<i32>} : memref<128x64xf32, #tpu.memory_space<vmem>>, vector<1x16xf32>,
      %get3A_607 = vector.shape_cast %get3A_606 : vector<1x16xf32> to vector<1x16xf32>
      %get3A_608 = arith.index_cast %add3A_603 : i32 to index
      %get3A_609 = arith.constant 32 : index
      %get3A_610 = tpu.vector_load %arg8[%get3A_608, %get3A_609] {strides = array<i32>} : memref<128x128xf32, #tpu.memory_space<vmem>>, vector<1x16xf32>,
      %get3A_611 = vector.shape_cast %get3A_610 : vector<1x16xf32> to vector<1x16xf32>
      %add3A_612 = arith.addf %get3A_607, %get3A_611 : vector<1x16xf32>
      %get3A_613 = arith.index_cast %add3A_603 : i32 to index
      %get3A_614 = arith.constant 32 : index
      %get3A_615 = tpu.vector_load %arg9[%get3A_613, %get3A_614] {strides = array<i32>} : memref<128x128xf32, #tpu.memory_space<vmem>>, vector<1x16xf32>,
      %get3A_616 = vector.shape_cast %get3A_615 : vector<1x16xf32> to vector<1x16xf32>
      %add3A_617 = arith.addf %add3A_612, %get3A_616 : vector<1x16xf32>
      %swap3A_618 = arith.index_cast %add3A_603 : i32 to index
      %swap3A_619 = arith.constant 32 : index
      %swap3A_620 = tpu.vector_load %arg10[%swap3A_618, %swap3A_619] {strides = array<i32>} : memref<128x64xf32, #tpu.memory_space<vmem>>, vector<1x16xf32>,
      %swap3A_621 = vector.shape_cast %swap3A_620 : vector<1x16xf32> to vector<1x16xf32>
      %swap3A_622 = vector.shape_cast %add3A_617 : vector<1x16xf32> to vector<1x16xf32>
      tpu.vector_store %arg10[%swap3A_618, %swap3A_619], %swap3A_622 {strides = array<i32>} : memref<128x64xf32, #tpu.memory_space<vmem>>, vector<1x16xf32>,
      %add3A_623 = arith.constant 5 : i32
      %add3A_624 = arith.addi %add3A_141, %add3A_623 : i32
      %get3A_625 = arith.index_cast %add3A_624 : i32 to index
      %get3A_626 = arith.constant 48 : index
      %get3A_627 = tpu.vector_load %arg10[%get3A_625, %get3A_626] {strides = array<i32>} : memref<128x64xf32, #tpu.memory_space<vmem>>, vector<1x16xf32>,
      %get3A_628 = vector.shape_cast %get3A_627 : vector<1x16xf32> to vector<1x16xf32>
      %get3A_629 = arith.index_cast %add3A_624 : i32 to index
      %get3A_630 = arith.constant 48 : index
      %get3A_631 = tpu.vector_load %arg8[%get3A_629, %get3A_630] {strides = array<i32>} : memref<128x128xf32, #tpu.memory_space<vmem>>, vector<1x16xf32>,
      %get3A_632 = vector.shape_cast %get3A_631 : vector<1x16xf32> to vector<1x16xf32>
      %add3A_633 = arith.addf %get3A_628, %get3A_632 : vector<1x16xf32>
      %get3A_634 = arith.index_cast %add3A_624 : i32 to index
      %get3A_635 = arith.constant 48 : index
      %get3A_636 = tpu.vector_load %arg9[%get3A_634, %get3A_635] {strides = array<i32>} : memref<128x128xf32, #tpu.memory_space<vmem>>, vector<1x16xf32>,
      %get3A_637 = vector.shape_cast %get3A_636 : vector<1x16xf32> to vector<1x16xf32>
      %add3A_638 = arith.addf %add3A_633, %get3A_637 : vector<1x16xf32>
      %swap3A_639 = arith.index_cast %add3A_624 : i32 to index
      %swap3A_640 = arith.constant 48 : index
      %swap3A_641 = tpu.vector_load %arg10[%swap3A_639, %swap3A_640] {strides = array<i32>} : memref<128x64xf32, #tpu.memory_space<vmem>>, vector<1x16xf32>,
      %swap3A_642 = vector.shape_cast %swap3A_641 : vector<1x16xf32> to vector<1x16xf32>
      %swap3A_643 = vector.shape_cast %add3A_638 : vector<1x16xf32> to vector<1x16xf32>
      tpu.vector_store %arg10[%swap3A_639, %swap3A_640], %swap3A_643 {strides = array<i32>} : memref<128x64xf32, #tpu.memory_space<vmem>>, vector<1x16xf32>,
      %add3A_644 = arith.constant 6 : i32
      %add3A_645 = arith.addi %add3A_141, %add3A_644 : i32
      %get3A_646 = arith.index_cast %add3A_645 : i32 to index
      %get3A_647 = arith.constant 0 : index
      %get3A_648 = tpu.vector_load %arg10[%get3A_646, %get3A_647] {strides = array<i32>} : memref<128x64xf32, #tpu.memory_space<vmem>>, vector<1x16xf32>,
      %get3A_649 = vector.shape_cast %get3A_648 : vector<1x16xf32> to vector<1x16xf32>
      %get3A_650 = arith.index_cast %add3A_645 : i32 to index
      %get3A_651 = arith.constant 0 : index
      %get3A_652 = tpu.vector_load %arg8[%get3A_650, %get3A_651] {strides = array<i32>} : memref<128x128xf32, #tpu.memory_space<vmem>>, vector<1x16xf32>,
      %get3A_653 = vector.shape_cast %get3A_652 : vector<1x16xf32> to vector<1x16xf32>
      %add3A_654 = arith.addf %get3A_649, %get3A_653 : vector<1x16xf32>
      %get3A_655 = arith.index_cast %add3A_645 : i32 to index
      %get3A_656 = arith.constant 0 : index
      %get3A_657 = tpu.vector_load %arg9[%get3A_655, %get3A_656] {strides = array<i32>} : memref<128x128xf32, #tpu.memory_space<vmem>>, vector<1x16xf32>,
      %get3A_658 = vector.shape_cast %get3A_657 : vector<1x16xf32> to vector<1x16xf32>
      %add3A_659 = arith.addf %add3A_654, %get3A_658 : vector<1x16xf32>
      %swap3A_660 = arith.index_cast %add3A_645 : i32 to index
      %swap3A_661 = arith.constant 0 : index
      %swap3A_662 = tpu.vector_load %arg10[%swap3A_660, %swap3A_661] {strides = array<i32>} : memref<128x64xf32, #tpu.memory_space<vmem>>, vector<1x16xf32>,
      %swap3A_663 = vector.shape_cast %swap3A_662 : vector<1x16xf32> to vector<1x16xf32>
      %swap3A_664 = vector.shape_cast %add3A_659 : vector<1x16xf32> to vector<1x16xf32>
      tpu.vector_store %arg10[%swap3A_660, %swap3A_661], %swap3A_664 {strides = array<i32>} : memref<128x64xf32, #tpu.memory_space<vmem>>, vector<1x16xf32>,
      %add3A_665 = arith.constant 6 : i32
      %add3A_666 = arith.addi %add3A_141, %add3A_665 : i32
      %get3A_667 = arith.index_cast %add3A_666 : i32 to index
      %get3A_668 = arith.constant 16 : index
      %get3A_669 = tpu.vector_load %arg10[%get3A_667, %get3A_668] {strides = array<i32>} : memref<128x64xf32, #tpu.memory_space<vmem>>, vector<1x16xf32>,
      %get3A_670 = vector.shape_cast %get3A_669 : vector<1x16xf32> to vector<1x16xf32>
      %get3A_671 = arith.index_cast %add3A_666 : i32 to index
      %get3A_672 = arith.constant 16 : index
      %get3A_673 = tpu.vector_load %arg8[%get3A_671, %get3A_672] {strides = array<i32>} : memref<128x128xf32, #tpu.memory_space<vmem>>, vector<1x16xf32>,
      %get3A_674 = vector.shape_cast %get3A_673 : vector<1x16xf32> to vector<1x16xf32>
      %add3A_675 = arith.addf %get3A_670, %get3A_674 : vector<1x16xf32>
      %get3A_676 = arith.index_cast %add3A_666 : i32 to index
      %get3A_677 = arith.constant 16 : index
      %get3A_678 = tpu.vector_load %arg9[%get3A_676, %get3A_677] {strides = array<i32>} : memref<128x128xf32, #tpu.memory_space<vmem>>, vector<1x16xf32>,
      %get3A_679 = vector.shape_cast %get3A_678 : vector<1x16xf32> to vector<1x16xf32>
      %add3A_680 = arith.addf %add3A_675, %get3A_679 : vector<1x16xf32>
      %swap3A_681 = arith.index_cast %add3A_666 : i32 to index
      %swap3A_682 = arith.constant 16 : index
      %swap3A_683 = tpu.vector_load %arg10[%swap3A_681, %swap3A_682] {strides = array<i32>} : memref<128x64xf32, #tpu.memory_space<vmem>>, vector<1x16xf32>,
      %swap3A_684 = vector.shape_cast %swap3A_683 : vector<1x16xf32> to vector<1x16xf32>
      %swap3A_685 = vector.shape_cast %add3A_680 : vector<1x16xf32> to vector<1x16xf32>
      tpu.vector_store %arg10[%swap3A_681, %swap3A_682], %swap3A_685 {strides = array<i32>} : memref<128x64xf32, #tpu.memory_space<vmem>>, vector<1x16xf32>,
      %add3A_686 = arith.constant 6 : i32
      %add3A_687 = arith.addi %add3A_141, %add3A_686 : i32
      %get3A_688 = arith.index_cast %add3A_687 : i32 to index
      %get3A_689 = arith.constant 32 : index
      %get3A_690 = tpu.vector_load %arg10[%get3A_688, %get3A_689] {strides = array<i32>} : memref<128x64xf32, #tpu.memory_space<vmem>>, vector<1x16xf32>,
      %get3A_691 = vector.shape_cast %get3A_690 : vector<1x16xf32> to vector<1x16xf32>
      %get3A_692 = arith.index_cast %add3A_687 : i32 to index
      %get3A_693 = arith.constant 32 : index
      %get3A_694 = tpu.vector_load %arg8[%get3A_692, %get3A_693] {strides = array<i32>} : memref<128x128xf32, #tpu.memory_space<vmem>>, vector<1x16xf32>,
      %get3A_695 = vector.shape_cast %get3A_694 : vector<1x16xf32> to vector<1x16xf32>
      %add3A_696 = arith.addf %get3A_691, %get3A_695 : vector<1x16xf32>
      %get3A_697 = arith.index_cast %add3A_687 : i32 to index
      %get3A_698 = arith.constant 32 : index
      %get3A_699 = tpu.vector_load %arg9[%get3A_697, %get3A_698] {strides = array<i32>} : memref<128x128xf32, #tpu.memory_space<vmem>>, vector<1x16xf32>,
      %get3A_700 = vector.shape_cast %get3A_699 : vector<1x16xf32> to vector<1x16xf32>
      %add3A_701 = arith.addf %add3A_696, %get3A_700 : vector<1x16xf32>
      %swap3A_702 = arith.index_cast %add3A_687 : i32 to index
      %swap3A_703 = arith.constant 32 : index
      %swap3A_704 = tpu.vector_load %arg10[%swap3A_702, %swap3A_703] {strides = array<i32>} : memref<128x64xf32, #tpu.memory_space<vmem>>, vector<1x16xf32>,
      %swap3A_705 = vector.shape_cast %swap3A_704 : vector<1x16xf32> to vector<1x16xf32>
      %swap3A_706 = vector.shape_cast %add3A_701 : vector<1x16xf32> to vector<1x16xf32>
      tpu.vector_store %arg10[%swap3A_702, %swap3A_703], %swap3A_706 {strides = array<i32>} : memref<128x64xf32, #tpu.memory_space<vmem>>, vector<1x16xf32>,
      %add3A_707 = arith.constant 6 : i32
      %add3A_708 = arith.addi %add3A_141, %add3A_707 : i32
      %get3A_709 = arith.index_cast %add3A_708 : i32 to index
      %get3A_710 = arith.constant 48 : index
      %get3A_711 = tpu.vector_load %arg10[%get3A_709, %get3A_710] {strides = array<i32>} : memref<128x64xf32, #tpu.memory_space<vmem>>, vector<1x16xf32>,
      %get3A_712 = vector.shape_cast %get3A_711 : vector<1x16xf32> to vector<1x16xf32>
      %get3A_713 = arith.index_cast %add3A_708 : i32 to index
      %get3A_714 = arith.constant 48 : index
      %get3A_715 = tpu.vector_load %arg8[%get3A_713, %get3A_714] {strides = array<i32>} : memref<128x128xf32, #tpu.memory_space<vmem>>, vector<1x16xf32>,
      %get3A_716 = vector.shape_cast %get3A_715 : vector<1x16xf32> to vector<1x16xf32>
      %add3A_717 = arith.addf %get3A_712, %get3A_716 : vector<1x16xf32>
      %get3A_718 = arith.index_cast %add3A_708 : i32 to index
      %get3A_719 = arith.constant 48 : index
      %get3A_720 = tpu.vector_load %arg9[%get3A_718, %get3A_719] {strides = array<i32>} : memref<128x128xf32, #tpu.memory_space<vmem>>, vector<1x16xf32>,
      %get3A_721 = vector.shape_cast %get3A_720 : vector<1x16xf32> to vector<1x16xf32>
      %add3A_722 = arith.addf %add3A_717, %get3A_721 : vector<1x16xf32>
      %swap3A_723 = arith.index_cast %add3A_708 : i32 to index
      %swap3A_724 = arith.constant 48 : index
      %swap3A_725 = tpu.vector_load %arg10[%swap3A_723, %swap3A_724] {strides = array<i32>} : memref<128x64xf32, #tpu.memory_space<vmem>>, vector<1x16xf32>,
      %swap3A_726 = vector.shape_cast %swap3A_725 : vector<1x16xf32> to vector<1x16xf32>
      %swap3A_727 = vector.shape_cast %add3A_722 : vector<1x16xf32> to vector<1x16xf32>
      tpu.vector_store %arg10[%swap3A_723, %swap3A_724], %swap3A_727 {strides = array<i32>} : memref<128x64xf32, #tpu.memory_space<vmem>>, vector<1x16xf32>,
      %add3A_728 = arith.constant 7 : i32
      %add3A_729 = arith.addi %add3A_141, %add3A_728 : i32
      %get3A_730 = arith.index_cast %add3A_729 : i32 to index
      %get3A_731 = arith.constant 0 : index
      %get3A_732 = tpu.vector_load %arg10[%get3A_730, %get3A_731] {strides = array<i32>} : memref<128x64xf32, #tpu.memory_space<vmem>>, vector<1x16xf32>,
      %get3A_733 = vector.shape_cast %get3A_732 : vector<1x16xf32> to vector<1x16xf32>
      %get3A_734 = arith.index_cast %add3A_729 : i32 to index
      %get3A_735 = arith.constant 0 : index
      %get3A_736 = tpu.vector_load %arg8[%get3A_734, %get3A_735] {strides = array<i32>} : memref<128x128xf32, #tpu.memory_space<vmem>>, vector<1x16xf32>,
      %get3A_737 = vector.shape_cast %get3A_736 : vector<1x16xf32> to vector<1x16xf32>
      %add3A_738 = arith.addf %get3A_733, %get3A_737 : vector<1x16xf32>
      %get3A_739 = arith.index_cast %add3A_729 : i32 to index
      %get3A_740 = arith.constant 0 : index
      %get3A_741 = tpu.vector_load %arg9[%get3A_739, %get3A_740] {strides = array<i32>} : memref<128x128xf32, #tpu.memory_space<vmem>>, vector<1x16xf32>,
      %get3A_742 = vector.shape_cast %get3A_741 : vector<1x16xf32> to vector<1x16xf32>
      %add3A_743 = arith.addf %add3A_738, %get3A_742 : vector<1x16xf32>
      %swap3A_744 = arith.index_cast %add3A_729 : i32 to index
      %swap3A_745 = arith.constant 0 : index
      %swap3A_746 = tpu.vector_load %arg10[%swap3A_744, %swap3A_745] {strides = array<i32>} : memref<128x64xf32, #tpu.memory_space<vmem>>, vector<1x16xf32>,
      %swap3A_747 = vector.shape_cast %swap3A_746 : vector<1x16xf32> to vector<1x16xf32>
      %swap3A_748 = vector.shape_cast %add3A_743 : vector<1x16xf32> to vector<1x16xf32>
      tpu.vector_store %arg10[%swap3A_744, %swap3A_745], %swap3A_748 {strides = array<i32>} : memref<128x64xf32, #tpu.memory_space<vmem>>, vector<1x16xf32>,
      %add3A_749 = arith.constant 7 : i32
      %add3A_750 = arith.addi %add3A_141, %add3A_749 : i32
      %get3A_751 = arith.index_cast %add3A_750 : i32 to index
      %get3A_752 = arith.constant 16 : index
      %get3A_753 = tpu.vector_load %arg10[%get3A_751, %get3A_752] {strides = array<i32>} : memref<128x64xf32, #tpu.memory_space<vmem>>, vector<1x16xf32>,
      %get3A_754 = vector.shape_cast %get3A_753 : vector<1x16xf32> to vector<1x16xf32>
      %get3A_755 = arith.index_cast %add3A_750 : i32 to index
      %get3A_756 = arith.constant 16 : index
      %get3A_757 = tpu.vector_load %arg8[%get3A_755, %get3A_756] {strides = array<i32>} : memref<128x128xf32, #tpu.memory_space<vmem>>, vector<1x16xf32>,
      %get3A_758 = vector.shape_cast %get3A_757 : vector<1x16xf32> to vector<1x16xf32>
      %add3A_759 = arith.addf %get3A_754, %get3A_758 : vector<1x16xf32>
      %get3A_760 = arith.index_cast %add3A_750 : i32 to index
      %get3A_761 = arith.constant 16 : index
      %get3A_762 = tpu.vector_load %arg9[%get3A_760, %get3A_761] {strides = array<i32>} : memref<128x128xf32, #tpu.memory_space<vmem>>, vector<1x16xf32>,
      %get3A_763 = vector.shape_cast %get3A_762 : vector<1x16xf32> to vector<1x16xf32>
      %add3A_764 = arith.addf %add3A_759, %get3A_763 : vector<1x16xf32>
      %swap3A_765 = arith.index_cast %add3A_750 : i32 to index
      %swap3A_766 = arith.constant 16 : index
      %swap3A_767 = tpu.vector_load %arg10[%swap3A_765, %swap3A_766] {strides = array<i32>} : memref<128x64xf32, #tpu.memory_space<vmem>>, vector<1x16xf32>,
      %swap3A_768 = vector.shape_cast %swap3A_767 : vector<1x16xf32> to vector<1x16xf32>
      %swap3A_769 = vector.shape_cast %add3A_764 : vector<1x16xf32> to vector<1x16xf32>
      tpu.vector_store %arg10[%swap3A_765, %swap3A_766], %swap3A_769 {strides = array<i32>} : memref<128x64xf32, #tpu.memory_space<vmem>>, vector<1x16xf32>,
      %add3A_770 = arith.constant 7 : i32
      %add3A_771 = arith.addi %add3A_141, %add3A_770 : i32
      %get3A_772 = arith.index_cast %add3A_771 : i32 to index
      %get3A_773 = arith.constant 32 : index
      %get3A_774 = tpu.vector_load %arg10[%get3A_772, %get3A_773] {strides = array<i32>} : memref<128x64xf32, #tpu.memory_space<vmem>>, vector<1x16xf32>,
      %get3A_775 = vector.shape_cast %get3A_774 : vector<1x16xf32> to vector<1x16xf32>
      %get3A_776 = arith.index_cast %add3A_771 : i32 to index
      %get3A_777 = arith.constant 32 : index
      %get3A_778 = tpu.vector_load %arg8[%get3A_776, %get3A_777] {strides = array<i32>} : memref<128x128xf32, #tpu.memory_space<vmem>>, vector<1x16xf32>,
      %get3A_779 = vector.shape_cast %get3A_778 : vector<1x16xf32> to vector<1x16xf32>
      %add3A_780 = arith.addf %get3A_775, %get3A_779 : vector<1x16xf32>
      %get3A_781 = arith.index_cast %add3A_771 : i32 to index
      %get3A_782 = arith.constant 32 : index
      %get3A_783 = tpu.vector_load %arg9[%get3A_781, %get3A_782] {strides = array<i32>} : memref<128x128xf32, #tpu.memory_space<vmem>>, vector<1x16xf32>,
      %get3A_784 = vector.shape_cast %get3A_783 : vector<1x16xf32> to vector<1x16xf32>
      %add3A_785 = arith.addf %add3A_780, %get3A_784 : vector<1x16xf32>
      %swap3A_786 = arith.index_cast %add3A_771 : i32 to index
      %swap3A_787 = arith.constant 32 : index
      %swap3A_788 = tpu.vector_load %arg10[%swap3A_786, %swap3A_787] {strides = array<i32>} : memref<128x64xf32, #tpu.memory_space<vmem>>, vector<1x16xf32>,
      %swap3A_789 = vector.shape_cast %swap3A_788 : vector<1x16xf32> to vector<1x16xf32>
      %swap3A_790 = vector.shape_cast %add3A_785 : vector<1x16xf32> to vector<1x16xf32>
      tpu.vector_store %arg10[%swap3A_786, %swap3A_787], %swap3A_790 {strides = array<i32>} : memref<128x64xf32, #tpu.memory_space<vmem>>, vector<1x16xf32>,
      %add3A_791 = arith.constant 7 : i32
      %add3A_792 = arith.addi %add3A_141, %add3A_791 : i32
      %get3A_793 = arith.index_cast %add3A_792 : i32 to index
      %get3A_794 = arith.constant 48 : index
      %get3A_795 = tpu.vector_load %arg10[%get3A_793, %get3A_794] {strides = array<i32>} : memref<128x64xf32, #tpu.memory_space<vmem>>, vector<1x16xf32>,
      %get3A_796 = vector.shape_cast %get3A_795 : vector<1x16xf32> to vector<1x16xf32>
      %get3A_797 = arith.index_cast %add3A_792 : i32 to index
      %get3A_798 = arith.constant 48 : index
      %get3A_799 = tpu.vector_load %arg8[%get3A_797, %get3A_798] {strides = array<i32>} : memref<128x128xf32, #tpu.memory_space<vmem>>, vector<1x16xf32>,
      %get3A_800 = vector.shape_cast %get3A_799 : vector<1x16xf32> to vector<1x16xf32>
      %add3A_801 = arith.addf %get3A_796, %get3A_800 : vector<1x16xf32>
      %get3A_802 = arith.index_cast %add3A_792 : i32 to index
      %get3A_803 = arith.constant 48 : index
      %get3A_804 = tpu.vector_load %arg9[%get3A_802, %get3A_803] {strides = array<i32>} : memref<128x128xf32, #tpu.memory_space<vmem>>, vector<1x16xf32>,
      %get3A_805 = vector.shape_cast %get3A_804 : vector<1x16xf32> to vector<1x16xf32>
      %add3A_806 = arith.addf %add3A_801, %get3A_805 : vector<1x16xf32>
      %swap3A_807 = arith.index_cast %add3A_792 : i32 to index
      %swap3A_808 = arith.constant 48 : index
      %swap3A_809 = tpu.vector_load %arg10[%swap3A_807, %swap3A_808] {strides = array<i32>} : memref<128x64xf32, #tpu.memory_space<vmem>>, vector<1x16xf32>,
      %swap3A_810 = vector.shape_cast %swap3A_809 : vector<1x16xf32> to vector<1x16xf32>
      %swap3A_811 = vector.shape_cast %add3A_806 : vector<1x16xf32> to vector<1x16xf32>
      tpu.vector_store %arg10[%swap3A_807, %swap3A_808], %swap3A_811 {strides = array<i32>} : memref<128x64xf32, #tpu.memory_space<vmem>>, vector<1x16xf32>,
    }
    %scan3A_136 = arith.constant 16 : i32
    "tpu.region"() ({
      %run_scoped3A = tpu.sem_alloc : memref<!tpu.dma_semaphore, #tpu.memory_space<semaphore_mem>>
      %dma_start3A_137 = arith.constant 0 : i32
      %dma_start3A_138 = tpu.memref_slice %arg4[%mul3A_2, %dma_start3A_137] : memref<4096x64xf32, #tpu.memory_space<hbm>> -> memref<128x64xf32, #tpu.memory_space<hbm>>
      %dma_start3A_139 = arith.constant 0 : i32
      %dma_start3A_140 = tpu.memref_slice %arg4[%mul3A_2, %dma_start3A_139] : memref<4096x64xf32, #tpu.memory_space<hbm>> -> memref<128x64xf32, #tpu.memory_space<hbm>>
      tpu.enqueue_dma source(%arg10 : memref<128x64xf32, #tpu.memory_space<vmem>>) target(%dma_start3A_140 : memref<128x64xf32, #tpu.memory_space<hbm>>) target_semaphore(%run_scoped3A : memref<!tpu.dma_semaphore, #tpu.memory_space<semaphore_mem>>)
      %dma_wait3A_141 = arith.constant 0 : i32
      %dma_wait3A_142 = tpu.memref_slice %arg4[%mul3A_2, %dma_wait3A_141] : memref<4096x64xf32, #tpu.memory_space<hbm>> -> memref<128x64xf32, #tpu.memory_space<hbm>>
      %dma_wait3A_143 = arith.constant 0 : i32
      %dma_wait3A_144 = tpu.memref_slice %arg4[%mul3A_2, %dma_wait3A_143] : memref<4096x64xf32, #tpu.memory_space<hbm>> -> memref<128x64xf32, #tpu.memory_space<hbm>>
      tpu.wait_dma2 semaphore(%run_scoped3A : memref<!tpu.dma_semaphore, #tpu.memory_space<semaphore_mem>>) src(%arg10 : memref<128x64xf32, #tpu.memory_space<vmem>>) dst(%dma_wait3A_144 : memref<128x64xf32, #tpu.memory_space<hbm>>)
      tpu.yield
    }) : () -> ()
    return
  }
}

module attributes {stable_mosaic.version = 14 : i64} {
  func.func @_main_body(%arg0: i32, %arg1: memref<512x64xf32, #tpu.memory_space<vmem>>, %arg2: memref<64x1024xf32, #tpu.memory_space<vmem>>, %arg3: memref<1024x1000xf32, #tpu.memory_space<vmem>>, %arg4: memref<1x1000xf32, #tpu.memory_space<vmem>>, %arg5: memref<1x1024xf32, #tpu.memory_space<vmem>>, %arg6: memref<1x1024xf32, #tpu.memory_space<vmem>>, %arg7: memref<512x1000xf32, #tpu.memory_space<vmem>>) attributes {dimension_semantics = [#tpu.dimension_semantics<arbitrary>], iteration_bounds = array<i64: 8>, scalar_prefetch = 0 : i64, scratch_operands = 0 : i64, tpu.core_type = #tpu.core_type<tc>, window_params = [{transform_indices = @transform_0, window_bounds = array<i64: 512, 64>}, {pipeline_mode = #tpu.pipeline_mode<synchronous>, transform_indices = @transform_1, window_bounds = array<i64: 64, 1024>}, {pipeline_mode = #tpu.pipeline_mode<synchronous>, transform_indices = @transform_2, window_bounds = array<i64: 1024, 1000>}, {pipeline_mode = #tpu.pipeline_mode<synchronous>, transform_indices = @transform_3, window_bounds = array<i64: 1, 1000>}, {pipeline_mode = #tpu.pipeline_mode<synchronous>, transform_indices = @transform_4, window_bounds = array<i64: 1, 1024>}, {pipeline_mode = #tpu.pipeline_mode<synchronous>, transform_indices = @transform_5, window_bounds = array<i64: 1, 1024>}, {transform_indices = @transform_6, window_bounds = array<i64: 512, 1000>}]} {
    %get3A = arith.constant 0 : index
    %get3A_0 = arith.constant 0 : index
    %get3A_1 = vector.load %arg1[%get3A, %get3A_0] : memref<512x64xf32, #tpu.memory_space<vmem>>, vector<512x64xf32>
    %get3A_2 = arith.constant 0 : index
    %get3A_3 = arith.constant 0 : index
    %get3A_4 = vector.load %arg2[%get3A_2, %get3A_3] : memref<64x1024xf32, #tpu.memory_space<vmem>>, vector<64x1024xf32>
    %dot_general3A = arith.constant dense<0.000000e+00> : vector<512x1024xf32>
    %dot_general3A_5 = tpu.matmul %get3A_1, %get3A_4, %dot_general3A {dimension_numbers = #tpu.dot_dimension_numbers<[1], [0], [0], [1], [0, 0, 1, 1], [], []>, transpose_lhs_hint = false} : vector<512x64xf32>, vector<64x1024xf32>, vector<512x1024xf32> -> vector<512x1024xf32>
    %get3A_6 = arith.constant 0 : index
    %get3A_7 = arith.constant 0 : index
    %get3A_8 = vector.load %arg5[%get3A_6, %get3A_7] : memref<1x1024xf32, #tpu.memory_space<vmem>>, vector<1x1024xf32>
    %mul3A = vector.broadcast %get3A_8 : vector<1x1024xf32> to vector<512x1024xf32>
    %mul3A_9 = arith.mulf %dot_general3A_5, %mul3A : vector<512x1024xf32>
    %get3A_10 = arith.constant 0 : index
    %get3A_11 = arith.constant 0 : index
    %get3A_12 = vector.load %arg6[%get3A_10, %get3A_11] : memref<1x1024xf32, #tpu.memory_space<vmem>>, vector<1x1024xf32>
    %add3A = vector.broadcast %get3A_12 : vector<1x1024xf32> to vector<512x1024xf32>
    %add3A_13 = arith.addf %mul3A_9, %add3A : vector<512x1024xf32>
    %max3A = arith.constant 0.000000e+00 : f32
    %max3A_14 = vector.broadcast %max3A : f32 to vector<512x1024xf32>
    %max3A_15 = arith.maximumf %add3A_13, %max3A_14 : vector<512x1024xf32>
    %get3A_16 = arith.constant 0 : index
    %get3A_17 = arith.constant 0 : index
    %get3A_18 = vector.load %arg3[%get3A_16, %get3A_17] : memref<1024x1000xf32, #tpu.memory_space<vmem>>, vector<1024x1000xf32>
    %dot_general3A_19 = arith.constant dense<0.000000e+00> : vector<512x1000xf32>
    %dot_general3A_20 = tpu.matmul %max3A_15, %get3A_18, %dot_general3A_19 {dimension_numbers = #tpu.dot_dimension_numbers<[1], [0], [0], [1], [0, 0, 1, 1], [], []>, transpose_lhs_hint = false} : vector<512x1024xf32>, vector<1024x1000xf32>, vector<512x1000xf32> -> vector<512x1000xf32>
    %get3A_21 = arith.constant 0 : index
    %get3A_22 = arith.constant 0 : index
    %get3A_23 = vector.load %arg4[%get3A_21, %get3A_22] : memref<1x1000xf32, #tpu.memory_space<vmem>>, vector<1x1000xf32>
    %add3A_24 = vector.broadcast %get3A_23 : vector<1x1000xf32> to vector<512x1000xf32>
    %add3A_25 = arith.addf %dot_general3A_20, %add3A_24 : vector<512x1000xf32>
    %swap3A = arith.constant 0 : index
    %swap3A_26 = arith.constant 0 : index
    %swap3A_27 = vector.load %arg7[%swap3A, %swap3A_26] : memref<512x1000xf32, #tpu.memory_space<vmem>>, vector<512x1000xf32>
    tpu.vector_store %arg7[%swap3A, %swap3A_26], %add3A_25 {strides = array<i32>} : memref<512x1000xf32, #tpu.memory_space<vmem>>, vector<512x1000xf32>,
    return
  }
  func.func @transform_0(%arg0: i32) -> (i32, i32) {
    %c0_i32 = arith.constant 0 : i32
    %c0_i32_0 = arith.constant 0 : i32
    return %arg0, %c0_i32 : i32, i32
  }
  func.func @transform_1(%arg0: i32) -> (i32, i32) {
    %c0_i32 = arith.constant 0 : i32
    %c0_i32_0 = arith.constant 0 : i32
    %c0_i32_1 = arith.constant 0 : i32
    return %c0_i32, %c0_i32_0 : i32, i32
  }
  func.func @transform_2(%arg0: i32) -> (i32, i32) {
    %c0_i32 = arith.constant 0 : i32
    %c0_i32_0 = arith.constant 0 : i32
    %c0_i32_1 = arith.constant 0 : i32
    return %c0_i32, %c0_i32_0 : i32, i32
  }
  func.func @transform_3(%arg0: i32) -> (i32, i32) {
    %c0_i32 = arith.constant 0 : i32
    %c0_i32_0 = arith.constant 0 : i32
    %c0_i32_1 = arith.constant 0 : i32
    return %c0_i32, %c0_i32_0 : i32, i32
  }
  func.func @transform_4(%arg0: i32) -> (i32, i32) {
    %c0_i32 = arith.constant 0 : i32
    %c0_i32_0 = arith.constant 0 : i32
    %c0_i32_1 = arith.constant 0 : i32
    return %c0_i32, %c0_i32_0 : i32, i32
  }
  func.func @transform_5(%arg0: i32) -> (i32, i32) {
    %c0_i32 = arith.constant 0 : i32
    %c0_i32_0 = arith.constant 0 : i32
    %c0_i32_1 = arith.constant 0 : i32
    return %c0_i32, %c0_i32_0 : i32, i32
  }
  func.func @transform_6(%arg0: i32) -> (i32, i32) {
    %c0_i32 = arith.constant 0 : i32
    %c0_i32_0 = arith.constant 0 : i32
    return %arg0, %c0_i32 : i32, i32
  }
}

module attributes {stable_mosaic.version = 14 : i64} {
  func.func @_stats_body(%arg0: memref<4096x64xf32, #tpu.memory_space<vmem>>, %arg1: memref<64x1024xf32, #tpu.memory_space<vmem>>, %arg2: memref<1x1024xf32, #tpu.memory_space<vmem>>, %arg3: memref<1x1024xf32, #tpu.memory_space<vmem>>, %arg4: memref<1x1024xf32, #tpu.memory_space<vmem>>, %arg5: memref<1x1024xf32, #tpu.memory_space<vmem>>, %arg6: memref<1x1024xf32, #tpu.memory_space<vmem>>) attributes {dimension_semantics = [], scalar_prefetch = 0 : i64, scratch_operands = 0 : i64, tpu.core_type = #tpu.core_type<tc>} {
    %get3A = arith.constant 0 : index
    %get3A_0 = arith.constant 0 : index
    %get3A_1 = vector.load %arg0[%get3A, %get3A_0] : memref<4096x64xf32, #tpu.memory_space<vmem>>, vector<4096x64xf32>
    %get3A_2 = arith.constant 0 : index
    %get3A_3 = arith.constant 0 : index
    %get3A_4 = vector.load %arg1[%get3A_2, %get3A_3] : memref<64x1024xf32, #tpu.memory_space<vmem>>, vector<64x1024xf32>
    %reduce_sum3A = arith.constant dense<0.000000e+00> : vector<64xf32>
    %reduce_sum3A_5 = vector.multi_reduction <add>, %get3A_1, %reduce_sum3A [0] : vector<4096x64xf32> to vector<64xf32>
    %broadcast_in_dim3A = vector.shape_cast %reduce_sum3A_5 : vector<64xf32> to vector<1x64xf32>
    %mul3A = arith.constant 1.2207031E-6 : f32
    %mul3A_6 = vector.broadcast %mul3A : f32 to vector<1x64xf32>
    %mul3A_7 = arith.mulf %broadcast_in_dim3A, %mul3A_6 : vector<1x64xf32>
    %dot_general3A = arith.constant dense<0.000000e+00> : vector<64x64xf32>
    %dot_general3A_8 = tpu.matmul %get3A_1, %get3A_1, %dot_general3A {dimension_numbers = #tpu.dot_dimension_numbers<[0], [0], [1], [1], [0, 1, 1, 1], [], []>, precision = #tpu.contract_precision<fp32>, transpose_lhs_hint = false} : vector<4096x64xf32>, vector<4096x64xf32>, vector<64x64xf32> -> vector<64x64xf32>
    %mul3A_9 = arith.constant 6.10351547E-9 : f32
    %mul3A_10 = vector.broadcast %mul3A_9 : f32 to vector<64x64xf32>
    %mul3A_11 = arith.mulf %dot_general3A_8, %mul3A_10 : vector<64x64xf32>
    %dot_general3A_12 = arith.constant dense<0.000000e+00> : vector<64x64xf32>
    %dot_general3A_13 = tpu.matmul %mul3A_7, %mul3A_7, %dot_general3A_12 {dimension_numbers = #tpu.dot_dimension_numbers<[0], [0], [1], [1], [0, 1, 1, 1], [], []>, precision = #tpu.contract_precision<fp32>, transpose_lhs_hint = false} : vector<1x64xf32>, vector<1x64xf32>, vector<64x64xf32> -> vector<64x64xf32>
    %sub3A = arith.subf %mul3A_11, %dot_general3A_13 : vector<64x64xf32>
    %dot_general3A_14 = arith.constant dense<0.000000e+00> : vector<64x1024xf32>
    %dot_general3A_15 = tpu.matmul %sub3A, %get3A_4, %dot_general3A_14 {dimension_numbers = #tpu.dot_dimension_numbers<[1], [0], [0], [1], [0, 0, 1, 1], [], []>, precision = #tpu.contract_precision<fp32>, transpose_lhs_hint = false} : vector<64x64xf32>, vector<64x1024xf32>, vector<64x1024xf32> -> vector<64x1024xf32>
    %mul3A_16 = arith.mulf %get3A_4, %dot_general3A_15 : vector<64x1024xf32>
    %reduce_sum3A_17 = arith.constant dense<0.000000e+00> : vector<1024xf32>
    %reduce_sum3A_18 = vector.multi_reduction <add>, %mul3A_16, %reduce_sum3A_17 [0] : vector<64x1024xf32> to vector<1024xf32>
    %broadcast_in_dim3A_19 = vector.shape_cast %reduce_sum3A_18 : vector<1024xf32> to vector<1x1024xf32>
    %dot_general3A_20 = arith.constant dense<0.000000e+00> : vector<1x1024xf32>
    %dot_general3A_21 = tpu.matmul %mul3A_7, %get3A_4, %dot_general3A_20 {dimension_numbers = #tpu.dot_dimension_numbers<[1], [0], [0], [1], [0, 0, 1, 1], [], []>, precision = #tpu.contract_precision<fp32>, transpose_lhs_hint = false} : vector<1x64xf32>, vector<64x1024xf32>, vector<1x1024xf32> -> vector<1x1024xf32>
    %get3A_22 = arith.constant 0 : index
    %get3A_23 = arith.constant 0 : index
    %get3A_24 = vector.load %arg2[%get3A_22, %get3A_23] : memref<1x1024xf32, #tpu.memory_space<vmem>>, vector<1x1024xf32>
    %add3A = arith.addf %dot_general3A_21, %get3A_24 : vector<1x1024xf32>
    %get3A_25 = arith.constant 0 : index
    %get3A_26 = arith.constant 0 : index
    %get3A_27 = vector.load %arg3[%get3A_25, %get3A_26] : memref<1x1024xf32, #tpu.memory_space<vmem>>, vector<1x1024xf32>
    %add3A_28 = arith.constant 9.99999974E-6 : f32
    %add3A_29 = vector.broadcast %add3A_28 : f32 to vector<1x1024xf32>
    %add3A_30 = arith.addf %broadcast_in_dim3A_19, %add3A_29 : vector<1x1024xf32>
    %rsqrt3A = math.rsqrt %add3A_30 : vector<1x1024xf32>
    %mul3A_31 = arith.mulf %get3A_27, %rsqrt3A : vector<1x1024xf32>
    %mul3A_32 = arith.constant 5.000000e-03 : f32
    %mul3A_33 = vector.broadcast %mul3A_32 : f32 to vector<1x1024xf32>
    %mul3A_34 = arith.mulf %mul3A_31, %mul3A_33 : vector<1x1024xf32>
    %swap3A = arith.constant 0 : index
    %swap3A_35 = arith.constant 0 : index
    %swap3A_36 = vector.load %arg5[%swap3A, %swap3A_35] : memref<1x1024xf32, #tpu.memory_space<vmem>>, vector<1x1024xf32>
    tpu.vector_store %arg5[%swap3A, %swap3A_35], %mul3A_34 {strides = array<i32>} : memref<1x1024xf32, #tpu.memory_space<vmem>>, vector<1x1024xf32>,
    %get3A_37 = arith.constant 0 : index
    %get3A_38 = arith.constant 0 : index
    %get3A_39 = vector.load %arg2[%get3A_37, %get3A_38] : memref<1x1024xf32, #tpu.memory_space<vmem>>, vector<1x1024xf32>
    %mul3A_40 = arith.mulf %get3A_39, %mul3A_31 : vector<1x1024xf32>
    %get3A_41 = arith.constant 0 : index
    %get3A_42 = arith.constant 0 : index
    %get3A_43 = vector.load %arg4[%get3A_41, %get3A_42] : memref<1x1024xf32, #tpu.memory_space<vmem>>, vector<1x1024xf32>
    %add3A_44 = arith.addf %mul3A_40, %get3A_43 : vector<1x1024xf32>
    %mul3A_45 = arith.mulf %add3A, %mul3A_31 : vector<1x1024xf32>
    %sub3A_46 = arith.subf %add3A_44, %mul3A_45 : vector<1x1024xf32>
    %swap3A_47 = arith.constant 0 : index
    %swap3A_48 = arith.constant 0 : index
    %swap3A_49 = vector.load %arg6[%swap3A_47, %swap3A_48] : memref<1x1024xf32, #tpu.memory_space<vmem>>, vector<1x1024xf32>
    tpu.vector_store %arg6[%swap3A_47, %swap3A_48], %sub3A_46 {strides = array<i32>} : memref<1x1024xf32, #tpu.memory_space<vmem>>, vector<1x1024xf32>,
    return
  }
}

module attributes {stable_mosaic.version = 14 : i64} {
  func.func @_relayout_body(%arg0: i32, %arg1: memref<64x8192xf32, #tpu.memory_space<vmem>>, %arg2: memref<8192x128xf32, #tpu.memory_space<vmem>>) attributes {dimension_semantics = [#tpu.dimension_semantics<arbitrary>], iteration_bounds = array<i64: 123>, scalar_prefetch = 0 : i64, scratch_operands = 0 : i64, tpu.core_type = #tpu.core_type<tc>, window_params = [{transform_indices = @transform_0, window_bounds = array<i64: 64, 8192>}, {transform_indices = @transform_1, window_bounds = array<i64: 8192, 128>}]} {
    %get3A = arith.constant 0 : index
    %get3A_0 = arith.constant 0 : index
    %get3A_1 = vector.load %arg1[%get3A, %get3A_0] : memref<64x8192xf32, #tpu.memory_space<vmem>>, vector<64x8192xf32>
    %iota3A = tpu.iota {dimensions = array<i32: 0>} : vector<64x64xi32>
    %iota3A_2 = tpu.iota {dimensions = array<i32: 1>} : vector<64x64xi32>
    %eq3A = arith.cmpi eq, %iota3A, %iota3A_2 : vector<64x64xi32>
    %convert_element_type3A = arith.extui %eq3A : vector<64x64xi1> to vector<64x64xi32>
    %convert_element_type3A_3 = arith.sitofp %convert_element_type3A : vector<64x64xi32> to vector<64x64xf32>
    %dot_general3A = arith.constant dense<0.000000e+00> : vector<8192x64xf32>
    %dot_general3A_4 = tpu.matmul %get3A_1, %convert_element_type3A_3, %dot_general3A {dimension_numbers = #tpu.dot_dimension_numbers<[0], [0], [1], [1], [0, 1, 1, 1], [], []>, transpose_lhs_hint = false} : vector<64x8192xf32>, vector<64x64xf32>, vector<8192x64xf32> -> vector<8192x64xf32>
    %swap3A = arith.constant 0 : index
    %swap3A_5 = arith.constant 0 : index
    %swap3A_6 = vector.load %arg2[%swap3A, %swap3A_5] : memref<8192x128xf32, #tpu.memory_space<vmem>>, vector<8192x64xf32>
    tpu.vector_store %arg2[%swap3A, %swap3A_5], %dot_general3A_4 {strides = array<i32>} : memref<8192x128xf32, #tpu.memory_space<vmem>>, vector<8192x64xf32>,
    return
  }
  func.func @transform_0(%arg0: i32) -> (i32, i32) {
    %c0_i32 = arith.constant 0 : i32
    %c0_i32_0 = arith.constant 0 : i32
    return %c0_i32, %arg0 : i32, i32
  }
  func.func @transform_1(%arg0: i32) -> (i32, i32) {
    %c0_i32 = arith.constant 0 : i32
    %c0_i32_0 = arith.constant 0 : i32
    return %arg0, %c0_i32 : i32, i32
  }
}

</mosaic_0001>

<sc_bundles>
// kernel: kernel.6.cloned.1.call-start
scs
__scs_entry_jumppad:
0x0: {  	(pc) =	sbr.rel $0x88, $3  }
0x1: {  	(tag) =	ssettag $0x0;
	lr =	simm.s32 $0x1  }
0x2: {  	[smem:$0x3F99] =	sst lr;
	_ =	strace $0xD0000000  }
0x3: {  	_ = 	snop  }
0x4: {  	_ = 	snop  }
0x5: {  	_ = 	snop  }
0x6: {  	_ = 	snop  }
0x7: {  	_ = 	snop  }
__scs_overlays_trampoline_lowered:
0x8: {  	[smem:$0x3FA8] =	sst s0  }
0x9: {  	[smem:$0x3FA9] =	sst s1  }
0xa: {  	[smem:$0x3FAA] =	sst s2  }
0xb: {  	[smem:$0x3FAB] =	sst s3  }
0xc: {  	[smem:$0x3FAC] =	sst s4  }
0xd: {  	[smem:$0x3FAD] =	sst s5  }
0xe: {  	[smem:$0x3FAE] =	sst s6  }
0xf: {  	[smem:$0x3FAF] =	sst s7  }
0x10: {  	[smem:$0x3FB0] =	sst s8  }
0x11: {  	[smem:$0x3FB1] =	sst s9;
	s0 =	simm.s32 @!p0 $0x0  }
0x12: {  	s1 =	sld [smem:$0x3F97];
	s0 =	simm.s32 @p0 $0x1  }
0x13: {  	[smem:$0x3FB2] =	sst s0;
	s0 =	simm.s32 @!p1 $0x0  }
0x14: {  	s2 =	sld [smem:$0x3F96];
	s0 =	simm.s32 @p1 $0x1  }
0x15: {  	[smem:$0x3FB3] =	sst s0;
	s0 =	simm.s32 @!p2 $0x0  }
0x16: {  	s3 =	sld [smem:$0x3FDB];
	s0 =	simm.s32 @p2 $0x1  }
0x17: {  	s4 =	simm.s32 $0x1BF5;
	[smem:$0x3FB5] =	sst s0  }
0x18: {  	s0 =	sld [smem:$0x3F98];
	_ =	swait.ge [sflag:s4], $0x0  }
0x19: {  	s7 =	sld [smem:$0x3F99]  }
0x1a: {  	s8 =	sadd.s32 $0xFFFFE003, lr  }
0x1b: {  	s9 =	sadd.s32 $0xFFFFFEF7, lr;
	s5 =	simm.s32 $0xFFFFFFFF;
	p2 =	slt.u32 s8, $0xFFFFF086  }
0x1c: {  	p1 =	slt.u32 s9, $0xF7A;
	s5 =	simm.s32 @!p2 $0x0  }
0x1d: {  	s5 =	simm.s32 @p1 $0x1;
	p0 =	seq.s32 s7, s2  }
0x1e: {  	s7 =	smul.u32 @!p0 $0xF7A, s2;
	p2 =	seq.s32 @!p0 s5, $0x0  }
0x1f: {  	s9 =	smul.u32 $0xF7A, s1;
	s8 =	simm.s32 @!p0 $0x1BF5;
	p2 =	por !p2, p0  }
0x20: {  	[sflag:s8] =	ssyncset.s32 @!p0 $0xFFFFF086;
	s6 =	sadd.s32 @!p0 s3, s7;
	s7 =	simm.s32 @!p0 $0x108  }
0x21: {  	s3 =	sadd.s32 s3, s9;
	s6 =	sadd.s32 @!p0 $0x88, s6;
	s7 =	simm.s32 @p2 $0x1082  }
0x22: {  	[simem:s7], [sflag:s8] =	dma.local @!p0 [hbm:s6], $0xF7A  }
0x23: {  	s9 =	sor.u32 $0xD0000000, s2;
	s6 =	simm.s32 $0x108;
	_ =	swait.ge @!p0 [sflag:s8], $0x0  }
0x24: {  	s3 =	sadd.s32 $0x88, s3;
	s6 =	simm.s32 @!p1 $0x1082;
	[sflag:s4] =	ssyncset.s32 $0xFFFFF086  }
0x25: {  	[simem:s6], [sflag:s4] =	dma.local [hbm:s3], $0xF7A  }
0x26: {  	[smem:$0x3F99] =	sst s1;
	(tag) =	ssettag s2;
	_ =	strace s9  }
0x27: {  	s1 =	sld [smem:$0x3FA9]  }
0x28: {  	s2 =	sld [smem:$0x3FAA]  }
0x29: {  	s4 =	sld [smem:$0x3FAC]  }
0x2a: {  	p0 =	seq.s32 s5, $0x0;
	s5 =	sld [smem:$0x3FAD]  }
0x2b: {  	s6 =	sld [smem:$0x3FAE]  }
0x2c: {  	s7 =	sld [smem:$0x3FAF]  }
0x2d: {  	s3 =	simm.s32 $0x108;
	s8 =	sld [smem:$0x3FB0]  }
0x2e: {  	s3 =	simm.s32 @!p0 $0x1082;
	s9 =	sld [smem:$0x3FB1]  }
0x2f: {  	lr =	sadd.s32 s0, s3;
	s0 =	sld [smem:$0x3FA8]  }
0x30: {  	s3 =	sld [smem:$0x3FAB]  }
0x31: {  	[smem:$0x3FB4] =	sst s10  }
0x32: {  	s10 =	sld [smem:$0x3FB2];
	_ =	sdelay $0x3  }
0x33: {  	p0 =	seq.s32 s10, $0x1;
	s10 =	sld [smem:$0x3FB4];
	_ =	sdelay $0x3  }
0x34: {  	[smem:$0x3FB4] =	sst s10  }
0x35: {  	s10 =	sld [smem:$0x3FB3];
	_ =	sdelay $0x3  }
0x36: {  	p1 =	seq.s32 s10, $0x1;
	s10 =	sld [smem:$0x3FB4];
	_ =	sdelay $0x3  }
0x37: {  	[smem:$0x3FB4] =	sst s10  }
0x38: {  	s10 =	sld [smem:$0x3FB5]  }
0x39: {  	_ = 	snop;
	(pc) =	sbr.ind lr, $3  }
0x3a: {  	_ = 	snop  }
0x3b: {  	_ = 	snop  }
0x3c: {  	p2 =	seq.s32 s10, $0x1;
	s10 =	sld [smem:$0x3FB4]  }
0x3d: {  	_ =	shalt  }
0x3e: {  	_ =	shalt  }
0x3f: {  	_ =	shalt  }
0x40: {  	_ =	shalt  }
0x41: {  	_ =	shalt  }
0x42: {  	_ =	shalt  }
0x43: {  	_ =	shalt  }
0x44: {  	_ =	shalt  }
0x45: {  	_ =	shalt  }
0x46: {  	_ =	shalt  }
0x47: {  	_ =	shalt  }
0x48: {  	_ =	shalt  }
0x49: {  	_ =	shalt  }
0x4a: {  	_ =	shalt  }
0x4b: {  	_ =	shalt  }
0x4c: {  	_ =	shalt  }
0x4d: {  	_ =	shalt  }
0x4e: {  	_ =	shalt  }
0x4f: {  	_ =	shalt  }
0x50: {  	_ =	shalt  }
0x51: {  	_ =	shalt  }
0x52: {  	_ =	shalt  }
0x53: {  	_ =	shalt  }
0x54: {  	_ =	shalt  }
0x55: {  	_ =	shalt  }
0x56: {  	_ =	shalt  }
0x57: {  	_ =	shalt  }
0x58: {  	_ =	shalt  }
0x59: {  	_ =	shalt  }
0x5a: {  	_ =	shalt  }
0x5b: {  	_ =	shalt  }
0x5c: {  	_ =	shalt  }
0x5d: {  	_ =	shalt  }
0x5e: {  	_ =	shalt  }
0x5f: {  	_ =	shalt  }
0x60: {  	_ =	shalt  }
0x61: {  	_ =	shalt  }
0x62: {  	_ =	shalt  }
0x63: {  	_ =	shalt  }
0x64: {  	_ =	shalt  }
0x65: {  	_ =	shalt  }
0x66: {  	_ =	shalt  }
0x67: {  	_ =	shalt  }
0x68: {  	_ =	shalt  }
0x69: {  	_ =	shalt  }
0x6a: {  	_ =	shalt  }
0x6b: {  	_ =	shalt  }
0x6c: {  	_ =	shalt  }
0x6d: {  	_ =	shalt  }
0x6e: {  	_ =	shalt  }
0x6f: {  	_ =	shalt  }
0x70: {  	_ =	shalt  }
0x71: {  	_ =	shalt  }
0x72: {  	_ =	shalt  }
0x73: {  	_ =	shalt  }
0x74: {  	_ =	shalt  }
0x75: {  	_ =	shalt  }
0x76: {  	_ =	shalt  }
0x77: {  	_ =	shalt  }
0x78: {  	_ =	shalt  }
0x79: {  	_ =	shalt  }
0x7a: {  	_ =	shalt  }
0x7b: {  	_ =	shalt  }
0x7c: {  	_ =	shalt  }
0x7d: {  	_ =	shalt  }
0x7e: {  	_ =	shalt  }
0x7f: {  	_ =	shalt  }
0x80: {  	_ =	shalt  }
0x81: {  	_ =	shalt  }
0x82: {  	_ =	shalt  }
0x83: {  	_ =	shalt  }
0x84: {  	_ =	shalt  }
0x85: {  	_ =	shalt  }
0x86: {  	_ =	shalt  }
0x87: {  	_ =	shalt  }
.Lfunc_end0:
.L_simem_size_0:
called_computation_lowered:
.L_overlay_start_0:
0x88: {  	s2 =	sld [smem:$0x3FD9]  }
0x89: {  	s3 =	sld [smem:$0x3FFE];
	_ =	sdelay $0x1  }
0x8a: {  	s1 =	srdreg.scid  }
0x8b: {  	s0 =	sand.u32 $0x1, s1  }
0x8c: {  	s17 =	sshll.u32 s0, $0xA;
	s2 =	sadd.s32 s3, s2  }
0x8d: {  	s2 =	sadd.s32 s2, s17  }
0x8e: {  	[smem:$0x3FC0] =	sst s2  }
0x8f: {  	_ = 	snop  }
0x90: {  	s2 =	sld [smem:$0x3FC9]  }
0x91: {  	s18 =	sld [smem:$0x3FD0];
	(tm) =	ssettm $0x1  }
0x92: {  	s4 =	sld [smem:$0x3FFB];
	_ =	sdelay $0x3  }
0x93: {  	_ =	strace s4  }
0x94: {  	s4 =	sld [smem:$0x3FFC];
	_ =	sdelay $0x3  }
0x95: {  	_ =	strace s4  }
0x96: {  	s4 =	sld [smem:$0x3FFD];
	_ =	sdelay $0x3  }
0x97: {  	_ =	strace s4  }
0x98: {  	_ =	strace $0x8FFFFFFF  }
0x99: {  	s19 =	sld [smem:$0x3FDB];
	_ =	sdelay $0x1  }
0x9a: {  	s5 =	simm.s32 $_scs_section_size  }
0x9b: {  	s6 =	simm.s32 $_size__tile_overlayer_lowered;
	s7 =	simm.s32 $_tile_overlayer_lowered  }
0x9c: {  	s22 =	simm.s32 $0x1BFF;
	s21 =	sshll.u32 s7, $0x1;
	s4 =	sadd.s32 s5, s19  }
0x9d: {  	s8 =	simm.s32 $0x0;
	s20 =	sshll.u32 s6, $0x1;
	s6 =	sadd.s32 s21, s4  }
0x9e: {  	[timem:s8], [sflag:s22] =	dma.local [hbm:s6], s20  }
0x9f: {  	_ =	swait.ge [sflag:s22], s20  }
0xa0: {  	s5 =	ssub.s32 $0x0, s20;
	[sflag:s22] =	ssyncset.done $0x0  }
0xa1: {  	[sflag:s22] =	ssyncadd.s32 s5;
	_ =	sdelay $0x1  }
0xa2: {  	s23 =	simm.s32 $0x1B8B  }
0xa3: {  	_ =	swait.ge [sflag:s23], $0x1  }
0xa4: {  	[sflag:s23] =	ssyncset.done $0x0  }
0xa5: {  	s25 =	simm.s32 $0x1B8E;
	s24 =	sld [smem:$0x3FFE];
	[sflag:s23] =	ssyncadd.s32 $0xFFFFFFFF  }
0xa6: {  	s26 =	simm.s32 $execute0_lowered;
	[smem:$0x3FD2] =	sst s25  }
0xa7: {  	s6 =	sshll.u32 s26, $0x1;
	_ =	strace $0x80000046;
	[dreg:$0x1] =	wrdreg $0xFFFFFFFF  }
0xa8: {  	s28 =	simm.s32 $_size_execute0_lowered;
	s4 =	sadd.s32 s4, s6;
	[dreg:$0x0] =	wrdreg $0x0  }
0xa9: {  	s6 =	sshll.u32 s28, $0x1;
	[dreg:$0x2] =	wrdreg s4  }
0xaa: {  	[dreg:$0x3] =	wrdreg s6  }
0xab: {  	[dreg:$0x4] =	wrdreg $0xC0  }
0xac: {  	_ =	task [dreg:s8], $0x5FFFF  }
0xad: {  	[dreg:$0x1] =	wrdreg $0xFFFFFFFF  }
0xae: {  	[dreg:$0x0] =	wrdreg $0x60  }
0xaf: {  	[dreg:$0x2] =	wrdreg s2  }
0xb0: {  	[dreg:$0x3] =	wrdreg s24  }
0xb1: {  	[dreg:$0x4] =	wrdreg s18  }
0xb2: {  	[dreg:$0x5] =	wrdreg $0x9  }
0xb3: {  	_ =	task.clear_ibuf [dreg:s8], $0x6FFFF;
	_ =	strace $0x90000046  }
0xb4: {  	s29 =	simm.s32 $0x9;
	_ =	strace $0x80000048  }
0xb5: {  	_ =	swait.ge [sflag:s29], $0x1  }
0xb6: {  	[sflag:s29] =	ssyncadd.s32 $0xFFFFFFFF  }
0xb7: {  	_ =	strace $0x90000048  }
0xb8: {  	_ =	sfence  }
0xb9: {  	s30 =	sld [smem:$0x0];
	_ =	sdelay $0x2  }
0xba: {  	s31 =	sshll.u32 s1, $0xD;
	s1 =	sshrl.u32 s1, $0x2  }
0xbb: {  	s3 =	sand.u32 $0x4000, s31;
	s1 =	sadd.s32 s1, s30  }
0xbc: {  	s0 =	sor.u32 s3, s0;
	s1 =	sshll.u32 s1, $0x11  }
0xbd: {  	s0 =	sor.u32 s1, s0  }
0xbe: {  	s0 =	sadd.s32 $0x8F2B, s0  }
0xbf: {  	[sflag:s0] =	ssyncadd.remote.s32 $0x1  }
0xc0: {  	_ =	sfence.sel $0xFFFF  }
0xc1: {  	[dreg:$0x0] =	wrdreg $0xFFFFFFFF;
	(pc) =	sbr.abs _section_cstart, $3  }
0xc2: {  	[dreg:$0x1] =	wrdreg $0xFFFFFFFF  }
0xc3: {  	_ =	task.clear_ibuf [dreg:s8], $0x2FFFF;
	_ =	strace $0x9FFFFFFF  }
0xc4: {  	(tm) =	ssettm $0x7FFFFFFF  }
0xc5: {  	_ =	shalt  }
tec
execute0_lowered:
.L_overlay_start_1:
0x0: {  	(tag) =	ssettag $0x1  }
0x1: {  	s4 =	rddreg [dreg:$0x0]  }
0x2: {  	s3 =	rddreg [dreg:$0x1]  }
0x3: {  	s5 =	rddreg [dreg:$0x2];
	s6 =	srdreg.scid  }
0x4: {  	s2 =	simm.s32 $0x0;
	s1 =	stileid.u32;
	s10 =	simm.s32 $0x80  }
0x5: {  	s11 =	simm.s32 $0x6400;
	s12 =	simm.s32 $0xA400;
	s13 =	simm.s32 $0x100  }
0x6: {  	s14 =	simm.s32 $0xE400;
	s15 =	simm.s32 $0x180;
	s16 =	simm.s32 $0x12400  }
0x7: {  	s17 =	simm.s32 $0x1;
	s18 =	simm.s32 $0x2;
	s19 =	simm.s32 $0x200  }
0x8: {  	s20 =	simm.s32 $0x280;
	s21 =	simm.s32 $0x3;
	s22 =	simm.s32 $0x4  }
0x9: {  	s23 =	simm.s32 $0x300;
	s24 =	simm.s32 $0x380;
	s25 =	simm.s32 $0x16400  }
0xa: {  	s26 =	simm.s32 $0x0;
	s6 =	sand.u32 $0x1, s6;
	[smem:$0x7FF] =	sst s2  }
0xb: {  	s7 =	sshll.u32 s1, $0x8;
	s3 =	sadd.s32 $0x1400, s3;
	s8 =	sshll.u32 s6, $0x7  }
0xc: {  	_ =	strace $0x80000047;
	s6 =	ssub.s32 $0x2, s6;
	s7 =	sor.u32 s8, s7  }
0xd: {  	s31 =	sshrl.u32 s6, $0x1;
	s8 =	simm.s32 $0x8000;
	s9 =	sshll.u32 s7, $0x4  }
0xe: {  	s6 =	ssub.s32 s6, s31;
	s4 =	sadd.s32 s4, s7;
	s7 =	simm.s32 $0x400  }
0xf: {  	s5 =	sadd.s32 s5, s9;
	s6 =	smax.u32 s6, $0x1;
	s9 =	simm.s32 $0x5  }
.LBB2_1:
0x10: {  	[tilespmem:s2], [sflag:$0x5] =	stream.strided.gather [hbm4b:s4+s7], $0x6400, s8, s7, $0x38;
	[tilespmem:$0x1A400] =	vst v63  }
0x11: {  	_ =	swait.ge [sflag:s9], $0x6400  }
0x12: {  	[sflag:s9] =	ssyncset.done $0x0  }
0x13: {  	[sflag:s9] =	ssyncadd.s32 $0xFFFF9C00  }
0x14: {  	[tilespmem:s11], [sflag:$0x1] =	stream.indirect.gather [hbm4b:s3+s10], $0x80, s2, s10, $0xb8;
	[tilespmem:$0x1A400] =	vst v63  }
0x15: {  	_ = 	snop  }
0x16: {  	[tilespmem:s12], [sflag:$0x2] =	stream.indirect.gather [hbm4b:s3+s10], $0x80, s10, s10, $0xb8;
	[tilespmem:$0x1A400] =	vst v63  }
0x17: {  	_ = 	snop  }
0x18: {  	[tilespmem:s14], [sflag:$0x3] =	stream.indirect.gather [hbm4b:s3+s10], $0x80, s13, s10, $0xb8;
	[tilespmem:$0x1A400] =	vst v63  }
0x19: {  	_ = 	snop  }
0x1a: {  	[tilespmem:s16], [sflag:$0x4] =	stream.indirect.gather [hbm4b:s3+s10], $0x80, s15, s10, $0xb8;
	[tilespmem:$0x1A400] =	vst v63  }
0x1b: {  	_ =	swait.ge [sflag:s17], $0x4000  }
0x1c: {  	[sflag:s17] =	ssyncset.done $0x0  }
0x1d: {  	[sflag:s17] =	ssyncadd.s32 $0xFFFFC000  }
0x1e: {  	_ =	swait.ge [sflag:s18], $0x4000  }
0x1f: {  	[sflag:s18] =	ssyncset.done $0x0  }
0x20: {  	s28 =	simm.s32 $0x0;
	[sflag:s18] =	ssyncadd.s32 $0xFFFFC000  }
0x21: {  	v0 =	vld [tilespmem:s28+$0x67B0]  }
0x22: {  	v1 =	vld [tilespmem:s28+$0xA7B0]  }
0x23: {  	v2 =	vld [tilespmem:s28+$0x6400]  }
0x24: {  	v3 =	vld [tilespmem:s28+$0xA400]  }
0x25: {  	v4 =	vld [tilespmem:s28+$0x6410]  }
0x26: {  	v5 =	vld [tilespmem:s28+$0xA410]  }
0x27: {  	v6 =	vld [tilespmem:s28+$0x6420]  }
0x28: {  	v7 =	vld [tilespmem:s28+$0x6430];
	v0 =	vadd.f32 v1, v0  }
0x29: {  	v1 =	vld [tilespmem:s28+$0xA420]  }
0x2a: {  	v2 =	vadd.f32 v3, v2;
	[tilespmem:s28+$0x167B0] =	vst v0;
	v0 =	vld [tilespmem:s28+$0xA430]  }
0x2b: {  	v3 =	vld [tilespmem:s28+$0x6480]  }
0x2c: {  	[tilespmem:s28+$0x16400] =	vst v2;
	v2 =	vadd.f32 v5, v4;
	v4 =	vld [tilespmem:s28+$0xA480]  }
0x2d: {  	v5 =	vld [tilespmem:s28+$0xA490]  }
0x2e: {  	[tilespmem:s28+$0x16410] =	vst v2;
	v2 =	vld [tilespmem:s28+$0x6490];
	v1 =	vadd.f32 v1, v6  }
0x2f: {  	v6 =	vld [tilespmem:s28+$0xA4A0];
	v0 =	vadd.f32 v0, v7  }
0x30: {  	[tilespmem:s28+$0x16420] =	vst v1;
	v1 =	vld [tilespmem:s28+$0x64A0]  }
0x31: {  	[tilespmem:s28+$0x16430] =	vst v0;
	v0 =	vadd.f32 v4, v3;
	v3 =	vld [tilespmem:s28+$0x64B0]  }
0x32: {  	v4 =	vld [tilespmem:s28+$0xA4B0]  }
0x33: {  	[tilespmem:s28+$0x16480] =	vst v0;
	v0 =	vadd.f32 v5, v2;
	v2 =	vld [tilespmem:s28+$0x6500]  }
0x34: {  	v5 =	vld [tilespmem:s28+$0xA500]  }
0x35: {  	[tilespmem:s28+$0x16490] =	vst v0;
	v0 =	vadd.f32 v6, v1;
	v1 =	vld [tilespmem:s28+$0x6510]  }
0x36: {  	v6 =	vld [tilespmem:s28+$0xA510]  }
0x37: {  	[tilespmem:s28+$0x164A0] =	vst v0;
	v0 =	vadd.f32 v4, v3;
	v3 =	vld [tilespmem:s28+$0x6520]  }
0x38: {  	v4 =	vld [tilespmem:s28+$0xA520]  }
0x39: {  	[tilespmem:s28+$0x164B0] =	vst v0;
	v0 =	vadd.f32 v5, v2;
	v2 =	vld [tilespmem:s28+$0x6530]  }
0x3a: {  	v5 =	vld [tilespmem:s28+$0xA530]  }
0x3b: {  	[tilespmem:s28+$0x16500] =	vst v0;
	v0 =	vadd.f32 v6, v1;
	v1 =	vld [tilespmem:s28+$0x6580]  }
0x3c: {  	v6 =	vld [tilespmem:s28+$0xA580]  }
0x3d: {  	[tilespmem:s28+$0x16510] =	vst v0;
	v0 =	vadd.f32 v4, v3;
	v3 =	vld [tilespmem:s28+$0x6590]  }
0x3e: {  	v4 =	vld [tilespmem:s28+$0xA590]  }
0x3f: {  	[tilespmem:s28+$0x16520] =	vst v0;
	v0 =	vadd.f32 v5, v2;
	v2 =	vld [tilespmem:s28+$0x65A0]  }
0x40: {  	v5 =	vld [tilespmem:s28+$0xA5A0]  }
0x41: {  	[tilespmem:s28+$0x16530] =	vst v0;
	v0 =	vadd.f32 v6, v1;
	v1 =	vld [tilespmem:s28+$0x65B0]  }
0x42: {  	v6 =	vld [tilespmem:s28+$0xA5B0]  }
0x43: {  	[tilespmem:s28+$0x16580] =	vst v0;
	v0 =	vadd.f32 v4, v3;
	v3 =	vld [tilespmem:s28+$0x6600]  }
0x44: {  	v4 =	vld [tilespmem:s28+$0xA600]  }
0x45: {  	[tilespmem:s28+$0x16590] =	vst v0;
	v0 =	vadd.f32 v5, v2;
	v2 =	vld [tilespmem:s28+$0x6610]  }
0x46: {  	v5 =	vld [tilespmem:s28+$0xA610]  }
0x47: {  	[tilespmem:s28+$0x165A0] =	vst v0;
	v0 =	vadd.f32 v6, v1;
	v1 =	vld [tilespmem:s28+$0x6620]  }
0x48: {  	v6 =	vld [tilespmem:s28+$0xA620]  }
0x49: {  	[tilespmem:s28+$0x165B0] =	vst v0;
	v0 =	vadd.f32 v4, v3;
	v3 =	vld [tilespmem:s28+$0x6630]  }
0x4a: {  	v4 =	vld [tilespmem:s28+$0xA630]  }
0x4b: {  	[tilespmem:s28+$0x16600] =	vst v0;
	v0 =	vadd.f32 v5, v2;
	v2 =	vld [tilespmem:s28+$0x6680]  }
0x4c: {  	v5 =	vld [tilespmem:s28+$0xA680]  }
0x4d: {  	[tilespmem:s28+$0x16610] =	vst v0;
	v0 =	vadd.f32 v6, v1;
	v1 =	vld [tilespmem:s28+$0x6690]  }
0x4e: {  	v6 =	vld [tilespmem:s28+$0xA690]  }
0x4f: {  	[tilespmem:s28+$0x16620] =	vst v0;
	v0 =	vadd.f32 v4, v3;
	v3 =	vld [tilespmem:s28+$0x66A0]  }
0x50: {  	v4 =	vld [tilespmem:s28+$0xA6A0]  }
0x51: {  	[tilespmem:s28+$0x16630] =	vst v0;
	v0 =	vadd.f32 v5, v2;
	v2 =	vld [tilespmem:s28+$0x66B0]  }
0x52: {  	v5 =	vld [tilespmem:s28+$0xA6B0]  }
0x53: {  	[tilespmem:s28+$0x16680] =	vst v0;
	v0 =	vadd.f32 v6, v1;
	v1 =	vld [tilespmem:s28+$0x6700]  }
0x54: {  	v6 =	vld [tilespmem:s28+$0xA700]  }
0x55: {  	[tilespmem:s28+$0x16690] =	vst v0;
	v0 =	vadd.f32 v4, v3;
	v3 =	vld [tilespmem:s28+$0x6710]  }
0x56: {  	v4 =	vld [tilespmem:s28+$0xA710]  }
0x57: {  	[tilespmem:s28+$0x166A0] =	vst v0;
	v0 =	vadd.f32 v5, v2;
	v2 =	vld [tilespmem:s28+$0x6720]  }
0x58: {  	v5 =	vld [tilespmem:s28+$0xA720]  }
0x59: {  	[tilespmem:s28+$0x166B0] =	vst v0;
	v0 =	vadd.f32 v6, v1;
	v1 =	vld [tilespmem:s28+$0x6730]  }
0x5a: {  	v6 =	vld [tilespmem:s28+$0xA730]  }
0x5b: {  	v8 =	vld [tilespmem:s28+$0xA780]  }
0x5c: {  	v7 =	vld [tilespmem:s28+$0x6780];
	[tilespmem:s28+$0x16700] =	vst v0;
	v0 =	vadd.f32 v4, v3  }
0x5d: {  	v3 =	vld [tilespmem:s28+$0xA790]  }
0x5e: {  	[tilespmem:s28+$0x16710] =	vst v0;
	v0 =	vadd.f32 v5, v2;
	v2 =	vld [tilespmem:s28+$0x6790]  }
0x5f: {  	v4 =	vld [tilespmem:s28+$0xA7A0];
	v5 =	vadd.f32 v6, v1  }
0x60: {  	s30 =	simm.s32 $0x400;
	[tilespmem:s28+$0x16720] =	vst v0;
	v0 =	vld [tilespmem:s28+$0x67A0]  }
0x61: {  	s29 =	simm.s32 $0x2000;
	v1 =	vld [tilespmem:s30+$0x67B0];
	[tilespmem:s28+$0x16730] =	vst v5;
	v5 =	vadd.f32 v8, v7  }
.LBB2_2:
0x62: {  	p0 =	sne.s32 s29, $0xF000;
	v6 =	vld [tilespmem:s30+$0xA7B0]  }
0x63: {  	v7 =	vld [tilespmem:s30+$0x6400];
	[tilespmem:s28+$0x16780] =	vst v5;
	v2 =	vadd.f32 v3, v2  }
0x64: {  	v3 =	vld [tilespmem:s30+$0xA400]  }
0x65: {  	v5 =	vld [tilespmem:s30+$0x6410];
	[tilespmem:s28+$0x16790] =	vst v2;
	v0 =	vadd.f32 v4, v0  }
0x66: {  	v2 =	vld [tilespmem:s30+$0xA410]  }
0x67: {  	v4 =	vld [tilespmem:s30+$0x6420];
	v1 =	vadd.f32 v6, v1;
	[tilespmem:s28+$0x167A0] =	vst v0;
	s28 =	smov.u32 s30  }
0x68: {  	v0 =	vld [tilespmem:s28+$0xA420]  }
0x69: {  	v3 =	vadd.f32 v3, v7;
	v6 =	vld [tilespmem:s28+$0x6430];
	[tilespmem:s28+$0x167B0] =	vst v1  }
0x6a: {  	v1 =	vld [tilespmem:s28+$0xA430]  }
0x6b: {  	[tilespmem:s28+$0x16400] =	vst v3;
	v2 =	vadd.f32 v2, v5;
	v3 =	vld [tilespmem:s28+$0x6480]  }
0x6c: {  	v5 =	vld [tilespmem:s28+$0xA480]  }
0x6d: {  	[tilespmem:s28+$0x16410] =	vst v2;
	v0 =	vadd.f32 v0, v4;
	v2 =	vld [tilespmem:s28+$0x6490]  }
0x6e: {  	v4 =	vld [tilespmem:s28+$0xA490]  }
0x6f: {  	[tilespmem:s28+$0x16420] =	vst v0;
	v0 =	vadd.f32 v1, v6;
	v1 =	vld [tilespmem:s28+$0x64A0]  }
0x70: {  	v6 =	vld [tilespmem:s28+$0xA4A0]  }
0x71: {  	[tilespmem:s28+$0x16430] =	vst v0;
	v0 =	vadd.f32 v5, v3;
	v3 =	vld [tilespmem:s28+$0x64B0]  }
0x72: {  	v5 =	vld [tilespmem:s28+$0xA4B0]  }
0x73: {  	[tilespmem:s28+$0x16480] =	vst v0;
	v0 =	vadd.f32 v4, v2;
	v2 =	vld [tilespmem:s28+$0x6500]  }
0x74: {  	v4 =	vld [tilespmem:s28+$0xA500]  }
0x75: {  	[tilespmem:s28+$0x16490] =	vst v0;
	v0 =	vadd.f32 v6, v1;
	v1 =	vld [tilespmem:s28+$0x6510]  }
0x76: {  	v6 =	vld [tilespmem:s28+$0xA510]  }
0x77: {  	[tilespmem:s28+$0x164A0] =	vst v0;
	v0 =	vadd.f32 v5, v3;
	v3 =	vld [tilespmem:s28+$0x6520]  }
0x78: {  	v5 =	vld [tilespmem:s28+$0xA520]  }
0x79: {  	[tilespmem:s28+$0x164B0] =	vst v0;
	v0 =	vadd.f32 v4, v2;
	v2 =	vld [tilespmem:s28+$0x6530]  }
0x7a: {  	v4 =	vld [tilespmem:s28+$0xA530]  }
0x7b: {  	[tilespmem:s28+$0x16500] =	vst v0;
	v0 =	vadd.f32 v6, v1;
	v1 =	vld [tilespmem:s28+$0x6580]  }
0x7c: {  	v6 =	vld [tilespmem:s28+$0xA580]  }
0x7d: {  	[tilespmem:s28+$0x16510] =	vst v0;
	v0 =	vadd.f32 v5, v3;
	v3 =	vld [tilespmem:s28+$0x6590]  }
0x7e: {  	v5 =	vld [tilespmem:s28+$0xA590]  }
0x7f: {  	[tilespmem:s28+$0x16520] =	vst v0;
	v0 =	vadd.f32 v4, v2;
	v2 =	vld [tilespmem:s28+$0x65A0]  }
0x80: {  	v4 =	vld [tilespmem:s28+$0xA5A0]  }
0x81: {  	[tilespmem:s28+$0x16530] =	vst v0;
	v0 =	vadd.f32 v6, v1;
	v1 =	vld [tilespmem:s28+$0x65B0]  }
0x82: {  	v6 =	vld [tilespmem:s28+$0xA5B0]  }
0x83: {  	[tilespmem:s28+$0x16580] =	vst v0;
	v0 =	vadd.f32 v5, v3;
	v3 =	vld [tilespmem:s28+$0x6600]  }
0x84: {  	v5 =	vld [tilespmem:s28+$0xA600]  }
0x85: {  	[tilespmem:s28+$0x16590] =	vst v0;
	v0 =	vadd.f32 v4, v2;
	v2 =	vld [tilespmem:s28+$0x6610]  }
0x86: {  	v4 =	vld [tilespmem:s28+$0xA610]  }
0x87: {  	[tilespmem:s28+$0x165A0] =	vst v0;
	v0 =	vadd.f32 v6, v1;
	v1 =	vld [tilespmem:s28+$0x6620]  }
0x88: {  	v6 =	vld [tilespmem:s28+$0xA620]  }
0x89: {  	[tilespmem:s28+$0x165B0] =	vst v0;
	v0 =	vadd.f32 v5, v3;
	v3 =	vld [tilespmem:s28+$0x6630]  }
0x8a: {  	v5 =	vld [tilespmem:s28+$0xA630]  }
0x8b: {  	[tilespmem:s28+$0x16600] =	vst v0;
	v0 =	vadd.f32 v4, v2;
	v2 =	vld [tilespmem:s28+$0x6680]  }
0x8c: {  	v4 =	vld [tilespmem:s28+$0xA680]  }
0x8d: {  	[tilespmem:s28+$0x16610] =	vst v0;
	v0 =	vadd.f32 v6, v1;
	v1 =	vld [tilespmem:s28+$0x6690]  }
0x8e: {  	v6 =	vld [tilespmem:s28+$0xA690]  }
0x8f: {  	[tilespmem:s28+$0x16620] =	vst v0;
	v0 =	vadd.f32 v5, v3;
	v3 =	vld [tilespmem:s28+$0x66A0]  }
0x90: {  	v5 =	vld [tilespmem:s28+$0xA6A0]  }
0x91: {  	[tilespmem:s28+$0x16630] =	vst v0;
	v0 =	vadd.f32 v4, v2;
	v2 =	vld [tilespmem:s28+$0x66B0]  }
0x92: {  	v4 =	vld [tilespmem:s28+$0xA6B0]  }
0x93: {  	[tilespmem:s28+$0x16680] =	vst v0;
	v0 =	vadd.f32 v6, v1;
	v1 =	vld [tilespmem:s28+$0x6700]  }
0x94: {  	v6 =	vld [tilespmem:s28+$0xA700]  }
0x95: {  	[tilespmem:s28+$0x16690] =	vst v0;
	v0 =	vadd.f32 v5, v3;
	v3 =	vld [tilespmem:s28+$0x6710]  }
0x96: {  	v5 =	vld [tilespmem:s28+$0xA710]  }
0x97: {  	[tilespmem:s28+$0x166A0] =	vst v0;
	v0 =	vadd.f32 v4, v2;
	v2 =	vld [tilespmem:s28+$0x6720]  }
0x98: {  	v4 =	vld [tilespmem:s28+$0xA720]  }
0x99: {  	[tilespmem:s28+$0x166B0] =	vst v0;
	v0 =	vadd.f32 v6, v1;
	v1 =	vld [tilespmem:s28+$0x6730]  }
0x9a: {  	v6 =	vld [tilespmem:s28+$0xA730]  }
0x9b: {  	[tilespmem:s28+$0x16700] =	vst v0;
	v0 =	vadd.f32 v5, v3;
	v5 =	vld [tilespmem:s28+$0x6780]  }
0x9c: {  	v7 =	vld [tilespmem:s28+$0xA780]  }
.Ltmp0:
0x9d: {  	[tilespmem:s28+$0x16710] =	vst v0;
	v0 =	vadd.f32 v4, v2;
	v2 =	vld [tilespmem:s28+$0x6790];
	(pc) =	sbr.rel @p0 .LBB2_2-.Ltmp0, $4  }
0x9e: {  	v3 =	vld [tilespmem:s28+$0xA790]  }
0x9f: {  	[tilespmem:s28+$0x16720] =	vst v0;
	v6 =	vadd.f32 v6, v1;
	v0 =	vld [tilespmem:s28+$0x67A0]  }
0xa0: {  	s30 =	sshra.s32 s29, $0x2;
	v4 =	vld [tilespmem:s28+$0xA7A0]  }
0xa1: {  	s29 =	sadd.s32 $0x1000, s29;
	v1 =	vld [tilespmem:s30+$0x67B0];
	[tilespmem:s28+$0x16730] =	vst v6;
	v5 =	vadd.f32 v7, v5  }
0xa2: {  	v6 =	vld [tilespmem:s30+$0xA7B0]  }
0xa3: {  	v7 =	vld [tilespmem:s30+$0x6400];
	[tilespmem:s28+$0x16780] =	vst v5;
	v2 =	vadd.f32 v3, v2  }
0xa4: {  	v3 =	vld [tilespmem:s30+$0xA400]  }
0xa5: {  	v5 =	vld [tilespmem:s30+$0x6410];
	[tilespmem:s28+$0x16790] =	vst v2;
	v0 =	vadd.f32 v4, v0  }
0xa6: {  	v2 =	vld [tilespmem:s30+$0xA410]  }
0xa7: {  	v4 =	vld [tilespmem:s30+$0x6420];
	[tilespmem:s28+$0x167A0] =	vst v0  }
0xa8: {  	v0 =	vadd.f32 v6, v1;
	v1 =	vld [tilespmem:s30+$0xA420]  }
0xa9: {  	v6 =	vld [tilespmem:s30+$0x6430]  }
0xaa: {  	v3 =	vadd.f32 v3, v7;
	[tilespmem:s30+$0x167B0] =	vst v0;
	v0 =	vld [tilespmem:s30+$0xA430]  }
0xab: {  	v7 =	vld [tilespmem:s30+$0xA7A0]  }
0xac: {  	[tilespmem:s30+$0x16400] =	vst v3;
	v2 =	vadd.f32 v2, v5;
	v3 =	vld [tilespmem:s30+$0x6480]  }
0xad: {  	v5 =	vld [tilespmem:s30+$0xA480]  }
0xae: {  	[tilespmem:s30+$0x16410] =	vst v2;
	v2 =	vld [tilespmem:s30+$0x6490]  }
0xaf: {  	v1 =	vadd.f32 v1, v4;
	v4 =	vld [tilespmem:s30+$0xA490]  }
0xb0: {  	v0 =	vadd.f32 v0, v6;
	v6 =	vld [tilespmem:s30+$0xA4A0]  }
0xb1: {  	[tilespmem:s30+$0x16420] =	vst v1;
	v1 =	vld [tilespmem:s30+$0x64A0]  }
0xb2: {  	[tilespmem:s30+$0x16430] =	vst v0;
	v0 =	vadd.f32 v5, v3;
	v3 =	vld [tilespmem:s30+$0x64B0]  }
0xb3: {  	v5 =	vld [tilespmem:s30+$0xA4B0]  }
0xb4: {  	[tilespmem:s30+$0x16480] =	vst v0;
	v0 =	vadd.f32 v4, v2;
	v2 =	vld [tilespmem:s30+$0x6500]  }
0xb5: {  	v4 =	vld [tilespmem:s30+$0xA500]  }
0xb6: {  	[tilespmem:s30+$0x16490] =	vst v0;
	v0 =	vadd.f32 v6, v1;
	v1 =	vld [tilespmem:s30+$0x6510]  }
0xb7: {  	v6 =	vld [tilespmem:s30+$0xA510]  }
0xb8: {  	[tilespmem:s30+$0x164A0] =	vst v0;
	v0 =	vadd.f32 v5, v3;
	v3 =	vld [tilespmem:s30+$0x6520]  }
0xb9: {  	v5 =	vld [tilespmem:s30+$0xA520]  }
0xba: {  	[tilespmem:s30+$0x164B0] =	vst v0;
	v0 =	vadd.f32 v4, v2;
	v2 =	vld [tilespmem:s30+$0x6530]  }
0xbb: {  	v4 =	vld [tilespmem:s30+$0xA530]  }
0xbc: {  	[tilespmem:s30+$0x16500] =	vst v0;
	v0 =	vadd.f32 v6, v1;
	v1 =	vld [tilespmem:s30+$0x6580]  }
0xbd: {  	v6 =	vld [tilespmem:s30+$0xA580]  }
0xbe: {  	[tilespmem:s30+$0x16510] =	vst v0;
	v0 =	vadd.f32 v5, v3;
	v3 =	vld [tilespmem:s30+$0x6590]  }
0xbf: {  	v5 =	vld [tilespmem:s30+$0xA590]  }
0xc0: {  	[tilespmem:s30+$0x16520] =	vst v0;
	v0 =	vadd.f32 v4, v2;
	v2 =	vld [tilespmem:s30+$0x65A0]  }
0xc1: {  	v4 =	vld [tilespmem:s30+$0xA5A0]  }
0xc2: {  	[tilespmem:s30+$0x16530] =	vst v0;
	v0 =	vadd.f32 v6, v1;
	v1 =	vld [tilespmem:s30+$0x65B0]  }
0xc3: {  	v6 =	vld [tilespmem:s30+$0xA5B0]  }
0xc4: {  	[tilespmem:s30+$0x16580] =	vst v0;
	v0 =	vadd.f32 v5, v3;
	v3 =	vld [tilespmem:s30+$0x6600]  }
0xc5: {  	v5 =	vld [tilespmem:s30+$0xA600]  }
0xc6: {  	[tilespmem:s30+$0x16590] =	vst v0;
	v0 =	vadd.f32 v4, v2;
	v2 =	vld [tilespmem:s30+$0x6610]  }
0xc7: {  	v4 =	vld [tilespmem:s30+$0xA610]  }
0xc8: {  	[tilespmem:s30+$0x165A0] =	vst v0;
	v0 =	vadd.f32 v6, v1;
	v1 =	vld [tilespmem:s30+$0x6620]  }
0xc9: {  	v6 =	vld [tilespmem:s30+$0xA620]  }
0xca: {  	[tilespmem:s30+$0x165B0] =	vst v0;
	v0 =	vadd.f32 v5, v3;
	v3 =	vld [tilespmem:s30+$0x6630]  }
0xcb: {  	v5 =	vld [tilespmem:s30+$0xA630]  }
0xcc: {  	[tilespmem:s30+$0x16600] =	vst v0;
	v0 =	vadd.f32 v4, v2;
	v2 =	vld [tilespmem:s30+$0x6680]  }
0xcd: {  	v4 =	vld [tilespmem:s30+$0xA680]  }
0xce: {  	[tilespmem:s30+$0x16610] =	vst v0;
	v0 =	vadd.f32 v6, v1;
	v1 =	vld [tilespmem:s30+$0x6690]  }
0xcf: {  	v6 =	vld [tilespmem:s30+$0xA690]  }
0xd0: {  	[tilespmem:s30+$0x16620] =	vst v0;
	v0 =	vadd.f32 v5, v3;
	v3 =	vld [tilespmem:s30+$0x66A0]  }
0xd1: {  	v5 =	vld [tilespmem:s30+$0xA6A0]  }
0xd2: {  	[tilespmem:s30+$0x16630] =	vst v0;
	v0 =	vadd.f32 v4, v2;
	v2 =	vld [tilespmem:s30+$0x66B0]  }
0xd3: {  	v4 =	vld [tilespmem:s30+$0xA6B0]  }
0xd4: {  	[tilespmem:s30+$0x16680] =	vst v0;
	v0 =	vadd.f32 v6, v1;
	v1 =	vld [tilespmem:s30+$0x6700]  }
0xd5: {  	v6 =	vld [tilespmem:s30+$0xA700]  }
0xd6: {  	[tilespmem:s30+$0x16690] =	vst v0;
	v0 =	vadd.f32 v5, v3;
	v3 =	vld [tilespmem:s30+$0x6710]  }
0xd7: {  	v5 =	vld [tilespmem:s30+$0xA710]  }
0xd8: {  	[tilespmem:s30+$0x166A0] =	vst v0;
	v0 =	vadd.f32 v4, v2;
	v2 =	vld [tilespmem:s30+$0x6720]  }
0xd9: {  	v4 =	vld [tilespmem:s30+$0xA720]  }
0xda: {  	[tilespmem:s30+$0x166B0] =	vst v0;
	v0 =	vadd.f32 v6, v1;
	v1 =	vld [tilespmem:s30+$0x6730]  }
0xdb: {  	v6 =	vld [tilespmem:s30+$0xA730]  }
0xdc: {  	[tilespmem:s30+$0x16700] =	vst v0;
	v0 =	vadd.f32 v5, v3;
	v3 =	vld [tilespmem:s30+$0x6780]  }
0xdd: {  	v5 =	vld [tilespmem:s30+$0xA780]  }
0xde: {  	[tilespmem:s30+$0x16710] =	vst v0;
	v0 =	vadd.f32 v4, v2;
	v2 =	vld [tilespmem:s30+$0x6790]  }
0xdf: {  	v4 =	vld [tilespmem:s30+$0xA790]  }
0xe0: {  	[tilespmem:s30+$0x16720] =	vst v0;
	v0 =	vld [tilespmem:s30+$0x67A0];
	_ =	sdelay $0x1  }
0xe1: {  	v1 =	vadd.f32 v6, v1  }
0xe2: {  	v3 =	vadd.f32 v5, v3  }
0xe3: {  	[tilespmem:s30+$0x16730] =	vst v1;
	v1 =	vadd.f32 v4, v2  }
0xe4: {  	[tilespmem:s30+$0x16780] =	vst v3;
	v0 =	vadd.f32 v7, v0  }
0xe5: {  	[tilespmem:s30+$0x16790] =	vst v1  }
0xe6: {  	[tilespmem:s30+$0x167A0] =	vst v0  }
0xe7: {  	[tilespmem:s11], [sflag:$0x1] =	stream.indirect.gather [hbm4b:s3+s10], $0x80, s19, s10, $0xb8;
	[tilespmem:$0x1A400] =	vst v63  }
0xe8: {  	_ = 	snop  }
0xe9: {  	[tilespmem:s12], [sflag:$0x2] =	stream.indirect.gather [hbm4b:s3+s10], $0x80, s20, s10, $0xb8;
	[tilespmem:$0x1A400] =	vst v63  }
0xea: {  	_ =	swait.ge [sflag:s21], $0x4000  }
0xeb: {  	[sflag:s21] =	ssyncset.done $0x0  }
0xec: {  	[sflag:s21] =	ssyncadd.s32 $0xFFFFC000  }
0xed: {  	_ =	swait.ge [sflag:s22], $0x4000  }
0xee: {  	[sflag:s22] =	ssyncset.done $0x0  }
0xef: {  	s28 =	simm.s32 $0x0;
	[sflag:s22] =	ssyncadd.s32 $0xFFFFC000  }
0xf0: {  	v16 =	vld [tilespmem:s28+$0x12400]  }
0xf1: {  	v17 =	vld [tilespmem:s28+$0x12410]  }
0xf2: {  	v18 =	vld [tilespmem:s28+$0x12420]  }
0xf3: {  	v19 =	vld [tilespmem:s28+$0x12430]  }
0xf4: {  	v20 =	vld [tilespmem:s28+$0x12480]  }
0xf5: {  	v0 =	vld [tilespmem:s28+$0x12490]  }
0xf6: {  	v22 =	vld [tilespmem:s28+$0x124A0]  }
0xf7: {  	v23 =	vld [tilespmem:s28+$0x124B0]  }
0xf8: {  	v24 =	vld [tilespmem:s28+$0x12500]  }
0xf9: {  	v25 =	vld [tilespmem:s28+$0x12510]  }
0xfa: {  	v26 =	vld [tilespmem:s28+$0x12520]  }
0xfb: {  	v27 =	vld [tilespmem:s28+$0x12530]  }
0xfc: {  	v28 =	vld [tilespmem:s28+$0x12580]  }
0xfd: {  	v29 =	vld [tilespmem:s28+$0x12590]  }
0xfe: {  	v30 =	vld [tilespmem:s28+$0x125A0]  }
0xff: {  	v31 =	vld [tilespmem:s28+$0x125B0]  }
0x100: {  	v32 =	vld [tilespmem:s28+$0x12600]  }
0x101: {  	v33 =	vld [tilespmem:s28+$0x12610]  }
0x102: {  	v34 =	vld [tilespmem:s28+$0x12620]  }
0x103: {  	v35 =	vld [tilespmem:s28+$0x12630]  }
0x104: {  	v1 =	vld [tilespmem:s28+$0x12680]  }
0x105: {  	v5 =	vld [tilespmem:s28+$0x12700]  }
0x106: {  	v4 =	vld [tilespmem:s28+$0x12710]  }
0x107: {  	v3 =	vld [tilespmem:s28+$0x12720]  }
0x108: {  	v2 =	vld [tilespmem:s28+$0x12730]  }
0x109: {  	v21 =	vld [tilespmem:s28+$0x12790]  }
0x10a: {  	v36 =	vld [tilespmem:s28+$0xE400]  }
0x10b: {  	v37 =	vld [tilespmem:s28+$0xE410]  }
0x10c: {  	v38 =	vld [tilespmem:s28+$0xE420]  }
0x10d: {  	v39 =	vld [tilespmem:s28+$0xE430]  }
0x10e: {  	v40 =	vld [tilespmem:s28+$0xE480]  }
0x10f: {  	v41 =	vld [tilespmem:s28+$0xE490]  }
0x110: {  	v42 =	vld [tilespmem:s28+$0xE4A0]  }
0x111: {  	v43 =	vld [tilespmem:s28+$0xE4B0]  }
0x112: {  	v44 =	vld [tilespmem:s28+$0xE500]  }
0x113: {  	v45 =	vld [tilespmem:s28+$0xE510]  }
0x114: {  	v46 =	vld [tilespmem:s28+$0xE520]  }
0x115: {  	v47 =	vld [tilespmem:s28+$0xE530]  }
0x116: {  	v48 =	vld [tilespmem:s28+$0xE580]  }
0x117: {  	v49 =	vld [tilespmem:s28+$0xE590]  }
0x118: {  	v50 =	vld [tilespmem:s28+$0xE5A0]  }
0x119: {  	v51 =	vld [tilespmem:s28+$0xE5B0]  }
0x11a: {  	v52 =	vld [tilespmem:s28+$0xE600]  }
0x11b: {  	v53 =	vld [tilespmem:s28+$0xE610]  }
0x11c: {  	v54 =	vld [tilespmem:s28+$0xE620]  }
0x11d: {  	v55 =	vld [tilespmem:s28+$0xE630]  }
0x11e: {  	v56 =	vld [tilespmem:s28+$0xE680]  }
0x11f: {  	v57 =	vld [tilespmem:s28+$0xE690]  }
0x120: {  	v58 =	vld [tilespmem:s28+$0xE6A0]  }
0x121: {  	v59 =	vld [tilespmem:s28+$0xE6B0]  }
0x122: {  	v60 =	vld [tilespmem:s28+$0xE700]  }
0x123: {  	v61 =	vld [tilespmem:s28+$0xE710]  }
0x124: {  	v11 =	vld [tilespmem:s28+$0xE720]  }
0x125: {  	v10 =	vld [tilespmem:s28+$0xE730]  }
0x126: {  	v9 =	vld [tilespmem:s28+$0xE780]  }
0x127: {  	v8 =	vld [tilespmem:s28+$0xE790]  }
0x128: {  	v7 =	vld [tilespmem:s28+$0xE7A0]  }
0x129: {  	v62 =	vld [tilespmem:s28+$0x16400]  }
0x12a: {  	v63 =	vld [tilespmem:s28+$0x16410]  }
0x12b: {  	v12 =	vld [tilespmem:s28+$0x16420]  }
0x12c: {  	v13 =	vld [tilespmem:s28+$0x16430]  }
0x12d: {  	[tilespmem:$0x1FFC0] =	vst v1;
	v1 =	vld [tilespmem:s28+$0x12690]  }
0x12e: {  	v14 =	vld [tilespmem:s28+$0x16480]  }
0x12f: {  	v15 =	vld [tilespmem:s28+$0x164A0]  }
0x130: {  	v36 =	vadd.f32 v36, v62;
	v62 =	vld [tilespmem:s28+$0x16490]  }
0x131: {  	v37 =	vadd.f32 v37, v63;
	v63 =	vld [tilespmem:s28+$0x16500]  }
0x132: {  	v12 =	vadd.f32 v38, v12;
	v16 =	vadd.f32 v16, v36;
	[tilespmem:$0x1FFD0] =	vst v1;
	v1 =	vld [tilespmem:s28+$0x126A0]  }
0x133: {  	v36 =	vld [tilespmem:s28+$0x164B0];
	v17 =	vadd.f32 v17, v37  }
0x134: {  	v13 =	vadd.f32 v39, v13;
	v12 =	vadd.f32 v18, v12;
	[tilespmem:s28+$0x16400] =	vst v16;
	v16 =	vld [tilespmem:s28+$0x16510]  }
0x135: {  	v14 =	vadd.f32 v40, v14;
	[tilespmem:s28+$0x16410] =	vst v17;
	v17 =	vld [tilespmem:s28+$0x16520]  }
0x136: {  	v15 =	vadd.f32 v42, v15;
	v13 =	vadd.f32 v19, v13;
	[tilespmem:s28+$0x16420] =	vst v12;
	v12 =	vld [tilespmem:s28+$0x16530]  }
0x137: {  	v14 =	vadd.f32 v20, v14;
	v18 =	vadd.f32 v41, v62;
	[tilespmem:$0x1FFE0] =	vst v1;
	v1 =	vld [tilespmem:s28+$0x126B0]  }
0x138: {  	v15 =	vadd.f32 v22, v15;
	[tilespmem:s28+$0x16430] =	vst v13;
	v13 =	vld [tilespmem:s28+$0x16580]  }
0x139: {  	[tilespmem:s28+$0x16480] =	vst v14;
	v14 =	vld [tilespmem:s28+$0x16590];
	v18 =	vadd.f32 v0, v18  }
0x13a: {  	[tilespmem:s28+$0x164A0] =	vst v15;
	v15 =	vld [tilespmem:s28+$0x165B0];
	v20 =	vadd.f32 v44, v63  }
0x13b: {  	[tilespmem:s28+$0x16490] =	vst v18;
	v18 =	vld [tilespmem:s28+$0x165A0];
	v12 =	vadd.f32 v47, v12  }
0x13c: {  	v19 =	vadd.f32 v43, v36;
	v20 =	vadd.f32 v24, v20;
	[tilespmem:$0x1FFF0] =	vst v1;
	v1 =	vld [tilespmem:s28+$0x12780]  }
0x13d: {  	v0 =	vld [tilespmem:s28+$0x16700];
	v12 =	vadd.f32 v27, v12  }
0x13e: {  	v19 =	vadd.f32 v23, v19;
	v16 =	vadd.f32 v45, v16;
	[tilespmem:s28+$0x16500] =	vst v20;
	v20 =	vld [tilespmem:s28+$0x16610]  }
0x13f: {  	v17 =	vadd.f32 v46, v17;
	[tilespmem:s28+$0x16530] =	vst v12;
	v12 =	vld [tilespmem:s28+$0x16680]  }
0x140: {  	v13 =	vadd.f32 v48, v13;
	[tilespmem:s28+$0x164B0] =	vst v19;
	v19 =	vld [tilespmem:s28+$0x16600];
	v16 =	vadd.f32 v25, v16  }
0x141: {  	v17 =	vadd.f32 v26, v17;
	v18 =	vadd.f32 v50, v18;
	[tilespmem:$0x1FFB0] =	vst v1;
	v1 =	vld [tilespmem:$0x1FFC0]  }
0x142: {  	v13 =	vadd.f32 v28, v13;
	[tilespmem:s28+$0x16510] =	vst v16;
	v16 =	vld [tilespmem:s28+$0x16620]  }
0x143: {  	v15 =	vadd.f32 v51, v15;
	[tilespmem:s28+$0x16520] =	vst v17;
	v17 =	vld [tilespmem:s28+$0x16630];
	v18 =	vadd.f32 v30, v18  }
0x144: {  	v14 =	vadd.f32 v49, v14;
	[tilespmem:s28+$0x16580] =	vst v13;
	v13 =	vld [tilespmem:s28+$0x16690];
	v12 =	vadd.f32 v56, v12  }
0x145: {  	v15 =	vadd.f32 v31, v15;
	v19 =	vadd.f32 v52, v19;
	[tilespmem:s28+$0x165A0] =	vst v18;
	v18 =	vld [tilespmem:s28+$0x166B0]  }
0x146: {  	v20 =	vadd.f32 v53, v20;
	v12 =	vadd.f32 v1, v12;
	v1 =	vld [tilespmem:$0x1FFD0]  }
0x147: {  	v6 =	vld [tilespmem:s28+$0xE7B0];
	v14 =	vadd.f32 v29, v14;
	v19 =	vadd.f32 v32, v19  }
0x148: {  	v22 =	vld [tilespmem:s28+$0x16710];
	[tilespmem:s28+$0x165B0] =	vst v15;
	v15 =	vadd.f32 v54, v16;
	v16 =	vadd.f32 v33, v20  }
0x149: {  	[tilespmem:s28+$0x16590] =	vst v14;
	v14 =	vld [tilespmem:s28+$0x166A0];
	v17 =	vadd.f32 v55, v17;
	v13 =	vadd.f32 v57, v13  }
0x14a: {  	[tilespmem:s28+$0x16680] =	vst v12;
	v12 =	vadd.f32 v59, v18;
	v18 =	vadd.f32 v60, v0;
	v0 =	vld [tilespmem:$0x1FFF0]  }
0x14b: {  	[tilespmem:s28+$0x16600] =	vst v19;
	v15 =	vadd.f32 v34, v15;
	v13 =	vadd.f32 v1, v13;
	v1 =	vld [tilespmem:$0x1FFE0]  }
0x14c: {  	[tilespmem:s28+$0x16610] =	vst v16;
	v16 =	vld [tilespmem:s28+$0x16720];
	v19 =	vadd.f32 v35, v17  }
0x14d: {  	v17 =	vld [tilespmem:s28+$0x16730];
	[tilespmem:s28+$0x16620] =	vst v15  }
0x14e: {  	[tilespmem:s28+$0x16630] =	vst v19;
	v15 =	vld [tilespmem:s28+$0x16780];
	v19 =	vadd.f32 v58, v14  }
0x14f: {  	v14 =	vld [tilespmem:s28+$0x16790];
	v20 =	vadd.f32 v0, v12  }
0x150: {  	s29 =	simm.s32 $0x1000;
	[tilespmem:s28+$0x16690] =	vst v13;
	v13 =	vadd.f32 v61, v22;
	v12 =	vld [tilespmem:s28+$0x167A0];
	v19 =	vadd.f32 v1, v19  }
.LBB2_4:
0x151: {  	v0 =	vld [tilespmem:$0x1FFB0]  }
0x152: {  	[tilespmem:s28+$0x166A0] =	vst v19;
	v5 =	vadd.f32 v5, v18;
	v11 =	vadd.f32 v11, v16;
	v16 =	vld [tilespmem:s28+$0x167B0]  }
0x153: {  	[tilespmem:s28+$0x166B0] =	vst v20;
	v4 =	vadd.f32 v4, v13;
	v10 =	vadd.f32 v10, v17;
	v13 =	vld [tilespmem:s28+$0x127A0]  }
0x154: {  	s30 =	sshra.s32 s29, $0x2;
	[tilespmem:s28+$0x16700] =	vst v5;
	v3 =	vadd.f32 v3, v11;
	v5 =	vadd.f32 v9, v15;
	v9 =	vld [tilespmem:s28+$0x127B0]  }
0x155: {  	v2 =	vadd.f32 v2, v10;
	v31 =	vld [tilespmem:s30+$0x12400];
	[tilespmem:s28+$0x16710] =	vst v4;
	v4 =	vadd.f32 v8, v14  }
0x156: {  	v33 =	vld [tilespmem:s30+$0x12410];
	[tilespmem:s28+$0x16720] =	vst v3;
	v1 =	vadd.f32 v0, v5;
	v3 =	vadd.f32 v7, v12  }
0x157: {  	v34 =	vld [tilespmem:s30+$0x12420];
	[tilespmem:s28+$0x16730] =	vst v2;
	v0 =	vadd.f32 v21, v4;
	v2 =	vadd.f32 v6, v16  }
0x158: {  	v35 =	vld [tilespmem:s30+$0x12430];
	[tilespmem:s28+$0x16780] =	vst v1;
	v1 =	vadd.f32 v13, v3  }
0x159: {  	v32 =	vld [tilespmem:s30+$0x12480];
	[tilespmem:s28+$0x16790] =	vst v0;
	v0 =	vadd.f32 v9, v2  }
0x15a: {  	v30 =	vld [tilespmem:s30+$0x12490];
	[tilespmem:s28+$0x167A0] =	vst v1  }
0x15b: {  	v29 =	vld [tilespmem:s30+$0x124A0];
	[tilespmem:s28+$0x167B0] =	vst v0;
	s28 =	smov.u32 s30  }
0x15c: {  	v28 =	vld [tilespmem:s28+$0x124B0]  }
0x15d: {  	v27 =	vld [tilespmem:s28+$0x12500]  }
0x15e: {  	v26 =	vld [tilespmem:s28+$0x12510]  }
0x15f: {  	v25 =	vld [tilespmem:s28+$0x12520]  }
0x160: {  	v24 =	vld [tilespmem:s28+$0x12530]  }
0x161: {  	v23 =	vld [tilespmem:s28+$0x12580]  }
0x162: {  	v22 =	vld [tilespmem:s28+$0x12590]  }
0x163: {  	v12 =	vld [tilespmem:s28+$0x125A0]  }
0x164: {  	v20 =	vld [tilespmem:s28+$0x125B0]  }
0x165: {  	v19 =	vld [tilespmem:s28+$0x12600]  }
0x166: {  	v18 =	vld [tilespmem:s28+$0x12610]  }
0x167: {  	v17 =	vld [tilespmem:s28+$0x12620]  }
0x168: {  	v16 =	vld [tilespmem:s28+$0x12630]  }
0x169: {  	v15 =	vld [tilespmem:s28+$0x12680]  }
0x16a: {  	v14 =	vld [tilespmem:s28+$0x12690]  }
0x16b: {  	v0 =	vld [tilespmem:s28+$0x126A0]  }
0x16c: {  	v5 =	vld [tilespmem:s28+$0x12700]  }
0x16d: {  	v4 =	vld [tilespmem:s28+$0x12710]  }
0x16e: {  	v3 =	vld [tilespmem:s28+$0x12720]  }
0x16f: {  	v2 =	vld [tilespmem:s28+$0x12730]  }
0x170: {  	v13 =	vld [tilespmem:s28+$0x12790]  }
0x171: {  	v42 =	vld [tilespmem:s28+$0xE400]  }
0x172: {  	v43 =	vld [tilespmem:s28+$0xE410]  }
0x173: {  	v44 =	vld [tilespmem:s28+$0xE420]  }
0x174: {  	v45 =	vld [tilespmem:s28+$0xE430]  }
0x175: {  	v46 =	vld [tilespmem:s28+$0xE480]  }
0x176: {  	v47 =	vld [tilespmem:s28+$0xE490]  }
0x177: {  	v48 =	vld [tilespmem:s28+$0xE4A0]  }
0x178: {  	v49 =	vld [tilespmem:s28+$0xE4B0]  }
0x179: {  	v50 =	vld [tilespmem:s28+$0xE500]  }
0x17a: {  	v51 =	vld [tilespmem:s28+$0xE510]  }
0x17b: {  	v52 =	vld [tilespmem:s28+$0xE520]  }
0x17c: {  	v53 =	vld [tilespmem:s28+$0xE530]  }
0x17d: {  	v54 =	vld [tilespmem:s28+$0xE580]  }
0x17e: {  	v55 =	vld [tilespmem:s28+$0xE590]  }
0x17f: {  	v56 =	vld [tilespmem:s28+$0xE5A0]  }
0x180: {  	v57 =	vld [tilespmem:s28+$0xE5B0]  }
0x181: {  	v58 =	vld [tilespmem:s28+$0xE600]  }
0x182: {  	v59 =	vld [tilespmem:s28+$0xE610]  }
0x183: {  	v60 =	vld [tilespmem:s28+$0xE620]  }
0x184: {  	[tilespmem:$0x1FF90] =	vst v0;
	v0 =	vld [tilespmem:s28+$0x126B0]  }
0x185: {  	v61 =	vld [tilespmem:s28+$0xE630]  }
0x186: {  	v41 =	vld [tilespmem:s28+$0xE680]  }
0x187: {  	v40 =	vld [tilespmem:s28+$0xE690]  }
0x188: {  	v39 =	vld [tilespmem:s28+$0xE6A0]  }
0x189: {  	[tilespmem:$0x1FFA0] =	vst v0;
	v0 =	vld [tilespmem:s28+$0x12780]  }
0x18a: {  	v38 =	vld [tilespmem:s28+$0xE6B0]  }
0x18b: {  	v37 =	vld [tilespmem:s28+$0xE700]  }
0x18c: {  	v62 =	vld [tilespmem:s28+$0x16400]  }
0x18d: {  	v63 =	vld [tilespmem:s28+$0x16410]  }
0x18e: {  	[tilespmem:$0x1FFB0] =	vst v0;
	v0 =	vld [tilespmem:s28+$0x16420]  }
0x18f: {  	v1 =	vld [tilespmem:s28+$0x16430]  }
0x190: {  	v21 =	vld [tilespmem:s28+$0x16480]  }
0x191: {  	v36 =	vld [tilespmem:s28+$0xE710]  }
0x192: {  	v43 =	vadd.f32 v43, v63;
	v63 =	vld [tilespmem:s28+$0x164A0]  }
0x193: {  	v42 =	vadd.f32 v42, v62;
	v62 =	vld [tilespmem:s28+$0x16490];
	v0 =	vadd.f32 v44, v0  }
0x194: {  	v1 =	vadd.f32 v45, v1;
	v33 =	vadd.f32 v33, v43;
	v43 =	vld [tilespmem:s28+$0x16500]  }
0x195: {  	v21 =	vadd.f32 v46, v21;
	v45 =	vld [tilespmem:s28+$0x16530];
	v0 =	vadd.f32 v34, v0  }
0x196: {  	v31 =	vadd.f32 v31, v42;
	v44 =	vld [tilespmem:s28+$0x16520]  }
0x197: {  	v42 =	vld [tilespmem:s28+$0x164B0];
	[tilespmem:s28+$0x16420] =	vst v0;
	v0 =	vadd.f32 v32, v21;
	v21 =	vadd.f32 v48, v63  }
0x198: {  	v1 =	vadd.f32 v35, v1;
	[tilespmem:s28+$0x16400] =	vst v31;
	v62 =	vadd.f32 v47, v62;
	v47 =	vld [tilespmem:s28+$0x16580]  }
0x199: {  	v31 =	vld [tilespmem:s28+$0x16510];
	[tilespmem:s28+$0x16480] =	vst v0;
	v0 =	vadd.f32 v29, v21;
	v21 =	vadd.f32 v50, v43  }
0x19a: {  	[tilespmem:s28+$0x16430] =	vst v1;
	v1 =	vadd.f32 v30, v62;
	v50 =	vld [tilespmem:s28+$0x165A0]  }
0x19b: {  	v11 =	vld [tilespmem:s28+$0xE720];
	[tilespmem:s28+$0x164A0] =	vst v0;
	v0 =	vadd.f32 v27, v21;
	v21 =	vadd.f32 v52, v44  }
0x19c: {  	v46 =	vadd.f32 v49, v42;
	v52 =	vadd.f32 v53, v45;
	v53 =	vld [tilespmem:s28+$0x16600]  }
0x19d: {  	v48 =	vld [tilespmem:s28+$0x16590];
	[tilespmem:s28+$0x16500] =	vst v0;
	v0 =	vadd.f32 v25, v21;
	v21 =	vadd.f32 v54, v47  }
0x19e: {  	v62 =	vld [tilespmem:s28+$0x16620];
	[tilespmem:s28+$0x16490] =	vst v1;
	v1 =	vadd.f32 v28, v46;
	v49 =	vadd.f32 v51, v31  }
0x19f: {  	v51 =	vld [tilespmem:s28+$0x165B0];
	[tilespmem:s28+$0x16520] =	vst v0;
	v0 =	vadd.f32 v23, v21;
	v21 =	vadd.f32 v56, v50  }
0x1a0: {  	[tilespmem:s28+$0x164B0] =	vst v1;
	v1 =	vadd.f32 v26, v49;
	v63 =	vld [tilespmem:s28+$0x16680]  }
0x1a1: {  	v10 =	vld [tilespmem:s28+$0xE730];
	[tilespmem:s28+$0x16580] =	vst v0;
	v0 =	vadd.f32 v12, v21;
	v12 =	vadd.f32 v58, v53  }
0x1a2: {  	v9 =	vld [tilespmem:s28+$0xE780];
	[tilespmem:s28+$0x16510] =	vst v1;
	v55 =	vadd.f32 v55, v48;
	v1 =	vadd.f32 v24, v52  }
0x1a3: {  	v8 =	vld [tilespmem:s28+$0xE790];
	[tilespmem:s28+$0x165A0] =	vst v0;
	v0 =	vadd.f32 v19, v12;
	v12 =	vadd.f32 v60, v62  }
0x1a4: {  	v7 =	vld [tilespmem:s28+$0xE7A0];
	[tilespmem:s28+$0x16530] =	vst v1;
	v1 =	vadd.f32 v22, v55;
	v22 =	vadd.f32 v57, v51  }
0x1a5: {  	v54 =	vld [tilespmem:s28+$0x16610];
	[tilespmem:s28+$0x16600] =	vst v0;
	v0 =	vadd.f32 v17, v12;
	v12 =	vadd.f32 v41, v63  }
0x1a6: {  	v23 =	vld [tilespmem:s28+$0x16630];
	[tilespmem:s28+$0x16590] =	vst v1  }
0x1a7: {  	v1 =	vadd.f32 v20, v22;
	v22 =	vld [tilespmem:s28+$0x166A0];
	[tilespmem:s28+$0x16620] =	vst v0;
	v0 =	vadd.f32 v15, v12  }
0x1a8: {  	v19 =	vld [tilespmem:s28+$0x166B0]  }
0x1a9: {  	[tilespmem:s28+$0x16680] =	vst v0;
	v0 =	vld [tilespmem:$0x1FF90]  }
0x1aa: {  	v21 =	vld [tilespmem:s28+$0x16690];
	v20 =	vadd.f32 v59, v54  }
0x1ab: {  	v6 =	vld [tilespmem:s28+$0xE7B0]  }
0x1ac: {  	[tilespmem:s28+$0x165B0] =	vst v1;
	v1 =	vadd.f32 v18, v20;
	v20 =	vld [tilespmem:s28+$0x16700];
	v12 =	vadd.f32 v39, v22  }
0x1ad: {  	v18 =	vadd.f32 v61, v23;
	v23 =	vld [tilespmem:s28+$0x16710]  }
0x1ae: {  	p0 =	sne.s32 s29, $0xF000;
	v22 =	vadd.f32 v38, v19;
	v19 =	vadd.f32 v0, v12;
	v0 =	vld [tilespmem:$0x1FFA0]  }
.Ltmp1:
0x1af: {  	v17 =	vld [tilespmem:s28+$0x16730];
	[tilespmem:s28+$0x16610] =	vst v1;
	v1 =	vadd.f32 v16, v18;
	v18 =	vadd.f32 v40, v21;
	(pc) =	sbr.rel @p0 .LBB2_4-.Ltmp1, $4  }
0x1b0: {  	v16 =	vld [tilespmem:s28+$0x16720]  }
0x1b1: {  	v15 =	vld [tilespmem:s28+$0x16780];
	[tilespmem:s28+$0x16630] =	vst v1;
	v1 =	vadd.f32 v14, v18  }
0x1b2: {  	[tilespmem:s28+$0x16410] =	vst v33;
	v14 =	vld [tilespmem:s28+$0x16790];
	v18 =	vadd.f32 v37, v20  }
0x1b3: {  	s29 =	sadd.s32 $0x1000, s29;
	v21 =	vmov v13;
	v13 =	vadd.f32 v36, v23;
	[tilespmem:s28+$0x16690] =	vst v1;
	v12 =	vld [tilespmem:s28+$0x167A0];
	v20 =	vadd.f32 v0, v22  }
0x1b4: {  	v60 =	vld [tilespmem:$0x1FFB0]  }
0x1b5: {  	[tilespmem:s28+$0x166A0] =	vst v19;
	v0 =	vld [tilespmem:s28+$0x167B0];
	v1 =	vadd.f32 v5, v18;
	v10 =	vadd.f32 v10, v17  }
0x1b6: {  	v55 =	vld [tilespmem:s28+$0x127A0];
	[tilespmem:s28+$0x166B0] =	vst v20;
	v54 =	vadd.f32 v11, v16;
	v4 =	vadd.f32 v4, v13  }
0x1b7: {  	v58 =	vld [tilespmem:s28+$0x127B0];
	[tilespmem:s28+$0x16700] =	vst v1;
	v57 =	vadd.f32 v9, v15;
	v2 =	vadd.f32 v2, v10  }
0x1b8: {  	v56 =	vadd.f32 v3, v54;
	[tilespmem:s28+$0x16710] =	vst v4;
	v59 =	vadd.f32 v8, v14  }
0x1b9: {  	v61 =	vadd.f32 v7, v12;
	[tilespmem:s28+$0x16730] =	vst v2;
	v1 =	vadd.f32 v60, v57  }
0x1ba: {  	[tilespmem:s28+$0x16720] =	vst v56;
	v62 =	vadd.f32 v21, v59;
	v0 =	vadd.f32 v6, v0  }
0x1bb: {  	v63 =	vadd.f32 v55, v61;
	[tilespmem:s28+$0x16780] =	vst v1  }
0x1bc: {  	[tilespmem:s28+$0x16790] =	vst v62;
	v0 =	vadd.f32 v58, v0  }
0x1bd: {  	[tilespmem:s28+$0x167A0] =	vst v63  }
0x1be: {  	[tilespmem:s28+$0x167B0] =	vst v0  }
0x1bf: {  	[tilespmem:s14], [sflag:$0x3] =	stream.indirect.gather [hbm4b:s3+s10], $0x80, s23, s10, $0xb8;
	[tilespmem:$0x1A400] =	vst v63  }
0x1c0: {  	s28 =	simm.s32 $0x0  }
0x1c1: {  	[tilespmem:s16], [sflag:$0x4] =	stream.indirect.gather [hbm4b:s3+s10], $0x80, s24, s10, $0xb8;
	[tilespmem:$0x1A400] =	vst v63  }
.LBB2_6:
0x1c2: {  	_ =	swait.ge [sflag:s17], $0x4000  }
0x1c3: {  	[sflag:s17] =	ssyncset.done $0x0  }
0x1c4: {  	[sflag:s17] =	ssyncadd.s32 $0xFFFFC000  }
0x1c5: {  	_ =	swait.ge [sflag:s18], $0x4000  }
0x1c6: {  	[sflag:s18] =	ssyncset.done $0x0  }
0x1c7: {  	s30 =	simm.s32 $0x0;
	[sflag:s18] =	ssyncadd.s32 $0xFFFFC000  }
0x1c8: {  	v16 =	vld [tilespmem:s30+$0xA400]  }
0x1c9: {  	v17 =	vld [tilespmem:s30+$0xA410]  }
0x1ca: {  	v18 =	vld [tilespmem:s30+$0xA420]  }
0x1cb: {  	v19 =	vld [tilespmem:s30+$0xA430]  }
0x1cc: {  	v20 =	vld [tilespmem:s30+$0xA480]  }
0x1cd: {  	v0 =	vld [tilespmem:s30+$0xA490]  }
0x1ce: {  	v22 =	vld [tilespmem:s30+$0xA4A0]  }
0x1cf: {  	v23 =	vld [tilespmem:s30+$0xA4B0]  }
0x1d0: {  	v24 =	vld [tilespmem:s30+$0xA500]  }
0x1d1: {  	v25 =	vld [tilespmem:s30+$0xA510]  }
0x1d2: {  	v26 =	vld [tilespmem:s30+$0xA520]  }
0x1d3: {  	v27 =	vld [tilespmem:s30+$0xA530]  }
0x1d4: {  	v28 =	vld [tilespmem:s30+$0xA580]  }
0x1d5: {  	v29 =	vld [tilespmem:s30+$0xA590]  }
0x1d6: {  	v30 =	vld [tilespmem:s30+$0xA5A0]  }
0x1d7: {  	v31 =	vld [tilespmem:s30+$0xA5B0]  }
0x1d8: {  	v32 =	vld [tilespmem:s30+$0xA600]  }
0x1d9: {  	v33 =	vld [tilespmem:s30+$0xA610]  }
0x1da: {  	v34 =	vld [tilespmem:s30+$0xA620]  }
0x1db: {  	v35 =	vld [tilespmem:s30+$0xA630]  }
0x1dc: {  	v1 =	vld [tilespmem:s30+$0xA680]  }
0x1dd: {  	v5 =	vld [tilespmem:s30+$0xA700]  }
0x1de: {  	v4 =	vld [tilespmem:s30+$0xA710]  }
0x1df: {  	v3 =	vld [tilespmem:s30+$0xA720]  }
0x1e0: {  	v2 =	vld [tilespmem:s30+$0xA730]  }
0x1e1: {  	v21 =	vld [tilespmem:s30+$0xA790]  }
0x1e2: {  	v36 =	vld [tilespmem:s30+$0x6400]  }
0x1e3: {  	v37 =	vld [tilespmem:s30+$0x6410]  }
0x1e4: {  	v38 =	vld [tilespmem:s30+$0x6420]  }
0x1e5: {  	v39 =	vld [tilespmem:s30+$0x6430]  }
0x1e6: {  	v40 =	vld [tilespmem:s30+$0x6480]  }
0x1e7: {  	v41 =	vld [tilespmem:s30+$0x6490]  }
0x1e8: {  	v42 =	vld [tilespmem:s30+$0x64A0]  }
0x1e9: {  	v43 =	vld [tilespmem:s30+$0x64B0]  }
0x1ea: {  	v44 =	vld [tilespmem:s30+$0x6500]  }
0x1eb: {  	v45 =	vld [tilespmem:s30+$0x6510]  }
0x1ec: {  	v46 =	vld [tilespmem:s30+$0x6520]  }
0x1ed: {  	v47 =	vld [tilespmem:s30+$0x6530]  }
0x1ee: {  	v48 =	vld [tilespmem:s30+$0x6580]  }
0x1ef: {  	v49 =	vld [tilespmem:s30+$0x6590]  }
0x1f0: {  	v50 =	vld [tilespmem:s30+$0x65A0]  }
0x1f1: {  	v51 =	vld [tilespmem:s30+$0x65B0]  }
0x1f2: {  	v52 =	vld [tilespmem:s30+$0x6600]  }
0x1f3: {  	v53 =	vld [tilespmem:s30+$0x6610]  }
0x1f4: {  	v54 =	vld [tilespmem:s30+$0x6620]  }
0x1f5: {  	v55 =	vld [tilespmem:s30+$0x6630]  }
0x1f6: {  	v56 =	vld [tilespmem:s30+$0x6680]  }
0x1f7: {  	v57 =	vld [tilespmem:s30+$0x6690]  }
0x1f8: {  	v58 =	vld [tilespmem:s30+$0x66A0]  }
0x1f9: {  	v59 =	vld [tilespmem:s30+$0x66B0]  }
0x1fa: {  	v60 =	vld [tilespmem:s30+$0x6700]  }
0x1fb: {  	v61 =	vld [tilespmem:s30+$0x6710]  }
0x1fc: {  	v11 =	vld [tilespmem:s30+$0x6720]  }
0x1fd: {  	v10 =	vld [tilespmem:s30+$0x6730]  }
0x1fe: {  	v9 =	vld [tilespmem:s30+$0x6780]  }
0x1ff: {  	v8 =	vld [tilespmem:s30+$0x6790]  }
0x200: {  	v7 =	vld [tilespmem:s30+$0x67A0]  }
0x201: {  	v62 =	vld [tilespmem:s30+$0x16400]  }
0x202: {  	v63 =	vld [tilespmem:s30+$0x16410]  }
0x203: {  	v12 =	vld [tilespmem:s30+$0x16420]  }
0x204: {  	v13 =	vld [tilespmem:s30+$0x16430]  }
0x205: {  	[tilespmem:$0x1FF50] =	vst v1;
	v1 =	vld [tilespmem:s30+$0xA690]  }
0x206: {  	v14 =	vld [tilespmem:s30+$0x16480]  }
0x207: {  	v15 =	vld [tilespmem:s30+$0x164A0]  }
0x208: {  	v36 =	vadd.f32 v36, v62;
	v62 =	vld [tilespmem:s30+$0x16490]  }
0x209: {  	v37 =	vadd.f32 v37, v63;
	v63 =	vld [tilespmem:s30+$0x16500]  }
0x20a: {  	v12 =	vadd.f32 v38, v12;
	v16 =	vadd.f32 v16, v36;
	[tilespmem:$0x1FF60] =	vst v1;
	v1 =	vld [tilespmem:s30+$0xA6A0]  }
0x20b: {  	v36 =	vld [tilespmem:s30+$0x164B0];
	v17 =	vadd.f32 v17, v37  }
0x20c: {  	v13 =	vadd.f32 v39, v13;
	v12 =	vadd.f32 v18, v12;
	[tilespmem:s30+$0x16400] =	vst v16;
	v16 =	vld [tilespmem:s30+$0x16510]  }
0x20d: {  	v14 =	vadd.f32 v40, v14;
	[tilespmem:s30+$0x16410] =	vst v17;
	v17 =	vld [tilespmem:s30+$0x16520]  }
0x20e: {  	v15 =	vadd.f32 v42, v15;
	v13 =	vadd.f32 v19, v13;
	[tilespmem:s30+$0x16420] =	vst v12;
	v12 =	vld [tilespmem:s30+$0x16530]  }
0x20f: {  	v14 =	vadd.f32 v20, v14;
	v18 =	vadd.f32 v41, v62;
	[tilespmem:$0x1FF70] =	vst v1;
	v1 =	vld [tilespmem:s30+$0xA6B0]  }
0x210: {  	v15 =	vadd.f32 v22, v15;
	[tilespmem:s30+$0x16430] =	vst v13;
	v13 =	vld [tilespmem:s30+$0x16580]  }
0x211: {  	[tilespmem:s30+$0x16480] =	vst v14;
	v14 =	vld [tilespmem:s30+$0x16590];
	v18 =	vadd.f32 v0, v18  }
0x212: {  	[tilespmem:s30+$0x164A0] =	vst v15;
	v15 =	vld [tilespmem:s30+$0x165B0];
	v20 =	vadd.f32 v44, v63  }
0x213: {  	[tilespmem:s30+$0x16490] =	vst v18;
	v18 =	vld [tilespmem:s30+$0x165A0];
	v12 =	vadd.f32 v47, v12  }
0x214: {  	v19 =	vadd.f32 v43, v36;
	v20 =	vadd.f32 v24, v20;
	[tilespmem:$0x1FF80] =	vst v1;
	v1 =	vld [tilespmem:s30+$0xA780]  }
0x215: {  	v0 =	vld [tilespmem:s30+$0x16700];
	v12 =	vadd.f32 v27, v12  }
0x216: {  	v19 =	vadd.f32 v23, v19;
	v16 =	vadd.f32 v45, v16;
	[tilespmem:s30+$0x16500] =	vst v20;
	v20 =	vld [tilespmem:s30+$0x16610]  }
0x217: {  	v17 =	vadd.f32 v46, v17;
	[tilespmem:s30+$0x16530] =	vst v12;
	v12 =	vld [tilespmem:s30+$0x16680]  }
0x218: {  	v13 =	vadd.f32 v48, v13;
	[tilespmem:s30+$0x164B0] =	vst v19;
	v19 =	vld [tilespmem:s30+$0x16600];
	v16 =	vadd.f32 v25, v16  }
0x219: {  	v17 =	vadd.f32 v26, v17;
	v18 =	vadd.f32 v50, v18;
	[tilespmem:$0x1FF40] =	vst v1;
	v1 =	vld [tilespmem:$0x1FF50]  }
0x21a: {  	v13 =	vadd.f32 v28, v13;
	[tilespmem:s30+$0x16510] =	vst v16;
	v16 =	vld [tilespmem:s30+$0x16620]  }
0x21b: {  	v15 =	vadd.f32 v51, v15;
	[tilespmem:s30+$0x16520] =	vst v17;
	v17 =	vld [tilespmem:s30+$0x16630];
	v18 =	vadd.f32 v30, v18  }
0x21c: {  	v14 =	vadd.f32 v49, v14;
	[tilespmem:s30+$0x16580] =	vst v13;
	v13 =	vld [tilespmem:s30+$0x16690];
	v12 =	vadd.f32 v56, v12  }
0x21d: {  	v15 =	vadd.f32 v31, v15;
	v19 =	vadd.f32 v52, v19;
	[tilespmem:s30+$0x165A0] =	vst v18;
	v18 =	vld [tilespmem:s30+$0x166B0]  }
0x21e: {  	v20 =	vadd.f32 v53, v20;
	v12 =	vadd.f32 v1, v12;
	v1 =	vld [tilespmem:$0x1FF60]  }
0x21f: {  	v6 =	vld [tilespmem:s30+$0x67B0];
	v14 =	vadd.f32 v29, v14;
	v19 =	vadd.f32 v32, v19  }
0x220: {  	v22 =	vld [tilespmem:s30+$0x16710];
	[tilespmem:s30+$0x165B0] =	vst v15;
	v15 =	vadd.f32 v54, v16;
	v16 =	vadd.f32 v33, v20  }
0x221: {  	[tilespmem:s30+$0x16590] =	vst v14;
	v14 =	vld [tilespmem:s30+$0x166A0];
	v17 =	vadd.f32 v55, v17;
	v13 =	vadd.f32 v57, v13  }
0x222: {  	[tilespmem:s30+$0x16680] =	vst v12;
	v12 =	vadd.f32 v59, v18;
	v18 =	vadd.f32 v60, v0;
	v0 =	vld [tilespmem:$0x1FF80]  }
0x223: {  	[tilespmem:s30+$0x16600] =	vst v19;
	v15 =	vadd.f32 v34, v15;
	v13 =	vadd.f32 v1, v13;
	v1 =	vld [tilespmem:$0x1FF70]  }
0x224: {  	[tilespmem:s30+$0x16610] =	vst v16;
	v16 =	vld [tilespmem:s30+$0x16720];
	v19 =	vadd.f32 v35, v17  }
0x225: {  	v17 =	vld [tilespmem:s30+$0x16730];
	[tilespmem:s30+$0x16620] =	vst v15  }
0x226: {  	[tilespmem:s30+$0x16630] =	vst v19;
	v15 =	vld [tilespmem:s30+$0x16780];
	v19 =	vadd.f32 v58, v14  }
0x227: {  	v14 =	vld [tilespmem:s30+$0x16790];
	v20 =	vadd.f32 v0, v12  }
0x228: {  	s29 =	simm.s32 $0x1000;
	[tilespmem:s30+$0x16690] =	vst v13;
	v13 =	vadd.f32 v61, v22;
	v12 =	vld [tilespmem:s30+$0x167A0];
	v19 =	vadd.f32 v1, v19  }
.LBB2_7:
0x229: {  	v0 =	vld [tilespmem:$0x1FF40]  }
0x22a: {  	[tilespmem:s30+$0x166A0] =	vst v19;
	v5 =	vadd.f32 v5, v18;
	v11 =	vadd.f32 v11, v16;
	v16 =	vld [tilespmem:s30+$0x167B0]  }
0x22b: {  	[tilespmem:s30+$0x166B0] =	vst v20;
	v4 =	vadd.f32 v4, v13;
	v10 =	vadd.f32 v10, v17;
	v13 =	vld [tilespmem:s30+$0xA7A0]  }
0x22c: {  	s31 =	sshra.s32 s29, $0x2;
	[tilespmem:s30+$0x16700] =	vst v5;
	v3 =	vadd.f32 v3, v11;
	v5 =	vadd.f32 v9, v15;
	v9 =	vld [tilespmem:s30+$0xA7B0]  }
0x22d: {  	v2 =	vadd.f32 v2, v10;
	v31 =	vld [tilespmem:s31+$0xA400];
	[tilespmem:s30+$0x16710] =	vst v4;
	v4 =	vadd.f32 v8, v14  }
0x22e: {  	v33 =	vld [tilespmem:s31+$0xA410];
	[tilespmem:s30+$0x16720] =	vst v3;
	v1 =	vadd.f32 v0, v5;
	v3 =	vadd.f32 v7, v12  }
0x22f: {  	v34 =	vld [tilespmem:s31+$0xA420];
	[tilespmem:s30+$0x16730] =	vst v2;
	v0 =	vadd.f32 v21, v4;
	v2 =	vadd.f32 v6, v16  }
0x230: {  	v35 =	vld [tilespmem:s31+$0xA430];
	[tilespmem:s30+$0x16780] =	vst v1;
	v1 =	vadd.f32 v13, v3  }
0x231: {  	v32 =	vld [tilespmem:s31+$0xA480];
	[tilespmem:s30+$0x16790] =	vst v0;
	v0 =	vadd.f32 v9, v2  }
0x232: {  	v30 =	vld [tilespmem:s31+$0xA490];
	[tilespmem:s30+$0x167A0] =	vst v1  }
0x233: {  	v29 =	vld [tilespmem:s31+$0xA4A0];
	[tilespmem:s30+$0x167B0] =	vst v0;
	s30 =	smov.u32 s31  }
0x234: {  	v28 =	vld [tilespmem:s30+$0xA4B0]  }
0x235: {  	v27 =	vld [tilespmem:s30+$0xA500]  }
0x236: {  	v26 =	vld [tilespmem:s30+$0xA510]  }
0x237: {  	v25 =	vld [tilespmem:s30+$0xA520]  }
0x238: {  	v24 =	vld [tilespmem:s30+$0xA530]  }
0x239: {  	v23 =	vld [tilespmem:s30+$0xA580]  }
0x23a: {  	v22 =	vld [tilespmem:s30+$0xA590]  }
0x23b: {  	v12 =	vld [tilespmem:s30+$0xA5A0]  }
0x23c: {  	v20 =	vld [tilespmem:s30+$0xA5B0]  }
0x23d: {  	v19 =	vld [tilespmem:s30+$0xA600]  }
0x23e: {  	v18 =	vld [tilespmem:s30+$0xA610]  }
0x23f: {  	v17 =	vld [tilespmem:s30+$0xA620]  }
0x240: {  	v16 =	vld [tilespmem:s30+$0xA630]  }
0x241: {  	v15 =	vld [tilespmem:s30+$0xA680]  }
0x242: {  	v14 =	vld [tilespmem:s30+$0xA690]  }
0x243: {  	v0 =	vld [tilespmem:s30+$0xA6A0]  }
0x244: {  	v5 =	vld [tilespmem:s30+$0xA700]  }
0x245: {  	v4 =	vld [tilespmem:s30+$0xA710]  }
0x246: {  	v3 =	vld [tilespmem:s30+$0xA720]  }
0x247: {  	v2 =	vld [tilespmem:s30+$0xA730]  }
0x248: {  	v13 =	vld [tilespmem:s30+$0xA790]  }
0x249: {  	v42 =	vld [tilespmem:s30+$0x6400]  }
0x24a: {  	v43 =	vld [tilespmem:s30+$0x6410]  }
0x24b: {  	v44 =	vld [tilespmem:s30+$0x6420]  }
0x24c: {  	v45 =	vld [tilespmem:s30+$0x6430]  }
0x24d: {  	v46 =	vld [tilespmem:s30+$0x6480]  }
0x24e: {  	v47 =	vld [tilespmem:s30+$0x6490]  }
0x24f: {  	v48 =	vld [tilespmem:s30+$0x64A0]  }
0x250: {  	v49 =	vld [tilespmem:s30+$0x64B0]  }
0x251: {  	v50 =	vld [tilespmem:s30+$0x6500]  }
0x252: {  	v51 =	vld [tilespmem:s30+$0x6510]  }
0x253: {  	v52 =	vld [tilespmem:s30+$0x6520]  }
0x254: {  	v53 =	vld [tilespmem:s30+$0x6530]  }
0x255: {  	v54 =	vld [tilespmem:s30+$0x6580]  }
0x256: {  	v55 =	vld [tilespmem:s30+$0x6590]  }
0x257: {  	v56 =	vld [tilespmem:s30+$0x65A0]  }
0x258: {  	v57 =	vld [tilespmem:s30+$0x65B0]  }
0x259: {  	v58 =	vld [tilespmem:s30+$0x6600]  }
0x25a: {  	v59 =	vld [tilespmem:s30+$0x6610]  }
0x25b: {  	v60 =	vld [tilespmem:s30+$0x6620]  }
0x25c: {  	[tilespmem:$0x1FF20] =	vst v0;
	v0 =	vld [tilespmem:s30+$0xA6B0]  }
0x25d: {  	v61 =	vld [tilespmem:s30+$0x6630]  }
0x25e: {  	v41 =	vld [tilespmem:s30+$0x6680]  }
0x25f: {  	v40 =	vld [tilespmem:s30+$0x6690]  }
0x260: {  	v39 =	vld [tilespmem:s30+$0x66A0]  }
0x261: {  	[tilespmem:$0x1FF30] =	vst v0;
	v0 =	vld [tilespmem:s30+$0xA780]  }
0x262: {  	v38 =	vld [tilespmem:s30+$0x66B0]  }
0x263: {  	v37 =	vld [tilespmem:s30+$0x6700]  }
0x264: {  	v62 =	vld [tilespmem:s30+$0x16400]  }
0x265: {  	v63 =	vld [tilespmem:s30+$0x16410]  }
0x266: {  	[tilespmem:$0x1FF40] =	vst v0;
	v0 =	vld [tilespmem:s30+$0x16420]  }
0x267: {  	v1 =	vld [tilespmem:s30+$0x16430]  }
0x268: {  	v21 =	vld [tilespmem:s30+$0x16480]  }
0x269: {  	v36 =	vld [tilespmem:s30+$0x6710]  }
0x26a: {  	v43 =	vadd.f32 v43, v63;
	v63 =	vld [tilespmem:s30+$0x164A0]  }
0x26b: {  	v42 =	vadd.f32 v42, v62;
	v62 =	vld [tilespmem:s30+$0x16490];
	v0 =	vadd.f32 v44, v0  }
0x26c: {  	v1 =	vadd.f32 v45, v1;
	v33 =	vadd.f32 v33, v43;
	v43 =	vld [tilespmem:s30+$0x16500]  }
0x26d: {  	v21 =	vadd.f32 v46, v21;
	v45 =	vld [tilespmem:s30+$0x16530];
	v0 =	vadd.f32 v34, v0  }
0x26e: {  	v31 =	vadd.f32 v31, v42;
	v44 =	vld [tilespmem:s30+$0x16520]  }
0x26f: {  	v42 =	vld [tilespmem:s30+$0x164B0];
	[tilespmem:s30+$0x16420] =	vst v0;
	v0 =	vadd.f32 v32, v21;
	v21 =	vadd.f32 v48, v63  }
0x270: {  	v1 =	vadd.f32 v35, v1;
	[tilespmem:s30+$0x16400] =	vst v31;
	v62 =	vadd.f32 v47, v62;
	v47 =	vld [tilespmem:s30+$0x16580]  }
0x271: {  	v31 =	vld [tilespmem:s30+$0x16510];
	[tilespmem:s30+$0x16480] =	vst v0;
	v0 =	vadd.f32 v29, v21;
	v21 =	vadd.f32 v50, v43  }
0x272: {  	[tilespmem:s30+$0x16430] =	vst v1;
	v1 =	vadd.f32 v30, v62;
	v50 =	vld [tilespmem:s30+$0x165A0]  }
0x273: {  	v11 =	vld [tilespmem:s30+$0x6720];
	[tilespmem:s30+$0x164A0] =	vst v0;
	v0 =	vadd.f32 v27, v21;
	v21 =	vadd.f32 v52, v44  }
0x274: {  	v46 =	vadd.f32 v49, v42;
	v52 =	vadd.f32 v53, v45;
	v53 =	vld [tilespmem:s30+$0x16600]  }
0x275: {  	v48 =	vld [tilespmem:s30+$0x16590];
	[tilespmem:s30+$0x16500] =	vst v0;
	v0 =	vadd.f32 v25, v21;
	v21 =	vadd.f32 v54, v47  }
0x276: {  	v62 =	vld [tilespmem:s30+$0x16620];
	[tilespmem:s30+$0x16490] =	vst v1;
	v1 =	vadd.f32 v28, v46;
	v49 =	vadd.f32 v51, v31  }
0x277: {  	v51 =	vld [tilespmem:s30+$0x165B0];
	[tilespmem:s30+$0x16520] =	vst v0;
	v0 =	vadd.f32 v23, v21;
	v21 =	vadd.f32 v56, v50  }
0x278: {  	[tilespmem:s30+$0x164B0] =	vst v1;
	v1 =	vadd.f32 v26, v49;
	v63 =	vld [tilespmem:s30+$0x16680]  }
0x279: {  	v10 =	vld [tilespmem:s30+$0x6730];
	[tilespmem:s30+$0x16580] =	vst v0;
	v0 =	vadd.f32 v12, v21;
	v12 =	vadd.f32 v58, v53  }
0x27a: {  	v9 =	vld [tilespmem:s30+$0x6780];
	[tilespmem:s30+$0x16510] =	vst v1;
	v55 =	vadd.f32 v55, v48;
	v1 =	vadd.f32 v24, v52  }
0x27b: {  	v8 =	vld [tilespmem:s30+$0x6790];
	[tilespmem:s30+$0x165A0] =	vst v0;
	v0 =	vadd.f32 v19, v12;
	v12 =	vadd.f32 v60, v62  }
0x27c: {  	v7 =	vld [tilespmem:s30+$0x67A0];
	[tilespmem:s30+$0x16530] =	vst v1;
	v1 =	vadd.f32 v22, v55;
	v22 =	vadd.f32 v57, v51  }
0x27d: {  	v54 =	vld [tilespmem:s30+$0x16610];
	[tilespmem:s30+$0x16600] =	vst v0;
	v0 =	vadd.f32 v17, v12;
	v12 =	vadd.f32 v41, v63  }
0x27e: {  	v23 =	vld [tilespmem:s30+$0x16630];
	[tilespmem:s30+$0x16590] =	vst v1  }
0x27f: {  	v1 =	vadd.f32 v20, v22;
	v22 =	vld [tilespmem:s30+$0x166A0];
	[tilespmem:s30+$0x16620] =	vst v0;
	v0 =	vadd.f32 v15, v12  }
0x280: {  	v19 =	vld [tilespmem:s30+$0x166B0]  }
0x281: {  	[tilespmem:s30+$0x16680] =	vst v0;
	v0 =	vld [tilespmem:$0x1FF20]  }
0x282: {  	v21 =	vld [tilespmem:s30+$0x16690];
	v20 =	vadd.f32 v59, v54  }
0x283: {  	v6 =	vld [tilespmem:s30+$0x67B0]  }
0x284: {  	[tilespmem:s30+$0x165B0] =	vst v1;
	v1 =	vadd.f32 v18, v20;
	v20 =	vld [tilespmem:s30+$0x16700];
	v12 =	vadd.f32 v39, v22  }
0x285: {  	v18 =	vadd.f32 v61, v23;
	v23 =	vld [tilespmem:s30+$0x16710]  }
0x286: {  	p0 =	sne.s32 s29, $0xF000;
	v22 =	vadd.f32 v38, v19;
	v19 =	vadd.f32 v0, v12;
	v0 =	vld [tilespmem:$0x1FF30]  }
.Ltmp2:
0x287: {  	v17 =	vld [tilespmem:s30+$0x16730];
	[tilespmem:s30+$0x16610] =	vst v1;
	v1 =	vadd.f32 v16, v18;
	v18 =	vadd.f32 v40, v21;
	(pc) =	sbr.rel @p0 .LBB2_7-.Ltmp2, $4  }
0x288: {  	v16 =	vld [tilespmem:s30+$0x16720]  }
0x289: {  	v15 =	vld [tilespmem:s30+$0x16780];
	[tilespmem:s30+$0x16630] =	vst v1;
	v1 =	vadd.f32 v14, v18  }
0x28a: {  	[tilespmem:s30+$0x16410] =	vst v33;
	v14 =	vld [tilespmem:s30+$0x16790];
	v18 =	vadd.f32 v37, v20  }
0x28b: {  	s29 =	sadd.s32 $0x1000, s29;
	v21 =	vmov v13;
	v13 =	vadd.f32 v36, v23;
	[tilespmem:s30+$0x16690] =	vst v1;
	v12 =	vld [tilespmem:s30+$0x167A0];
	v20 =	vadd.f32 v0, v22  }
0x28c: {  	_ = 	snop  }
0x28d: {  	v1 =	vadd.f32 v5, v18;
	v5 =	vadd.f32 v11, v16;
	_ =	sdelay $0x1  }
0x28e: {  	[tilespmem:s30+$0x16700] =	vst v1;
	v1 =	vadd.f32 v3, v5  }
0x28f: {  	v0 =	vld [tilespmem:s30+$0x167B0]  }
0x290: {  	v10 =	vadd.f32 v10, v17;
	v4 =	vadd.f32 v4, v13;
	[tilespmem:s30+$0x16720] =	vst v1;
	v1 =	vld [tilespmem:$0x1FF40]  }
0x291: {  	v5 =	vld [tilespmem:s30+$0xA7B0]  }
0x292: {  	v11 =	vld [tilespmem:s30+$0xA7A0];
	v2 =	vadd.f32 v2, v10;
	[tilespmem:s30+$0x16710] =	vst v4;
	v4 =	vadd.f32 v8, v14  }
0x293: {  	[tilespmem:s30+$0x166A0] =	vst v19;
	v3 =	vadd.f32 v9, v15  }
0x294: {  	[tilespmem:s30+$0x16730] =	vst v2;
	v2 =	vadd.f32 v21, v4;
	v0 =	vadd.f32 v6, v0  }
0x295: {  	[tilespmem:s30+$0x166B0] =	vst v20;
	v1 =	vadd.f32 v1, v3;
	v3 =	vadd.f32 v7, v12  }
0x296: {  	[tilespmem:s30+$0x16790] =	vst v2;
	v0 =	vadd.f32 v5, v0  }
0x297: {  	s29 =	sshll.u32 s28, $0x9;
	[tilespmem:s30+$0x16780] =	vst v1;
	v1 =	vadd.f32 v11, v3  }
0x298: {  	s29 =	sand.u32 $0x3FFFFE00, s29;
	[tilespmem:s30+$0x167B0] =	vst v0  }
0x299: {  	[tilespmem:s30+$0x167A0] =	vst v1;
	s30 =	sadd.s32 $0x400, s29  }
0x29a: {  	[tilespmem:s11], [sflag:$0x1] =	stream.indirect.gather [hbm4b:s3+s10], $0x80, s30, s10, $0xb8;
	[tilespmem:$0x1A400] =	vst v63  }
0x29b: {  	s30 =	sadd.s32 $0x480, s29  }
0x29c: {  	[tilespmem:s12], [sflag:$0x2] =	stream.indirect.gather [hbm4b:s3+s10], $0x80, s30, s10, $0xb8;
	[tilespmem:$0x1A400] =	vst v63  }
0x29d: {  	_ =	swait.ge [sflag:s21], $0x4000  }
0x29e: {  	[sflag:s21] =	ssyncset.done $0x0  }
0x29f: {  	[sflag:s21] =	ssyncadd.s32 $0xFFFFC000  }
0x2a0: {  	_ =	swait.ge [sflag:s22], $0x4000  }
0x2a1: {  	[sflag:s22] =	ssyncset.done $0x0  }
0x2a2: {  	s30 =	simm.s32 $0x0;
	[sflag:s22] =	ssyncadd.s32 $0xFFFFC000  }
0x2a3: {  	v16 =	vld [tilespmem:s30+$0x12400]  }
0x2a4: {  	v17 =	vld [tilespmem:s30+$0x12410]  }
0x2a5: {  	v18 =	vld [tilespmem:s30+$0x12420]  }
0x2a6: {  	v19 =	vld [tilespmem:s30+$0x12430]  }
0x2a7: {  	v20 =	vld [tilespmem:s30+$0x12480]  }
0x2a8: {  	v0 =	vld [tilespmem:s30+$0x12490]  }
0x2a9: {  	v22 =	vld [tilespmem:s30+$0x124A0]  }
0x2aa: {  	v23 =	vld [tilespmem:s30+$0x124B0]  }
0x2ab: {  	v24 =	vld [tilespmem:s30+$0x12500]  }
0x2ac: {  	v25 =	vld [tilespmem:s30+$0x12510]  }
0x2ad: {  	v26 =	vld [tilespmem:s30+$0x12520]  }
0x2ae: {  	v27 =	vld [tilespmem:s30+$0x12530]  }
0x2af: {  	v28 =	vld [tilespmem:s30+$0x12580]  }
0x2b0: {  	v29 =	vld [tilespmem:s30+$0x12590]  }
0x2b1: {  	v30 =	vld [tilespmem:s30+$0x125A0]  }
0x2b2: {  	v31 =	vld [tilespmem:s30+$0x125B0]  }
0x2b3: {  	v32 =	vld [tilespmem:s30+$0x12600]  }
0x2b4: {  	v33 =	vld [tilespmem:s30+$0x12610]  }
0x2b5: {  	v34 =	vld [tilespmem:s30+$0x12620]  }
0x2b6: {  	v35 =	vld [tilespmem:s30+$0x12630]  }
0x2b7: {  	v1 =	vld [tilespmem:s30+$0x12680]  }
0x2b8: {  	v5 =	vld [tilespmem:s30+$0x12700]  }
0x2b9: {  	v4 =	vld [tilespmem:s30+$0x12710]  }
0x2ba: {  	v3 =	vld [tilespmem:s30+$0x12720]  }
0x2bb: {  	v2 =	vld [tilespmem:s30+$0x12730]  }
0x2bc: {  	v21 =	vld [tilespmem:s30+$0x12790]  }
0x2bd: {  	v36 =	vld [tilespmem:s30+$0xE400]  }
0x2be: {  	v37 =	vld [tilespmem:s30+$0xE410]  }
0x2bf: {  	v38 =	vld [tilespmem:s30+$0xE420]  }
0x2c0: {  	v39 =	vld [tilespmem:s30+$0xE430]  }
0x2c1: {  	v40 =	vld [tilespmem:s30+$0xE480]  }
0x2c2: {  	v41 =	vld [tilespmem:s30+$0xE490]  }
0x2c3: {  	v42 =	vld [tilespmem:s30+$0xE4A0]  }
0x2c4: {  	v43 =	vld [tilespmem:s30+$0xE4B0]  }
0x2c5: {  	v44 =	vld [tilespmem:s30+$0xE500]  }
0x2c6: {  	v45 =	vld [tilespmem:s30+$0xE510]  }
0x2c7: {  	v46 =	vld [tilespmem:s30+$0xE520]  }
0x2c8: {  	v47 =	vld [tilespmem:s30+$0xE530]  }
0x2c9: {  	v48 =	vld [tilespmem:s30+$0xE580]  }
0x2ca: {  	v49 =	vld [tilespmem:s30+$0xE590]  }
0x2cb: {  	v50 =	vld [tilespmem:s30+$0xE5A0]  }
0x2cc: {  	v51 =	vld [tilespmem:s30+$0xE5B0]  }
0x2cd: {  	v52 =	vld [tilespmem:s30+$0xE600]  }
0x2ce: {  	v53 =	vld [tilespmem:s30+$0xE610]  }
0x2cf: {  	v54 =	vld [tilespmem:s30+$0xE620]  }
0x2d0: {  	v55 =	vld [tilespmem:s30+$0xE630]  }
0x2d1: {  	v56 =	vld [tilespmem:s30+$0xE680]  }
0x2d2: {  	v57 =	vld [tilespmem:s30+$0xE690]  }
0x2d3: {  	v58 =	vld [tilespmem:s30+$0xE6A0]  }
0x2d4: {  	v59 =	vld [tilespmem:s30+$0xE6B0]  }
0x2d5: {  	v60 =	vld [tilespmem:s30+$0xE700]  }
0x2d6: {  	v61 =	vld [tilespmem:s30+$0xE710]  }
0x2d7: {  	v11 =	vld [tilespmem:s30+$0xE720]  }
0x2d8: {  	v10 =	vld [tilespmem:s30+$0xE730]  }
0x2d9: {  	v9 =	vld [tilespmem:s30+$0xE780]  }
0x2da: {  	v8 =	vld [tilespmem:s30+$0xE790]  }
0x2db: {  	v7 =	vld [tilespmem:s30+$0xE7A0]  }
0x2dc: {  	v62 =	vld [tilespmem:s30+$0x16400]  }
0x2dd: {  	v63 =	vld [tilespmem:s30+$0x16410]  }
0x2de: {  	v12 =	vld [tilespmem:s30+$0x16420]  }
0x2df: {  	v13 =	vld [tilespmem:s30+$0x16430]  }
0x2e0: {  	[tilespmem:$0x1FEE0] =	vst v1;
	v1 =	vld [tilespmem:s30+$0x12690]  }
0x2e1: {  	v14 =	vld [tilespmem:s30+$0x16480]  }
0x2e2: {  	v15 =	vld [tilespmem:s30+$0x164A0]  }
0x2e3: {  	v36 =	vadd.f32 v36, v62;
	v62 =	vld [tilespmem:s30+$0x16490]  }
0x2e4: {  	v37 =	vadd.f32 v37, v63;
	v63 =	vld [tilespmem:s30+$0x16500]  }
0x2e5: {  	v12 =	vadd.f32 v38, v12;
	v16 =	vadd.f32 v16, v36;
	[tilespmem:$0x1FEF0] =	vst v1;
	v1 =	vld [tilespmem:s30+$0x126A0]  }
0x2e6: {  	v36 =	vld [tilespmem:s30+$0x164B0];
	v17 =	vadd.f32 v17, v37  }
0x2e7: {  	v13 =	vadd.f32 v39, v13;
	v12 =	vadd.f32 v18, v12;
	[tilespmem:s30+$0x16400] =	vst v16;
	v16 =	vld [tilespmem:s30+$0x16510]  }
0x2e8: {  	v14 =	vadd.f32 v40, v14;
	[tilespmem:s30+$0x16410] =	vst v17;
	v17 =	vld [tilespmem:s30+$0x16520]  }
0x2e9: {  	v15 =	vadd.f32 v42, v15;
	v13 =	vadd.f32 v19, v13;
	[tilespmem:s30+$0x16420] =	vst v12;
	v12 =	vld [tilespmem:s30+$0x16530]  }
0x2ea: {  	v14 =	vadd.f32 v20, v14;
	v18 =	vadd.f32 v41, v62;
	[tilespmem:$0x1FF00] =	vst v1;
	v1 =	vld [tilespmem:s30+$0x126B0]  }
0x2eb: {  	v15 =	vadd.f32 v22, v15;
	[tilespmem:s30+$0x16430] =	vst v13;
	v13 =	vld [tilespmem:s30+$0x16580]  }
0x2ec: {  	[tilespmem:s30+$0x16480] =	vst v14;
	v14 =	vld [tilespmem:s30+$0x16590];
	v18 =	vadd.f32 v0, v18  }
0x2ed: {  	[tilespmem:s30+$0x164A0] =	vst v15;
	v15 =	vld [tilespmem:s30+$0x165B0];
	v20 =	vadd.f32 v44, v63  }
0x2ee: {  	[tilespmem:s30+$0x16490] =	vst v18;
	v18 =	vld [tilespmem:s30+$0x165A0];
	v12 =	vadd.f32 v47, v12  }
0x2ef: {  	v19 =	vadd.f32 v43, v36;
	v20 =	vadd.f32 v24, v20;
	[tilespmem:$0x1FF10] =	vst v1;
	v1 =	vld [tilespmem:s30+$0x12780]  }
0x2f0: {  	v0 =	vld [tilespmem:s30+$0x16700];
	v12 =	vadd.f32 v27, v12  }
0x2f1: {  	v19 =	vadd.f32 v23, v19;
	v16 =	vadd.f32 v45, v16;
	[tilespmem:s30+$0x16500] =	vst v20;
	v20 =	vld [tilespmem:s30+$0x16610]  }
0x2f2: {  	v17 =	vadd.f32 v46, v17;
	[tilespmem:s30+$0x16530] =	vst v12;
	v12 =	vld [tilespmem:s30+$0x16680]  }
0x2f3: {  	v13 =	vadd.f32 v48, v13;
	[tilespmem:s30+$0x164B0] =	vst v19;
	v19 =	vld [tilespmem:s30+$0x16600];
	v16 =	vadd.f32 v25, v16  }
0x2f4: {  	v17 =	vadd.f32 v26, v17;
	v18 =	vadd.f32 v50, v18;
	[tilespmem:$0x1FED0] =	vst v1;
	v1 =	vld [tilespmem:$0x1FEE0]  }
0x2f5: {  	v13 =	vadd.f32 v28, v13;
	[tilespmem:s30+$0x16510] =	vst v16;
	v16 =	vld [tilespmem:s30+$0x16620]  }
0x2f6: {  	v15 =	vadd.f32 v51, v15;
	[tilespmem:s30+$0x16520] =	vst v17;
	v17 =	vld [tilespmem:s30+$0x16630];
	v18 =	vadd.f32 v30, v18  }
0x2f7: {  	v14 =	vadd.f32 v49, v14;
	[tilespmem:s30+$0x16580] =	vst v13;
	v13 =	vld [tilespmem:s30+$0x16690];
	v12 =	vadd.f32 v56, v12  }
0x2f8: {  	v15 =	vadd.f32 v31, v15;
	v19 =	vadd.f32 v52, v19;
	[tilespmem:s30+$0x165A0] =	vst v18;
	v18 =	vld [tilespmem:s30+$0x166B0]  }
0x2f9: {  	v20 =	vadd.f32 v53, v20;
	v12 =	vadd.f32 v1, v12;
	v1 =	vld [tilespmem:$0x1FEF0]  }
0x2fa: {  	v6 =	vld [tilespmem:s30+$0xE7B0];
	v14 =	vadd.f32 v29, v14;
	v19 =	vadd.f32 v32, v19  }
0x2fb: {  	v22 =	vld [tilespmem:s30+$0x16710];
	[tilespmem:s30+$0x165B0] =	vst v15;
	v15 =	vadd.f32 v54, v16;
	v16 =	vadd.f32 v33, v20  }
0x2fc: {  	[tilespmem:s30+$0x16590] =	vst v14;
	v14 =	vld [tilespmem:s30+$0x166A0];
	v17 =	vadd.f32 v55, v17;
	v13 =	vadd.f32 v57, v13  }
0x2fd: {  	[tilespmem:s30+$0x16680] =	vst v12;
	v12 =	vadd.f32 v59, v18;
	v18 =	vadd.f32 v60, v0;
	v0 =	vld [tilespmem:$0x1FF10]  }
0x2fe: {  	[tilespmem:s30+$0x16600] =	vst v19;
	v15 =	vadd.f32 v34, v15;
	v13 =	vadd.f32 v1, v13;
	v1 =	vld [tilespmem:$0x1FF00]  }
0x2ff: {  	[tilespmem:s30+$0x16610] =	vst v16;
	v16 =	vld [tilespmem:s30+$0x16720];
	v19 =	vadd.f32 v35, v17  }
0x300: {  	v17 =	vld [tilespmem:s30+$0x16730];
	[tilespmem:s30+$0x16620] =	vst v15  }
0x301: {  	[tilespmem:s30+$0x16630] =	vst v19;
	v15 =	vld [tilespmem:s30+$0x16780];
	v19 =	vadd.f32 v58, v14  }
0x302: {  	v14 =	vld [tilespmem:s30+$0x16790];
	v20 =	vadd.f32 v0, v12  }
0x303: {  	s31 =	simm.s32 $0x1000;
	[tilespmem:s30+$0x16690] =	vst v13;
	v13 =	vadd.f32 v61, v22;
	v12 =	vld [tilespmem:s30+$0x167A0];
	v19 =	vadd.f32 v1, v19  }
.LBB2_9:
0x304: {  	v0 =	vld [tilespmem:$0x1FED0]  }
0x305: {  	[tilespmem:s30+$0x166A0] =	vst v19;
	v5 =	vadd.f32 v5, v18;
	v11 =	vadd.f32 v11, v16;
	v16 =	vld [tilespmem:s30+$0x167B0]  }
0x306: {  	[tilespmem:s30+$0x166B0] =	vst v20;
	v4 =	vadd.f32 v4, v13;
	v10 =	vadd.f32 v10, v17;
	v13 =	vld [tilespmem:s30+$0x127A0]  }
0x307: {  	s0 =	sshra.s32 s31, $0x2;
	[tilespmem:s30+$0x16700] =	vst v5;
	v3 =	vadd.f32 v3, v11;
	v5 =	vadd.f32 v9, v15;
	v9 =	vld [tilespmem:s30+$0x127B0]  }
0x308: {  	v2 =	vadd.f32 v2, v10;
	v31 =	vld [tilespmem:s0+$0x12400];
	[tilespmem:s30+$0x16710] =	vst v4;
	v4 =	vadd.f32 v8, v14  }
0x309: {  	v33 =	vld [tilespmem:s0+$0x12410];
	[tilespmem:s30+$0x16720] =	vst v3;
	v1 =	vadd.f32 v0, v5;
	v3 =	vadd.f32 v7, v12  }
0x30a: {  	v34 =	vld [tilespmem:s0+$0x12420];
	[tilespmem:s30+$0x16730] =	vst v2;
	v0 =	vadd.f32 v21, v4;
	v2 =	vadd.f32 v6, v16  }
0x30b: {  	v35 =	vld [tilespmem:s0+$0x12430];
	[tilespmem:s30+$0x16780] =	vst v1;
	v1 =	vadd.f32 v13, v3  }
0x30c: {  	v32 =	vld [tilespmem:s0+$0x12480];
	[tilespmem:s30+$0x16790] =	vst v0;
	v0 =	vadd.f32 v9, v2  }
0x30d: {  	v30 =	vld [tilespmem:s0+$0x12490];
	[tilespmem:s30+$0x167A0] =	vst v1  }
0x30e: {  	v29 =	vld [tilespmem:s0+$0x124A0];
	[tilespmem:s30+$0x167B0] =	vst v0;
	s30 =	smov.u32 s0  }
0x30f: {  	v28 =	vld [tilespmem:s30+$0x124B0]  }
0x310: {  	v27 =	vld [tilespmem:s30+$0x12500]  }
0x311: {  	v26 =	vld [tilespmem:s30+$0x12510]  }
0x312: {  	v25 =	vld [tilespmem:s30+$0x12520]  }
0x313: {  	v24 =	vld [tilespmem:s30+$0x12530]  }
0x314: {  	v23 =	vld [tilespmem:s30+$0x12580]  }
0x315: {  	v22 =	vld [tilespmem:s30+$0x12590]  }
0x316: {  	v12 =	vld [tilespmem:s30+$0x125A0]  }
0x317: {  	v20 =	vld [tilespmem:s30+$0x125B0]  }
0x318: {  	v19 =	vld [tilespmem:s30+$0x12600]  }
0x319: {  	v18 =	vld [tilespmem:s30+$0x12610]  }
0x31a: {  	v17 =	vld [tilespmem:s30+$0x12620]  }
0x31b: {  	v16 =	vld [tilespmem:s30+$0x12630]  }
0x31c: {  	v15 =	vld [tilespmem:s30+$0x12680]  }
0x31d: {  	v14 =	vld [tilespmem:s30+$0x12690]  }
0x31e: {  	v0 =	vld [tilespmem:s30+$0x126A0]  }
0x31f: {  	v5 =	vld [tilespmem:s30+$0x12700]  }
0x320: {  	v4 =	vld [tilespmem:s30+$0x12710]  }
0x321: {  	v3 =	vld [tilespmem:s30+$0x12720]  }
0x322: {  	v2 =	vld [tilespmem:s30+$0x12730]  }
0x323: {  	v13 =	vld [tilespmem:s30+$0x12790]  }
0x324: {  	v42 =	vld [tilespmem:s30+$0xE400]  }
0x325: {  	v43 =	vld [tilespmem:s30+$0xE410]  }
0x326: {  	v44 =	vld [tilespmem:s30+$0xE420]  }
0x327: {  	v45 =	vld [tilespmem:s30+$0xE430]  }
0x328: {  	v46 =	vld [tilespmem:s30+$0xE480]  }
0x329: {  	v47 =	vld [tilespmem:s30+$0xE490]  }
0x32a: {  	v48 =	vld [tilespmem:s30+$0xE4A0]  }
0x32b: {  	v49 =	vld [tilespmem:s30+$0xE4B0]  }
0x32c: {  	v50 =	vld [tilespmem:s30+$0xE500]  }
0x32d: {  	v51 =	vld [tilespmem:s30+$0xE510]  }
0x32e: {  	v52 =	vld [tilespmem:s30+$0xE520]  }
0x32f: {  	v53 =	vld [tilespmem:s30+$0xE530]  }
0x330: {  	v54 =	vld [tilespmem:s30+$0xE580]  }
0x331: {  	v55 =	vld [tilespmem:s30+$0xE590]  }
0x332: {  	v56 =	vld [tilespmem:s30+$0xE5A0]  }
0x333: {  	v57 =	vld [tilespmem:s30+$0xE5B0]  }
0x334: {  	v58 =	vld [tilespmem:s30+$0xE600]  }
0x335: {  	v59 =	vld [tilespmem:s30+$0xE610]  }
0x336: {  	v60 =	vld [tilespmem:s30+$0xE620]  }
0x337: {  	[tilespmem:$0x1FEB0] =	vst v0;
	v0 =	vld [tilespmem:s30+$0x126B0]  }
0x338: {  	v61 =	vld [tilespmem:s30+$0xE630]  }
0x339: {  	v41 =	vld [tilespmem:s30+$0xE680]  }
0x33a: {  	v40 =	vld [tilespmem:s30+$0xE690]  }
0x33b: {  	v39 =	vld [tilespmem:s30+$0xE6A0]  }
0x33c: {  	[tilespmem:$0x1FEC0] =	vst v0;
	v0 =	vld [tilespmem:s30+$0x12780]  }
0x33d: {  	v38 =	vld [tilespmem:s30+$0xE6B0]  }
0x33e: {  	v37 =	vld [tilespmem:s30+$0xE700]  }
0x33f: {  	v62 =	vld [tilespmem:s30+$0x16400]  }
0x340: {  	v63 =	vld [tilespmem:s30+$0x16410]  }
0x341: {  	[tilespmem:$0x1FED0] =	vst v0;
	v0 =	vld [tilespmem:s30+$0x16420]  }
0x342: {  	v1 =	vld [tilespmem:s30+$0x16430]  }
0x343: {  	v21 =	vld [tilespmem:s30+$0x16480]  }
0x344: {  	v36 =	vld [tilespmem:s30+$0xE710]  }
0x345: {  	v43 =	vadd.f32 v43, v63;
	v63 =	vld [tilespmem:s30+$0x164A0]  }
0x346: {  	v42 =	vadd.f32 v42, v62;
	v62 =	vld [tilespmem:s30+$0x16490];
	v0 =	vadd.f32 v44, v0  }
0x347: {  	v1 =	vadd.f32 v45, v1;
	v33 =	vadd.f32 v33, v43;
	v43 =	vld [tilespmem:s30+$0x16500]  }
0x348: {  	v21 =	vadd.f32 v46, v21;
	v45 =	vld [tilespmem:s30+$0x16530];
	v0 =	vadd.f32 v34, v0  }
0x349: {  	v31 =	vadd.f32 v31, v42;
	v44 =	vld [tilespmem:s30+$0x16520]  }
0x34a: {  	v42 =	vld [tilespmem:s30+$0x164B0];
	[tilespmem:s30+$0x16420] =	vst v0;
	v0 =	vadd.f32 v32, v21;
	v21 =	vadd.f32 v48, v63  }
0x34b: {  	v1 =	vadd.f32 v35, v1;
	[tilespmem:s30+$0x16400] =	vst v31;
	v62 =	vadd.f32 v47, v62;
	v47 =	vld [tilespmem:s30+$0x16580]  }
0x34c: {  	v31 =	vld [tilespmem:s30+$0x16510];
	[tilespmem:s30+$0x16480] =	vst v0;
	v0 =	vadd.f32 v29, v21;
	v21 =	vadd.f32 v50, v43  }
0x34d: {  	[tilespmem:s30+$0x16430] =	vst v1;
	v1 =	vadd.f32 v30, v62;
	v50 =	vld [tilespmem:s30+$0x165A0]  }
0x34e: {  	v11 =	vld [tilespmem:s30+$0xE720];
	[tilespmem:s30+$0x164A0] =	vst v0;
	v0 =	vadd.f32 v27, v21;
	v21 =	vadd.f32 v52, v44  }
0x34f: {  	v46 =	vadd.f32 v49, v42;
	v52 =	vadd.f32 v53, v45;
	v53 =	vld [tilespmem:s30+$0x16600]  }
0x350: {  	v48 =	vld [tilespmem:s30+$0x16590];
	[tilespmem:s30+$0x16500] =	vst v0;
	v0 =	vadd.f32 v25, v21;
	v21 =	vadd.f32 v54, v47  }
0x351: {  	v62 =	vld [tilespmem:s30+$0x16620];
	[tilespmem:s30+$0x16490] =	vst v1;
	v1 =	vadd.f32 v28, v46;
	v49 =	vadd.f32 v51, v31  }
0x352: {  	v51 =	vld [tilespmem:s30+$0x165B0];
	[tilespmem:s30+$0x16520] =	vst v0;
	v0 =	vadd.f32 v23, v21;
	v21 =	vadd.f32 v56, v50  }
0x353: {  	[tilespmem:s30+$0x164B0] =	vst v1;
	v1 =	vadd.f32 v26, v49;
	v63 =	vld [tilespmem:s30+$0x16680]  }
0x354: {  	v10 =	vld [tilespmem:s30+$0xE730];
	[tilespmem:s30+$0x16580] =	vst v0;
	v0 =	vadd.f32 v12, v21;
	v12 =	vadd.f32 v58, v53  }
0x355: {  	v9 =	vld [tilespmem:s30+$0xE780];
	[tilespmem:s30+$0x16510] =	vst v1;
	v55 =	vadd.f32 v55, v48;
	v1 =	vadd.f32 v24, v52  }
0x356: {  	v8 =	vld [tilespmem:s30+$0xE790];
	[tilespmem:s30+$0x165A0] =	vst v0;
	v0 =	vadd.f32 v19, v12;
	v12 =	vadd.f32 v60, v62  }
0x357: {  	v7 =	vld [tilespmem:s30+$0xE7A0];
	[tilespmem:s30+$0x16530] =	vst v1;
	v1 =	vadd.f32 v22, v55;
	v22 =	vadd.f32 v57, v51  }
0x358: {  	v54 =	vld [tilespmem:s30+$0x16610];
	[tilespmem:s30+$0x16600] =	vst v0;
	v0 =	vadd.f32 v17, v12;
	v12 =	vadd.f32 v41, v63  }
0x359: {  	v23 =	vld [tilespmem:s30+$0x16630];
	[tilespmem:s30+$0x16590] =	vst v1  }
0x35a: {  	v1 =	vadd.f32 v20, v22;
	v22 =	vld [tilespmem:s30+$0x166A0];
	[tilespmem:s30+$0x16620] =	vst v0;
	v0 =	vadd.f32 v15, v12  }
0x35b: {  	v19 =	vld [tilespmem:s30+$0x166B0]  }
0x35c: {  	[tilespmem:s30+$0x16680] =	vst v0;
	v0 =	vld [tilespmem:$0x1FEB0]  }
0x35d: {  	v21 =	vld [tilespmem:s30+$0x16690];
	v20 =	vadd.f32 v59, v54  }
0x35e: {  	v6 =	vld [tilespmem:s30+$0xE7B0]  }
0x35f: {  	[tilespmem:s30+$0x165B0] =	vst v1;
	v1 =	vadd.f32 v18, v20;
	v20 =	vld [tilespmem:s30+$0x16700];
	v12 =	vadd.f32 v39, v22  }
0x360: {  	v18 =	vadd.f32 v61, v23;
	v23 =	vld [tilespmem:s30+$0x16710]  }
0x361: {  	p0 =	sne.s32 s31, $0xF000;
	v22 =	vadd.f32 v38, v19;
	v19 =	vadd.f32 v0, v12;
	v0 =	vld [tilespmem:$0x1FEC0]  }
.Ltmp3:
0x362: {  	v17 =	vld [tilespmem:s30+$0x16730];
	[tilespmem:s30+$0x16610] =	vst v1;
	v1 =	vadd.f32 v16, v18;
	v18 =	vadd.f32 v40, v21;
	(pc) =	sbr.rel @p0 .LBB2_9-.Ltmp3, $4  }
0x363: {  	v16 =	vld [tilespmem:s30+$0x16720]  }
0x364: {  	v15 =	vld [tilespmem:s30+$0x16780];
	[tilespmem:s30+$0x16630] =	vst v1;
	v1 =	vadd.f32 v14, v18  }
0x365: {  	[tilespmem:s30+$0x16410] =	vst v33;
	v14 =	vld [tilespmem:s30+$0x16790];
	v18 =	vadd.f32 v37, v20  }
0x366: {  	s31 =	sadd.s32 $0x1000, s31;
	v21 =	vmov v13;
	v13 =	vadd.f32 v36, v23;
	[tilespmem:s30+$0x16690] =	vst v1;
	v12 =	vld [tilespmem:s30+$0x167A0];
	v20 =	vadd.f32 v0, v22  }
0x367: {  	v60 =	vld [tilespmem:$0x1FED0]  }
0x368: {  	[tilespmem:s30+$0x166A0] =	vst v19;
	v0 =	vld [tilespmem:s30+$0x167B0];
	v1 =	vadd.f32 v5, v18;
	v10 =	vadd.f32 v10, v17  }
0x369: {  	v55 =	vld [tilespmem:s30+$0x127A0];
	[tilespmem:s30+$0x166B0] =	vst v20;
	v54 =	vadd.f32 v11, v16;
	v4 =	vadd.f32 v4, v13  }
0x36a: {  	v58 =	vld [tilespmem:s30+$0x127B0];
	[tilespmem:s30+$0x16700] =	vst v1;
	v57 =	vadd.f32 v9, v15;
	v2 =	vadd.f32 v2, v10  }
0x36b: {  	v56 =	vadd.f32 v3, v54;
	[tilespmem:s30+$0x16710] =	vst v4;
	v59 =	vadd.f32 v8, v14  }
0x36c: {  	v61 =	vadd.f32 v7, v12;
	[tilespmem:s30+$0x16730] =	vst v2;
	v1 =	vadd.f32 v60, v57  }
0x36d: {  	[tilespmem:s30+$0x16720] =	vst v56;
	v62 =	vadd.f32 v21, v59;
	v0 =	vadd.f32 v6, v0  }
0x36e: {  	s28 =	sadd.s32 $0x1, s28;
	v63 =	vadd.f32 v55, v61;
	[tilespmem:s30+$0x16780] =	vst v1  }
0x36f: {  	p0 =	sne.s32 s28, $0x30;
	[tilespmem:s30+$0x16790] =	vst v62;
	v0 =	vadd.f32 v58, v0  }
.Ltmp4:
0x370: {  	[tilespmem:s30+$0x167A0] =	vst v63;
	(pc) =	sbr.rel @p0 .LBB2_6-.Ltmp4, $4  }
0x371: {  	s0 =	sadd.s32 $0x500, s29;
	[tilespmem:s30+$0x167B0] =	vst v0  }
0x372: {  	[tilespmem:s14], [sflag:$0x3] =	stream.indirect.gather [hbm4b:s3+s10], $0x80, s0, s10, $0xb8;
	[tilespmem:$0x1A400] =	vst v63  }
0x373: {  	s31 =	sadd.s32 $0x580, s29  }
0x374: {  	[tilespmem:s16], [sflag:$0x4] =	stream.indirect.gather [hbm4b:s3+s10], $0x80, s31, s10, $0xb8;
	[tilespmem:$0x1A400] =	vst v63  }
0x375: {  	_ =	swait.ge [sflag:s17], $0x4000  }
0x376: {  	[sflag:s17] =	ssyncset.done $0x0  }
0x377: {  	[sflag:s17] =	ssyncadd.s32 $0xFFFFC000  }
0x378: {  	_ =	swait.ge [sflag:s18], $0x4000  }
0x379: {  	[sflag:s18] =	ssyncset.done $0x0  }
0x37a: {  	s28 =	simm.s32 $0x0;
	[sflag:s18] =	ssyncadd.s32 $0xFFFFC000  }
0x37b: {  	v16 =	vld [tilespmem:s28+$0xA400]  }
0x37c: {  	v17 =	vld [tilespmem:s28+$0xA410]  }
0x37d: {  	v18 =	vld [tilespmem:s28+$0xA420]  }
0x37e: {  	v19 =	vld [tilespmem:s28+$0xA430]  }
0x37f: {  	v20 =	vld [tilespmem:s28+$0xA480]  }
0x380: {  	v0 =	vld [tilespmem:s28+$0xA490]  }
0x381: {  	v22 =	vld [tilespmem:s28+$0xA4A0]  }
0x382: {  	v23 =	vld [tilespmem:s28+$0xA4B0]  }
0x383: {  	v24 =	vld [tilespmem:s28+$0xA500]  }
0x384: {  	v25 =	vld [tilespmem:s28+$0xA510]  }
0x385: {  	v26 =	vld [tilespmem:s28+$0xA520]  }
0x386: {  	v27 =	vld [tilespmem:s28+$0xA530]  }
0x387: {  	v28 =	vld [tilespmem:s28+$0xA580]  }
0x388: {  	v29 =	vld [tilespmem:s28+$0xA590]  }
0x389: {  	v30 =	vld [tilespmem:s28+$0xA5A0]  }
0x38a: {  	v31 =	vld [tilespmem:s28+$0xA5B0]  }
0x38b: {  	v32 =	vld [tilespmem:s28+$0xA600]  }
0x38c: {  	v33 =	vld [tilespmem:s28+$0xA610]  }
0x38d: {  	v34 =	vld [tilespmem:s28+$0xA620]  }
0x38e: {  	v35 =	vld [tilespmem:s28+$0xA630]  }
0x38f: {  	v1 =	vld [tilespmem:s28+$0xA680]  }
0x390: {  	v5 =	vld [tilespmem:s28+$0xA700]  }
0x391: {  	v4 =	vld [tilespmem:s28+$0xA710]  }
0x392: {  	v3 =	vld [tilespmem:s28+$0xA720]  }
0x393: {  	v2 =	vld [tilespmem:s28+$0xA730]  }
0x394: {  	v21 =	vld [tilespmem:s28+$0xA790]  }
0x395: {  	v36 =	vld [tilespmem:s28+$0x6400]  }
0x396: {  	v37 =	vld [tilespmem:s28+$0x6410]  }
0x397: {  	v38 =	vld [tilespmem:s28+$0x6420]  }
0x398: {  	v39 =	vld [tilespmem:s28+$0x6430]  }
0x399: {  	v40 =	vld [tilespmem:s28+$0x6480]  }
0x39a: {  	v41 =	vld [tilespmem:s28+$0x6490]  }
0x39b: {  	v42 =	vld [tilespmem:s28+$0x64A0]  }
0x39c: {  	v43 =	vld [tilespmem:s28+$0x64B0]  }
0x39d: {  	v44 =	vld [tilespmem:s28+$0x6500]  }
0x39e: {  	v45 =	vld [tilespmem:s28+$0x6510]  }
0x39f: {  	v46 =	vld [tilespmem:s28+$0x6520]  }
0x3a0: {  	v47 =	vld [tilespmem:s28+$0x6530]  }
0x3a1: {  	v48 =	vld [tilespmem:s28+$0x6580]  }
0x3a2: {  	v49 =	vld [tilespmem:s28+$0x6590]  }
0x3a3: {  	v50 =	vld [tilespmem:s28+$0x65A0]  }
0x3a4: {  	v51 =	vld [tilespmem:s28+$0x65B0]  }
0x3a5: {  	v52 =	vld [tilespmem:s28+$0x6600]  }
0x3a6: {  	v53 =	vld [tilespmem:s28+$0x6610]  }
0x3a7: {  	v54 =	vld [tilespmem:s28+$0x6620]  }
0x3a8: {  	v55 =	vld [tilespmem:s28+$0x6630]  }
0x3a9: {  	v56 =	vld [tilespmem:s28+$0x6680]  }
0x3aa: {  	v57 =	vld [tilespmem:s28+$0x6690]  }
0x3ab: {  	v58 =	vld [tilespmem:s28+$0x66A0]  }
0x3ac: {  	v59 =	vld [tilespmem:s28+$0x66B0]  }
0x3ad: {  	v60 =	vld [tilespmem:s28+$0x6700]  }
0x3ae: {  	v61 =	vld [tilespmem:s28+$0x6710]  }
0x3af: {  	v11 =	vld [tilespmem:s28+$0x6720]  }
0x3b0: {  	v10 =	vld [tilespmem:s28+$0x6730]  }
0x3b1: {  	v9 =	vld [tilespmem:s28+$0x6780]  }
0x3b2: {  	v8 =	vld [tilespmem:s28+$0x6790]  }
0x3b3: {  	v7 =	vld [tilespmem:s28+$0x67A0]  }
0x3b4: {  	v62 =	vld [tilespmem:s28+$0x16400]  }
0x3b5: {  	v63 =	vld [tilespmem:s28+$0x16410]  }
0x3b6: {  	v12 =	vld [tilespmem:s28+$0x16420]  }
0x3b7: {  	v13 =	vld [tilespmem:s28+$0x16430]  }
0x3b8: {  	[tilespmem:$0x1FE70] =	vst v1;
	v1 =	vld [tilespmem:s28+$0xA690]  }
0x3b9: {  	v14 =	vld [tilespmem:s28+$0x16480]  }
0x3ba: {  	v15 =	vld [tilespmem:s28+$0x164A0]  }
0x3bb: {  	v36 =	vadd.f32 v36, v62;
	v62 =	vld [tilespmem:s28+$0x16490]  }
0x3bc: {  	v37 =	vadd.f32 v37, v63;
	v63 =	vld [tilespmem:s28+$0x16500]  }
0x3bd: {  	v12 =	vadd.f32 v38, v12;
	v16 =	vadd.f32 v16, v36;
	[tilespmem:$0x1FE80] =	vst v1;
	v1 =	vld [tilespmem:s28+$0xA6A0]  }
0x3be: {  	v36 =	vld [tilespmem:s28+$0x164B0];
	v17 =	vadd.f32 v17, v37  }
0x3bf: {  	v13 =	vadd.f32 v39, v13;
	v12 =	vadd.f32 v18, v12;
	[tilespmem:s28+$0x16400] =	vst v16;
	v16 =	vld [tilespmem:s28+$0x16510]  }
0x3c0: {  	v14 =	vadd.f32 v40, v14;
	[tilespmem:s28+$0x16410] =	vst v17;
	v17 =	vld [tilespmem:s28+$0x16520]  }
0x3c1: {  	v15 =	vadd.f32 v42, v15;
	v13 =	vadd.f32 v19, v13;
	[tilespmem:s28+$0x16420] =	vst v12;
	v12 =	vld [tilespmem:s28+$0x16530]  }
0x3c2: {  	v14 =	vadd.f32 v20, v14;
	v18 =	vadd.f32 v41, v62;
	[tilespmem:$0x1FE90] =	vst v1;
	v1 =	vld [tilespmem:s28+$0xA6B0]  }
0x3c3: {  	v15 =	vadd.f32 v22, v15;
	[tilespmem:s28+$0x16430] =	vst v13;
	v13 =	vld [tilespmem:s28+$0x16580]  }
0x3c4: {  	[tilespmem:s28+$0x16480] =	vst v14;
	v14 =	vld [tilespmem:s28+$0x16590];
	v18 =	vadd.f32 v0, v18  }
0x3c5: {  	[tilespmem:s28+$0x164A0] =	vst v15;
	v15 =	vld [tilespmem:s28+$0x165B0];
	v20 =	vadd.f32 v44, v63  }
0x3c6: {  	[tilespmem:s28+$0x16490] =	vst v18;
	v18 =	vld [tilespmem:s28+$0x165A0];
	v12 =	vadd.f32 v47, v12  }
0x3c7: {  	v19 =	vadd.f32 v43, v36;
	v20 =	vadd.f32 v24, v20;
	[tilespmem:$0x1FEA0] =	vst v1;
	v1 =	vld [tilespmem:s28+$0xA780]  }
0x3c8: {  	v0 =	vld [tilespmem:s28+$0x16700];
	v12 =	vadd.f32 v27, v12  }
0x3c9: {  	v19 =	vadd.f32 v23, v19;
	v16 =	vadd.f32 v45, v16;
	[tilespmem:s28+$0x16500] =	vst v20;
	v20 =	vld [tilespmem:s28+$0x16610]  }
0x3ca: {  	v17 =	vadd.f32 v46, v17;
	[tilespmem:s28+$0x16530] =	vst v12;
	v12 =	vld [tilespmem:s28+$0x16680]  }
0x3cb: {  	v13 =	vadd.f32 v48, v13;
	[tilespmem:s28+$0x164B0] =	vst v19;
	v19 =	vld [tilespmem:s28+$0x16600];
	v16 =	vadd.f32 v25, v16  }
0x3cc: {  	v17 =	vadd.f32 v26, v17;
	v18 =	vadd.f32 v50, v18;
	[tilespmem:$0x1FE60] =	vst v1;
	v1 =	vld [tilespmem:$0x1FE70]  }
0x3cd: {  	v13 =	vadd.f32 v28, v13;
	[tilespmem:s28+$0x16510] =	vst v16;
	v16 =	vld [tilespmem:s28+$0x16620]  }
0x3ce: {  	v15 =	vadd.f32 v51, v15;
	[tilespmem:s28+$0x16520] =	vst v17;
	v17 =	vld [tilespmem:s28+$0x16630];
	v18 =	vadd.f32 v30, v18  }
0x3cf: {  	v14 =	vadd.f32 v49, v14;
	[tilespmem:s28+$0x16580] =	vst v13;
	v13 =	vld [tilespmem:s28+$0x16690];
	v12 =	vadd.f32 v56, v12  }
0x3d0: {  	v15 =	vadd.f32 v31, v15;
	v19 =	vadd.f32 v52, v19;
	[tilespmem:s28+$0x165A0] =	vst v18;
	v18 =	vld [tilespmem:s28+$0x166B0]  }
0x3d1: {  	v20 =	vadd.f32 v53, v20;
	v12 =	vadd.f32 v1, v12;
	v1 =	vld [tilespmem:$0x1FE80]  }
0x3d2: {  	v6 =	vld [tilespmem:s28+$0x67B0];
	v14 =	vadd.f32 v29, v14;
	v19 =	vadd.f32 v32, v19  }
0x3d3: {  	v22 =	vld [tilespmem:s28+$0x16710];
	[tilespmem:s28+$0x165B0] =	vst v15;
	v15 =	vadd.f32 v54, v16;
	v16 =	vadd.f32 v33, v20  }
0x3d4: {  	[tilespmem:s28+$0x16590] =	vst v14;
	v14 =	vld [tilespmem:s28+$0x166A0];
	v17 =	vadd.f32 v55, v17;
	v13 =	vadd.f32 v57, v13  }
0x3d5: {  	[tilespmem:s28+$0x16680] =	vst v12;
	v12 =	vadd.f32 v59, v18;
	v18 =	vadd.f32 v60, v0;
	v0 =	vld [tilespmem:$0x1FEA0]  }
0x3d6: {  	[tilespmem:s28+$0x16600] =	vst v19;
	v15 =	vadd.f32 v34, v15;
	v13 =	vadd.f32 v1, v13;
	v1 =	vld [tilespmem:$0x1FE90]  }
0x3d7: {  	[tilespmem:s28+$0x16610] =	vst v16;
	v16 =	vld [tilespmem:s28+$0x16720];
	v19 =	vadd.f32 v35, v17  }
0x3d8: {  	v17 =	vld [tilespmem:s28+$0x16730];
	[tilespmem:s28+$0x16620] =	vst v15  }
0x3d9: {  	[tilespmem:s28+$0x16630] =	vst v19;
	v15 =	vld [tilespmem:s28+$0x16780];
	v19 =	vadd.f32 v58, v14  }
0x3da: {  	v14 =	vld [tilespmem:s28+$0x16790];
	v20 =	vadd.f32 v0, v12  }
0x3db: {  	s29 =	simm.s32 $0x1000;
	[tilespmem:s28+$0x16690] =	vst v13;
	v13 =	vadd.f32 v61, v22;
	v12 =	vld [tilespmem:s28+$0x167A0];
	v19 =	vadd.f32 v1, v19  }
.LBB2_12:
0x3dc: {  	v0 =	vld [tilespmem:$0x1FE60]  }
0x3dd: {  	[tilespmem:s28+$0x166A0] =	vst v19;
	v5 =	vadd.f32 v5, v18;
	v11 =	vadd.f32 v11, v16;
	v16 =	vld [tilespmem:s28+$0x167B0]  }
0x3de: {  	[tilespmem:s28+$0x166B0] =	vst v20;
	v4 =	vadd.f32 v4, v13;
	v10 =	vadd.f32 v10, v17;
	v13 =	vld [tilespmem:s28+$0xA7A0]  }
0x3df: {  	s0 =	sshra.s32 s29, $0x2;
	[tilespmem:s28+$0x16700] =	vst v5;
	v3 =	vadd.f32 v3, v11;
	v5 =	vadd.f32 v9, v15;
	v9 =	vld [tilespmem:s28+$0xA7B0]  }
0x3e0: {  	v2 =	vadd.f32 v2, v10;
	v31 =	vld [tilespmem:s0+$0xA400];
	[tilespmem:s28+$0x16710] =	vst v4;
	v4 =	vadd.f32 v8, v14  }
0x3e1: {  	v33 =	vld [tilespmem:s0+$0xA410];
	[tilespmem:s28+$0x16720] =	vst v3;
	v1 =	vadd.f32 v0, v5;
	v3 =	vadd.f32 v7, v12  }
0x3e2: {  	v34 =	vld [tilespmem:s0+$0xA420];
	[tilespmem:s28+$0x16730] =	vst v2;
	v0 =	vadd.f32 v21, v4;
	v2 =	vadd.f32 v6, v16  }
0x3e3: {  	v35 =	vld [tilespmem:s0+$0xA430];
	[tilespmem:s28+$0x16780] =	vst v1;
	v1 =	vadd.f32 v13, v3  }
0x3e4: {  	v32 =	vld [tilespmem:s0+$0xA480];
	[tilespmem:s28+$0x16790] =	vst v0;
	v0 =	vadd.f32 v9, v2  }
0x3e5: {  	v30 =	vld [tilespmem:s0+$0xA490];
	[tilespmem:s28+$0x167A0] =	vst v1  }
0x3e6: {  	v29 =	vld [tilespmem:s0+$0xA4A0];
	[tilespmem:s28+$0x167B0] =	vst v0;
	s28 =	smov.u32 s0  }
0x3e7: {  	v28 =	vld [tilespmem:s28+$0xA4B0]  }
0x3e8: {  	v27 =	vld [tilespmem:s28+$0xA500]  }
0x3e9: {  	v26 =	vld [tilespmem:s28+$0xA510]  }
0x3ea: {  	v25 =	vld [tilespmem:s28+$0xA520]  }
0x3eb: {  	v24 =	vld [tilespmem:s28+$0xA530]  }
0x3ec: {  	v23 =	vld [tilespmem:s28+$0xA580]  }
0x3ed: {  	v22 =	vld [tilespmem:s28+$0xA590]  }
0x3ee: {  	v12 =	vld [tilespmem:s28+$0xA5A0]  }
0x3ef: {  	v20 =	vld [tilespmem:s28+$0xA5B0]  }
0x3f0: {  	v19 =	vld [tilespmem:s28+$0xA600]  }
0x3f1: {  	v18 =	vld [tilespmem:s28+$0xA610]  }
0x3f2: {  	v17 =	vld [tilespmem:s28+$0xA620]  }
0x3f3: {  	v16 =	vld [tilespmem:s28+$0xA630]  }
0x3f4: {  	v15 =	vld [tilespmem:s28+$0xA680]  }
0x3f5: {  	v14 =	vld [tilespmem:s28+$0xA690]  }
0x3f6: {  	v0 =	vld [tilespmem:s28+$0xA6A0]  }
0x3f7: {  	v5 =	vld [tilespmem:s28+$0xA700]  }
0x3f8: {  	v4 =	vld [tilespmem:s28+$0xA710]  }
0x3f9: {  	v3 =	vld [tilespmem:s28+$0xA720]  }
0x3fa: {  	v2 =	vld [tilespmem:s28+$0xA730]  }
0x3fb: {  	v13 =	vld [tilespmem:s28+$0xA790]  }
0x3fc: {  	v42 =	vld [tilespmem:s28+$0x6400]  }
0x3fd: {  	v43 =	vld [tilespmem:s28+$0x6410]  }
0x3fe: {  	v44 =	vld [tilespmem:s28+$0x6420]  }
0x3ff: {  	v45 =	vld [tilespmem:s28+$0x6430]  }
0x400: {  	v46 =	vld [tilespmem:s28+$0x6480]  }
0x401: {  	v47 =	vld [tilespmem:s28+$0x6490]  }
0x402: {  	v48 =	vld [tilespmem:s28+$0x64A0]  }
0x403: {  	v49 =	vld [tilespmem:s28+$0x64B0]  }
0x404: {  	v50 =	vld [tilespmem:s28+$0x6500]  }
0x405: {  	v51 =	vld [tilespmem:s28+$0x6510]  }
0x406: {  	v52 =	vld [tilespmem:s28+$0x6520]  }
0x407: {  	v53 =	vld [tilespmem:s28+$0x6530]  }
0x408: {  	v54 =	vld [tilespmem:s28+$0x6580]  }
0x409: {  	v55 =	vld [tilespmem:s28+$0x6590]  }
0x40a: {  	v56 =	vld [tilespmem:s28+$0x65A0]  }
0x40b: {  	v57 =	vld [tilespmem:s28+$0x65B0]  }
0x40c: {  	v58 =	vld [tilespmem:s28+$0x6600]  }
0x40d: {  	v59 =	vld [tilespmem:s28+$0x6610]  }
0x40e: {  	v60 =	vld [tilespmem:s28+$0x6620]  }
0x40f: {  	[tilespmem:$0x1FE40] =	vst v0;
	v0 =	vld [tilespmem:s28+$0xA6B0]  }
0x410: {  	v61 =	vld [tilespmem:s28+$0x6630]  }
0x411: {  	v41 =	vld [tilespmem:s28+$0x6680]  }
0x412: {  	v40 =	vld [tilespmem:s28+$0x6690]  }
0x413: {  	v39 =	vld [tilespmem:s28+$0x66A0]  }
0x414: {  	[tilespmem:$0x1FE50] =	vst v0;
	v0 =	vld [tilespmem:s28+$0xA780]  }
0x415: {  	v38 =	vld [tilespmem:s28+$0x66B0]  }
0x416: {  	v37 =	vld [tilespmem:s28+$0x6700]  }
0x417: {  	v62 =	vld [tilespmem:s28+$0x16400]  }
0x418: {  	v63 =	vld [tilespmem:s28+$0x16410]  }
0x419: {  	[tilespmem:$0x1FE60] =	vst v0;
	v0 =	vld [tilespmem:s28+$0x16420]  }
0x41a: {  	v1 =	vld [tilespmem:s28+$0x16430]  }
0x41b: {  	v21 =	vld [tilespmem:s28+$0x16480]  }
0x41c: {  	v36 =	vld [tilespmem:s28+$0x6710]  }
0x41d: {  	v43 =	vadd.f32 v43, v63;
	v63 =	vld [tilespmem:s28+$0x164A0]  }
0x41e: {  	v42 =	vadd.f32 v42, v62;
	v62 =	vld [tilespmem:s28+$0x16490];
	v0 =	vadd.f32 v44, v0  }
0x41f: {  	v1 =	vadd.f32 v45, v1;
	v33 =	vadd.f32 v33, v43;
	v43 =	vld [tilespmem:s28+$0x16500]  }
0x420: {  	v21 =	vadd.f32 v46, v21;
	v45 =	vld [tilespmem:s28+$0x16530];
	v0 =	vadd.f32 v34, v0  }
0x421: {  	v31 =	vadd.f32 v31, v42;
	v44 =	vld [tilespmem:s28+$0x16520]  }
0x422: {  	v42 =	vld [tilespmem:s28+$0x164B0];
	[tilespmem:s28+$0x16420] =	vst v0;
	v0 =	vadd.f32 v32, v21;
	v21 =	vadd.f32 v48, v63  }
0x423: {  	v1 =	vadd.f32 v35, v1;
	[tilespmem:s28+$0x16400] =	vst v31;
	v62 =	vadd.f32 v47, v62;
	v47 =	vld [tilespmem:s28+$0x16580]  }
0x424: {  	v31 =	vld [tilespmem:s28+$0x16510];
	[tilespmem:s28+$0x16480] =	vst v0;
	v0 =	vadd.f32 v29, v21;
	v21 =	vadd.f32 v50, v43  }
0x425: {  	[tilespmem:s28+$0x16430] =	vst v1;
	v1 =	vadd.f32 v30, v62;
	v50 =	vld [tilespmem:s28+$0x165A0]  }
0x426: {  	v11 =	vld [tilespmem:s28+$0x6720];
	[tilespmem:s28+$0x164A0] =	vst v0;
	v0 =	vadd.f32 v27, v21;
	v21 =	vadd.f32 v52, v44  }
0x427: {  	v46 =	vadd.f32 v49, v42;
	v52 =	vadd.f32 v53, v45;
	v53 =	vld [tilespmem:s28+$0x16600]  }
0x428: {  	v48 =	vld [tilespmem:s28+$0x16590];
	[tilespmem:s28+$0x16500] =	vst v0;
	v0 =	vadd.f32 v25, v21;
	v21 =	vadd.f32 v54, v47  }
0x429: {  	v62 =	vld [tilespmem:s28+$0x16620];
	[tilespmem:s28+$0x16490] =	vst v1;
	v1 =	vadd.f32 v28, v46;
	v49 =	vadd.f32 v51, v31  }
0x42a: {  	v51 =	vld [tilespmem:s28+$0x165B0];
	[tilespmem:s28+$0x16520] =	vst v0;
	v0 =	vadd.f32 v23, v21;
	v21 =	vadd.f32 v56, v50  }
0x42b: {  	[tilespmem:s28+$0x164B0] =	vst v1;
	v1 =	vadd.f32 v26, v49;
	v63 =	vld [tilespmem:s28+$0x16680]  }
0x42c: {  	v10 =	vld [tilespmem:s28+$0x6730];
	[tilespmem:s28+$0x16580] =	vst v0;
	v0 =	vadd.f32 v12, v21;
	v12 =	vadd.f32 v58, v53  }
0x42d: {  	v9 =	vld [tilespmem:s28+$0x6780];
	[tilespmem:s28+$0x16510] =	vst v1;
	v55 =	vadd.f32 v55, v48;
	v1 =	vadd.f32 v24, v52  }
0x42e: {  	v8 =	vld [tilespmem:s28+$0x6790];
	[tilespmem:s28+$0x165A0] =	vst v0;
	v0 =	vadd.f32 v19, v12;
	v12 =	vadd.f32 v60, v62  }
0x42f: {  	v7 =	vld [tilespmem:s28+$0x67A0];
	[tilespmem:s28+$0x16530] =	vst v1;
	v1 =	vadd.f32 v22, v55;
	v22 =	vadd.f32 v57, v51  }
0x430: {  	v54 =	vld [tilespmem:s28+$0x16610];
	[tilespmem:s28+$0x16600] =	vst v0;
	v0 =	vadd.f32 v17, v12;
	v12 =	vadd.f32 v41, v63  }
0x431: {  	v23 =	vld [tilespmem:s28+$0x16630];
	[tilespmem:s28+$0x16590] =	vst v1  }
0x432: {  	v1 =	vadd.f32 v20, v22;
	v22 =	vld [tilespmem:s28+$0x166A0];
	[tilespmem:s28+$0x16620] =	vst v0;
	v0 =	vadd.f32 v15, v12  }
0x433: {  	v19 =	vld [tilespmem:s28+$0x166B0]  }
0x434: {  	[tilespmem:s28+$0x16680] =	vst v0;
	v0 =	vld [tilespmem:$0x1FE40]  }
0x435: {  	v21 =	vld [tilespmem:s28+$0x16690];
	v20 =	vadd.f32 v59, v54  }
0x436: {  	v6 =	vld [tilespmem:s28+$0x67B0]  }
0x437: {  	[tilespmem:s28+$0x165B0] =	vst v1;
	v1 =	vadd.f32 v18, v20;
	v20 =	vld [tilespmem:s28+$0x16700];
	v12 =	vadd.f32 v39, v22  }
0x438: {  	v18 =	vadd.f32 v61, v23;
	v23 =	vld [tilespmem:s28+$0x16710]  }
0x439: {  	p0 =	sne.s32 s29, $0xF000;
	v22 =	vadd.f32 v38, v19;
	v19 =	vadd.f32 v0, v12;
	v0 =	vld [tilespmem:$0x1FE50]  }
.Ltmp5:
0x43a: {  	v17 =	vld [tilespmem:s28+$0x16730];
	[tilespmem:s28+$0x16610] =	vst v1;
	v1 =	vadd.f32 v16, v18;
	v18 =	vadd.f32 v40, v21;
	(pc) =	sbr.rel @p0 .LBB2_12-.Ltmp5, $4  }
0x43b: {  	v16 =	vld [tilespmem:s28+$0x16720]  }
0x43c: {  	v15 =	vld [tilespmem:s28+$0x16780];
	[tilespmem:s28+$0x16630] =	vst v1;
	v1 =	vadd.f32 v14, v18  }
0x43d: {  	[tilespmem:s28+$0x16410] =	vst v33;
	v14 =	vld [tilespmem:s28+$0x16790];
	v18 =	vadd.f32 v37, v20  }
0x43e: {  	s29 =	sadd.s32 $0x1000, s29;
	v21 =	vmov v13;
	v13 =	vadd.f32 v36, v23;
	[tilespmem:s28+$0x16690] =	vst v1;
	v12 =	vld [tilespmem:s28+$0x167A0];
	v20 =	vadd.f32 v0, v22  }
0x43f: {  	_ = 	snop  }
0x440: {  	v1 =	vadd.f32 v5, v18;
	v5 =	vadd.f32 v11, v16;
	_ =	sdelay $0x1  }
0x441: {  	[tilespmem:s28+$0x16700] =	vst v1;
	v1 =	vadd.f32 v3, v5  }
0x442: {  	v0 =	vld [tilespmem:s28+$0x167B0]  }
0x443: {  	v10 =	vadd.f32 v10, v17;
	v4 =	vadd.f32 v4, v13;
	[tilespmem:s28+$0x16720] =	vst v1;
	v1 =	vld [tilespmem:$0x1FE60]  }
0x444: {  	v5 =	vld [tilespmem:s28+$0xA7B0]  }
0x445: {  	v11 =	vld [tilespmem:s28+$0xA7A0];
	v2 =	vadd.f32 v2, v10;
	[tilespmem:s28+$0x16710] =	vst v4;
	v4 =	vadd.f32 v8, v14  }
0x446: {  	[tilespmem:s28+$0x166A0] =	vst v19;
	v3 =	vadd.f32 v9, v15  }
0x447: {  	[tilespmem:s28+$0x16730] =	vst v2;
	v2 =	vadd.f32 v21, v4;
	v0 =	vadd.f32 v6, v0  }
0x448: {  	[tilespmem:s28+$0x166B0] =	vst v20;
	v1 =	vadd.f32 v1, v3;
	v3 =	vadd.f32 v7, v12  }
0x449: {  	[tilespmem:s28+$0x16790] =	vst v2;
	v0 =	vadd.f32 v5, v0  }
0x44a: {  	[tilespmem:s28+$0x16780] =	vst v1;
	v1 =	vadd.f32 v11, v3  }
0x44b: {  	[tilespmem:s28+$0x167B0] =	vst v0  }
0x44c: {  	[tilespmem:s28+$0x167A0] =	vst v1  }
0x44d: {  	_ =	swait.ge [sflag:s21], $0x4000  }
0x44e: {  	[sflag:s21] =	ssyncset.done $0x0  }
0x44f: {  	[sflag:s21] =	ssyncadd.s32 $0xFFFFC000  }
0x450: {  	_ =	swait.ge [sflag:s22], $0x4000  }
0x451: {  	[sflag:s22] =	ssyncset.done $0x0  }
0x452: {  	s28 =	simm.s32 $0x0;
	[sflag:s22] =	ssyncadd.s32 $0xFFFFC000  }
0x453: {  	v16 =	vld [tilespmem:s28+$0x12400]  }
0x454: {  	v17 =	vld [tilespmem:s28+$0x12410]  }
0x455: {  	v18 =	vld [tilespmem:s28+$0x12420]  }
0x456: {  	v19 =	vld [tilespmem:s28+$0x12430]  }
0x457: {  	v20 =	vld [tilespmem:s28+$0x12480]  }
0x458: {  	v0 =	vld [tilespmem:s28+$0x12490]  }
0x459: {  	v22 =	vld [tilespmem:s28+$0x124A0]  }
0x45a: {  	v23 =	vld [tilespmem:s28+$0x124B0]  }
0x45b: {  	v24 =	vld [tilespmem:s28+$0x12500]  }
0x45c: {  	v25 =	vld [tilespmem:s28+$0x12510]  }
0x45d: {  	v26 =	vld [tilespmem:s28+$0x12520]  }
0x45e: {  	v27 =	vld [tilespmem:s28+$0x12530]  }
0x45f: {  	v28 =	vld [tilespmem:s28+$0x12580]  }
0x460: {  	v29 =	vld [tilespmem:s28+$0x12590]  }
0x461: {  	v30 =	vld [tilespmem:s28+$0x125A0]  }
0x462: {  	v31 =	vld [tilespmem:s28+$0x125B0]  }
0x463: {  	v32 =	vld [tilespmem:s28+$0x12600]  }
0x464: {  	v33 =	vld [tilespmem:s28+$0x12610]  }
0x465: {  	v34 =	vld [tilespmem:s28+$0x12620]  }
0x466: {  	v35 =	vld [tilespmem:s28+$0x12630]  }
0x467: {  	v1 =	vld [tilespmem:s28+$0x12680]  }
0x468: {  	v5 =	vld [tilespmem:s28+$0x12700]  }
0x469: {  	v4 =	vld [tilespmem:s28+$0x12710]  }
0x46a: {  	v3 =	vld [tilespmem:s28+$0x12720]  }
0x46b: {  	v2 =	vld [tilespmem:s28+$0x12730]  }
0x46c: {  	v21 =	vld [tilespmem:s28+$0x12790]  }
0x46d: {  	v36 =	vld [tilespmem:s28+$0xE400]  }
0x46e: {  	v37 =	vld [tilespmem:s28+$0xE410]  }
0x46f: {  	v38 =	vld [tilespmem:s28+$0xE420]  }
0x470: {  	v39 =	vld [tilespmem:s28+$0xE430]  }
0x471: {  	v40 =	vld [tilespmem:s28+$0xE480]  }
0x472: {  	v41 =	vld [tilespmem:s28+$0xE490]  }
0x473: {  	v42 =	vld [tilespmem:s28+$0xE4A0]  }
0x474: {  	v43 =	vld [tilespmem:s28+$0xE4B0]  }
0x475: {  	v44 =	vld [tilespmem:s28+$0xE500]  }
0x476: {  	v45 =	vld [tilespmem:s28+$0xE510]  }
0x477: {  	v46 =	vld [tilespmem:s28+$0xE520]  }
0x478: {  	v47 =	vld [tilespmem:s28+$0xE530]  }
0x479: {  	v48 =	vld [tilespmem:s28+$0xE580]  }
0x47a: {  	v49 =	vld [tilespmem:s28+$0xE590]  }
0x47b: {  	v50 =	vld [tilespmem:s28+$0xE5A0]  }
0x47c: {  	v51 =	vld [tilespmem:s28+$0xE5B0]  }
0x47d: {  	v52 =	vld [tilespmem:s28+$0xE600]  }
0x47e: {  	v53 =	vld [tilespmem:s28+$0xE610]  }
0x47f: {  	v54 =	vld [tilespmem:s28+$0xE620]  }
0x480: {  	v55 =	vld [tilespmem:s28+$0xE630]  }
0x481: {  	v56 =	vld [tilespmem:s28+$0xE680]  }
0x482: {  	v57 =	vld [tilespmem:s28+$0xE690]  }
0x483: {  	v58 =	vld [tilespmem:s28+$0xE6A0]  }
0x484: {  	v59 =	vld [tilespmem:s28+$0xE6B0]  }
0x485: {  	v60 =	vld [tilespmem:s28+$0xE700]  }
0x486: {  	v61 =	vld [tilespmem:s28+$0xE710]  }
0x487: {  	v11 =	vld [tilespmem:s28+$0xE720]  }
0x488: {  	v10 =	vld [tilespmem:s28+$0xE730]  }
0x489: {  	v9 =	vld [tilespmem:s28+$0xE780]  }
0x48a: {  	v8 =	vld [tilespmem:s28+$0xE790]  }
0x48b: {  	v7 =	vld [tilespmem:s28+$0xE7A0]  }
0x48c: {  	v62 =	vld [tilespmem:s28+$0x16400]  }
0x48d: {  	v63 =	vld [tilespmem:s28+$0x16410]  }
0x48e: {  	v12 =	vld [tilespmem:s28+$0x16420]  }
0x48f: {  	v13 =	vld [tilespmem:s28+$0x16430]  }
0x490: {  	[tilespmem:$0x1FE00] =	vst v1;
	v1 =	vld [tilespmem:s28+$0x12690]  }
0x491: {  	v14 =	vld [tilespmem:s28+$0x16480]  }
0x492: {  	v15 =	vld [tilespmem:s28+$0x164A0]  }
0x493: {  	v36 =	vadd.f32 v36, v62;
	v62 =	vld [tilespmem:s28+$0x16490]  }
0x494: {  	v37 =	vadd.f32 v37, v63;
	v63 =	vld [tilespmem:s28+$0x16500]  }
0x495: {  	v12 =	vadd.f32 v38, v12;
	v16 =	vadd.f32 v16, v36;
	[tilespmem:$0x1FE10] =	vst v1;
	v1 =	vld [tilespmem:s28+$0x126A0]  }
0x496: {  	v36 =	vld [tilespmem:s28+$0x164B0];
	v17 =	vadd.f32 v17, v37  }
0x497: {  	v13 =	vadd.f32 v39, v13;
	v12 =	vadd.f32 v18, v12;
	[tilespmem:s28+$0x16400] =	vst v16;
	v16 =	vld [tilespmem:s28+$0x16510]  }
0x498: {  	v14 =	vadd.f32 v40, v14;
	[tilespmem:s28+$0x16410] =	vst v17;
	v17 =	vld [tilespmem:s28+$0x16520]  }
0x499: {  	v15 =	vadd.f32 v42, v15;
	v13 =	vadd.f32 v19, v13;
	[tilespmem:s28+$0x16420] =	vst v12;
	v12 =	vld [tilespmem:s28+$0x16530]  }
0x49a: {  	v14 =	vadd.f32 v20, v14;
	v18 =	vadd.f32 v41, v62;
	[tilespmem:$0x1FE20] =	vst v1;
	v1 =	vld [tilespmem:s28+$0x126B0]  }
0x49b: {  	v15 =	vadd.f32 v22, v15;
	[tilespmem:s28+$0x16430] =	vst v13;
	v13 =	vld [tilespmem:s28+$0x16580]  }
0x49c: {  	[tilespmem:s28+$0x16480] =	vst v14;
	v14 =	vld [tilespmem:s28+$0x16590];
	v18 =	vadd.f32 v0, v18  }
0x49d: {  	[tilespmem:s28+$0x164A0] =	vst v15;
	v15 =	vld [tilespmem:s28+$0x165B0];
	v20 =	vadd.f32 v44, v63  }
0x49e: {  	[tilespmem:s28+$0x16490] =	vst v18;
	v18 =	vld [tilespmem:s28+$0x165A0];
	v12 =	vadd.f32 v47, v12  }
0x49f: {  	v19 =	vadd.f32 v43, v36;
	v20 =	vadd.f32 v24, v20;
	[tilespmem:$0x1FE30] =	vst v1;
	v1 =	vld [tilespmem:s28+$0x12780]  }
0x4a0: {  	v0 =	vld [tilespmem:s28+$0x16700];
	v12 =	vadd.f32 v27, v12  }
0x4a1: {  	v19 =	vadd.f32 v23, v19;
	v16 =	vadd.f32 v45, v16;
	[tilespmem:s28+$0x16500] =	vst v20;
	v20 =	vld [tilespmem:s28+$0x16610]  }
0x4a2: {  	v17 =	vadd.f32 v46, v17;
	[tilespmem:s28+$0x16530] =	vst v12;
	v12 =	vld [tilespmem:s28+$0x16680]  }
0x4a3: {  	v13 =	vadd.f32 v48, v13;
	[tilespmem:s28+$0x164B0] =	vst v19;
	v19 =	vld [tilespmem:s28+$0x16600];
	v16 =	vadd.f32 v25, v16  }
0x4a4: {  	v17 =	vadd.f32 v26, v17;
	v18 =	vadd.f32 v50, v18;
	[tilespmem:$0x1FDF0] =	vst v1;
	v1 =	vld [tilespmem:$0x1FE00]  }
0x4a5: {  	v13 =	vadd.f32 v28, v13;
	[tilespmem:s28+$0x16510] =	vst v16;
	v16 =	vld [tilespmem:s28+$0x16620]  }
0x4a6: {  	v15 =	vadd.f32 v51, v15;
	[tilespmem:s28+$0x16520] =	vst v17;
	v17 =	vld [tilespmem:s28+$0x16630];
	v18 =	vadd.f32 v30, v18  }
0x4a7: {  	v14 =	vadd.f32 v49, v14;
	[tilespmem:s28+$0x16580] =	vst v13;
	v13 =	vld [tilespmem:s28+$0x16690];
	v12 =	vadd.f32 v56, v12  }
0x4a8: {  	v15 =	vadd.f32 v31, v15;
	v19 =	vadd.f32 v52, v19;
	[tilespmem:s28+$0x165A0] =	vst v18;
	v18 =	vld [tilespmem:s28+$0x166B0]  }
0x4a9: {  	v20 =	vadd.f32 v53, v20;
	v12 =	vadd.f32 v1, v12;
	v1 =	vld [tilespmem:$0x1FE10]  }
0x4aa: {  	v6 =	vld [tilespmem:s28+$0xE7B0];
	v14 =	vadd.f32 v29, v14;
	v19 =	vadd.f32 v32, v19  }
0x4ab: {  	v22 =	vld [tilespmem:s28+$0x16710];
	[tilespmem:s28+$0x165B0] =	vst v15;
	v15 =	vadd.f32 v54, v16;
	v16 =	vadd.f32 v33, v20  }
0x4ac: {  	[tilespmem:s28+$0x16590] =	vst v14;
	v14 =	vld [tilespmem:s28+$0x166A0];
	v17 =	vadd.f32 v55, v17;
	v13 =	vadd.f32 v57, v13  }
0x4ad: {  	[tilespmem:s28+$0x16680] =	vst v12;
	v12 =	vadd.f32 v59, v18;
	v18 =	vadd.f32 v60, v0;
	v0 =	vld [tilespmem:$0x1FE30]  }
0x4ae: {  	[tilespmem:s28+$0x16600] =	vst v19;
	v15 =	vadd.f32 v34, v15;
	v13 =	vadd.f32 v1, v13;
	v1 =	vld [tilespmem:$0x1FE20]  }
0x4af: {  	[tilespmem:s28+$0x16610] =	vst v16;
	v16 =	vld [tilespmem:s28+$0x16720];
	v19 =	vadd.f32 v35, v17  }
0x4b0: {  	v17 =	vld [tilespmem:s28+$0x16730];
	[tilespmem:s28+$0x16620] =	vst v15  }
0x4b1: {  	[tilespmem:s28+$0x16630] =	vst v19;
	v15 =	vld [tilespmem:s28+$0x16780];
	v19 =	vadd.f32 v58, v14  }
0x4b2: {  	v14 =	vld [tilespmem:s28+$0x16790];
	v20 =	vadd.f32 v0, v12  }
0x4b3: {  	s29 =	simm.s32 $0x1000;
	[tilespmem:s28+$0x16690] =	vst v13;
	v13 =	vadd.f32 v61, v22;
	v12 =	vld [tilespmem:s28+$0x167A0];
	v19 =	vadd.f32 v1, v19  }
.LBB2_14:
0x4b4: {  	v0 =	vld [tilespmem:$0x1FDF0]  }
0x4b5: {  	[tilespmem:s28+$0x166A0] =	vst v19;
	v5 =	vadd.f32 v5, v18;
	v11 =	vadd.f32 v11, v16;
	v16 =	vld [tilespmem:s28+$0x167B0]  }
0x4b6: {  	[tilespmem:s28+$0x166B0] =	vst v20;
	v4 =	vadd.f32 v4, v13;
	v10 =	vadd.f32 v10, v17;
	v13 =	vld [tilespmem:s28+$0x127A0]  }
0x4b7: {  	s0 =	sshra.s32 s29, $0x2;
	[tilespmem:s28+$0x16700] =	vst v5;
	v3 =	vadd.f32 v3, v11;
	v5 =	vadd.f32 v9, v15;
	v9 =	vld [tilespmem:s28+$0x127B0]  }
0x4b8: {  	v2 =	vadd.f32 v2, v10;
	v31 =	vld [tilespmem:s0+$0x12400];
	[tilespmem:s28+$0x16710] =	vst v4;
	v4 =	vadd.f32 v8, v14  }
0x4b9: {  	v33 =	vld [tilespmem:s0+$0x12410];
	[tilespmem:s28+$0x16720] =	vst v3;
	v1 =	vadd.f32 v0, v5;
	v3 =	vadd.f32 v7, v12  }
0x4ba: {  	v34 =	vld [tilespmem:s0+$0x12420];
	[tilespmem:s28+$0x16730] =	vst v2;
	v0 =	vadd.f32 v21, v4;
	v2 =	vadd.f32 v6, v16  }
0x4bb: {  	v35 =	vld [tilespmem:s0+$0x12430];
	[tilespmem:s28+$0x16780] =	vst v1;
	v1 =	vadd.f32 v13, v3  }
0x4bc: {  	v32 =	vld [tilespmem:s0+$0x12480];
	[tilespmem:s28+$0x16790] =	vst v0;
	v0 =	vadd.f32 v9, v2  }
0x4bd: {  	v30 =	vld [tilespmem:s0+$0x12490];
	[tilespmem:s28+$0x167A0] =	vst v1  }
0x4be: {  	v29 =	vld [tilespmem:s0+$0x124A0];
	[tilespmem:s28+$0x167B0] =	vst v0;
	s28 =	smov.u32 s0  }
0x4bf: {  	v28 =	vld [tilespmem:s28+$0x124B0]  }
0x4c0: {  	v27 =	vld [tilespmem:s28+$0x12500]  }
0x4c1: {  	v26 =	vld [tilespmem:s28+$0x12510]  }
0x4c2: {  	v25 =	vld [tilespmem:s28+$0x12520]  }
0x4c3: {  	v24 =	vld [tilespmem:s28+$0x12530]  }
0x4c4: {  	v23 =	vld [tilespmem:s28+$0x12580]  }
0x4c5: {  	v22 =	vld [tilespmem:s28+$0x12590]  }
0x4c6: {  	v12 =	vld [tilespmem:s28+$0x125A0]  }
0x4c7: {  	v20 =	vld [tilespmem:s28+$0x125B0]  }
0x4c8: {  	v19 =	vld [tilespmem:s28+$0x12600]  }
0x4c9: {  	v18 =	vld [tilespmem:s28+$0x12610]  }
0x4ca: {  	v17 =	vld [tilespmem:s28+$0x12620]  }
0x4cb: {  	v16 =	vld [tilespmem:s28+$0x12630]  }
0x4cc: {  	v15 =	vld [tilespmem:s28+$0x12680]  }
0x4cd: {  	v14 =	vld [tilespmem:s28+$0x12690]  }
0x4ce: {  	v0 =	vld [tilespmem:s28+$0x126A0]  }
0x4cf: {  	v5 =	vld [tilespmem:s28+$0x12700]  }
0x4d0: {  	v4 =	vld [tilespmem:s28+$0x12710]  }
0x4d1: {  	v3 =	vld [tilespmem:s28+$0x12720]  }
0x4d2: {  	v2 =	vld [tilespmem:s28+$0x12730]  }
0x4d3: {  	v13 =	vld [tilespmem:s28+$0x12790]  }
0x4d4: {  	v42 =	vld [tilespmem:s28+$0xE400]  }
0x4d5: {  	v43 =	vld [tilespmem:s28+$0xE410]  }
0x4d6: {  	v44 =	vld [tilespmem:s28+$0xE420]  }
0x4d7: {  	v45 =	vld [tilespmem:s28+$0xE430]  }
0x4d8: {  	v46 =	vld [tilespmem:s28+$0xE480]  }
0x4d9: {  	v47 =	vld [tilespmem:s28+$0xE490]  }
0x4da: {  	v48 =	vld [tilespmem:s28+$0xE4A0]  }
0x4db: {  	v49 =	vld [tilespmem:s28+$0xE4B0]  }
0x4dc: {  	v50 =	vld [tilespmem:s28+$0xE500]  }
0x4dd: {  	v51 =	vld [tilespmem:s28+$0xE510]  }
0x4de: {  	v52 =	vld [tilespmem:s28+$0xE520]  }
0x4df: {  	v53 =	vld [tilespmem:s28+$0xE530]  }
0x4e0: {  	v54 =	vld [tilespmem:s28+$0xE580]  }
0x4e1: {  	v55 =	vld [tilespmem:s28+$0xE590]  }
0x4e2: {  	v56 =	vld [tilespmem:s28+$0xE5A0]  }
0x4e3: {  	v57 =	vld [tilespmem:s28+$0xE5B0]  }
0x4e4: {  	v58 =	vld [tilespmem:s28+$0xE600]  }
0x4e5: {  	v59 =	vld [tilespmem:s28+$0xE610]  }
0x4e6: {  	v60 =	vld [tilespmem:s28+$0xE620]  }
0x4e7: {  	[tilespmem:$0x1FDD0] =	vst v0;
	v0 =	vld [tilespmem:s28+$0x126B0]  }
0x4e8: {  	v61 =	vld [tilespmem:s28+$0xE630]  }
0x4e9: {  	v41 =	vld [tilespmem:s28+$0xE680]  }
0x4ea: {  	v40 =	vld [tilespmem:s28+$0xE690]  }
0x4eb: {  	v39 =	vld [tilespmem:s28+$0xE6A0]  }
0x4ec: {  	[tilespmem:$0x1FDE0] =	vst v0;
	v0 =	vld [tilespmem:s28+$0x12780]  }
0x4ed: {  	v38 =	vld [tilespmem:s28+$0xE6B0]  }
0x4ee: {  	v37 =	vld [tilespmem:s28+$0xE700]  }
0x4ef: {  	v62 =	vld [tilespmem:s28+$0x16400]  }
0x4f0: {  	v63 =	vld [tilespmem:s28+$0x16410]  }
0x4f1: {  	[tilespmem:$0x1FDF0] =	vst v0;
	v0 =	vld [tilespmem:s28+$0x16420]  }
0x4f2: {  	v1 =	vld [tilespmem:s28+$0x16430]  }
0x4f3: {  	v21 =	vld [tilespmem:s28+$0x16480]  }
0x4f4: {  	v36 =	vld [tilespmem:s28+$0xE710]  }
0x4f5: {  	v43 =	vadd.f32 v43, v63;
	v63 =	vld [tilespmem:s28+$0x164A0]  }
0x4f6: {  	v42 =	vadd.f32 v42, v62;
	v62 =	vld [tilespmem:s28+$0x16490];
	v0 =	vadd.f32 v44, v0  }
0x4f7: {  	v1 =	vadd.f32 v45, v1;
	v33 =	vadd.f32 v33, v43;
	v43 =	vld [tilespmem:s28+$0x16500]  }
0x4f8: {  	v21 =	vadd.f32 v46, v21;
	v45 =	vld [tilespmem:s28+$0x16530];
	v0 =	vadd.f32 v34, v0  }
0x4f9: {  	v31 =	vadd.f32 v31, v42;
	v44 =	vld [tilespmem:s28+$0x16520]  }
0x4fa: {  	v42 =	vld [tilespmem:s28+$0x164B0];
	[tilespmem:s28+$0x16420] =	vst v0;
	v0 =	vadd.f32 v32, v21;
	v21 =	vadd.f32 v48, v63  }
0x4fb: {  	v1 =	vadd.f32 v35, v1;
	[tilespmem:s28+$0x16400] =	vst v31;
	v62 =	vadd.f32 v47, v62;
	v47 =	vld [tilespmem:s28+$0x16580]  }
0x4fc: {  	v31 =	vld [tilespmem:s28+$0x16510];
	[tilespmem:s28+$0x16480] =	vst v0;
	v0 =	vadd.f32 v29, v21;
	v21 =	vadd.f32 v50, v43  }
0x4fd: {  	[tilespmem:s28+$0x16430] =	vst v1;
	v1 =	vadd.f32 v30, v62;
	v50 =	vld [tilespmem:s28+$0x165A0]  }
0x4fe: {  	v11 =	vld [tilespmem:s28+$0xE720];
	[tilespmem:s28+$0x164A0] =	vst v0;
	v0 =	vadd.f32 v27, v21;
	v21 =	vadd.f32 v52, v44  }
0x4ff: {  	v46 =	vadd.f32 v49, v42;
	v52 =	vadd.f32 v53, v45;
	v53 =	vld [tilespmem:s28+$0x16600]  }
0x500: {  	v48 =	vld [tilespmem:s28+$0x16590];
	[tilespmem:s28+$0x16500] =	vst v0;
	v0 =	vadd.f32 v25, v21;
	v21 =	vadd.f32 v54, v47  }
0x501: {  	v62 =	vld [tilespmem:s28+$0x16620];
	[tilespmem:s28+$0x16490] =	vst v1;
	v1 =	vadd.f32 v28, v46;
	v49 =	vadd.f32 v51, v31  }
0x502: {  	v51 =	vld [tilespmem:s28+$0x165B0];
	[tilespmem:s28+$0x16520] =	vst v0;
	v0 =	vadd.f32 v23, v21;
	v21 =	vadd.f32 v56, v50  }
0x503: {  	[tilespmem:s28+$0x164B0] =	vst v1;
	v1 =	vadd.f32 v26, v49;
	v63 =	vld [tilespmem:s28+$0x16680]  }
0x504: {  	v10 =	vld [tilespmem:s28+$0xE730];
	[tilespmem:s28+$0x16580] =	vst v0;
	v0 =	vadd.f32 v12, v21;
	v12 =	vadd.f32 v58, v53  }
0x505: {  	v9 =	vld [tilespmem:s28+$0xE780];
	[tilespmem:s28+$0x16510] =	vst v1;
	v55 =	vadd.f32 v55, v48;
	v1 =	vadd.f32 v24, v52  }
0x506: {  	v8 =	vld [tilespmem:s28+$0xE790];
	[tilespmem:s28+$0x165A0] =	vst v0;
	v0 =	vadd.f32 v19, v12;
	v12 =	vadd.f32 v60, v62  }
0x507: {  	v7 =	vld [tilespmem:s28+$0xE7A0];
	[tilespmem:s28+$0x16530] =	vst v1;
	v1 =	vadd.f32 v22, v55;
	v22 =	vadd.f32 v57, v51  }
0x508: {  	v54 =	vld [tilespmem:s28+$0x16610];
	[tilespmem:s28+$0x16600] =	vst v0;
	v0 =	vadd.f32 v17, v12;
	v12 =	vadd.f32 v41, v63  }
0x509: {  	v23 =	vld [tilespmem:s28+$0x16630];
	[tilespmem:s28+$0x16590] =	vst v1  }
0x50a: {  	v1 =	vadd.f32 v20, v22;
	v22 =	vld [tilespmem:s28+$0x166A0];
	[tilespmem:s28+$0x16620] =	vst v0;
	v0 =	vadd.f32 v15, v12  }
0x50b: {  	v19 =	vld [tilespmem:s28+$0x166B0]  }
0x50c: {  	[tilespmem:s28+$0x16680] =	vst v0;
	v0 =	vld [tilespmem:$0x1FDD0]  }
0x50d: {  	v21 =	vld [tilespmem:s28+$0x16690];
	v20 =	vadd.f32 v59, v54  }
0x50e: {  	v6 =	vld [tilespmem:s28+$0xE7B0]  }
0x50f: {  	[tilespmem:s28+$0x165B0] =	vst v1;
	v1 =	vadd.f32 v18, v20;
	v20 =	vld [tilespmem:s28+$0x16700];
	v12 =	vadd.f32 v39, v22  }
0x510: {  	v18 =	vadd.f32 v61, v23;
	v23 =	vld [tilespmem:s28+$0x16710]  }
0x511: {  	p0 =	sne.s32 s29, $0xF000;
	v22 =	vadd.f32 v38, v19;
	v19 =	vadd.f32 v0, v12;
	v0 =	vld [tilespmem:$0x1FDE0]  }
.Ltmp6:
0x512: {  	v17 =	vld [tilespmem:s28+$0x16730];
	[tilespmem:s28+$0x16610] =	vst v1;
	v1 =	vadd.f32 v16, v18;
	v18 =	vadd.f32 v40, v21;
	(pc) =	sbr.rel @p0 .LBB2_14-.Ltmp6, $4  }
0x513: {  	v16 =	vld [tilespmem:s28+$0x16720]  }
0x514: {  	v15 =	vld [tilespmem:s28+$0x16780];
	[tilespmem:s28+$0x16630] =	vst v1;
	v1 =	vadd.f32 v14, v18  }
0x515: {  	[tilespmem:s28+$0x16410] =	vst v33;
	v14 =	vld [tilespmem:s28+$0x16790];
	v18 =	vadd.f32 v37, v20  }
0x516: {  	s29 =	sadd.s32 $0x1000, s29;
	v21 =	vmov v13;
	v13 =	vadd.f32 v36, v23;
	[tilespmem:s28+$0x16690] =	vst v1;
	v12 =	vld [tilespmem:s28+$0x167A0];
	v20 =	vadd.f32 v0, v22  }
0x517: {  	v60 =	vld [tilespmem:$0x1FDF0]  }
0x518: {  	[tilespmem:s28+$0x166A0] =	vst v19;
	v0 =	vld [tilespmem:s28+$0x167B0];
	v1 =	vadd.f32 v5, v18;
	v10 =	vadd.f32 v10, v17  }
0x519: {  	v55 =	vld [tilespmem:s28+$0x127A0];
	[tilespmem:s28+$0x166B0] =	vst v20;
	v54 =	vadd.f32 v11, v16;
	v4 =	vadd.f32 v4, v13  }
0x51a: {  	v58 =	vld [tilespmem:s28+$0x127B0];
	[tilespmem:s28+$0x16700] =	vst v1;
	v57 =	vadd.f32 v9, v15;
	v2 =	vadd.f32 v2, v10  }
0x51b: {  	v56 =	vadd.f32 v3, v54;
	[tilespmem:s28+$0x16710] =	vst v4;
	v59 =	vadd.f32 v8, v14  }
0x51c: {  	v61 =	vadd.f32 v7, v12;
	[tilespmem:s28+$0x16730] =	vst v2;
	v1 =	vadd.f32 v60, v57  }
0x51d: {  	[tilespmem:s28+$0x16720] =	vst v56;
	v62 =	vadd.f32 v21, v59;
	v0 =	vadd.f32 v6, v0  }
0x51e: {  	v63 =	vadd.f32 v55, v61;
	[tilespmem:s28+$0x16780] =	vst v1  }
0x51f: {  	s26 =	sadd.s32 $0x1, s26;
	[tilespmem:s28+$0x16790] =	vst v62;
	v0 =	vadd.f32 v58, v0  }
0x520: {  	p0 =	sne.s32 s26, s6;
	[tilespmem:s28+$0x167A0] =	vst v63  }
.Ltmp7:
0x521: {  	[tilespmem:s28+$0x167B0] =	vst v0;
	(pc) =	sbr.rel @p0 .LBB2_1-.Ltmp7, $4  }
0x522: {  	[hbm4b:s5+s2] =	stream.linear.scatter [tilespmem:s25], [sflag:$0x5], $0x4000, $0x38;
	[tilespmem:$0x1A400] =	vst v63  }
0x523: {  	_ =	swait.ge [sflag:s9], $0x4000  }
0x524: {  	[sflag:s9] =	ssyncset.done $0x0  }
0x525: {  	[sflag:s9] =	ssyncadd.s32 $0xFFFFC000  }
0x526: {  	_ =	sfence.sel $0x180000  }
0x527: {  	[bflag:$0x0] =	sbarrier.arrive $0xFFFF  }
0x528: {  	_ =	strace $0x90000047  }
0x529: {  	[bflag:$0x2] =	sbarrier.arrive $0xFFFF  }
0x52a: {  	p0 =	sne.s32 s1, $0x0;
	s0 =	rddreg [dreg:$0x3]  }
0x52b: {  	s0 =	sadd.s32 @!p0 $0x100000, s0  }
0x52c: {  	[sflag:s0] =	ssyncadd.tile.s32 @!p0 $0x1;
	_ =	shalt  }
.Lfunc_end2:
_tile_overlayer_lowered:
.L_overlay_start_2:
0x52d: {  	(tag) =	ssettag $0x2  }
0x52e: {  	s0 =	rddreg [dreg:$0x0];
	s2 =	stileid.u32  }
0x52f: {  	s1 =	rddreg [dreg:$0x1];
	p0 =	sne.s32 s2, $0x0  }
0x530: {  	s3 =	rddreg [dreg:$0x2];
	[bflag:$0x3] =	sbarrier.arrive $0xFFFF;
	s2 =	simm.s32 @!p0 $0x1C05  }
0x531: {  	[timem:s3], [sflag:s2] =	dma.local @!p0 [hbm:s0], s1  }
0x532: {  	s0 =	simm.s32 @!p0 $0x5  }
0x533: {  	_ =	swait.ge @!p0 [sflag:s0], s1  }
0x534: {  	s1 =	ssub.s32 @!p0 $0x0, s1;
	[sflag:s0] =	ssyncset.done @!p0 $0x0  }
0x535: {  	[sflag:s0] =	ssyncadd.s32 @!p0 s1  }
0x536: {  	[bflag:$0x3] =	sbarrier.arrive $0xFFFF  }
0x537: {  	_ =	shalt  }

</sc_bundles>
